<compile_context>
chip_gen: v7x
topology: tpu7x:2x2x1
jax: 0.10.2.dev20260603
libtpu: 0.0.44.dev20260713+nightly
codegen_flags: <defaults>
</compile_context>

<pallas_src>
import functools

import jax
import jax.numpy as jnp
from jax import lax
from jax.experimental import pallas as pl
from jax.experimental.pallas import tpu as pltpu
from jax.experimental.pallas import tpu_sc as plsc

_N = 10000
_E = 320000
_H = 128
_ED = 16

_NC = 2
_NS = 16
_NW = _NC * _NS
_NBUF = 4

_SPLITS = ((0, 161280, 112, 2016),
           (161280, 158720, 80, 2480))
_SCC = 80

_f32 = jnp.float32



def _sc_gather(table, dst3, srcn3, ne, c):
    epw = ne // _NW
    nch = epw // c
    mesh = plsc.VectorSubcoreMesh(core_axis_name="c", subcore_axis_name="s")

    @functools.partial(
        pl.kernel,
        mesh=mesh,
        out_type=jax.ShapeDtypeStruct((ne, _H), _f32),
        scratch_types=[
            pltpu.VMEM((nch, 1, c), jnp.int32),
            pltpu.VMEM((nch, 1, c), jnp.int32),
            pltpu.VMEM((_NBUF, c, _H), _f32),
            pltpu.VMEM((_NBUF, c, _H), _f32),
        ] + [pltpu.SemaphoreType.DMA] * (3 * _NBUF),
    )
    def k(t_hbm, dst_hbm, srcn_hbm, g_hbm, di, si, pbuf, qbuf, *sems):
        gp = sems[0:_NBUF]
        gq = sems[_NBUF:2 * _NBUF]
        wp = sems[2 * _NBUF:3 * _NBUF]
        wid = lax.axis_index("s") * _NC + lax.axis_index("c")
        pltpu.sync_copy(dst_hbm.at[wid], di)
        pltpu.sync_copy(srcn_hbm.at[wid], si)

        def issue_gather(j, b):
            pltpu.async_copy(t_hbm.at[di.at[j, 0]], pbuf.at[b], gp[b])
            pltpu.async_copy(t_hbm.at[si.at[j, 0]], qbuf.at[b], gq[b])

        def rows(j):
            return pl.ds(wid * epw + j * c, c)

        issue_gather(0, 0)
        issue_gather(1, 1)

        def step(i, carry):
            for b in range(_NBUF):
                j = i * _NBUF + b
                ba = (b + 2) % _NBUF

                @pl.when((j >= 2) & (j < nch + 2))
                def _():
                    pltpu.make_async_copy(pbuf.at[ba], g_hbm.at[rows(j - 2)],
                                          wp[ba]).wait()

                @pl.when(j + 2 < nch)
                def _():
                    issue_gather(j + 2, ba)

                @pl.when(j < nch)
                def _():
                    pltpu.make_async_copy(t_hbm.at[di.at[j, 0]], pbuf.at[b],
                                          gp[b]).wait()
                    pltpu.make_async_copy(t_hbm.at[si.at[j, 0]], qbuf.at[b],
                                          gq[b]).wait()

                    def row(r, rc):
                        for kk in range(_H // 16):
                            sl = pl.ds(kk * 16, 16)
                            pbuf[b, r, sl] = pbuf[b, r, sl] + qbuf[b, r, sl]
                        return rc

                    lax.fori_loop(0, c, row, 0)
                    pltpu.async_copy(pbuf.at[b], g_hbm.at[rows(j)], wp[b])
            return carry

        lax.fori_loop(0, (nch + 2 + _NBUF - 1) // _NBUF, step, 0)

    return k(table, dst3, srcn3)



def _sc_scatter(mg, dst3, zeros, ne, c):
    epw = ne // _NW
    nch = epw // c
    mesh = plsc.VectorSubcoreMesh(core_axis_name="c", subcore_axis_name="s")

    nbuf = 4

    @functools.partial(
        pl.kernel,
        mesh=mesh,
        out_type=jax.ShapeDtypeStruct((2 * _N, _H), _f32),
        scratch_types=[
            pltpu.VMEM_SHARED((_N, _H), _f32),
            pltpu.VMEM((nbuf, 1, c), jnp.int32),
            pltpu.VMEM((nbuf, c, _H), _f32),
        ] + [pltpu.SemaphoreType.DMA] * (3 * nbuf),
    )
    def k(mg_hbm, dst_hbm, z_hbm, out_hbm, acc_sh, ibuf, mbuf, *sems):
        rd = sems[0:nbuf]
        ri = sems[nbuf:2 * nbuf]
        sc = sems[2 * nbuf:3 * nbuf]
        cc = lax.axis_index("c")
        s = lax.axis_index("s")
        wid = s * _NC + cc

        @pl.when(s < 10)
        def _():
            pltpu.sync_copy(z_hbm.at[pl.ds(s * 1000, 1000)],
                            acc_sh.at[pl.ds(s * 1000, 1000)])

        plsc.subcore_barrier()

        def rows(j):
            return pl.ds(wid * epw + j * c, c)

        def issue_read(j, b):
            pltpu.async_copy(dst_hbm.at[wid, j], ibuf.at[b], ri[b])
            pltpu.async_copy(mg_hbm.at[rows(j)], mbuf.at[b], rd[b])

        issue_read(0, 0)
        issue_read(1, 1)

        def step(i, carry):
            for b in range(nbuf):
                j = i * nbuf + b
                ba = (b + 2) % nbuf

                @pl.when((j >= 2) & (j < nch + 2))
                def _():
                    pltpu.make_async_copy(mbuf.at[ba],
                                          acc_sh.at[ibuf.at[ba, 0]],
                                          sc[ba]).wait()

                @pl.when(j + 2 < nch)
                def _():
                    issue_read(j + 2, ba)

                @pl.when(j < nch)
                def _():
                    pltpu.make_async_copy(mg_hbm.at[rows(j)], mbuf.at[b],
                                          rd[b]).wait()
                    pltpu.make_async_copy(dst_hbm.at[wid, j], ibuf.at[b],
                                          ri[b]).wait()
                    pltpu.async_copy(mbuf.at[b], acc_sh.at[ibuf.at[b, 0]],
                                     sc[b], add=True)
            return carry

        lax.fori_loop(0, (nch + 2 + nbuf - 1) // nbuf, step, 0)
        plsc.subcore_barrier()

        @pl.when(s < 10)
        def _():
            pltpu.sync_copy(acc_sh.at[pl.ds(s * 1000, 1000)],
                            out_hbm.at[pl.ds(cc * _N + s * 1000, 1000)])

    return k(mg, dst3, zeros)



def _tc_project(h, w_stack):
    bn = 1000

    def body(h_ref, w_ref, o_ref):
        o_ref[...] = jnp.dot(h_ref[...], w_ref[0],
                             preferred_element_type=_f32)

    return pl.pallas_call(
        body,
        grid=(2 * _N // bn,),
        in_specs=[
            pl.BlockSpec((bn, _H), lambda g: (g % (_N // bn), 0)),
            pl.BlockSpec((1, _H, _H), lambda g: (g // (_N // bn), 0, 0)),
        ],
        out_specs=pl.BlockSpec((bn, _H), lambda g: (g, 0)),
        out_shape=jax.ShapeDtypeStruct((2 * _N, _H), _f32),
    )(h, w_stack)


def _tc_edge_mlp(attr, g, wa, b1, w2, b2, iw, ib, ne, be):
    def body(a_ref, g_ref, wa_ref, b1_ref, w2_ref, b2_ref, iw_ref,
             ib_ref, o_ref):
        x = (jnp.dot(a_ref[...], wa_ref[...], preferred_element_type=_f32)
             + g_ref[...] + b1_ref[...])
        m = jnp.maximum(x, 0.0)
        mij = jnp.maximum(
            jnp.dot(m, w2_ref[...], preferred_element_type=_f32)
            + b2_ref[...], 0.0)
        t = jnp.sum(mij * iw_ref[...], axis=1, keepdims=True) + ib_ref[0, 0]
        eij = 1.0 / (1.0 + jnp.exp(-t))
        o_ref[...] = mij * eij

    full = lambda g: (0, 0)
    return pl.pallas_call(
        body,
        grid=(ne // be,),
        in_specs=[
            pl.BlockSpec((be, _ED), lambda g: (g, 0)),
            pl.BlockSpec((be, _H), lambda g: (g, 0)),
            pl.BlockSpec((_ED, _H), full),
            pl.BlockSpec((1, _H), full),
            pl.BlockSpec((_H, _H), full),
            pl.BlockSpec((1, _H), full),
            pl.BlockSpec((1, _H), full),
            pl.BlockSpec((1, 1), full),
        ],
        out_specs=pl.BlockSpec((be, _H), lambda g: (g, 0)),
        out_shape=jax.ShapeDtypeStruct((ne, _H), _f32),
    )(attr, g, wa, b1, w2, b2, iw, ib)


def _tc_node_mlp(parts, h, wmi, wh, b1, w2, b2):
    bn = 1000

    def body(pa0, pa1, pb0, pb1, h_ref, wmi_ref, wh_ref,
             b1_ref, w2_ref, b2_ref, o_ref):
        mi = (pa0[...] + pa1[...]) + (pb0[...] + pb1[...])
        z = jnp.maximum(
            jnp.dot(mi, wmi_ref[...], preferred_element_type=_f32)
            + jnp.dot(h_ref[...], wh_ref[...], preferred_element_type=_f32)
            + b1_ref[...], 0.0)
        o_ref[...] = jnp.dot(z, w2_ref[...],
                             preferred_element_type=_f32) + b2_ref[...]

    full = lambda g: (0, 0)
    nb = _N // bn
    lo_spec = pl.BlockSpec((bn, _H), lambda g: (g, 0))
    hi_spec = pl.BlockSpec((bn, _H), lambda g: (g + nb, 0))
    return pl.pallas_call(
        body,
        grid=(nb,),
        in_specs=[
            lo_spec, hi_spec, lo_spec, hi_spec,
            lo_spec,
            pl.BlockSpec((_H, _H), full),
            pl.BlockSpec((_H, _H), full),
            pl.BlockSpec((1, _H), full),
            pl.BlockSpec((_H, _H), full),
            pl.BlockSpec((1, _H), full),
        ],
        out_specs=pl.BlockSpec((bn, _H), lambda g: (g, 0)),
        out_shape=jax.ShapeDtypeStruct((_N, _H), _f32),
    )(parts[0], parts[0], parts[1], parts[1],
      h, wmi, wh, b1, w2, b2)



def kernel(h, edge_index, edge_attr, e_w1, e_b1, e_w2, e_b2, i_w, i_b,
           n_w1, n_b1, n_w2, n_b2):
    dst = edge_index[0].astype(jnp.int32)
    srcn = (edge_index[1] + _N).astype(jnp.int32)

    w_stack = jnp.stack([e_w1[_ED:_ED + _H], e_w1[_ED + _H:]])
    table = _tc_project(h, w_stack)

    zeros = jnp.zeros((_N, _H), _f32)
    wa = e_w1[:_ED]
    b1 = e_b1.reshape(1, _H)
    b2 = e_b2.reshape(1, _H)
    iw = i_w.reshape(1, _H)
    ib = i_b.reshape(1, 1)

    slices = []
    for lo, ne, gc, be in _SPLITS:
        epw = ne // _NW
        dh = lax.dynamic_slice_in_dim(dst, lo, ne)
        sh = lax.dynamic_slice_in_dim(srcn, lo, ne)
        slices.append({
            "lo": lo, "ne": ne, "gc": gc, "be": be,
            "gd3": dh.reshape(_NW, epw // gc, 1, gc),
            "gs3": sh.reshape(_NW, epw // gc, 1, gc),
            "sd3": dh.reshape(_NW, epw // _SCC, 1, _SCC),
        })

    for sl in slices:
        sl["g"] = _sc_gather(table, sl["gd3"], sl["gs3"], sl["ne"], sl["gc"])

    for sl in slices:
        attr = lax.dynamic_slice_in_dim(edge_attr, sl["lo"], sl["ne"])
        sl["mg"] = _tc_edge_mlp(attr, sl["g"], wa, b1, e_w2, b2, iw, ib,
                                sl["ne"], sl["be"])

    parts = [_sc_scatter(sl["mg"], sl["sd3"], zeros, sl["ne"], _SCC)
             for sl in slices]

    return _tc_node_mlp(parts, h,
                        n_w1[:_H], n_w1[_H:], n_b1.reshape(1, _H),
                        n_w2, n_b2.reshape(1, _H))

# --- scband reference (transcript-rebuilt; emitter-appended) ---
"""Pipeline reference for scband-en-base-layer-24507083391546 (READ-ONLY COPY).

The authoritative reference and input builder live on the scoring server;
editing this copy changes nothing except your own understanding.
"""

import jax, jax.numpy as jnp
import numpy as np

N_NODES = 10000
N_EDGES = 320000
HID = 128
EDIM = 16


def setup_inputs(seed: int = 0) -> dict:
    key = jax.random.key(seed)
    ks = jax.random.split(key, 16)
    h = jax.random.normal(ks[0], (N_NODES, HID), dtype=jnp.float32)
    edge_index = jax.random.randint(ks[1], (2, N_EDGES), 0, N_NODES)
    edge_attr = jax.random.normal(ks[2], (N_EDGES, EDIM), dtype=jnp.float32)
    s = 0.05
    # edge_mlp: Linear(2*HID+EDIM -> HID), relu, Linear(HID -> HID), relu (act_last=True)
    e_w1 = jax.random.normal(ks[3], (2 * HID + EDIM, HID), dtype=jnp.float32) * s
    e_b1 = jnp.zeros((HID,), dtype=jnp.float32)
    e_w2 = jax.random.normal(ks[4], (HID, HID), dtype=jnp.float32) * s
    e_b2 = jnp.zeros((HID,), dtype=jnp.float32)
    # edge_inf: Linear(HID -> 1), sigmoid
    i_w = jax.random.normal(ks[5], (HID, 1), dtype=jnp.float32) * s
    i_b = jnp.zeros((1,), dtype=jnp.float32)
    # node_mlp: Linear(2*HID -> HID), relu, Linear(HID -> HID)
    n_w1 = jax.random.normal(ks[6], (2 * HID, HID), dtype=jnp.float32) * s
    n_b1 = jnp.zeros((HID,), dtype=jnp.float32)
    n_w2 = jax.random.normal(ks[7], (HID, HID), dtype=jnp.float32) * s
    n_b2 = jnp.zeros((HID,), dtype=jnp.float32)
    return {
        'h': h, 'edge_index': edge_index, 'edge_attr': edge_attr,
        'e_w1': e_w1, 'e_b1': e_b1, 'e_w2': e_w2, 'e_b2': e_b2,
        'i_w': i_w, 'i_b': i_b,
        'n_w1': n_w1, 'n_b1': n_b1, 'n_w2': n_w2, 'n_b2': n_b2,
    }


def reference(h, edge_index, edge_attr, e_w1, e_b1, e_w2, e_b2, i_w, i_b, n_w1, n_b1, n_w2, n_b2):
    dst = edge_index[0]
    src = edge_index[1]
    hi = jnp.take(h, dst, axis=0)
    hj = jnp.take(h, src, axis=0)
    x = jnp.concatenate([edge_attr, hi, hj], axis=-1)
    m = jax.nn.relu(x @ e_w1 + e_b1)
    mij = jax.nn.relu(m @ e_w2 + e_b2)  # act_last=True
    eij = jax.nn.sigmoid(mij @ i_w + i_b)
    mi = jax.ops.segment_sum(mij * eij, dst, num_segments=h.shape[0])
    y = jnp.concatenate([mi, h], axis=-1)
    out = jax.nn.relu(y @ n_w1 + n_b1) @ n_w2 + n_b2
    return out

if __name__ == "__main__":
    import jax
    _d = setup_inputs()
    print(jax.jit(kernel)(*tuple(_d.values())))

</pallas_src>

<mosaic_0001>
#map = affine_map<(d0, d1) -> (0, 0)>
#map1 = affine_map<(d0, d1) -> (0, 0, 0, 0)>
module attributes {stable_mosaic.version = 14 : i64} {
  func.func @k(%arg0: i32, %arg1: i32, %arg2: memref<158720x128xf32, #tpu.memory_space<hbm>>, %arg3: memref<32x62x1x80xi32, #tpu.memory_space<hbm>>, %arg4: memref<10000x128xf32, #tpu.memory_space<hbm>>, %arg5: memref<20000x128xf32, #tpu.memory_space<hbm>>, %arg6: memref<10000x128xf32, #tpu.memory_space<vmem_shared>>, %arg7: memref<4x1x80xi32, #tpu.memory_space<vmem>>, %arg8: memref<4x80x128xf32, #tpu.memory_space<vmem>>, %arg9: memref<!tpu.dma_semaphore, #tpu.memory_space<semaphore_mem>>, %arg10: memref<!tpu.dma_semaphore, #tpu.memory_space<semaphore_mem>>, %arg11: memref<!tpu.dma_semaphore, #tpu.memory_space<semaphore_mem>>, %arg12: memref<!tpu.dma_semaphore, #tpu.memory_space<semaphore_mem>>, %arg13: memref<!tpu.dma_semaphore, #tpu.memory_space<semaphore_mem>>, %arg14: memref<!tpu.dma_semaphore, #tpu.memory_space<semaphore_mem>>, %arg15: memref<!tpu.dma_semaphore, #tpu.memory_space<semaphore_mem>>, %arg16: memref<!tpu.dma_semaphore, #tpu.memory_space<semaphore_mem>>, %arg17: memref<!tpu.dma_semaphore, #tpu.memory_space<semaphore_mem>>, %arg18: memref<!tpu.dma_semaphore, #tpu.memory_space<semaphore_mem>>, %arg19: memref<!tpu.dma_semaphore, #tpu.memory_space<semaphore_mem>>, %arg20: memref<!tpu.dma_semaphore, #tpu.memory_space<semaphore_mem>>) attributes {dimension_semantics = [#tpu.dimension_semantics<core_parallel>, #tpu.dimension_semantics<subcore_parallel>], iteration_bounds = array<i64: 2, 16>, scalar_prefetch = 0 : i64, scratch_operands = 15 : i64, tpu.core_type = #tpu.core_type<sc_vector_subcore>, window_params = [{transform_indices = #map}, {transform_indices = #map1}, {transform_indices = #map}, {transform_indices = #map}]} {
    %mul3A = arith.constant 2 : i32
    %mul3A_0 = arith.muli %arg1, %mul3A : i32
    %add3A = arith.addi %mul3A_0, %arg0 : i32
    %lt3A = arith.constant 10 : i32
    %lt3A_1 = arith.cmpi slt, %arg1, %lt3A : i32
    %convert_element_type3A = arith.extui %lt3A_1 : i1 to i32
    %cond3A = arith.constant 0 : i32
    %cond3A_2 = arith.cmpi ne, %convert_element_type3A, %cond3A : i32
    scf.if %cond3A_2 {
      %mul3A_83 = arith.constant 1000 : i32
      %mul3A_84 = arith.muli %arg1, %mul3A_83 : i32
      %mul3A_85 = arith.constant 1000 : i32
      %mul3A_86 = arith.muli %arg1, %mul3A_85 : i32
      "tpu.region"() ({
        %run_scoped3A = tpu.sem_alloc : memref<!tpu.dma_semaphore, #tpu.memory_space<semaphore_mem>>
        %dma_start3A_87 = arith.constant 0 : i32
        %dma_start3A_88 = tpu.memref_slice %arg6[%mul3A_86, %dma_start3A_87] : memref<10000x128xf32, #tpu.memory_space<vmem_shared>> -> memref<1000x128xf32, #tpu.memory_space<vmem_shared>>
        %dma_start3A_89 = arith.constant 0 : i32
        %dma_start3A_90 = tpu.memref_slice %arg4[%mul3A_84, %dma_start3A_89] : memref<10000x128xf32, #tpu.memory_space<hbm>> -> memref<1000x128xf32, #tpu.memory_space<hbm>>
        tpu.enqueue_dma source(%dma_start3A_90 : memref<1000x128xf32, #tpu.memory_space<hbm>>) target(%dma_start3A_88 : memref<1000x128xf32, #tpu.memory_space<vmem_shared>>) target_semaphore(%run_scoped3A : memref<!tpu.dma_semaphore, #tpu.memory_space<semaphore_mem>>)
        %dma_wait3A = arith.constant 0 : i32
        %dma_wait3A_91 = tpu.memref_slice %arg6[%mul3A_86, %dma_wait3A] : memref<10000x128xf32, #tpu.memory_space<vmem_shared>> -> memref<1000x128xf32, #tpu.memory_space<vmem_shared>>
        %dma_wait3A_92 = arith.constant 0 : i32
        %dma_wait3A_93 = tpu.memref_slice %arg4[%mul3A_84, %dma_wait3A_92] : memref<10000x128xf32, #tpu.memory_space<hbm>> -> memref<1000x128xf32, #tpu.memory_space<hbm>>
        tpu.wait_dma2 semaphore(%run_scoped3A : memref<!tpu.dma_semaphore, #tpu.memory_space<semaphore_mem>>) src(%dma_wait3A_93 : memref<1000x128xf32, #tpu.memory_space<hbm>>) dst(%dma_wait3A_91 : memref<1000x128xf32, #tpu.memory_space<vmem_shared>>)
        tpu.yield
      }) : () -> ()
    } else {
    }
    %barrier3A = arith.constant 0 : index
    tpu.barrier barrier_id(%barrier3A)
    %dma_start3A = arith.constant 0 : i32
    %dma_start3A_3 = arith.constant 0 : i32
    %dma_start3A_4 = arith.constant 0 : i32
    %dma_start3A_5 = arith.constant 0 : i32
    %dma_start3A_6 = tpu.memref_slice %arg7[%dma_start3A_3, %dma_start3A_4, %dma_start3A_5] : memref<4x1x80xi32, #tpu.memory_space<vmem>> -> memref<1x1x80xi32, #tpu.memory_space<vmem>>
    %dma_start3A_7 = tpu.memref_squeeze %dma_start3A_6 : memref<1x1x80xi32, #tpu.memory_space<vmem>> -> memref<1x80xi32, #tpu.memory_space<vmem>>
    %dma_start3A_8 = arith.constant 0 : i32
    %dma_start3A_9 = arith.constant 0 : i32
    %dma_start3A_10 = tpu.memref_slice %arg3[%add3A, %dma_start3A, %dma_start3A_8, %dma_start3A_9] : memref<32x62x1x80xi32, #tpu.memory_space<hbm>> -> memref<1x1x1x80xi32, #tpu.memory_space<hbm>>
    %dma_start3A_11 = tpu.memref_squeeze %dma_start3A_10 : memref<1x1x1x80xi32, #tpu.memory_space<hbm>> -> memref<1x80xi32, #tpu.memory_space<hbm>>
    %dma_start3A_12 = arith.constant 0 : i32
    %dma_start3A_13 = arith.constant 0 : i32
    %dma_start3A_14 = tpu.memref_slice %arg7[%dma_start3A_3, %dma_start3A_12, %dma_start3A_13] : memref<4x1x80xi32, #tpu.memory_space<vmem>> -> memref<1x1x80xi32, #tpu.memory_space<vmem>>
    %dma_start3A_15 = tpu.memref_squeeze %dma_start3A_14 : memref<1x1x80xi32, #tpu.memory_space<vmem>> -> memref<1x80xi32, #tpu.memory_space<vmem>>
    %dma_start3A_16 = arith.constant 0 : i32
    %dma_start3A_17 = arith.constant 0 : i32
    %dma_start3A_18 = tpu.memref_slice %arg3[%add3A, %dma_start3A, %dma_start3A_16, %dma_start3A_17] : memref<32x62x1x80xi32, #tpu.memory_space<hbm>> -> memref<1x1x1x80xi32, #tpu.memory_space<hbm>>
    %dma_start3A_19 = tpu.memref_squeeze %dma_start3A_18 : memref<1x1x1x80xi32, #tpu.memory_space<hbm>> -> memref<1x80xi32, #tpu.memory_space<hbm>>
    tpu.enqueue_dma source(%dma_start3A_19 : memref<1x80xi32, #tpu.memory_space<hbm>>) target(%dma_start3A_15 : memref<1x80xi32, #tpu.memory_space<vmem>>) target_semaphore(%arg13 : memref<!tpu.dma_semaphore, #tpu.memory_space<semaphore_mem>>)
    %mul3A_20 = arith.constant 4960 : i32
    %mul3A_21 = arith.muli %add3A, %mul3A_20 : i32
    %add3A_22 = arith.constant 0 : i32
    %add3A_23 = arith.addi %mul3A_21, %add3A_22 : i32
    %dma_start3A_24 = arith.constant 0 : i32
    %dma_start3A_25 = arith.constant 0 : i32
    %dma_start3A_26 = arith.constant 0 : i32
    %dma_start3A_27 = tpu.memref_slice %arg8[%dma_start3A_24, %dma_start3A_25, %dma_start3A_26] : memref<4x80x128xf32, #tpu.memory_space<vmem>> -> memref<1x80x128xf32, #tpu.memory_space<vmem>>
    %dma_start3A_28 = tpu.memref_squeeze %dma_start3A_27 : memref<1x80x128xf32, #tpu.memory_space<vmem>> -> memref<80x128xf32, #tpu.memory_space<vmem>>
    %dma_start3A_29 = arith.constant 0 : i32
    %dma_start3A_30 = tpu.memref_slice %arg2[%add3A_23, %dma_start3A_29] : memref<158720x128xf32, #tpu.memory_space<hbm>> -> memref<80x128xf32, #tpu.memory_space<hbm>>
    %dma_start3A_31 = arith.constant 0 : i32
    %dma_start3A_32 = arith.constant 0 : i32
    %dma_start3A_33 = tpu.memref_slice %arg8[%dma_start3A_24, %dma_start3A_31, %dma_start3A_32] : memref<4x80x128xf32, #tpu.memory_space<vmem>> -> memref<1x80x128xf32, #tpu.memory_space<vmem>>
    %dma_start3A_34 = tpu.memref_squeeze %dma_start3A_33 : memref<1x80x128xf32, #tpu.memory_space<vmem>> -> memref<80x128xf32, #tpu.memory_space<vmem>>
    %dma_start3A_35 = arith.constant 0 : i32
    %dma_start3A_36 = tpu.memref_slice %arg2[%add3A_23, %dma_start3A_35] : memref<158720x128xf32, #tpu.memory_space<hbm>> -> memref<80x128xf32, #tpu.memory_space<hbm>>
    tpu.enqueue_dma source(%dma_start3A_36 : memref<80x128xf32, #tpu.memory_space<hbm>>) target(%dma_start3A_34 : memref<80x128xf32, #tpu.memory_space<vmem>>) target_semaphore(%arg9 : memref<!tpu.dma_semaphore, #tpu.memory_space<semaphore_mem>>)
    %dma_start3A_37 = arith.constant 1 : i32
    %dma_start3A_38 = arith.constant 1 : i32
    %dma_start3A_39 = arith.constant 0 : i32
    %dma_start3A_40 = arith.constant 0 : i32
    %dma_start3A_41 = tpu.memref_slice %arg7[%dma_start3A_38, %dma_start3A_39, %dma_start3A_40] : memref<4x1x80xi32, #tpu.memory_space<vmem>> -> memref<1x1x80xi32, #tpu.memory_space<vmem>>
    %dma_start3A_42 = tpu.memref_squeeze %dma_start3A_41 : memref<1x1x80xi32, #tpu.memory_space<vmem>> -> memref<1x80xi32, #tpu.memory_space<vmem>>
    %dma_start3A_43 = arith.constant 0 : i32
    %dma_start3A_44 = arith.constant 0 : i32
    %dma_start3A_45 = tpu.memref_slice %arg3[%add3A, %dma_start3A_37, %dma_start3A_43, %dma_start3A_44] : memref<32x62x1x80xi32, #tpu.memory_space<hbm>> -> memref<1x1x1x80xi32, #tpu.memory_space<hbm>>
    %dma_start3A_46 = tpu.memref_squeeze %dma_start3A_45 : memref<1x1x1x80xi32, #tpu.memory_space<hbm>> -> memref<1x80xi32, #tpu.memory_space<hbm>>
    %dma_start3A_47 = arith.constant 0 : i32
    %dma_start3A_48 = arith.constant 0 : i32
    %dma_start3A_49 = tpu.memref_slice %arg7[%dma_start3A_38, %dma_start3A_47, %dma_start3A_48] : memref<4x1x80xi32, #tpu.memory_space<vmem>> -> memref<1x1x80xi32, #tpu.memory_space<vmem>>
    %dma_start3A_50 = tpu.memref_squeeze %dma_start3A_49 : memref<1x1x80xi32, #tpu.memory_space<vmem>> -> memref<1x80xi32, #tpu.memory_space<vmem>>
    %dma_start3A_51 = arith.constant 0 : i32
    %dma_start3A_52 = arith.constant 0 : i32
    %dma_start3A_53 = tpu.memref_slice %arg3[%add3A, %dma_start3A_37, %dma_start3A_51, %dma_start3A_52] : memref<32x62x1x80xi32, #tpu.memory_space<hbm>> -> memref<1x1x1x80xi32, #tpu.memory_space<hbm>>
    %dma_start3A_54 = tpu.memref_squeeze %dma_start3A_53 : memref<1x1x1x80xi32, #tpu.memory_space<hbm>> -> memref<1x80xi32, #tpu.memory_space<hbm>>
    tpu.enqueue_dma source(%dma_start3A_54 : memref<1x80xi32, #tpu.memory_space<hbm>>) target(%dma_start3A_50 : memref<1x80xi32, #tpu.memory_space<vmem>>) target_semaphore(%arg14 : memref<!tpu.dma_semaphore, #tpu.memory_space<semaphore_mem>>)
    %mul3A_55 = arith.constant 4960 : i32
    %mul3A_56 = arith.muli %add3A, %mul3A_55 : i32
    %add3A_57 = arith.constant 80 : i32
    %add3A_58 = arith.addi %mul3A_56, %add3A_57 : i32
    %dma_start3A_59 = arith.constant 1 : i32
    %dma_start3A_60 = arith.constant 0 : i32
    %dma_start3A_61 = arith.constant 0 : i32
    %dma_start3A_62 = tpu.memref_slice %arg8[%dma_start3A_59, %dma_start3A_60, %dma_start3A_61] : memref<4x80x128xf32, #tpu.memory_space<vmem>> -> memref<1x80x128xf32, #tpu.memory_space<vmem>>
    %dma_start3A_63 = tpu.memref_squeeze %dma_start3A_62 : memref<1x80x128xf32, #tpu.memory_space<vmem>> -> memref<80x128xf32, #tpu.memory_space<vmem>>
    %dma_start3A_64 = arith.constant 0 : i32
    %dma_start3A_65 = tpu.memref_slice %arg2[%add3A_58, %dma_start3A_64] : memref<158720x128xf32, #tpu.memory_space<hbm>> -> memref<80x128xf32, #tpu.memory_space<hbm>>
    %dma_start3A_66 = arith.constant 0 : i32
    %dma_start3A_67 = arith.constant 0 : i32
    %dma_start3A_68 = tpu.memref_slice %arg8[%dma_start3A_59, %dma_start3A_66, %dma_start3A_67] : memref<4x80x128xf32, #tpu.memory_space<vmem>> -> memref<1x80x128xf32, #tpu.memory_space<vmem>>
    %dma_start3A_69 = tpu.memref_squeeze %dma_start3A_68 : memref<1x80x128xf32, #tpu.memory_space<vmem>> -> memref<80x128xf32, #tpu.memory_space<vmem>>
    %dma_start3A_70 = arith.constant 0 : i32
    %dma_start3A_71 = tpu.memref_slice %arg2[%add3A_58, %dma_start3A_70] : memref<158720x128xf32, #tpu.memory_space<hbm>> -> memref<80x128xf32, #tpu.memory_space<hbm>>
    tpu.enqueue_dma source(%dma_start3A_71 : memref<80x128xf32, #tpu.memory_space<hbm>>) target(%dma_start3A_69 : memref<80x128xf32, #tpu.memory_space<vmem>>) target_semaphore(%arg10 : memref<!tpu.dma_semaphore, #tpu.memory_space<semaphore_mem>>)
    %scan3A = arith.constant 0 : i32
    %scan3A_72 = arith.constant 0 : i32
    %scan3A_73 = arith.constant 16 : i32
    %scan3A_74 = arith.addi %scan3A_72, %scan3A_73 : i32
    %scan3A_75 = arith.constant 1 : i32
    scf.for %scan3A_83 = %scan3A_72 to %scan3A_74 step %scan3A_75  : i32 {
      %mul3A_84 = arith.constant 4 : i32
      %mul3A_85 = arith.muli %scan3A_83, %mul3A_84 : i32
      %add3A_86 = arith.constant 0 : i32
      %add3A_87 = arith.addi %mul3A_85, %add3A_86 : i32
      %ge3A = arith.constant 2 : i32
      %ge3A_88 = arith.cmpi sge, %add3A_87, %ge3A : i32
      %lt3A_89 = arith.constant 64 : i32
      %lt3A_90 = arith.cmpi slt, %add3A_87, %lt3A_89 : i32
      %and3A = arith.andi %ge3A_88, %lt3A_90 : i1
      %convert_element_type3A_91 = arith.extui %and3A : i1 to i32
      %cond3A_92 = arith.constant 0 : i32
      %cond3A_93 = arith.cmpi ne, %convert_element_type3A_91, %cond3A_92 : i32
      scf.if %cond3A_93 {
        %dma_wait3A = arith.constant 2 : i32
        %dma_wait3A_178 = arith.constant 2 : i32
        %dma_wait3A_179 = arith.constant 0 : i32
        %dma_wait3A_180 = arith.constant 0 : i32
        %dma_wait3A_181 = arith.constant 0 : i32
        %dma_wait3A_182 = tpu.memref_slice %arg8[%dma_wait3A, %dma_wait3A_180, %dma_wait3A_181] : memref<4x80x128xf32, #tpu.memory_space<vmem>> -> memref<1x80x128xf32, #tpu.memory_space<vmem>>
        %dma_wait3A_183 = tpu.memref_squeeze %dma_wait3A_182 : memref<1x80x128xf32, #tpu.memory_space<vmem>> -> memref<80x128xf32, #tpu.memory_space<vmem>>
        %dma_wait3A_184 = arith.constant 0 : i32
        %dma_wait3A_185 = tpu.memref_slice %arg7[%dma_wait3A_178, %dma_wait3A_179, %dma_wait3A_184] : memref<4x1x80xi32, #tpu.memory_space<vmem>> -> memref<1x1x80xi32, #tpu.memory_space<vmem>>
        %dma_wait3A_186 = tpu.memref_squeeze %dma_wait3A_185 : memref<1x1x80xi32, #tpu.memory_space<vmem>> -> memref<80xi32, #tpu.memory_space<vmem>>
        %dma_wait3A_187 = arith.constant 0 : i32
        %dma_wait3A_188 = arith.constant 0 : i32
        %dma_wait3A_189 = tpu.memref_slice %arg6[%dma_wait3A_187, %dma_wait3A_188] : memref<10000x128xf32, #tpu.memory_space<vmem_shared>> -> memref<10000x128xf32, #tpu.memory_space<vmem_shared>>
        tpu.wait_indirect_dma semaphore(%arg19 : memref<!tpu.dma_semaphore, #tpu.memory_space<semaphore_mem>>) src(%dma_wait3A_183 : memref<80x128xf32, #tpu.memory_space<vmem>>) dst(%dma_wait3A_189 : memref<10000x128xf32, #tpu.memory_space<vmem_shared>>)
      } else {
      }
      %add3A_94 = arith.constant 2 : i32
      %add3A_95 = arith.addi %add3A_87, %add3A_94 : i32
      %lt3A_96 = arith.constant 62 : i32
      %lt3A_97 = arith.cmpi slt, %add3A_95, %lt3A_96 : i32
      %convert_element_type3A_98 = arith.extui %lt3A_97 : i1 to i32
      %cond3A_99 = arith.constant 0 : i32
      %cond3A_100 = arith.cmpi ne, %convert_element_type3A_98, %cond3A_99 : i32
      scf.if %cond3A_100 {
        %add3A_178 = arith.constant 2 : i32
        %add3A_179 = arith.addi %add3A_87, %add3A_178 : i32
        %dma_start3A_180 = arith.constant 2 : i32
        %dma_start3A_181 = arith.constant 0 : i32
        %dma_start3A_182 = arith.constant 0 : i32
        %dma_start3A_183 = tpu.memref_slice %arg7[%dma_start3A_180, %dma_start3A_181, %dma_start3A_182] : memref<4x1x80xi32, #tpu.memory_space<vmem>> -> memref<1x1x80xi32, #tpu.memory_space<vmem>>
        %dma_start3A_184 = tpu.memref_squeeze %dma_start3A_183 : memref<1x1x80xi32, #tpu.memory_space<vmem>> -> memref<1x80xi32, #tpu.memory_space<vmem>>
        %dma_start3A_185 = arith.constant 0 : i32
        %dma_start3A_186 = arith.constant 0 : i32
        %dma_start3A_187 = tpu.memref_slice %arg3[%add3A, %add3A_179, %dma_start3A_185, %dma_start3A_186] : memref<32x62x1x80xi32, #tpu.memory_space<hbm>> -> memref<1x1x1x80xi32, #tpu.memory_space<hbm>>
        %dma_start3A_188 = tpu.memref_squeeze %dma_start3A_187 : memref<1x1x1x80xi32, #tpu.memory_space<hbm>> -> memref<1x80xi32, #tpu.memory_space<hbm>>
        %dma_start3A_189 = arith.constant 0 : i32
        %dma_start3A_190 = arith.constant 0 : i32
        %dma_start3A_191 = tpu.memref_slice %arg7[%dma_start3A_180, %dma_start3A_189, %dma_start3A_190] : memref<4x1x80xi32, #tpu.memory_space<vmem>> -> memref<1x1x80xi32, #tpu.memory_space<vmem>>
        %dma_start3A_192 = tpu.memref_squeeze %dma_start3A_191 : memref<1x1x80xi32, #tpu.memory_space<vmem>> -> memref<1x80xi32, #tpu.memory_space<vmem>>
        %dma_start3A_193 = arith.constant 0 : i32
        %dma_start3A_194 = arith.constant 0 : i32
        %dma_start3A_195 = tpu.memref_slice %arg3[%add3A, %add3A_179, %dma_start3A_193, %dma_start3A_194] : memref<32x62x1x80xi32, #tpu.memory_space<hbm>> -> memref<1x1x1x80xi32, #tpu.memory_space<hbm>>
        %dma_start3A_196 = tpu.memref_squeeze %dma_start3A_195 : memref<1x1x1x80xi32, #tpu.memory_space<hbm>> -> memref<1x80xi32, #tpu.memory_space<hbm>>
        tpu.enqueue_dma source(%dma_start3A_196 : memref<1x80xi32, #tpu.memory_space<hbm>>) target(%dma_start3A_192 : memref<1x80xi32, #tpu.memory_space<vmem>>) target_semaphore(%arg15 : memref<!tpu.dma_semaphore, #tpu.memory_space<semaphore_mem>>)
        %mul3A_197 = arith.constant 4960 : i32
        %mul3A_198 = arith.muli %add3A, %mul3A_197 : i32
        %mul3A_199 = arith.constant 80 : i32
        %mul3A_200 = arith.muli %add3A_179, %mul3A_199 : i32
        %add3A_201 = arith.addi %mul3A_198, %mul3A_200 : i32
        %dma_start3A_202 = arith.constant 2 : i32
        %dma_start3A_203 = arith.constant 0 : i32
        %dma_start3A_204 = arith.constant 0 : i32
        %dma_start3A_205 = tpu.memref_slice %arg8[%dma_start3A_202, %dma_start3A_203, %dma_start3A_204] : memref<4x80x128xf32, #tpu.memory_space<vmem>> -> memref<1x80x128xf32, #tpu.memory_space<vmem>>
        %dma_start3A_206 = tpu.memref_squeeze %dma_start3A_205 : memref<1x80x128xf32, #tpu.memory_space<vmem>> -> memref<80x128xf32, #tpu.memory_space<vmem>>
        %dma_start3A_207 = arith.constant 0 : i32
        %dma_start3A_208 = tpu.memref_slice %arg2[%add3A_201, %dma_start3A_207] : memref<158720x128xf32, #tpu.memory_space<hbm>> -> memref<80x128xf32, #tpu.memory_space<hbm>>
        %dma_start3A_209 = arith.constant 0 : i32
        %dma_start3A_210 = arith.constant 0 : i32
        %dma_start3A_211 = tpu.memref_slice %arg8[%dma_start3A_202, %dma_start3A_209, %dma_start3A_210] : memref<4x80x128xf32, #tpu.memory_space<vmem>> -> memref<1x80x128xf32, #tpu.memory_space<vmem>>
        %dma_start3A_212 = tpu.memref_squeeze %dma_start3A_211 : memref<1x80x128xf32, #tpu.memory_space<vmem>> -> memref<80x128xf32, #tpu.memory_space<vmem>>
        %dma_start3A_213 = arith.constant 0 : i32
        %dma_start3A_214 = tpu.memref_slice %arg2[%add3A_201, %dma_start3A_213] : memref<158720x128xf32, #tpu.memory_space<hbm>> -> memref<80x128xf32, #tpu.memory_space<hbm>>
        tpu.enqueue_dma source(%dma_start3A_214 : memref<80x128xf32, #tpu.memory_space<hbm>>) target(%dma_start3A_212 : memref<80x128xf32, #tpu.memory_space<vmem>>) target_semaphore(%arg11 : memref<!tpu.dma_semaphore, #tpu.memory_space<semaphore_mem>>)
      } else {
      }
      %lt3A_101 = arith.constant 62 : i32
      %lt3A_102 = arith.cmpi slt, %add3A_87, %lt3A_101 : i32
      %convert_element_type3A_103 = arith.extui %lt3A_102 : i1 to i32
      %cond3A_104 = arith.constant 0 : i32
      %cond3A_105 = arith.cmpi ne, %convert_element_type3A_103, %cond3A_104 : i32
      scf.if %cond3A_105 {
        %mul3A_178 = arith.constant 4960 : i32
        %mul3A_179 = arith.muli %add3A, %mul3A_178 : i32
        %mul3A_180 = arith.constant 80 : i32
        %mul3A_181 = arith.muli %add3A_87, %mul3A_180 : i32
        %add3A_182 = arith.addi %mul3A_179, %mul3A_181 : i32
        %dma_wait3A = arith.constant 0 : i32
        %dma_wait3A_183 = arith.constant 0 : i32
        %dma_wait3A_184 = arith.constant 0 : i32
        %dma_wait3A_185 = tpu.memref_slice %arg8[%dma_wait3A, %dma_wait3A_183, %dma_wait3A_184] : memref<4x80x128xf32, #tpu.memory_space<vmem>> -> memref<1x80x128xf32, #tpu.memory_space<vmem>>
        %dma_wait3A_186 = tpu.memref_squeeze %dma_wait3A_185 : memref<1x80x128xf32, #tpu.memory_space<vmem>> -> memref<80x128xf32, #tpu.memory_space<vmem>>
        %dma_wait3A_187 = arith.constant 0 : i32
        %dma_wait3A_188 = tpu.memref_slice %arg2[%add3A_182, %dma_wait3A_187] : memref<158720x128xf32, #tpu.memory_space<hbm>> -> memref<80x128xf32, #tpu.memory_space<hbm>>
        %dma_wait3A_189 = arith.constant 0 : i32
        %dma_wait3A_190 = arith.constant 0 : i32
        %dma_wait3A_191 = tpu.memref_slice %arg8[%dma_wait3A, %dma_wait3A_189, %dma_wait3A_190] : memref<4x80x128xf32, #tpu.memory_space<vmem>> -> memref<1x80x128xf32, #tpu.memory_space<vmem>>
        %dma_wait3A_192 = tpu.memref_squeeze %dma_wait3A_191 : memref<1x80x128xf32, #tpu.memory_space<vmem>> -> memref<80x128xf32, #tpu.memory_space<vmem>>
        %dma_wait3A_193 = arith.constant 0 : i32
        %dma_wait3A_194 = tpu.memref_slice %arg2[%add3A_182, %dma_wait3A_193] : memref<158720x128xf32, #tpu.memory_space<hbm>> -> memref<80x128xf32, #tpu.memory_space<hbm>>
        tpu.wait_dma2 semaphore(%arg9 : memref<!tpu.dma_semaphore, #tpu.memory_space<semaphore_mem>>) src(%dma_wait3A_194 : memref<80x128xf32, #tpu.memory_space<hbm>>) dst(%dma_wait3A_192 : memref<80x128xf32, #tpu.memory_space<vmem>>)
        %dma_wait3A_195 = arith.constant 0 : i32
        %dma_wait3A_196 = arith.constant 0 : i32
        %dma_wait3A_197 = arith.constant 0 : i32
        %dma_wait3A_198 = tpu.memref_slice %arg7[%dma_wait3A_195, %dma_wait3A_196, %dma_wait3A_197] : memref<4x1x80xi32, #tpu.memory_space<vmem>> -> memref<1x1x80xi32, #tpu.memory_space<vmem>>
        %dma_wait3A_199 = tpu.memref_squeeze %dma_wait3A_198 : memref<1x1x80xi32, #tpu.memory_space<vmem>> -> memref<1x80xi32, #tpu.memory_space<vmem>>
        %dma_wait3A_200 = arith.constant 0 : i32
        %dma_wait3A_201 = arith.constant 0 : i32
        %dma_wait3A_202 = tpu.memref_slice %arg3[%add3A, %add3A_87, %dma_wait3A_200, %dma_wait3A_201] : memref<32x62x1x80xi32, #tpu.memory_space<hbm>> -> memref<1x1x1x80xi32, #tpu.memory_space<hbm>>
        %dma_wait3A_203 = tpu.memref_squeeze %dma_wait3A_202 : memref<1x1x1x80xi32, #tpu.memory_space<hbm>> -> memref<1x80xi32, #tpu.memory_space<hbm>>
        %dma_wait3A_204 = arith.constant 0 : i32
        %dma_wait3A_205 = arith.constant 0 : i32
        %dma_wait3A_206 = tpu.memref_slice %arg7[%dma_wait3A_195, %dma_wait3A_204, %dma_wait3A_205] : memref<4x1x80xi32, #tpu.memory_space<vmem>> -> memref<1x1x80xi32, #tpu.memory_space<vmem>>
        %dma_wait3A_207 = tpu.memref_squeeze %dma_wait3A_206 : memref<1x1x80xi32, #tpu.memory_space<vmem>> -> memref<1x80xi32, #tpu.memory_space<vmem>>
        %dma_wait3A_208 = arith.constant 0 : i32
        %dma_wait3A_209 = arith.constant 0 : i32
        %dma_wait3A_210 = tpu.memref_slice %arg3[%add3A, %add3A_87, %dma_wait3A_208, %dma_wait3A_209] : memref<32x62x1x80xi32, #tpu.memory_space<hbm>> -> memref<1x1x1x80xi32, #tpu.memory_space<hbm>>
        %dma_wait3A_211 = tpu.memref_squeeze %dma_wait3A_210 : memref<1x1x1x80xi32, #tpu.memory_space<hbm>> -> memref<1x80xi32, #tpu.memory_space<hbm>>
        tpu.wait_dma2 semaphore(%arg13 : memref<!tpu.dma_semaphore, #tpu.memory_space<semaphore_mem>>) src(%dma_wait3A_211 : memref<1x80xi32, #tpu.memory_space<hbm>>) dst(%dma_wait3A_207 : memref<1x80xi32, #tpu.memory_space<vmem>>)
        %dma_start3A_212 = arith.constant 0 : i32
        %dma_start3A_213 = arith.constant 0 : i32
        %dma_start3A_214 = arith.constant 0 : i32
        %dma_start3A_215 = arith.constant 0 : i32
        %dma_start3A_216 = arith.constant 0 : i32
        %dma_start3A_217 = tpu.memref_slice %arg8[%dma_start3A_212, %dma_start3A_215, %dma_start3A_216] : memref<4x80x128xf32, #tpu.memory_space<vmem>> -> memref<1x80x128xf32, #tpu.memory_space<vmem>>
        %dma_start3A_218 = tpu.memref_squeeze %dma_start3A_217 : memref<1x80x128xf32, #tpu.memory_space<vmem>> -> memref<80x128xf32, #tpu.memory_space<vmem>>
        %dma_start3A_219 = arith.constant 0 : i32
        %dma_start3A_220 = tpu.memref_slice %arg7[%dma_start3A_213, %dma_start3A_214, %dma_start3A_219] : memref<4x1x80xi32, #tpu.memory_space<vmem>> -> memref<1x1x80xi32, #tpu.memory_space<vmem>>
        %dma_start3A_221 = tpu.memref_squeeze %dma_start3A_220 : memref<1x1x80xi32, #tpu.memory_space<vmem>> -> memref<80xi32, #tpu.memory_space<vmem>>
        %dma_start3A_222 = arith.constant 0 : i32
        %dma_start3A_223 = arith.constant 0 : i32
        %dma_start3A_224 = tpu.memref_slice %arg6[%dma_start3A_222, %dma_start3A_223] : memref<10000x128xf32, #tpu.memory_space<vmem_shared>> -> memref<10000x128xf32, #tpu.memory_space<vmem_shared>>
        tpu.enqueue_indirect_dma source(%dma_start3A_218 : memref<80x128xf32, #tpu.memory_space<vmem>>) target(%dma_start3A_224 : memref<10000x128xf32, #tpu.memory_space<vmem_shared>>) offsets(%dma_start3A_221 : memref<80xi32, #tpu.memory_space<vmem>>) semaphore(%arg17 : memref<!tpu.dma_semaphore, #tpu.memory_space<semaphore_mem>>) {add = true}
      } else {
      }
      %mul3A_106 = arith.constant 4 : i32
      %mul3A_107 = arith.muli %scan3A_83, %mul3A_106 : i32
      %add3A_108 = arith.constant 1 : i32
      %add3A_109 = arith.addi %mul3A_107, %add3A_108 : i32
      %ge3A_110 = arith.constant 2 : i32
      %ge3A_111 = arith.cmpi sge, %add3A_109, %ge3A_110 : i32
      %lt3A_112 = arith.constant 64 : i32
      %lt3A_113 = arith.cmpi slt, %add3A_109, %lt3A_112 : i32
      %and3A_114 = arith.andi %ge3A_111, %lt3A_113 : i1
      %convert_element_type3A_115 = arith.extui %and3A_114 : i1 to i32
      %cond3A_116 = arith.constant 0 : i32
      %cond3A_117 = arith.cmpi ne, %convert_element_type3A_115, %cond3A_116 : i32
      scf.if %cond3A_117 {
        %dma_wait3A = arith.constant 3 : i32
        %dma_wait3A_178 = arith.constant 3 : i32
        %dma_wait3A_179 = arith.constant 0 : i32
        %dma_wait3A_180 = arith.constant 0 : i32
        %dma_wait3A_181 = arith.constant 0 : i32
        %dma_wait3A_182 = tpu.memref_slice %arg8[%dma_wait3A, %dma_wait3A_180, %dma_wait3A_181] : memref<4x80x128xf32, #tpu.memory_space<vmem>> -> memref<1x80x128xf32, #tpu.memory_space<vmem>>
        %dma_wait3A_183 = tpu.memref_squeeze %dma_wait3A_182 : memref<1x80x128xf32, #tpu.memory_space<vmem>> -> memref<80x128xf32, #tpu.memory_space<vmem>>
        %dma_wait3A_184 = arith.constant 0 : i32
        %dma_wait3A_185 = tpu.memref_slice %arg7[%dma_wait3A_178, %dma_wait3A_179, %dma_wait3A_184] : memref<4x1x80xi32, #tpu.memory_space<vmem>> -> memref<1x1x80xi32, #tpu.memory_space<vmem>>
        %dma_wait3A_186 = tpu.memref_squeeze %dma_wait3A_185 : memref<1x1x80xi32, #tpu.memory_space<vmem>> -> memref<80xi32, #tpu.memory_space<vmem>>
        %dma_wait3A_187 = arith.constant 0 : i32
        %dma_wait3A_188 = arith.constant 0 : i32
        %dma_wait3A_189 = tpu.memref_slice %arg6[%dma_wait3A_187, %dma_wait3A_188] : memref<10000x128xf32, #tpu.memory_space<vmem_shared>> -> memref<10000x128xf32, #tpu.memory_space<vmem_shared>>
        tpu.wait_indirect_dma semaphore(%arg20 : memref<!tpu.dma_semaphore, #tpu.memory_space<semaphore_mem>>) src(%dma_wait3A_183 : memref<80x128xf32, #tpu.memory_space<vmem>>) dst(%dma_wait3A_189 : memref<10000x128xf32, #tpu.memory_space<vmem_shared>>)
      } else {
      }
      %add3A_118 = arith.constant 2 : i32
      %add3A_119 = arith.addi %add3A_109, %add3A_118 : i32
      %lt3A_120 = arith.constant 62 : i32
      %lt3A_121 = arith.cmpi slt, %add3A_119, %lt3A_120 : i32
      %convert_element_type3A_122 = arith.extui %lt3A_121 : i1 to i32
      %cond3A_123 = arith.constant 0 : i32
      %cond3A_124 = arith.cmpi ne, %convert_element_type3A_122, %cond3A_123 : i32
      scf.if %cond3A_124 {
        %add3A_178 = arith.constant 2 : i32
        %add3A_179 = arith.addi %add3A_109, %add3A_178 : i32
        %dma_start3A_180 = arith.constant 3 : i32
        %dma_start3A_181 = arith.constant 0 : i32
        %dma_start3A_182 = arith.constant 0 : i32
        %dma_start3A_183 = tpu.memref_slice %arg7[%dma_start3A_180, %dma_start3A_181, %dma_start3A_182] : memref<4x1x80xi32, #tpu.memory_space<vmem>> -> memref<1x1x80xi32, #tpu.memory_space<vmem>>
        %dma_start3A_184 = tpu.memref_squeeze %dma_start3A_183 : memref<1x1x80xi32, #tpu.memory_space<vmem>> -> memref<1x80xi32, #tpu.memory_space<vmem>>
        %dma_start3A_185 = arith.constant 0 : i32
        %dma_start3A_186 = arith.constant 0 : i32
        %dma_start3A_187 = tpu.memref_slice %arg3[%add3A, %add3A_179, %dma_start3A_185, %dma_start3A_186] : memref<32x62x1x80xi32, #tpu.memory_space<hbm>> -> memref<1x1x1x80xi32, #tpu.memory_space<hbm>>
        %dma_start3A_188 = tpu.memref_squeeze %dma_start3A_187 : memref<1x1x1x80xi32, #tpu.memory_space<hbm>> -> memref<1x80xi32, #tpu.memory_space<hbm>>
        %dma_start3A_189 = arith.constant 0 : i32
        %dma_start3A_190 = arith.constant 0 : i32
        %dma_start3A_191 = tpu.memref_slice %arg7[%dma_start3A_180, %dma_start3A_189, %dma_start3A_190] : memref<4x1x80xi32, #tpu.memory_space<vmem>> -> memref<1x1x80xi32, #tpu.memory_space<vmem>>
        %dma_start3A_192 = tpu.memref_squeeze %dma_start3A_191 : memref<1x1x80xi32, #tpu.memory_space<vmem>> -> memref<1x80xi32, #tpu.memory_space<vmem>>
        %dma_start3A_193 = arith.constant 0 : i32
        %dma_start3A_194 = arith.constant 0 : i32
        %dma_start3A_195 = tpu.memref_slice %arg3[%add3A, %add3A_179, %dma_start3A_193, %dma_start3A_194] : memref<32x62x1x80xi32, #tpu.memory_space<hbm>> -> memref<1x1x1x80xi32, #tpu.memory_space<hbm>>
        %dma_start3A_196 = tpu.memref_squeeze %dma_start3A_195 : memref<1x1x1x80xi32, #tpu.memory_space<hbm>> -> memref<1x80xi32, #tpu.memory_space<hbm>>
        tpu.enqueue_dma source(%dma_start3A_196 : memref<1x80xi32, #tpu.memory_space<hbm>>) target(%dma_start3A_192 : memref<1x80xi32, #tpu.memory_space<vmem>>) target_semaphore(%arg16 : memref<!tpu.dma_semaphore, #tpu.memory_space<semaphore_mem>>)
        %mul3A_197 = arith.constant 4960 : i32
        %mul3A_198 = arith.muli %add3A, %mul3A_197 : i32
        %mul3A_199 = arith.constant 80 : i32
        %mul3A_200 = arith.muli %add3A_179, %mul3A_199 : i32
        %add3A_201 = arith.addi %mul3A_198, %mul3A_200 : i32
        %dma_start3A_202 = arith.constant 3 : i32
        %dma_start3A_203 = arith.constant 0 : i32
        %dma_start3A_204 = arith.constant 0 : i32
        %dma_start3A_205 = tpu.memref_slice %arg8[%dma_start3A_202, %dma_start3A_203, %dma_start3A_204] : memref<4x80x128xf32, #tpu.memory_space<vmem>> -> memref<1x80x128xf32, #tpu.memory_space<vmem>>
        %dma_start3A_206 = tpu.memref_squeeze %dma_start3A_205 : memref<1x80x128xf32, #tpu.memory_space<vmem>> -> memref<80x128xf32, #tpu.memory_space<vmem>>
        %dma_start3A_207 = arith.constant 0 : i32
        %dma_start3A_208 = tpu.memref_slice %arg2[%add3A_201, %dma_start3A_207] : memref<158720x128xf32, #tpu.memory_space<hbm>> -> memref<80x128xf32, #tpu.memory_space<hbm>>
        %dma_start3A_209 = arith.constant 0 : i32
        %dma_start3A_210 = arith.constant 0 : i32
        %dma_start3A_211 = tpu.memref_slice %arg8[%dma_start3A_202, %dma_start3A_209, %dma_start3A_210] : memref<4x80x128xf32, #tpu.memory_space<vmem>> -> memref<1x80x128xf32, #tpu.memory_space<vmem>>
        %dma_start3A_212 = tpu.memref_squeeze %dma_start3A_211 : memref<1x80x128xf32, #tpu.memory_space<vmem>> -> memref<80x128xf32, #tpu.memory_space<vmem>>
        %dma_start3A_213 = arith.constant 0 : i32
        %dma_start3A_214 = tpu.memref_slice %arg2[%add3A_201, %dma_start3A_213] : memref<158720x128xf32, #tpu.memory_space<hbm>> -> memref<80x128xf32, #tpu.memory_space<hbm>>
        tpu.enqueue_dma source(%dma_start3A_214 : memref<80x128xf32, #tpu.memory_space<hbm>>) target(%dma_start3A_212 : memref<80x128xf32, #tpu.memory_space<vmem>>) target_semaphore(%arg12 : memref<!tpu.dma_semaphore, #tpu.memory_space<semaphore_mem>>)
      } else {
      }
      %lt3A_125 = arith.constant 62 : i32
      %lt3A_126 = arith.cmpi slt, %add3A_109, %lt3A_125 : i32
      %convert_element_type3A_127 = arith.extui %lt3A_126 : i1 to i32
      %cond3A_128 = arith.constant 0 : i32
      %cond3A_129 = arith.cmpi ne, %convert_element_type3A_127, %cond3A_128 : i32
      scf.if %cond3A_129 {
        %mul3A_178 = arith.constant 4960 : i32
        %mul3A_179 = arith.muli %add3A, %mul3A_178 : i32
        %mul3A_180 = arith.constant 80 : i32
        %mul3A_181 = arith.muli %add3A_109, %mul3A_180 : i32
        %add3A_182 = arith.addi %mul3A_179, %mul3A_181 : i32
        %dma_wait3A = arith.constant 1 : i32
        %dma_wait3A_183 = arith.constant 0 : i32
        %dma_wait3A_184 = arith.constant 0 : i32
        %dma_wait3A_185 = tpu.memref_slice %arg8[%dma_wait3A, %dma_wait3A_183, %dma_wait3A_184] : memref<4x80x128xf32, #tpu.memory_space<vmem>> -> memref<1x80x128xf32, #tpu.memory_space<vmem>>
        %dma_wait3A_186 = tpu.memref_squeeze %dma_wait3A_185 : memref<1x80x128xf32, #tpu.memory_space<vmem>> -> memref<80x128xf32, #tpu.memory_space<vmem>>
        %dma_wait3A_187 = arith.constant 0 : i32
        %dma_wait3A_188 = tpu.memref_slice %arg2[%add3A_182, %dma_wait3A_187] : memref<158720x128xf32, #tpu.memory_space<hbm>> -> memref<80x128xf32, #tpu.memory_space<hbm>>
        %dma_wait3A_189 = arith.constant 0 : i32
        %dma_wait3A_190 = arith.constant 0 : i32
        %dma_wait3A_191 = tpu.memref_slice %arg8[%dma_wait3A, %dma_wait3A_189, %dma_wait3A_190] : memref<4x80x128xf32, #tpu.memory_space<vmem>> -> memref<1x80x128xf32, #tpu.memory_space<vmem>>
        %dma_wait3A_192 = tpu.memref_squeeze %dma_wait3A_191 : memref<1x80x128xf32, #tpu.memory_space<vmem>> -> memref<80x128xf32, #tpu.memory_space<vmem>>
        %dma_wait3A_193 = arith.constant 0 : i32
        %dma_wait3A_194 = tpu.memref_slice %arg2[%add3A_182, %dma_wait3A_193] : memref<158720x128xf32, #tpu.memory_space<hbm>> -> memref<80x128xf32, #tpu.memory_space<hbm>>
        tpu.wait_dma2 semaphore(%arg10 : memref<!tpu.dma_semaphore, #tpu.memory_space<semaphore_mem>>) src(%dma_wait3A_194 : memref<80x128xf32, #tpu.memory_space<hbm>>) dst(%dma_wait3A_192 : memref<80x128xf32, #tpu.memory_space<vmem>>)
        %dma_wait3A_195 = arith.constant 1 : i32
        %dma_wait3A_196 = arith.constant 0 : i32
        %dma_wait3A_197 = arith.constant 0 : i32
        %dma_wait3A_198 = tpu.memref_slice %arg7[%dma_wait3A_195, %dma_wait3A_196, %dma_wait3A_197] : memref<4x1x80xi32, #tpu.memory_space<vmem>> -> memref<1x1x80xi32, #tpu.memory_space<vmem>>
        %dma_wait3A_199 = tpu.memref_squeeze %dma_wait3A_198 : memref<1x1x80xi32, #tpu.memory_space<vmem>> -> memref<1x80xi32, #tpu.memory_space<vmem>>
        %dma_wait3A_200 = arith.constant 0 : i32
        %dma_wait3A_201 = arith.constant 0 : i32
        %dma_wait3A_202 = tpu.memref_slice %arg3[%add3A, %add3A_109, %dma_wait3A_200, %dma_wait3A_201] : memref<32x62x1x80xi32, #tpu.memory_space<hbm>> -> memref<1x1x1x80xi32, #tpu.memory_space<hbm>>
        %dma_wait3A_203 = tpu.memref_squeeze %dma_wait3A_202 : memref<1x1x1x80xi32, #tpu.memory_space<hbm>> -> memref<1x80xi32, #tpu.memory_space<hbm>>
        %dma_wait3A_204 = arith.constant 0 : i32
        %dma_wait3A_205 = arith.constant 0 : i32
        %dma_wait3A_206 = tpu.memref_slice %arg7[%dma_wait3A_195, %dma_wait3A_204, %dma_wait3A_205] : memref<4x1x80xi32, #tpu.memory_space<vmem>> -> memref<1x1x80xi32, #tpu.memory_space<vmem>>
        %dma_wait3A_207 = tpu.memref_squeeze %dma_wait3A_206 : memref<1x1x80xi32, #tpu.memory_space<vmem>> -> memref<1x80xi32, #tpu.memory_space<vmem>>
        %dma_wait3A_208 = arith.constant 0 : i32
        %dma_wait3A_209 = arith.constant 0 : i32
        %dma_wait3A_210 = tpu.memref_slice %arg3[%add3A, %add3A_109, %dma_wait3A_208, %dma_wait3A_209] : memref<32x62x1x80xi32, #tpu.memory_space<hbm>> -> memref<1x1x1x80xi32, #tpu.memory_space<hbm>>
        %dma_wait3A_211 = tpu.memref_squeeze %dma_wait3A_210 : memref<1x1x1x80xi32, #tpu.memory_space<hbm>> -> memref<1x80xi32, #tpu.memory_space<hbm>>
        tpu.wait_dma2 semaphore(%arg14 : memref<!tpu.dma_semaphore, #tpu.memory_space<semaphore_mem>>) src(%dma_wait3A_211 : memref<1x80xi32, #tpu.memory_space<hbm>>) dst(%dma_wait3A_207 : memref<1x80xi32, #tpu.memory_space<vmem>>)
        %dma_start3A_212 = arith.constant 1 : i32
        %dma_start3A_213 = arith.constant 1 : i32
        %dma_start3A_214 = arith.constant 0 : i32
        %dma_start3A_215 = arith.constant 0 : i32
        %dma_start3A_216 = arith.constant 0 : i32
        %dma_start3A_217 = tpu.memref_slice %arg8[%dma_start3A_212, %dma_start3A_215, %dma_start3A_216] : memref<4x80x128xf32, #tpu.memory_space<vmem>> -> memref<1x80x128xf32, #tpu.memory_space<vmem>>
        %dma_start3A_218 = tpu.memref_squeeze %dma_start3A_217 : memref<1x80x128xf32, #tpu.memory_space<vmem>> -> memref<80x128xf32, #tpu.memory_space<vmem>>
        %dma_start3A_219 = arith.constant 0 : i32
        %dma_start3A_220 = tpu.memref_slice %arg7[%dma_start3A_213, %dma_start3A_214, %dma_start3A_219] : memref<4x1x80xi32, #tpu.memory_space<vmem>> -> memref<1x1x80xi32, #tpu.memory_space<vmem>>
        %dma_start3A_221 = tpu.memref_squeeze %dma_start3A_220 : memref<1x1x80xi32, #tpu.memory_space<vmem>> -> memref<80xi32, #tpu.memory_space<vmem>>
        %dma_start3A_222 = arith.constant 0 : i32
        %dma_start3A_223 = arith.constant 0 : i32
        %dma_start3A_224 = tpu.memref_slice %arg6[%dma_start3A_222, %dma_start3A_223] : memref<10000x128xf32, #tpu.memory_space<vmem_shared>> -> memref<10000x128xf32, #tpu.memory_space<vmem_shared>>
        tpu.enqueue_indirect_dma source(%dma_start3A_218 : memref<80x128xf32, #tpu.memory_space<vmem>>) target(%dma_start3A_224 : memref<10000x128xf32, #tpu.memory_space<vmem_shared>>) offsets(%dma_start3A_221 : memref<80xi32, #tpu.memory_space<vmem>>) semaphore(%arg18 : memref<!tpu.dma_semaphore, #tpu.memory_space<semaphore_mem>>) {add = true}
      } else {
      }
      %mul3A_130 = arith.constant 4 : i32
      %mul3A_131 = arith.muli %scan3A_83, %mul3A_130 : i32
      %add3A_132 = arith.constant 2 : i32
      %add3A_133 = arith.addi %mul3A_131, %add3A_132 : i32
      %ge3A_134 = arith.constant 2 : i32
      %ge3A_135 = arith.cmpi sge, %add3A_133, %ge3A_134 : i32
      %lt3A_136 = arith.constant 64 : i32
      %lt3A_137 = arith.cmpi slt, %add3A_133, %lt3A_136 : i32
      %and3A_138 = arith.andi %ge3A_135, %lt3A_137 : i1
      %convert_element_type3A_139 = arith.extui %and3A_138 : i1 to i32
      %cond3A_140 = arith.constant 0 : i32
      %cond3A_141 = arith.cmpi ne, %convert_element_type3A_139, %cond3A_140 : i32
      scf.if %cond3A_141 {
        %dma_wait3A = arith.constant 0 : i32
        %dma_wait3A_178 = arith.constant 0 : i32
        %dma_wait3A_179 = arith.constant 0 : i32
        %dma_wait3A_180 = arith.constant 0 : i32
        %dma_wait3A_181 = arith.constant 0 : i32
        %dma_wait3A_182 = tpu.memref_slice %arg8[%dma_wait3A, %dma_wait3A_180, %dma_wait3A_181] : memref<4x80x128xf32, #tpu.memory_space<vmem>> -> memref<1x80x128xf32, #tpu.memory_space<vmem>>
        %dma_wait3A_183 = tpu.memref_squeeze %dma_wait3A_182 : memref<1x80x128xf32, #tpu.memory_space<vmem>> -> memref<80x128xf32, #tpu.memory_space<vmem>>
        %dma_wait3A_184 = arith.constant 0 : i32
        %dma_wait3A_185 = tpu.memref_slice %arg7[%dma_wait3A_178, %dma_wait3A_179, %dma_wait3A_184] : memref<4x1x80xi32, #tpu.memory_space<vmem>> -> memref<1x1x80xi32, #tpu.memory_space<vmem>>
        %dma_wait3A_186 = tpu.memref_squeeze %dma_wait3A_185 : memref<1x1x80xi32, #tpu.memory_space<vmem>> -> memref<80xi32, #tpu.memory_space<vmem>>
        %dma_wait3A_187 = arith.constant 0 : i32
        %dma_wait3A_188 = arith.constant 0 : i32
        %dma_wait3A_189 = tpu.memref_slice %arg6[%dma_wait3A_187, %dma_wait3A_188] : memref<10000x128xf32, #tpu.memory_space<vmem_shared>> -> memref<10000x128xf32, #tpu.memory_space<vmem_shared>>
        tpu.wait_indirect_dma semaphore(%arg17 : memref<!tpu.dma_semaphore, #tpu.memory_space<semaphore_mem>>) src(%dma_wait3A_183 : memref<80x128xf32, #tpu.memory_space<vmem>>) dst(%dma_wait3A_189 : memref<10000x128xf32, #tpu.memory_space<vmem_shared>>)
      } else {
      }
      %add3A_142 = arith.constant 2 : i32
      %add3A_143 = arith.addi %add3A_133, %add3A_142 : i32
      %lt3A_144 = arith.constant 62 : i32
      %lt3A_145 = arith.cmpi slt, %add3A_143, %lt3A_144 : i32
      %convert_element_type3A_146 = arith.extui %lt3A_145 : i1 to i32
      %cond3A_147 = arith.constant 0 : i32
      %cond3A_148 = arith.cmpi ne, %convert_element_type3A_146, %cond3A_147 : i32
      scf.if %cond3A_148 {
        %add3A_178 = arith.constant 2 : i32
        %add3A_179 = arith.addi %add3A_133, %add3A_178 : i32
        %dma_start3A_180 = arith.constant 0 : i32
        %dma_start3A_181 = arith.constant 0 : i32
        %dma_start3A_182 = arith.constant 0 : i32
        %dma_start3A_183 = tpu.memref_slice %arg7[%dma_start3A_180, %dma_start3A_181, %dma_start3A_182] : memref<4x1x80xi32, #tpu.memory_space<vmem>> -> memref<1x1x80xi32, #tpu.memory_space<vmem>>
        %dma_start3A_184 = tpu.memref_squeeze %dma_start3A_183 : memref<1x1x80xi32, #tpu.memory_space<vmem>> -> memref<1x80xi32, #tpu.memory_space<vmem>>
        %dma_start3A_185 = arith.constant 0 : i32
        %dma_start3A_186 = arith.constant 0 : i32
        %dma_start3A_187 = tpu.memref_slice %arg3[%add3A, %add3A_179, %dma_start3A_185, %dma_start3A_186] : memref<32x62x1x80xi32, #tpu.memory_space<hbm>> -> memref<1x1x1x80xi32, #tpu.memory_space<hbm>>
        %dma_start3A_188 = tpu.memref_squeeze %dma_start3A_187 : memref<1x1x1x80xi32, #tpu.memory_space<hbm>> -> memref<1x80xi32, #tpu.memory_space<hbm>>
        %dma_start3A_189 = arith.constant 0 : i32
        %dma_start3A_190 = arith.constant 0 : i32
        %dma_start3A_191 = tpu.memref_slice %arg7[%dma_start3A_180, %dma_start3A_189, %dma_start3A_190] : memref<4x1x80xi32, #tpu.memory_space<vmem>> -> memref<1x1x80xi32, #tpu.memory_space<vmem>>
        %dma_start3A_192 = tpu.memref_squeeze %dma_start3A_191 : memref<1x1x80xi32, #tpu.memory_space<vmem>> -> memref<1x80xi32, #tpu.memory_space<vmem>>
        %dma_start3A_193 = arith.constant 0 : i32
        %dma_start3A_194 = arith.constant 0 : i32
        %dma_start3A_195 = tpu.memref_slice %arg3[%add3A, %add3A_179, %dma_start3A_193, %dma_start3A_194] : memref<32x62x1x80xi32, #tpu.memory_space<hbm>> -> memref<1x1x1x80xi32, #tpu.memory_space<hbm>>
        %dma_start3A_196 = tpu.memref_squeeze %dma_start3A_195 : memref<1x1x1x80xi32, #tpu.memory_space<hbm>> -> memref<1x80xi32, #tpu.memory_space<hbm>>
        tpu.enqueue_dma source(%dma_start3A_196 : memref<1x80xi32, #tpu.memory_space<hbm>>) target(%dma_start3A_192 : memref<1x80xi32, #tpu.memory_space<vmem>>) target_semaphore(%arg13 : memref<!tpu.dma_semaphore, #tpu.memory_space<semaphore_mem>>)
        %mul3A_197 = arith.constant 4960 : i32
        %mul3A_198 = arith.muli %add3A, %mul3A_197 : i32
        %mul3A_199 = arith.constant 80 : i32
        %mul3A_200 = arith.muli %add3A_179, %mul3A_199 : i32
        %add3A_201 = arith.addi %mul3A_198, %mul3A_200 : i32
        %dma_start3A_202 = arith.constant 0 : i32
        %dma_start3A_203 = arith.constant 0 : i32
        %dma_start3A_204 = arith.constant 0 : i32
        %dma_start3A_205 = tpu.memref_slice %arg8[%dma_start3A_202, %dma_start3A_203, %dma_start3A_204] : memref<4x80x128xf32, #tpu.memory_space<vmem>> -> memref<1x80x128xf32, #tpu.memory_space<vmem>>
        %dma_start3A_206 = tpu.memref_squeeze %dma_start3A_205 : memref<1x80x128xf32, #tpu.memory_space<vmem>> -> memref<80x128xf32, #tpu.memory_space<vmem>>
        %dma_start3A_207 = arith.constant 0 : i32
        %dma_start3A_208 = tpu.memref_slice %arg2[%add3A_201, %dma_start3A_207] : memref<158720x128xf32, #tpu.memory_space<hbm>> -> memref<80x128xf32, #tpu.memory_space<hbm>>
        %dma_start3A_209 = arith.constant 0 : i32
        %dma_start3A_210 = arith.constant 0 : i32
        %dma_start3A_211 = tpu.memref_slice %arg8[%dma_start3A_202, %dma_start3A_209, %dma_start3A_210] : memref<4x80x128xf32, #tpu.memory_space<vmem>> -> memref<1x80x128xf32, #tpu.memory_space<vmem>>
        %dma_start3A_212 = tpu.memref_squeeze %dma_start3A_211 : memref<1x80x128xf32, #tpu.memory_space<vmem>> -> memref<80x128xf32, #tpu.memory_space<vmem>>
        %dma_start3A_213 = arith.constant 0 : i32
        %dma_start3A_214 = tpu.memref_slice %arg2[%add3A_201, %dma_start3A_213] : memref<158720x128xf32, #tpu.memory_space<hbm>> -> memref<80x128xf32, #tpu.memory_space<hbm>>
        tpu.enqueue_dma source(%dma_start3A_214 : memref<80x128xf32, #tpu.memory_space<hbm>>) target(%dma_start3A_212 : memref<80x128xf32, #tpu.memory_space<vmem>>) target_semaphore(%arg9 : memref<!tpu.dma_semaphore, #tpu.memory_space<semaphore_mem>>)
      } else {
      }
      %lt3A_149 = arith.constant 62 : i32
      %lt3A_150 = arith.cmpi slt, %add3A_133, %lt3A_149 : i32
      %convert_element_type3A_151 = arith.extui %lt3A_150 : i1 to i32
      %cond3A_152 = arith.constant 0 : i32
      %cond3A_153 = arith.cmpi ne, %convert_element_type3A_151, %cond3A_152 : i32
      scf.if %cond3A_153 {
        %mul3A_178 = arith.constant 4960 : i32
        %mul3A_179 = arith.muli %add3A, %mul3A_178 : i32
        %mul3A_180 = arith.constant 80 : i32
        %mul3A_181 = arith.muli %add3A_133, %mul3A_180 : i32
        %add3A_182 = arith.addi %mul3A_179, %mul3A_181 : i32
        %dma_wait3A = arith.constant 2 : i32
        %dma_wait3A_183 = arith.constant 0 : i32
        %dma_wait3A_184 = arith.constant 0 : i32
        %dma_wait3A_185 = tpu.memref_slice %arg8[%dma_wait3A, %dma_wait3A_183, %dma_wait3A_184] : memref<4x80x128xf32, #tpu.memory_space<vmem>> -> memref<1x80x128xf32, #tpu.memory_space<vmem>>
        %dma_wait3A_186 = tpu.memref_squeeze %dma_wait3A_185 : memref<1x80x128xf32, #tpu.memory_space<vmem>> -> memref<80x128xf32, #tpu.memory_space<vmem>>
        %dma_wait3A_187 = arith.constant 0 : i32
        %dma_wait3A_188 = tpu.memref_slice %arg2[%add3A_182, %dma_wait3A_187] : memref<158720x128xf32, #tpu.memory_space<hbm>> -> memref<80x128xf32, #tpu.memory_space<hbm>>
        %dma_wait3A_189 = arith.constant 0 : i32
        %dma_wait3A_190 = arith.constant 0 : i32
        %dma_wait3A_191 = tpu.memref_slice %arg8[%dma_wait3A, %dma_wait3A_189, %dma_wait3A_190] : memref<4x80x128xf32, #tpu.memory_space<vmem>> -> memref<1x80x128xf32, #tpu.memory_space<vmem>>
        %dma_wait3A_192 = tpu.memref_squeeze %dma_wait3A_191 : memref<1x80x128xf32, #tpu.memory_space<vmem>> -> memref<80x128xf32, #tpu.memory_space<vmem>>
        %dma_wait3A_193 = arith.constant 0 : i32
        %dma_wait3A_194 = tpu.memref_slice %arg2[%add3A_182, %dma_wait3A_193] : memref<158720x128xf32, #tpu.memory_space<hbm>> -> memref<80x128xf32, #tpu.memory_space<hbm>>
        tpu.wait_dma2 semaphore(%arg11 : memref<!tpu.dma_semaphore, #tpu.memory_space<semaphore_mem>>) src(%dma_wait3A_194 : memref<80x128xf32, #tpu.memory_space<hbm>>) dst(%dma_wait3A_192 : memref<80x128xf32, #tpu.memory_space<vmem>>)
        %dma_wait3A_195 = arith.constant 2 : i32
        %dma_wait3A_196 = arith.constant 0 : i32
        %dma_wait3A_197 = arith.constant 0 : i32
        %dma_wait3A_198 = tpu.memref_slice %arg7[%dma_wait3A_195, %dma_wait3A_196, %dma_wait3A_197] : memref<4x1x80xi32, #tpu.memory_space<vmem>> -> memref<1x1x80xi32, #tpu.memory_space<vmem>>
        %dma_wait3A_199 = tpu.memref_squeeze %dma_wait3A_198 : memref<1x1x80xi32, #tpu.memory_space<vmem>> -> memref<1x80xi32, #tpu.memory_space<vmem>>
        %dma_wait3A_200 = arith.constant 0 : i32
        %dma_wait3A_201 = arith.constant 0 : i32
        %dma_wait3A_202 = tpu.memref_slice %arg3[%add3A, %add3A_133, %dma_wait3A_200, %dma_wait3A_201] : memref<32x62x1x80xi32, #tpu.memory_space<hbm>> -> memref<1x1x1x80xi32, #tpu.memory_space<hbm>>
        %dma_wait3A_203 = tpu.memref_squeeze %dma_wait3A_202 : memref<1x1x1x80xi32, #tpu.memory_space<hbm>> -> memref<1x80xi32, #tpu.memory_space<hbm>>
        %dma_wait3A_204 = arith.constant 0 : i32
        %dma_wait3A_205 = arith.constant 0 : i32
        %dma_wait3A_206 = tpu.memref_slice %arg7[%dma_wait3A_195, %dma_wait3A_204, %dma_wait3A_205] : memref<4x1x80xi32, #tpu.memory_space<vmem>> -> memref<1x1x80xi32, #tpu.memory_space<vmem>>
        %dma_wait3A_207 = tpu.memref_squeeze %dma_wait3A_206 : memref<1x1x80xi32, #tpu.memory_space<vmem>> -> memref<1x80xi32, #tpu.memory_space<vmem>>
        %dma_wait3A_208 = arith.constant 0 : i32
        %dma_wait3A_209 = arith.constant 0 : i32
        %dma_wait3A_210 = tpu.memref_slice %arg3[%add3A, %add3A_133, %dma_wait3A_208, %dma_wait3A_209] : memref<32x62x1x80xi32, #tpu.memory_space<hbm>> -> memref<1x1x1x80xi32, #tpu.memory_space<hbm>>
        %dma_wait3A_211 = tpu.memref_squeeze %dma_wait3A_210 : memref<1x1x1x80xi32, #tpu.memory_space<hbm>> -> memref<1x80xi32, #tpu.memory_space<hbm>>
        tpu.wait_dma2 semaphore(%arg15 : memref<!tpu.dma_semaphore, #tpu.memory_space<semaphore_mem>>) src(%dma_wait3A_211 : memref<1x80xi32, #tpu.memory_space<hbm>>) dst(%dma_wait3A_207 : memref<1x80xi32, #tpu.memory_space<vmem>>)
        %dma_start3A_212 = arith.constant 2 : i32
        %dma_start3A_213 = arith.constant 2 : i32
        %dma_start3A_214 = arith.constant 0 : i32
        %dma_start3A_215 = arith.constant 0 : i32
        %dma_start3A_216 = arith.constant 0 : i32
        %dma_start3A_217 = tpu.memref_slice %arg8[%dma_start3A_212, %dma_start3A_215, %dma_start3A_216] : memref<4x80x128xf32, #tpu.memory_space<vmem>> -> memref<1x80x128xf32, #tpu.memory_space<vmem>>
        %dma_start3A_218 = tpu.memref_squeeze %dma_start3A_217 : memref<1x80x128xf32, #tpu.memory_space<vmem>> -> memref<80x128xf32, #tpu.memory_space<vmem>>
        %dma_start3A_219 = arith.constant 0 : i32
        %dma_start3A_220 = tpu.memref_slice %arg7[%dma_start3A_213, %dma_start3A_214, %dma_start3A_219] : memref<4x1x80xi32, #tpu.memory_space<vmem>> -> memref<1x1x80xi32, #tpu.memory_space<vmem>>
        %dma_start3A_221 = tpu.memref_squeeze %dma_start3A_220 : memref<1x1x80xi32, #tpu.memory_space<vmem>> -> memref<80xi32, #tpu.memory_space<vmem>>
        %dma_start3A_222 = arith.constant 0 : i32
        %dma_start3A_223 = arith.constant 0 : i32
        %dma_start3A_224 = tpu.memref_slice %arg6[%dma_start3A_222, %dma_start3A_223] : memref<10000x128xf32, #tpu.memory_space<vmem_shared>> -> memref<10000x128xf32, #tpu.memory_space<vmem_shared>>
        tpu.enqueue_indirect_dma source(%dma_start3A_218 : memref<80x128xf32, #tpu.memory_space<vmem>>) target(%dma_start3A_224 : memref<10000x128xf32, #tpu.memory_space<vmem_shared>>) offsets(%dma_start3A_221 : memref<80xi32, #tpu.memory_space<vmem>>) semaphore(%arg19 : memref<!tpu.dma_semaphore, #tpu.memory_space<semaphore_mem>>) {add = true}
      } else {
      }
      %mul3A_154 = arith.constant 4 : i32
      %mul3A_155 = arith.muli %scan3A_83, %mul3A_154 : i32
      %add3A_156 = arith.constant 3 : i32
      %add3A_157 = arith.addi %mul3A_155, %add3A_156 : i32
      %ge3A_158 = arith.constant 2 : i32
      %ge3A_159 = arith.cmpi sge, %add3A_157, %ge3A_158 : i32
      %lt3A_160 = arith.constant 64 : i32
      %lt3A_161 = arith.cmpi slt, %add3A_157, %lt3A_160 : i32
      %and3A_162 = arith.andi %ge3A_159, %lt3A_161 : i1
      %convert_element_type3A_163 = arith.extui %and3A_162 : i1 to i32
      %cond3A_164 = arith.constant 0 : i32
      %cond3A_165 = arith.cmpi ne, %convert_element_type3A_163, %cond3A_164 : i32
      scf.if %cond3A_165 {
        %dma_wait3A = arith.constant 1 : i32
        %dma_wait3A_178 = arith.constant 1 : i32
        %dma_wait3A_179 = arith.constant 0 : i32
        %dma_wait3A_180 = arith.constant 0 : i32
        %dma_wait3A_181 = arith.constant 0 : i32
        %dma_wait3A_182 = tpu.memref_slice %arg8[%dma_wait3A, %dma_wait3A_180, %dma_wait3A_181] : memref<4x80x128xf32, #tpu.memory_space<vmem>> -> memref<1x80x128xf32, #tpu.memory_space<vmem>>
        %dma_wait3A_183 = tpu.memref_squeeze %dma_wait3A_182 : memref<1x80x128xf32, #tpu.memory_space<vmem>> -> memref<80x128xf32, #tpu.memory_space<vmem>>
        %dma_wait3A_184 = arith.constant 0 : i32
        %dma_wait3A_185 = tpu.memref_slice %arg7[%dma_wait3A_178, %dma_wait3A_179, %dma_wait3A_184] : memref<4x1x80xi32, #tpu.memory_space<vmem>> -> memref<1x1x80xi32, #tpu.memory_space<vmem>>
        %dma_wait3A_186 = tpu.memref_squeeze %dma_wait3A_185 : memref<1x1x80xi32, #tpu.memory_space<vmem>> -> memref<80xi32, #tpu.memory_space<vmem>>
        %dma_wait3A_187 = arith.constant 0 : i32
        %dma_wait3A_188 = arith.constant 0 : i32
        %dma_wait3A_189 = tpu.memref_slice %arg6[%dma_wait3A_187, %dma_wait3A_188] : memref<10000x128xf32, #tpu.memory_space<vmem_shared>> -> memref<10000x128xf32, #tpu.memory_space<vmem_shared>>
        tpu.wait_indirect_dma semaphore(%arg18 : memref<!tpu.dma_semaphore, #tpu.memory_space<semaphore_mem>>) src(%dma_wait3A_183 : memref<80x128xf32, #tpu.memory_space<vmem>>) dst(%dma_wait3A_189 : memref<10000x128xf32, #tpu.memory_space<vmem_shared>>)
      } else {
      }
      %add3A_166 = arith.constant 2 : i32
      %add3A_167 = arith.addi %add3A_157, %add3A_166 : i32
      %lt3A_168 = arith.constant 62 : i32
      %lt3A_169 = arith.cmpi slt, %add3A_167, %lt3A_168 : i32
      %convert_element_type3A_170 = arith.extui %lt3A_169 : i1 to i32
      %cond3A_171 = arith.constant 0 : i32
      %cond3A_172 = arith.cmpi ne, %convert_element_type3A_170, %cond3A_171 : i32
      scf.if %cond3A_172 {
        %add3A_178 = arith.constant 2 : i32
        %add3A_179 = arith.addi %add3A_157, %add3A_178 : i32
        %dma_start3A_180 = arith.constant 1 : i32
        %dma_start3A_181 = arith.constant 0 : i32
        %dma_start3A_182 = arith.constant 0 : i32
        %dma_start3A_183 = tpu.memref_slice %arg7[%dma_start3A_180, %dma_start3A_181, %dma_start3A_182] : memref<4x1x80xi32, #tpu.memory_space<vmem>> -> memref<1x1x80xi32, #tpu.memory_space<vmem>>
        %dma_start3A_184 = tpu.memref_squeeze %dma_start3A_183 : memref<1x1x80xi32, #tpu.memory_space<vmem>> -> memref<1x80xi32, #tpu.memory_space<vmem>>
        %dma_start3A_185 = arith.constant 0 : i32
        %dma_start3A_186 = arith.constant 0 : i32
        %dma_start3A_187 = tpu.memref_slice %arg3[%add3A, %add3A_179, %dma_start3A_185, %dma_start3A_186] : memref<32x62x1x80xi32, #tpu.memory_space<hbm>> -> memref<1x1x1x80xi32, #tpu.memory_space<hbm>>
        %dma_start3A_188 = tpu.memref_squeeze %dma_start3A_187 : memref<1x1x1x80xi32, #tpu.memory_space<hbm>> -> memref<1x80xi32, #tpu.memory_space<hbm>>
        %dma_start3A_189 = arith.constant 0 : i32
        %dma_start3A_190 = arith.constant 0 : i32
        %dma_start3A_191 = tpu.memref_slice %arg7[%dma_start3A_180, %dma_start3A_189, %dma_start3A_190] : memref<4x1x80xi32, #tpu.memory_space<vmem>> -> memref<1x1x80xi32, #tpu.memory_space<vmem>>
        %dma_start3A_192 = tpu.memref_squeeze %dma_start3A_191 : memref<1x1x80xi32, #tpu.memory_space<vmem>> -> memref<1x80xi32, #tpu.memory_space<vmem>>
        %dma_start3A_193 = arith.constant 0 : i32
        %dma_start3A_194 = arith.constant 0 : i32
        %dma_start3A_195 = tpu.memref_slice %arg3[%add3A, %add3A_179, %dma_start3A_193, %dma_start3A_194] : memref<32x62x1x80xi32, #tpu.memory_space<hbm>> -> memref<1x1x1x80xi32, #tpu.memory_space<hbm>>
        %dma_start3A_196 = tpu.memref_squeeze %dma_start3A_195 : memref<1x1x1x80xi32, #tpu.memory_space<hbm>> -> memref<1x80xi32, #tpu.memory_space<hbm>>
        tpu.enqueue_dma source(%dma_start3A_196 : memref<1x80xi32, #tpu.memory_space<hbm>>) target(%dma_start3A_192 : memref<1x80xi32, #tpu.memory_space<vmem>>) target_semaphore(%arg14 : memref<!tpu.dma_semaphore, #tpu.memory_space<semaphore_mem>>)
        %mul3A_197 = arith.constant 4960 : i32
        %mul3A_198 = arith.muli %add3A, %mul3A_197 : i32
        %mul3A_199 = arith.constant 80 : i32
        %mul3A_200 = arith.muli %add3A_179, %mul3A_199 : i32
        %add3A_201 = arith.addi %mul3A_198, %mul3A_200 : i32
        %dma_start3A_202 = arith.constant 1 : i32
        %dma_start3A_203 = arith.constant 0 : i32
        %dma_start3A_204 = arith.constant 0 : i32
        %dma_start3A_205 = tpu.memref_slice %arg8[%dma_start3A_202, %dma_start3A_203, %dma_start3A_204] : memref<4x80x128xf32, #tpu.memory_space<vmem>> -> memref<1x80x128xf32, #tpu.memory_space<vmem>>
        %dma_start3A_206 = tpu.memref_squeeze %dma_start3A_205 : memref<1x80x128xf32, #tpu.memory_space<vmem>> -> memref<80x128xf32, #tpu.memory_space<vmem>>
        %dma_start3A_207 = arith.constant 0 : i32
        %dma_start3A_208 = tpu.memref_slice %arg2[%add3A_201, %dma_start3A_207] : memref<158720x128xf32, #tpu.memory_space<hbm>> -> memref<80x128xf32, #tpu.memory_space<hbm>>
        %dma_start3A_209 = arith.constant 0 : i32
        %dma_start3A_210 = arith.constant 0 : i32
        %dma_start3A_211 = tpu.memref_slice %arg8[%dma_start3A_202, %dma_start3A_209, %dma_start3A_210] : memref<4x80x128xf32, #tpu.memory_space<vmem>> -> memref<1x80x128xf32, #tpu.memory_space<vmem>>
        %dma_start3A_212 = tpu.memref_squeeze %dma_start3A_211 : memref<1x80x128xf32, #tpu.memory_space<vmem>> -> memref<80x128xf32, #tpu.memory_space<vmem>>
        %dma_start3A_213 = arith.constant 0 : i32
        %dma_start3A_214 = tpu.memref_slice %arg2[%add3A_201, %dma_start3A_213] : memref<158720x128xf32, #tpu.memory_space<hbm>> -> memref<80x128xf32, #tpu.memory_space<hbm>>
        tpu.enqueue_dma source(%dma_start3A_214 : memref<80x128xf32, #tpu.memory_space<hbm>>) target(%dma_start3A_212 : memref<80x128xf32, #tpu.memory_space<vmem>>) target_semaphore(%arg10 : memref<!tpu.dma_semaphore, #tpu.memory_space<semaphore_mem>>)
      } else {
      }
      %lt3A_173 = arith.constant 62 : i32
      %lt3A_174 = arith.cmpi slt, %add3A_157, %lt3A_173 : i32
      %convert_element_type3A_175 = arith.extui %lt3A_174 : i1 to i32
      %cond3A_176 = arith.constant 0 : i32
      %cond3A_177 = arith.cmpi ne, %convert_element_type3A_175, %cond3A_176 : i32
      scf.if %cond3A_177 {
        %mul3A_178 = arith.constant 4960 : i32
        %mul3A_179 = arith.muli %add3A, %mul3A_178 : i32
        %mul3A_180 = arith.constant 80 : i32
        %mul3A_181 = arith.muli %add3A_157, %mul3A_180 : i32
        %add3A_182 = arith.addi %mul3A_179, %mul3A_181 : i32
        %dma_wait3A = arith.constant 3 : i32
        %dma_wait3A_183 = arith.constant 0 : i32
        %dma_wait3A_184 = arith.constant 0 : i32
        %dma_wait3A_185 = tpu.memref_slice %arg8[%dma_wait3A, %dma_wait3A_183, %dma_wait3A_184] : memref<4x80x128xf32, #tpu.memory_space<vmem>> -> memref<1x80x128xf32, #tpu.memory_space<vmem>>
        %dma_wait3A_186 = tpu.memref_squeeze %dma_wait3A_185 : memref<1x80x128xf32, #tpu.memory_space<vmem>> -> memref<80x128xf32, #tpu.memory_space<vmem>>
        %dma_wait3A_187 = arith.constant 0 : i32
        %dma_wait3A_188 = tpu.memref_slice %arg2[%add3A_182, %dma_wait3A_187] : memref<158720x128xf32, #tpu.memory_space<hbm>> -> memref<80x128xf32, #tpu.memory_space<hbm>>
        %dma_wait3A_189 = arith.constant 0 : i32
        %dma_wait3A_190 = arith.constant 0 : i32
        %dma_wait3A_191 = tpu.memref_slice %arg8[%dma_wait3A, %dma_wait3A_189, %dma_wait3A_190] : memref<4x80x128xf32, #tpu.memory_space<vmem>> -> memref<1x80x128xf32, #tpu.memory_space<vmem>>
        %dma_wait3A_192 = tpu.memref_squeeze %dma_wait3A_191 : memref<1x80x128xf32, #tpu.memory_space<vmem>> -> memref<80x128xf32, #tpu.memory_space<vmem>>
        %dma_wait3A_193 = arith.constant 0 : i32
        %dma_wait3A_194 = tpu.memref_slice %arg2[%add3A_182, %dma_wait3A_193] : memref<158720x128xf32, #tpu.memory_space<hbm>> -> memref<80x128xf32, #tpu.memory_space<hbm>>
        tpu.wait_dma2 semaphore(%arg12 : memref<!tpu.dma_semaphore, #tpu.memory_space<semaphore_mem>>) src(%dma_wait3A_194 : memref<80x128xf32, #tpu.memory_space<hbm>>) dst(%dma_wait3A_192 : memref<80x128xf32, #tpu.memory_space<vmem>>)
        %dma_wait3A_195 = arith.constant 3 : i32
        %dma_wait3A_196 = arith.constant 0 : i32
        %dma_wait3A_197 = arith.constant 0 : i32
        %dma_wait3A_198 = tpu.memref_slice %arg7[%dma_wait3A_195, %dma_wait3A_196, %dma_wait3A_197] : memref<4x1x80xi32, #tpu.memory_space<vmem>> -> memref<1x1x80xi32, #tpu.memory_space<vmem>>
        %dma_wait3A_199 = tpu.memref_squeeze %dma_wait3A_198 : memref<1x1x80xi32, #tpu.memory_space<vmem>> -> memref<1x80xi32, #tpu.memory_space<vmem>>
        %dma_wait3A_200 = arith.constant 0 : i32
        %dma_wait3A_201 = arith.constant 0 : i32
        %dma_wait3A_202 = tpu.memref_slice %arg3[%add3A, %add3A_157, %dma_wait3A_200, %dma_wait3A_201] : memref<32x62x1x80xi32, #tpu.memory_space<hbm>> -> memref<1x1x1x80xi32, #tpu.memory_space<hbm>>
        %dma_wait3A_203 = tpu.memref_squeeze %dma_wait3A_202 : memref<1x1x1x80xi32, #tpu.memory_space<hbm>> -> memref<1x80xi32, #tpu.memory_space<hbm>>
        %dma_wait3A_204 = arith.constant 0 : i32
        %dma_wait3A_205 = arith.constant 0 : i32
        %dma_wait3A_206 = tpu.memref_slice %arg7[%dma_wait3A_195, %dma_wait3A_204, %dma_wait3A_205] : memref<4x1x80xi32, #tpu.memory_space<vmem>> -> memref<1x1x80xi32, #tpu.memory_space<vmem>>
        %dma_wait3A_207 = tpu.memref_squeeze %dma_wait3A_206 : memref<1x1x80xi32, #tpu.memory_space<vmem>> -> memref<1x80xi32, #tpu.memory_space<vmem>>
        %dma_wait3A_208 = arith.constant 0 : i32
        %dma_wait3A_209 = arith.constant 0 : i32
        %dma_wait3A_210 = tpu.memref_slice %arg3[%add3A, %add3A_157, %dma_wait3A_208, %dma_wait3A_209] : memref<32x62x1x80xi32, #tpu.memory_space<hbm>> -> memref<1x1x1x80xi32, #tpu.memory_space<hbm>>
        %dma_wait3A_211 = tpu.memref_squeeze %dma_wait3A_210 : memref<1x1x1x80xi32, #tpu.memory_space<hbm>> -> memref<1x80xi32, #tpu.memory_space<hbm>>
        tpu.wait_dma2 semaphore(%arg16 : memref<!tpu.dma_semaphore, #tpu.memory_space<semaphore_mem>>) src(%dma_wait3A_211 : memref<1x80xi32, #tpu.memory_space<hbm>>) dst(%dma_wait3A_207 : memref<1x80xi32, #tpu.memory_space<vmem>>)
        %dma_start3A_212 = arith.constant 3 : i32
        %dma_start3A_213 = arith.constant 3 : i32
        %dma_start3A_214 = arith.constant 0 : i32
        %dma_start3A_215 = arith.constant 0 : i32
        %dma_start3A_216 = arith.constant 0 : i32
        %dma_start3A_217 = tpu.memref_slice %arg8[%dma_start3A_212, %dma_start3A_215, %dma_start3A_216] : memref<4x80x128xf32, #tpu.memory_space<vmem>> -> memref<1x80x128xf32, #tpu.memory_space<vmem>>
        %dma_start3A_218 = tpu.memref_squeeze %dma_start3A_217 : memref<1x80x128xf32, #tpu.memory_space<vmem>> -> memref<80x128xf32, #tpu.memory_space<vmem>>
        %dma_start3A_219 = arith.constant 0 : i32
        %dma_start3A_220 = tpu.memref_slice %arg7[%dma_start3A_213, %dma_start3A_214, %dma_start3A_219] : memref<4x1x80xi32, #tpu.memory_space<vmem>> -> memref<1x1x80xi32, #tpu.memory_space<vmem>>
        %dma_start3A_221 = tpu.memref_squeeze %dma_start3A_220 : memref<1x1x80xi32, #tpu.memory_space<vmem>> -> memref<80xi32, #tpu.memory_space<vmem>>
        %dma_start3A_222 = arith.constant 0 : i32
        %dma_start3A_223 = arith.constant 0 : i32
        %dma_start3A_224 = tpu.memref_slice %arg6[%dma_start3A_222, %dma_start3A_223] : memref<10000x128xf32, #tpu.memory_space<vmem_shared>> -> memref<10000x128xf32, #tpu.memory_space<vmem_shared>>
        tpu.enqueue_indirect_dma source(%dma_start3A_218 : memref<80x128xf32, #tpu.memory_space<vmem>>) target(%dma_start3A_224 : memref<10000x128xf32, #tpu.memory_space<vmem_shared>>) offsets(%dma_start3A_221 : memref<80xi32, #tpu.memory_space<vmem>>) semaphore(%arg20 : memref<!tpu.dma_semaphore, #tpu.memory_space<semaphore_mem>>) {add = true}
      } else {
      }
    }
    %scan3A_76 = arith.constant 16 : i32
    %barrier3A_77 = arith.constant 0 : index
    tpu.barrier barrier_id(%barrier3A_77)
    %lt3A_78 = arith.constant 10 : i32
    %lt3A_79 = arith.cmpi slt, %arg1, %lt3A_78 : i32
    %convert_element_type3A_80 = arith.extui %lt3A_79 : i1 to i32
    %cond3A_81 = arith.constant 0 : i32
    %cond3A_82 = arith.cmpi ne, %convert_element_type3A_80, %cond3A_81 : i32
    scf.if %cond3A_82 {
      %mul3A_83 = arith.constant 1000 : i32
      %mul3A_84 = arith.muli %arg1, %mul3A_83 : i32
      %mul3A_85 = arith.constant 10000 : i32
      %mul3A_86 = arith.muli %arg0, %mul3A_85 : i32
      %mul3A_87 = arith.constant 1000 : i32
      %mul3A_88 = arith.muli %arg1, %mul3A_87 : i32
      %add3A_89 = arith.addi %mul3A_86, %mul3A_88 : i32
      "tpu.region"() ({
        %run_scoped3A = tpu.sem_alloc : memref<!tpu.dma_semaphore, #tpu.memory_space<semaphore_mem>>
        %dma_start3A_90 = arith.constant 0 : i32
        %dma_start3A_91 = tpu.memref_slice %arg5[%add3A_89, %dma_start3A_90] : memref<20000x128xf32, #tpu.memory_space<hbm>> -> memref<1000x128xf32, #tpu.memory_space<hbm>>
        %dma_start3A_92 = arith.constant 0 : i32
        %dma_start3A_93 = tpu.memref_slice %arg6[%mul3A_84, %dma_start3A_92] : memref<10000x128xf32, #tpu.memory_space<vmem_shared>> -> memref<1000x128xf32, #tpu.memory_space<vmem_shared>>
        tpu.enqueue_dma source(%dma_start3A_93 : memref<1000x128xf32, #tpu.memory_space<vmem_shared>>) target(%dma_start3A_91 : memref<1000x128xf32, #tpu.memory_space<hbm>>) target_semaphore(%run_scoped3A : memref<!tpu.dma_semaphore, #tpu.memory_space<semaphore_mem>>)
        %dma_wait3A = arith.constant 0 : i32
        %dma_wait3A_94 = tpu.memref_slice %arg5[%add3A_89, %dma_wait3A] : memref<20000x128xf32, #tpu.memory_space<hbm>> -> memref<1000x128xf32, #tpu.memory_space<hbm>>
        %dma_wait3A_95 = arith.constant 0 : i32
        %dma_wait3A_96 = tpu.memref_slice %arg6[%mul3A_84, %dma_wait3A_95] : memref<10000x128xf32, #tpu.memory_space<vmem_shared>> -> memref<1000x128xf32, #tpu.memory_space<vmem_shared>>
        tpu.wait_dma2 semaphore(%run_scoped3A : memref<!tpu.dma_semaphore, #tpu.memory_space<semaphore_mem>>) src(%dma_wait3A_96 : memref<1000x128xf32, #tpu.memory_space<vmem_shared>>) dst(%dma_wait3A_94 : memref<1000x128xf32, #tpu.memory_space<hbm>>)
        tpu.yield
      }) : () -> ()
    } else {
    }
    return
  }
}

#map = affine_map<(d0, d1) -> (0, 0)>
#map1 = affine_map<(d0, d1) -> (0, 0, 0, 0)>
module attributes {stable_mosaic.version = 14 : i64} {
  func.func @k(%arg0: i32, %arg1: i32, %arg2: memref<161280x128xf32, #tpu.memory_space<hbm>>, %arg3: memref<32x63x1x80xi32, #tpu.memory_space<hbm>>, %arg4: memref<10000x128xf32, #tpu.memory_space<hbm>>, %arg5: memref<20000x128xf32, #tpu.memory_space<hbm>>, %arg6: memref<10000x128xf32, #tpu.memory_space<vmem_shared>>, %arg7: memref<4x1x80xi32, #tpu.memory_space<vmem>>, %arg8: memref<4x80x128xf32, #tpu.memory_space<vmem>>, %arg9: memref<!tpu.dma_semaphore, #tpu.memory_space<semaphore_mem>>, %arg10: memref<!tpu.dma_semaphore, #tpu.memory_space<semaphore_mem>>, %arg11: memref<!tpu.dma_semaphore, #tpu.memory_space<semaphore_mem>>, %arg12: memref<!tpu.dma_semaphore, #tpu.memory_space<semaphore_mem>>, %arg13: memref<!tpu.dma_semaphore, #tpu.memory_space<semaphore_mem>>, %arg14: memref<!tpu.dma_semaphore, #tpu.memory_space<semaphore_mem>>, %arg15: memref<!tpu.dma_semaphore, #tpu.memory_space<semaphore_mem>>, %arg16: memref<!tpu.dma_semaphore, #tpu.memory_space<semaphore_mem>>, %arg17: memref<!tpu.dma_semaphore, #tpu.memory_space<semaphore_mem>>, %arg18: memref<!tpu.dma_semaphore, #tpu.memory_space<semaphore_mem>>, %arg19: memref<!tpu.dma_semaphore, #tpu.memory_space<semaphore_mem>>, %arg20: memref<!tpu.dma_semaphore, #tpu.memory_space<semaphore_mem>>) attributes {dimension_semantics = [#tpu.dimension_semantics<core_parallel>, #tpu.dimension_semantics<subcore_parallel>], iteration_bounds = array<i64: 2, 16>, scalar_prefetch = 0 : i64, scratch_operands = 15 : i64, tpu.core_type = #tpu.core_type<sc_vector_subcore>, window_params = [{transform_indices = #map}, {transform_indices = #map1}, {transform_indices = #map}, {transform_indices = #map}]} {
    %mul3A = arith.constant 2 : i32
    %mul3A_0 = arith.muli %arg1, %mul3A : i32
    %add3A = arith.addi %mul3A_0, %arg0 : i32
    %lt3A = arith.constant 10 : i32
    %lt3A_1 = arith.cmpi slt, %arg1, %lt3A : i32
    %convert_element_type3A = arith.extui %lt3A_1 : i1 to i32
    %cond3A = arith.constant 0 : i32
    %cond3A_2 = arith.cmpi ne, %convert_element_type3A, %cond3A : i32
    scf.if %cond3A_2 {
      %mul3A_83 = arith.constant 1000 : i32
      %mul3A_84 = arith.muli %arg1, %mul3A_83 : i32
      %mul3A_85 = arith.constant 1000 : i32
      %mul3A_86 = arith.muli %arg1, %mul3A_85 : i32
      "tpu.region"() ({
        %run_scoped3A = tpu.sem_alloc : memref<!tpu.dma_semaphore, #tpu.memory_space<semaphore_mem>>
        %dma_start3A_87 = arith.constant 0 : i32
        %dma_start3A_88 = tpu.memref_slice %arg6[%mul3A_86, %dma_start3A_87] : memref<10000x128xf32, #tpu.memory_space<vmem_shared>> -> memref<1000x128xf32, #tpu.memory_space<vmem_shared>>
        %dma_start3A_89 = arith.constant 0 : i32
        %dma_start3A_90 = tpu.memref_slice %arg4[%mul3A_84, %dma_start3A_89] : memref<10000x128xf32, #tpu.memory_space<hbm>> -> memref<1000x128xf32, #tpu.memory_space<hbm>>
        tpu.enqueue_dma source(%dma_start3A_90 : memref<1000x128xf32, #tpu.memory_space<hbm>>) target(%dma_start3A_88 : memref<1000x128xf32, #tpu.memory_space<vmem_shared>>) target_semaphore(%run_scoped3A : memref<!tpu.dma_semaphore, #tpu.memory_space<semaphore_mem>>)
        %dma_wait3A = arith.constant 0 : i32
        %dma_wait3A_91 = tpu.memref_slice %arg6[%mul3A_86, %dma_wait3A] : memref<10000x128xf32, #tpu.memory_space<vmem_shared>> -> memref<1000x128xf32, #tpu.memory_space<vmem_shared>>
        %dma_wait3A_92 = arith.constant 0 : i32
        %dma_wait3A_93 = tpu.memref_slice %arg4[%mul3A_84, %dma_wait3A_92] : memref<10000x128xf32, #tpu.memory_space<hbm>> -> memref<1000x128xf32, #tpu.memory_space<hbm>>
        tpu.wait_dma2 semaphore(%run_scoped3A : memref<!tpu.dma_semaphore, #tpu.memory_space<semaphore_mem>>) src(%dma_wait3A_93 : memref<1000x128xf32, #tpu.memory_space<hbm>>) dst(%dma_wait3A_91 : memref<1000x128xf32, #tpu.memory_space<vmem_shared>>)
        tpu.yield
      }) : () -> ()
    } else {
    }
    %barrier3A = arith.constant 0 : index
    tpu.barrier barrier_id(%barrier3A)
    %dma_start3A = arith.constant 0 : i32
    %dma_start3A_3 = arith.constant 0 : i32
    %dma_start3A_4 = arith.constant 0 : i32
    %dma_start3A_5 = arith.constant 0 : i32
    %dma_start3A_6 = tpu.memref_slice %arg7[%dma_start3A_3, %dma_start3A_4, %dma_start3A_5] : memref<4x1x80xi32, #tpu.memory_space<vmem>> -> memref<1x1x80xi32, #tpu.memory_space<vmem>>
    %dma_start3A_7 = tpu.memref_squeeze %dma_start3A_6 : memref<1x1x80xi32, #tpu.memory_space<vmem>> -> memref<1x80xi32, #tpu.memory_space<vmem>>
    %dma_start3A_8 = arith.constant 0 : i32
    %dma_start3A_9 = arith.constant 0 : i32
    %dma_start3A_10 = tpu.memref_slice %arg3[%add3A, %dma_start3A, %dma_start3A_8, %dma_start3A_9] : memref<32x63x1x80xi32, #tpu.memory_space<hbm>> -> memref<1x1x1x80xi32, #tpu.memory_space<hbm>>
    %dma_start3A_11 = tpu.memref_squeeze %dma_start3A_10 : memref<1x1x1x80xi32, #tpu.memory_space<hbm>> -> memref<1x80xi32, #tpu.memory_space<hbm>>
    %dma_start3A_12 = arith.constant 0 : i32
    %dma_start3A_13 = arith.constant 0 : i32
    %dma_start3A_14 = tpu.memref_slice %arg7[%dma_start3A_3, %dma_start3A_12, %dma_start3A_13] : memref<4x1x80xi32, #tpu.memory_space<vmem>> -> memref<1x1x80xi32, #tpu.memory_space<vmem>>
    %dma_start3A_15 = tpu.memref_squeeze %dma_start3A_14 : memref<1x1x80xi32, #tpu.memory_space<vmem>> -> memref<1x80xi32, #tpu.memory_space<vmem>>
    %dma_start3A_16 = arith.constant 0 : i32
    %dma_start3A_17 = arith.constant 0 : i32
    %dma_start3A_18 = tpu.memref_slice %arg3[%add3A, %dma_start3A, %dma_start3A_16, %dma_start3A_17] : memref<32x63x1x80xi32, #tpu.memory_space<hbm>> -> memref<1x1x1x80xi32, #tpu.memory_space<hbm>>
    %dma_start3A_19 = tpu.memref_squeeze %dma_start3A_18 : memref<1x1x1x80xi32, #tpu.memory_space<hbm>> -> memref<1x80xi32, #tpu.memory_space<hbm>>
    tpu.enqueue_dma source(%dma_start3A_19 : memref<1x80xi32, #tpu.memory_space<hbm>>) target(%dma_start3A_15 : memref<1x80xi32, #tpu.memory_space<vmem>>) target_semaphore(%arg13 : memref<!tpu.dma_semaphore, #tpu.memory_space<semaphore_mem>>)
    %mul3A_20 = arith.constant 5040 : i32
    %mul3A_21 = arith.muli %add3A, %mul3A_20 : i32
    %add3A_22 = arith.constant 0 : i32
    %add3A_23 = arith.addi %mul3A_21, %add3A_22 : i32
    %dma_start3A_24 = arith.constant 0 : i32
    %dma_start3A_25 = arith.constant 0 : i32
    %dma_start3A_26 = arith.constant 0 : i32
    %dma_start3A_27 = tpu.memref_slice %arg8[%dma_start3A_24, %dma_start3A_25, %dma_start3A_26] : memref<4x80x128xf32, #tpu.memory_space<vmem>> -> memref<1x80x128xf32, #tpu.memory_space<vmem>>
    %dma_start3A_28 = tpu.memref_squeeze %dma_start3A_27 : memref<1x80x128xf32, #tpu.memory_space<vmem>> -> memref<80x128xf32, #tpu.memory_space<vmem>>
    %dma_start3A_29 = arith.constant 0 : i32
    %dma_start3A_30 = tpu.memref_slice %arg2[%add3A_23, %dma_start3A_29] : memref<161280x128xf32, #tpu.memory_space<hbm>> -> memref<80x128xf32, #tpu.memory_space<hbm>>
    %dma_start3A_31 = arith.constant 0 : i32
    %dma_start3A_32 = arith.constant 0 : i32
    %dma_start3A_33 = tpu.memref_slice %arg8[%dma_start3A_24, %dma_start3A_31, %dma_start3A_32] : memref<4x80x128xf32, #tpu.memory_space<vmem>> -> memref<1x80x128xf32, #tpu.memory_space<vmem>>
    %dma_start3A_34 = tpu.memref_squeeze %dma_start3A_33 : memref<1x80x128xf32, #tpu.memory_space<vmem>> -> memref<80x128xf32, #tpu.memory_space<vmem>>
    %dma_start3A_35 = arith.constant 0 : i32
    %dma_start3A_36 = tpu.memref_slice %arg2[%add3A_23, %dma_start3A_35] : memref<161280x128xf32, #tpu.memory_space<hbm>> -> memref<80x128xf32, #tpu.memory_space<hbm>>
    tpu.enqueue_dma source(%dma_start3A_36 : memref<80x128xf32, #tpu.memory_space<hbm>>) target(%dma_start3A_34 : memref<80x128xf32, #tpu.memory_space<vmem>>) target_semaphore(%arg9 : memref<!tpu.dma_semaphore, #tpu.memory_space<semaphore_mem>>)
    %dma_start3A_37 = arith.constant 1 : i32
    %dma_start3A_38 = arith.constant 1 : i32
    %dma_start3A_39 = arith.constant 0 : i32
    %dma_start3A_40 = arith.constant 0 : i32
    %dma_start3A_41 = tpu.memref_slice %arg7[%dma_start3A_38, %dma_start3A_39, %dma_start3A_40] : memref<4x1x80xi32, #tpu.memory_space<vmem>> -> memref<1x1x80xi32, #tpu.memory_space<vmem>>
    %dma_start3A_42 = tpu.memref_squeeze %dma_start3A_41 : memref<1x1x80xi32, #tpu.memory_space<vmem>> -> memref<1x80xi32, #tpu.memory_space<vmem>>
    %dma_start3A_43 = arith.constant 0 : i32
    %dma_start3A_44 = arith.constant 0 : i32
    %dma_start3A_45 = tpu.memref_slice %arg3[%add3A, %dma_start3A_37, %dma_start3A_43, %dma_start3A_44] : memref<32x63x1x80xi32, #tpu.memory_space<hbm>> -> memref<1x1x1x80xi32, #tpu.memory_space<hbm>>
    %dma_start3A_46 = tpu.memref_squeeze %dma_start3A_45 : memref<1x1x1x80xi32, #tpu.memory_space<hbm>> -> memref<1x80xi32, #tpu.memory_space<hbm>>
    %dma_start3A_47 = arith.constant 0 : i32
    %dma_start3A_48 = arith.constant 0 : i32
    %dma_start3A_49 = tpu.memref_slice %arg7[%dma_start3A_38, %dma_start3A_47, %dma_start3A_48] : memref<4x1x80xi32, #tpu.memory_space<vmem>> -> memref<1x1x80xi32, #tpu.memory_space<vmem>>
    %dma_start3A_50 = tpu.memref_squeeze %dma_start3A_49 : memref<1x1x80xi32, #tpu.memory_space<vmem>> -> memref<1x80xi32, #tpu.memory_space<vmem>>
    %dma_start3A_51 = arith.constant 0 : i32
    %dma_start3A_52 = arith.constant 0 : i32
    %dma_start3A_53 = tpu.memref_slice %arg3[%add3A, %dma_start3A_37, %dma_start3A_51, %dma_start3A_52] : memref<32x63x1x80xi32, #tpu.memory_space<hbm>> -> memref<1x1x1x80xi32, #tpu.memory_space<hbm>>
    %dma_start3A_54 = tpu.memref_squeeze %dma_start3A_53 : memref<1x1x1x80xi32, #tpu.memory_space<hbm>> -> memref<1x80xi32, #tpu.memory_space<hbm>>
    tpu.enqueue_dma source(%dma_start3A_54 : memref<1x80xi32, #tpu.memory_space<hbm>>) target(%dma_start3A_50 : memref<1x80xi32, #tpu.memory_space<vmem>>) target_semaphore(%arg14 : memref<!tpu.dma_semaphore, #tpu.memory_space<semaphore_mem>>)
    %mul3A_55 = arith.constant 5040 : i32
    %mul3A_56 = arith.muli %add3A, %mul3A_55 : i32
    %add3A_57 = arith.constant 80 : i32
    %add3A_58 = arith.addi %mul3A_56, %add3A_57 : i32
    %dma_start3A_59 = arith.constant 1 : i32
    %dma_start3A_60 = arith.constant 0 : i32
    %dma_start3A_61 = arith.constant 0 : i32
    %dma_start3A_62 = tpu.memref_slice %arg8[%dma_start3A_59, %dma_start3A_60, %dma_start3A_61] : memref<4x80x128xf32, #tpu.memory_space<vmem>> -> memref<1x80x128xf32, #tpu.memory_space<vmem>>
    %dma_start3A_63 = tpu.memref_squeeze %dma_start3A_62 : memref<1x80x128xf32, #tpu.memory_space<vmem>> -> memref<80x128xf32, #tpu.memory_space<vmem>>
    %dma_start3A_64 = arith.constant 0 : i32
    %dma_start3A_65 = tpu.memref_slice %arg2[%add3A_58, %dma_start3A_64] : memref<161280x128xf32, #tpu.memory_space<hbm>> -> memref<80x128xf32, #tpu.memory_space<hbm>>
    %dma_start3A_66 = arith.constant 0 : i32
    %dma_start3A_67 = arith.constant 0 : i32
    %dma_start3A_68 = tpu.memref_slice %arg8[%dma_start3A_59, %dma_start3A_66, %dma_start3A_67] : memref<4x80x128xf32, #tpu.memory_space<vmem>> -> memref<1x80x128xf32, #tpu.memory_space<vmem>>
    %dma_start3A_69 = tpu.memref_squeeze %dma_start3A_68 : memref<1x80x128xf32, #tpu.memory_space<vmem>> -> memref<80x128xf32, #tpu.memory_space<vmem>>
    %dma_start3A_70 = arith.constant 0 : i32
    %dma_start3A_71 = tpu.memref_slice %arg2[%add3A_58, %dma_start3A_70] : memref<161280x128xf32, #tpu.memory_space<hbm>> -> memref<80x128xf32, #tpu.memory_space<hbm>>
    tpu.enqueue_dma source(%dma_start3A_71 : memref<80x128xf32, #tpu.memory_space<hbm>>) target(%dma_start3A_69 : memref<80x128xf32, #tpu.memory_space<vmem>>) target_semaphore(%arg10 : memref<!tpu.dma_semaphore, #tpu.memory_space<semaphore_mem>>)
    %scan3A = arith.constant 0 : i32
    %scan3A_72 = arith.constant 0 : i32
    %scan3A_73 = arith.constant 17 : i32
    %scan3A_74 = arith.addi %scan3A_72, %scan3A_73 : i32
    %scan3A_75 = arith.constant 1 : i32
    scf.for %scan3A_83 = %scan3A_72 to %scan3A_74 step %scan3A_75  : i32 {
      %mul3A_84 = arith.constant 4 : i32
      %mul3A_85 = arith.muli %scan3A_83, %mul3A_84 : i32
      %add3A_86 = arith.constant 0 : i32
      %add3A_87 = arith.addi %mul3A_85, %add3A_86 : i32
      %ge3A = arith.constant 2 : i32
      %ge3A_88 = arith.cmpi sge, %add3A_87, %ge3A : i32
      %lt3A_89 = arith.constant 65 : i32
      %lt3A_90 = arith.cmpi slt, %add3A_87, %lt3A_89 : i32
      %and3A = arith.andi %ge3A_88, %lt3A_90 : i1
      %convert_element_type3A_91 = arith.extui %and3A : i1 to i32
      %cond3A_92 = arith.constant 0 : i32
      %cond3A_93 = arith.cmpi ne, %convert_element_type3A_91, %cond3A_92 : i32
      scf.if %cond3A_93 {
        %dma_wait3A = arith.constant 2 : i32
        %dma_wait3A_178 = arith.constant 2 : i32
        %dma_wait3A_179 = arith.constant 0 : i32
        %dma_wait3A_180 = arith.constant 0 : i32
        %dma_wait3A_181 = arith.constant 0 : i32
        %dma_wait3A_182 = tpu.memref_slice %arg8[%dma_wait3A, %dma_wait3A_180, %dma_wait3A_181] : memref<4x80x128xf32, #tpu.memory_space<vmem>> -> memref<1x80x128xf32, #tpu.memory_space<vmem>>
        %dma_wait3A_183 = tpu.memref_squeeze %dma_wait3A_182 : memref<1x80x128xf32, #tpu.memory_space<vmem>> -> memref<80x128xf32, #tpu.memory_space<vmem>>
        %dma_wait3A_184 = arith.constant 0 : i32
        %dma_wait3A_185 = tpu.memref_slice %arg7[%dma_wait3A_178, %dma_wait3A_179, %dma_wait3A_184] : memref<4x1x80xi32, #tpu.memory_space<vmem>> -> memref<1x1x80xi32, #tpu.memory_space<vmem>>
        %dma_wait3A_186 = tpu.memref_squeeze %dma_wait3A_185 : memref<1x1x80xi32, #tpu.memory_space<vmem>> -> memref<80xi32, #tpu.memory_space<vmem>>
        %dma_wait3A_187 = arith.constant 0 : i32
        %dma_wait3A_188 = arith.constant 0 : i32
        %dma_wait3A_189 = tpu.memref_slice %arg6[%dma_wait3A_187, %dma_wait3A_188] : memref<10000x128xf32, #tpu.memory_space<vmem_shared>> -> memref<10000x128xf32, #tpu.memory_space<vmem_shared>>
        tpu.wait_indirect_dma semaphore(%arg19 : memref<!tpu.dma_semaphore, #tpu.memory_space<semaphore_mem>>) src(%dma_wait3A_183 : memref<80x128xf32, #tpu.memory_space<vmem>>) dst(%dma_wait3A_189 : memref<10000x128xf32, #tpu.memory_space<vmem_shared>>)
      } else {
      }
      %add3A_94 = arith.constant 2 : i32
      %add3A_95 = arith.addi %add3A_87, %add3A_94 : i32
      %lt3A_96 = arith.constant 63 : i32
      %lt3A_97 = arith.cmpi slt, %add3A_95, %lt3A_96 : i32
      %convert_element_type3A_98 = arith.extui %lt3A_97 : i1 to i32
      %cond3A_99 = arith.constant 0 : i32
      %cond3A_100 = arith.cmpi ne, %convert_element_type3A_98, %cond3A_99 : i32
      scf.if %cond3A_100 {
        %add3A_178 = arith.constant 2 : i32
        %add3A_179 = arith.addi %add3A_87, %add3A_178 : i32
        %dma_start3A_180 = arith.constant 2 : i32
        %dma_start3A_181 = arith.constant 0 : i32
        %dma_start3A_182 = arith.constant 0 : i32
        %dma_start3A_183 = tpu.memref_slice %arg7[%dma_start3A_180, %dma_start3A_181, %dma_start3A_182] : memref<4x1x80xi32, #tpu.memory_space<vmem>> -> memref<1x1x80xi32, #tpu.memory_space<vmem>>
        %dma_start3A_184 = tpu.memref_squeeze %dma_start3A_183 : memref<1x1x80xi32, #tpu.memory_space<vmem>> -> memref<1x80xi32, #tpu.memory_space<vmem>>
        %dma_start3A_185 = arith.constant 0 : i32
        %dma_start3A_186 = arith.constant 0 : i32
        %dma_start3A_187 = tpu.memref_slice %arg3[%add3A, %add3A_179, %dma_start3A_185, %dma_start3A_186] : memref<32x63x1x80xi32, #tpu.memory_space<hbm>> -> memref<1x1x1x80xi32, #tpu.memory_space<hbm>>
        %dma_start3A_188 = tpu.memref_squeeze %dma_start3A_187 : memref<1x1x1x80xi32, #tpu.memory_space<hbm>> -> memref<1x80xi32, #tpu.memory_space<hbm>>
        %dma_start3A_189 = arith.constant 0 : i32
        %dma_start3A_190 = arith.constant 0 : i32
        %dma_start3A_191 = tpu.memref_slice %arg7[%dma_start3A_180, %dma_start3A_189, %dma_start3A_190] : memref<4x1x80xi32, #tpu.memory_space<vmem>> -> memref<1x1x80xi32, #tpu.memory_space<vmem>>
        %dma_start3A_192 = tpu.memref_squeeze %dma_start3A_191 : memref<1x1x80xi32, #tpu.memory_space<vmem>> -> memref<1x80xi32, #tpu.memory_space<vmem>>
        %dma_start3A_193 = arith.constant 0 : i32
        %dma_start3A_194 = arith.constant 0 : i32
        %dma_start3A_195 = tpu.memref_slice %arg3[%add3A, %add3A_179, %dma_start3A_193, %dma_start3A_194] : memref<32x63x1x80xi32, #tpu.memory_space<hbm>> -> memref<1x1x1x80xi32, #tpu.memory_space<hbm>>
        %dma_start3A_196 = tpu.memref_squeeze %dma_start3A_195 : memref<1x1x1x80xi32, #tpu.memory_space<hbm>> -> memref<1x80xi32, #tpu.memory_space<hbm>>
        tpu.enqueue_dma source(%dma_start3A_196 : memref<1x80xi32, #tpu.memory_space<hbm>>) target(%dma_start3A_192 : memref<1x80xi32, #tpu.memory_space<vmem>>) target_semaphore(%arg15 : memref<!tpu.dma_semaphore, #tpu.memory_space<semaphore_mem>>)
        %mul3A_197 = arith.constant 5040 : i32
        %mul3A_198 = arith.muli %add3A, %mul3A_197 : i32
        %mul3A_199 = arith.constant 80 : i32
        %mul3A_200 = arith.muli %add3A_179, %mul3A_199 : i32
        %add3A_201 = arith.addi %mul3A_198, %mul3A_200 : i32
        %dma_start3A_202 = arith.constant 2 : i32
        %dma_start3A_203 = arith.constant 0 : i32
        %dma_start3A_204 = arith.constant 0 : i32
        %dma_start3A_205 = tpu.memref_slice %arg8[%dma_start3A_202, %dma_start3A_203, %dma_start3A_204] : memref<4x80x128xf32, #tpu.memory_space<vmem>> -> memref<1x80x128xf32, #tpu.memory_space<vmem>>
        %dma_start3A_206 = tpu.memref_squeeze %dma_start3A_205 : memref<1x80x128xf32, #tpu.memory_space<vmem>> -> memref<80x128xf32, #tpu.memory_space<vmem>>
        %dma_start3A_207 = arith.constant 0 : i32
        %dma_start3A_208 = tpu.memref_slice %arg2[%add3A_201, %dma_start3A_207] : memref<161280x128xf32, #tpu.memory_space<hbm>> -> memref<80x128xf32, #tpu.memory_space<hbm>>
        %dma_start3A_209 = arith.constant 0 : i32
        %dma_start3A_210 = arith.constant 0 : i32
        %dma_start3A_211 = tpu.memref_slice %arg8[%dma_start3A_202, %dma_start3A_209, %dma_start3A_210] : memref<4x80x128xf32, #tpu.memory_space<vmem>> -> memref<1x80x128xf32, #tpu.memory_space<vmem>>
        %dma_start3A_212 = tpu.memref_squeeze %dma_start3A_211 : memref<1x80x128xf32, #tpu.memory_space<vmem>> -> memref<80x128xf32, #tpu.memory_space<vmem>>
        %dma_start3A_213 = arith.constant 0 : i32
        %dma_start3A_214 = tpu.memref_slice %arg2[%add3A_201, %dma_start3A_213] : memref<161280x128xf32, #tpu.memory_space<hbm>> -> memref<80x128xf32, #tpu.memory_space<hbm>>
        tpu.enqueue_dma source(%dma_start3A_214 : memref<80x128xf32, #tpu.memory_space<hbm>>) target(%dma_start3A_212 : memref<80x128xf32, #tpu.memory_space<vmem>>) target_semaphore(%arg11 : memref<!tpu.dma_semaphore, #tpu.memory_space<semaphore_mem>>)
      } else {
      }
      %lt3A_101 = arith.constant 63 : i32
      %lt3A_102 = arith.cmpi slt, %add3A_87, %lt3A_101 : i32
      %convert_element_type3A_103 = arith.extui %lt3A_102 : i1 to i32
      %cond3A_104 = arith.constant 0 : i32
      %cond3A_105 = arith.cmpi ne, %convert_element_type3A_103, %cond3A_104 : i32
      scf.if %cond3A_105 {
        %mul3A_178 = arith.constant 5040 : i32
        %mul3A_179 = arith.muli %add3A, %mul3A_178 : i32
        %mul3A_180 = arith.constant 80 : i32
        %mul3A_181 = arith.muli %add3A_87, %mul3A_180 : i32
        %add3A_182 = arith.addi %mul3A_179, %mul3A_181 : i32
        %dma_wait3A = arith.constant 0 : i32
        %dma_wait3A_183 = arith.constant 0 : i32
        %dma_wait3A_184 = arith.constant 0 : i32
        %dma_wait3A_185 = tpu.memref_slice %arg8[%dma_wait3A, %dma_wait3A_183, %dma_wait3A_184] : memref<4x80x128xf32, #tpu.memory_space<vmem>> -> memref<1x80x128xf32, #tpu.memory_space<vmem>>
        %dma_wait3A_186 = tpu.memref_squeeze %dma_wait3A_185 : memref<1x80x128xf32, #tpu.memory_space<vmem>> -> memref<80x128xf32, #tpu.memory_space<vmem>>
        %dma_wait3A_187 = arith.constant 0 : i32
        %dma_wait3A_188 = tpu.memref_slice %arg2[%add3A_182, %dma_wait3A_187] : memref<161280x128xf32, #tpu.memory_space<hbm>> -> memref<80x128xf32, #tpu.memory_space<hbm>>
        %dma_wait3A_189 = arith.constant 0 : i32
        %dma_wait3A_190 = arith.constant 0 : i32
        %dma_wait3A_191 = tpu.memref_slice %arg8[%dma_wait3A, %dma_wait3A_189, %dma_wait3A_190] : memref<4x80x128xf32, #tpu.memory_space<vmem>> -> memref<1x80x128xf32, #tpu.memory_space<vmem>>
        %dma_wait3A_192 = tpu.memref_squeeze %dma_wait3A_191 : memref<1x80x128xf32, #tpu.memory_space<vmem>> -> memref<80x128xf32, #tpu.memory_space<vmem>>
        %dma_wait3A_193 = arith.constant 0 : i32
        %dma_wait3A_194 = tpu.memref_slice %arg2[%add3A_182, %dma_wait3A_193] : memref<161280x128xf32, #tpu.memory_space<hbm>> -> memref<80x128xf32, #tpu.memory_space<hbm>>
        tpu.wait_dma2 semaphore(%arg9 : memref<!tpu.dma_semaphore, #tpu.memory_space<semaphore_mem>>) src(%dma_wait3A_194 : memref<80x128xf32, #tpu.memory_space<hbm>>) dst(%dma_wait3A_192 : memref<80x128xf32, #tpu.memory_space<vmem>>)
        %dma_wait3A_195 = arith.constant 0 : i32
        %dma_wait3A_196 = arith.constant 0 : i32
        %dma_wait3A_197 = arith.constant 0 : i32
        %dma_wait3A_198 = tpu.memref_slice %arg7[%dma_wait3A_195, %dma_wait3A_196, %dma_wait3A_197] : memref<4x1x80xi32, #tpu.memory_space<vmem>> -> memref<1x1x80xi32, #tpu.memory_space<vmem>>
        %dma_wait3A_199 = tpu.memref_squeeze %dma_wait3A_198 : memref<1x1x80xi32, #tpu.memory_space<vmem>> -> memref<1x80xi32, #tpu.memory_space<vmem>>
        %dma_wait3A_200 = arith.constant 0 : i32
        %dma_wait3A_201 = arith.constant 0 : i32
        %dma_wait3A_202 = tpu.memref_slice %arg3[%add3A, %add3A_87, %dma_wait3A_200, %dma_wait3A_201] : memref<32x63x1x80xi32, #tpu.memory_space<hbm>> -> memref<1x1x1x80xi32, #tpu.memory_space<hbm>>
        %dma_wait3A_203 = tpu.memref_squeeze %dma_wait3A_202 : memref<1x1x1x80xi32, #tpu.memory_space<hbm>> -> memref<1x80xi32, #tpu.memory_space<hbm>>
        %dma_wait3A_204 = arith.constant 0 : i32
        %dma_wait3A_205 = arith.constant 0 : i32
        %dma_wait3A_206 = tpu.memref_slice %arg7[%dma_wait3A_195, %dma_wait3A_204, %dma_wait3A_205] : memref<4x1x80xi32, #tpu.memory_space<vmem>> -> memref<1x1x80xi32, #tpu.memory_space<vmem>>
        %dma_wait3A_207 = tpu.memref_squeeze %dma_wait3A_206 : memref<1x1x80xi32, #tpu.memory_space<vmem>> -> memref<1x80xi32, #tpu.memory_space<vmem>>
        %dma_wait3A_208 = arith.constant 0 : i32
        %dma_wait3A_209 = arith.constant 0 : i32
        %dma_wait3A_210 = tpu.memref_slice %arg3[%add3A, %add3A_87, %dma_wait3A_208, %dma_wait3A_209] : memref<32x63x1x80xi32, #tpu.memory_space<hbm>> -> memref<1x1x1x80xi32, #tpu.memory_space<hbm>>
        %dma_wait3A_211 = tpu.memref_squeeze %dma_wait3A_210 : memref<1x1x1x80xi32, #tpu.memory_space<hbm>> -> memref<1x80xi32, #tpu.memory_space<hbm>>
        tpu.wait_dma2 semaphore(%arg13 : memref<!tpu.dma_semaphore, #tpu.memory_space<semaphore_mem>>) src(%dma_wait3A_211 : memref<1x80xi32, #tpu.memory_space<hbm>>) dst(%dma_wait3A_207 : memref<1x80xi32, #tpu.memory_space<vmem>>)
        %dma_start3A_212 = arith.constant 0 : i32
        %dma_start3A_213 = arith.constant 0 : i32
        %dma_start3A_214 = arith.constant 0 : i32
        %dma_start3A_215 = arith.constant 0 : i32
        %dma_start3A_216 = arith.constant 0 : i32
        %dma_start3A_217 = tpu.memref_slice %arg8[%dma_start3A_212, %dma_start3A_215, %dma_start3A_216] : memref<4x80x128xf32, #tpu.memory_space<vmem>> -> memref<1x80x128xf32, #tpu.memory_space<vmem>>
        %dma_start3A_218 = tpu.memref_squeeze %dma_start3A_217 : memref<1x80x128xf32, #tpu.memory_space<vmem>> -> memref<80x128xf32, #tpu.memory_space<vmem>>
        %dma_start3A_219 = arith.constant 0 : i32
        %dma_start3A_220 = tpu.memref_slice %arg7[%dma_start3A_213, %dma_start3A_214, %dma_start3A_219] : memref<4x1x80xi32, #tpu.memory_space<vmem>> -> memref<1x1x80xi32, #tpu.memory_space<vmem>>
        %dma_start3A_221 = tpu.memref_squeeze %dma_start3A_220 : memref<1x1x80xi32, #tpu.memory_space<vmem>> -> memref<80xi32, #tpu.memory_space<vmem>>
        %dma_start3A_222 = arith.constant 0 : i32
        %dma_start3A_223 = arith.constant 0 : i32
        %dma_start3A_224 = tpu.memref_slice %arg6[%dma_start3A_222, %dma_start3A_223] : memref<10000x128xf32, #tpu.memory_space<vmem_shared>> -> memref<10000x128xf32, #tpu.memory_space<vmem_shared>>
        tpu.enqueue_indirect_dma source(%dma_start3A_218 : memref<80x128xf32, #tpu.memory_space<vmem>>) target(%dma_start3A_224 : memref<10000x128xf32, #tpu.memory_space<vmem_shared>>) offsets(%dma_start3A_221 : memref<80xi32, #tpu.memory_space<vmem>>) semaphore(%arg17 : memref<!tpu.dma_semaphore, #tpu.memory_space<semaphore_mem>>) {add = true}
      } else {
      }
      %mul3A_106 = arith.constant 4 : i32
      %mul3A_107 = arith.muli %scan3A_83, %mul3A_106 : i32
      %add3A_108 = arith.constant 1 : i32
      %add3A_109 = arith.addi %mul3A_107, %add3A_108 : i32
      %ge3A_110 = arith.constant 2 : i32
      %ge3A_111 = arith.cmpi sge, %add3A_109, %ge3A_110 : i32
      %lt3A_112 = arith.constant 65 : i32
      %lt3A_113 = arith.cmpi slt, %add3A_109, %lt3A_112 : i32
      %and3A_114 = arith.andi %ge3A_111, %lt3A_113 : i1
      %convert_element_type3A_115 = arith.extui %and3A_114 : i1 to i32
      %cond3A_116 = arith.constant 0 : i32
      %cond3A_117 = arith.cmpi ne, %convert_element_type3A_115, %cond3A_116 : i32
      scf.if %cond3A_117 {
        %dma_wait3A = arith.constant 3 : i32
        %dma_wait3A_178 = arith.constant 3 : i32
        %dma_wait3A_179 = arith.constant 0 : i32
        %dma_wait3A_180 = arith.constant 0 : i32
        %dma_wait3A_181 = arith.constant 0 : i32
        %dma_wait3A_182 = tpu.memref_slice %arg8[%dma_wait3A, %dma_wait3A_180, %dma_wait3A_181] : memref<4x80x128xf32, #tpu.memory_space<vmem>> -> memref<1x80x128xf32, #tpu.memory_space<vmem>>
        %dma_wait3A_183 = tpu.memref_squeeze %dma_wait3A_182 : memref<1x80x128xf32, #tpu.memory_space<vmem>> -> memref<80x128xf32, #tpu.memory_space<vmem>>
        %dma_wait3A_184 = arith.constant 0 : i32
        %dma_wait3A_185 = tpu.memref_slice %arg7[%dma_wait3A_178, %dma_wait3A_179, %dma_wait3A_184] : memref<4x1x80xi32, #tpu.memory_space<vmem>> -> memref<1x1x80xi32, #tpu.memory_space<vmem>>
        %dma_wait3A_186 = tpu.memref_squeeze %dma_wait3A_185 : memref<1x1x80xi32, #tpu.memory_space<vmem>> -> memref<80xi32, #tpu.memory_space<vmem>>
        %dma_wait3A_187 = arith.constant 0 : i32
        %dma_wait3A_188 = arith.constant 0 : i32
        %dma_wait3A_189 = tpu.memref_slice %arg6[%dma_wait3A_187, %dma_wait3A_188] : memref<10000x128xf32, #tpu.memory_space<vmem_shared>> -> memref<10000x128xf32, #tpu.memory_space<vmem_shared>>
        tpu.wait_indirect_dma semaphore(%arg20 : memref<!tpu.dma_semaphore, #tpu.memory_space<semaphore_mem>>) src(%dma_wait3A_183 : memref<80x128xf32, #tpu.memory_space<vmem>>) dst(%dma_wait3A_189 : memref<10000x128xf32, #tpu.memory_space<vmem_shared>>)
      } else {
      }
      %add3A_118 = arith.constant 2 : i32
      %add3A_119 = arith.addi %add3A_109, %add3A_118 : i32
      %lt3A_120 = arith.constant 63 : i32
      %lt3A_121 = arith.cmpi slt, %add3A_119, %lt3A_120 : i32
      %convert_element_type3A_122 = arith.extui %lt3A_121 : i1 to i32
      %cond3A_123 = arith.constant 0 : i32
      %cond3A_124 = arith.cmpi ne, %convert_element_type3A_122, %cond3A_123 : i32
      scf.if %cond3A_124 {
        %add3A_178 = arith.constant 2 : i32
        %add3A_179 = arith.addi %add3A_109, %add3A_178 : i32
        %dma_start3A_180 = arith.constant 3 : i32
        %dma_start3A_181 = arith.constant 0 : i32
        %dma_start3A_182 = arith.constant 0 : i32
        %dma_start3A_183 = tpu.memref_slice %arg7[%dma_start3A_180, %dma_start3A_181, %dma_start3A_182] : memref<4x1x80xi32, #tpu.memory_space<vmem>> -> memref<1x1x80xi32, #tpu.memory_space<vmem>>
        %dma_start3A_184 = tpu.memref_squeeze %dma_start3A_183 : memref<1x1x80xi32, #tpu.memory_space<vmem>> -> memref<1x80xi32, #tpu.memory_space<vmem>>
        %dma_start3A_185 = arith.constant 0 : i32
        %dma_start3A_186 = arith.constant 0 : i32
        %dma_start3A_187 = tpu.memref_slice %arg3[%add3A, %add3A_179, %dma_start3A_185, %dma_start3A_186] : memref<32x63x1x80xi32, #tpu.memory_space<hbm>> -> memref<1x1x1x80xi32, #tpu.memory_space<hbm>>
        %dma_start3A_188 = tpu.memref_squeeze %dma_start3A_187 : memref<1x1x1x80xi32, #tpu.memory_space<hbm>> -> memref<1x80xi32, #tpu.memory_space<hbm>>
        %dma_start3A_189 = arith.constant 0 : i32
        %dma_start3A_190 = arith.constant 0 : i32
        %dma_start3A_191 = tpu.memref_slice %arg7[%dma_start3A_180, %dma_start3A_189, %dma_start3A_190] : memref<4x1x80xi32, #tpu.memory_space<vmem>> -> memref<1x1x80xi32, #tpu.memory_space<vmem>>
        %dma_start3A_192 = tpu.memref_squeeze %dma_start3A_191 : memref<1x1x80xi32, #tpu.memory_space<vmem>> -> memref<1x80xi32, #tpu.memory_space<vmem>>
        %dma_start3A_193 = arith.constant 0 : i32
        %dma_start3A_194 = arith.constant 0 : i32
        %dma_start3A_195 = tpu.memref_slice %arg3[%add3A, %add3A_179, %dma_start3A_193, %dma_start3A_194] : memref<32x63x1x80xi32, #tpu.memory_space<hbm>> -> memref<1x1x1x80xi32, #tpu.memory_space<hbm>>
        %dma_start3A_196 = tpu.memref_squeeze %dma_start3A_195 : memref<1x1x1x80xi32, #tpu.memory_space<hbm>> -> memref<1x80xi32, #tpu.memory_space<hbm>>
        tpu.enqueue_dma source(%dma_start3A_196 : memref<1x80xi32, #tpu.memory_space<hbm>>) target(%dma_start3A_192 : memref<1x80xi32, #tpu.memory_space<vmem>>) target_semaphore(%arg16 : memref<!tpu.dma_semaphore, #tpu.memory_space<semaphore_mem>>)
        %mul3A_197 = arith.constant 5040 : i32
        %mul3A_198 = arith.muli %add3A, %mul3A_197 : i32
        %mul3A_199 = arith.constant 80 : i32
        %mul3A_200 = arith.muli %add3A_179, %mul3A_199 : i32
        %add3A_201 = arith.addi %mul3A_198, %mul3A_200 : i32
        %dma_start3A_202 = arith.constant 3 : i32
        %dma_start3A_203 = arith.constant 0 : i32
        %dma_start3A_204 = arith.constant 0 : i32
        %dma_start3A_205 = tpu.memref_slice %arg8[%dma_start3A_202, %dma_start3A_203, %dma_start3A_204] : memref<4x80x128xf32, #tpu.memory_space<vmem>> -> memref<1x80x128xf32, #tpu.memory_space<vmem>>
        %dma_start3A_206 = tpu.memref_squeeze %dma_start3A_205 : memref<1x80x128xf32, #tpu.memory_space<vmem>> -> memref<80x128xf32, #tpu.memory_space<vmem>>
        %dma_start3A_207 = arith.constant 0 : i32
        %dma_start3A_208 = tpu.memref_slice %arg2[%add3A_201, %dma_start3A_207] : memref<161280x128xf32, #tpu.memory_space<hbm>> -> memref<80x128xf32, #tpu.memory_space<hbm>>
        %dma_start3A_209 = arith.constant 0 : i32
        %dma_start3A_210 = arith.constant 0 : i32
        %dma_start3A_211 = tpu.memref_slice %arg8[%dma_start3A_202, %dma_start3A_209, %dma_start3A_210] : memref<4x80x128xf32, #tpu.memory_space<vmem>> -> memref<1x80x128xf32, #tpu.memory_space<vmem>>
        %dma_start3A_212 = tpu.memref_squeeze %dma_start3A_211 : memref<1x80x128xf32, #tpu.memory_space<vmem>> -> memref<80x128xf32, #tpu.memory_space<vmem>>
        %dma_start3A_213 = arith.constant 0 : i32
        %dma_start3A_214 = tpu.memref_slice %arg2[%add3A_201, %dma_start3A_213] : memref<161280x128xf32, #tpu.memory_space<hbm>> -> memref<80x128xf32, #tpu.memory_space<hbm>>
        tpu.enqueue_dma source(%dma_start3A_214 : memref<80x128xf32, #tpu.memory_space<hbm>>) target(%dma_start3A_212 : memref<80x128xf32, #tpu.memory_space<vmem>>) target_semaphore(%arg12 : memref<!tpu.dma_semaphore, #tpu.memory_space<semaphore_mem>>)
      } else {
      }
      %lt3A_125 = arith.constant 63 : i32
      %lt3A_126 = arith.cmpi slt, %add3A_109, %lt3A_125 : i32
      %convert_element_type3A_127 = arith.extui %lt3A_126 : i1 to i32
      %cond3A_128 = arith.constant 0 : i32
      %cond3A_129 = arith.cmpi ne, %convert_element_type3A_127, %cond3A_128 : i32
      scf.if %cond3A_129 {
        %mul3A_178 = arith.constant 5040 : i32
        %mul3A_179 = arith.muli %add3A, %mul3A_178 : i32
        %mul3A_180 = arith.constant 80 : i32
        %mul3A_181 = arith.muli %add3A_109, %mul3A_180 : i32
        %add3A_182 = arith.addi %mul3A_179, %mul3A_181 : i32
        %dma_wait3A = arith.constant 1 : i32
        %dma_wait3A_183 = arith.constant 0 : i32
        %dma_wait3A_184 = arith.constant 0 : i32
        %dma_wait3A_185 = tpu.memref_slice %arg8[%dma_wait3A, %dma_wait3A_183, %dma_wait3A_184] : memref<4x80x128xf32, #tpu.memory_space<vmem>> -> memref<1x80x128xf32, #tpu.memory_space<vmem>>
        %dma_wait3A_186 = tpu.memref_squeeze %dma_wait3A_185 : memref<1x80x128xf32, #tpu.memory_space<vmem>> -> memref<80x128xf32, #tpu.memory_space<vmem>>
        %dma_wait3A_187 = arith.constant 0 : i32
        %dma_wait3A_188 = tpu.memref_slice %arg2[%add3A_182, %dma_wait3A_187] : memref<161280x128xf32, #tpu.memory_space<hbm>> -> memref<80x128xf32, #tpu.memory_space<hbm>>
        %dma_wait3A_189 = arith.constant 0 : i32
        %dma_wait3A_190 = arith.constant 0 : i32
        %dma_wait3A_191 = tpu.memref_slice %arg8[%dma_wait3A, %dma_wait3A_189, %dma_wait3A_190] : memref<4x80x128xf32, #tpu.memory_space<vmem>> -> memref<1x80x128xf32, #tpu.memory_space<vmem>>
        %dma_wait3A_192 = tpu.memref_squeeze %dma_wait3A_191 : memref<1x80x128xf32, #tpu.memory_space<vmem>> -> memref<80x128xf32, #tpu.memory_space<vmem>>
        %dma_wait3A_193 = arith.constant 0 : i32
        %dma_wait3A_194 = tpu.memref_slice %arg2[%add3A_182, %dma_wait3A_193] : memref<161280x128xf32, #tpu.memory_space<hbm>> -> memref<80x128xf32, #tpu.memory_space<hbm>>
        tpu.wait_dma2 semaphore(%arg10 : memref<!tpu.dma_semaphore, #tpu.memory_space<semaphore_mem>>) src(%dma_wait3A_194 : memref<80x128xf32, #tpu.memory_space<hbm>>) dst(%dma_wait3A_192 : memref<80x128xf32, #tpu.memory_space<vmem>>)
        %dma_wait3A_195 = arith.constant 1 : i32
        %dma_wait3A_196 = arith.constant 0 : i32
        %dma_wait3A_197 = arith.constant 0 : i32
        %dma_wait3A_198 = tpu.memref_slice %arg7[%dma_wait3A_195, %dma_wait3A_196, %dma_wait3A_197] : memref<4x1x80xi32, #tpu.memory_space<vmem>> -> memref<1x1x80xi32, #tpu.memory_space<vmem>>
        %dma_wait3A_199 = tpu.memref_squeeze %dma_wait3A_198 : memref<1x1x80xi32, #tpu.memory_space<vmem>> -> memref<1x80xi32, #tpu.memory_space<vmem>>
        %dma_wait3A_200 = arith.constant 0 : i32
        %dma_wait3A_201 = arith.constant 0 : i32
        %dma_wait3A_202 = tpu.memref_slice %arg3[%add3A, %add3A_109, %dma_wait3A_200, %dma_wait3A_201] : memref<32x63x1x80xi32, #tpu.memory_space<hbm>> -> memref<1x1x1x80xi32, #tpu.memory_space<hbm>>
        %dma_wait3A_203 = tpu.memref_squeeze %dma_wait3A_202 : memref<1x1x1x80xi32, #tpu.memory_space<hbm>> -> memref<1x80xi32, #tpu.memory_space<hbm>>
        %dma_wait3A_204 = arith.constant 0 : i32
        %dma_wait3A_205 = arith.constant 0 : i32
        %dma_wait3A_206 = tpu.memref_slice %arg7[%dma_wait3A_195, %dma_wait3A_204, %dma_wait3A_205] : memref<4x1x80xi32, #tpu.memory_space<vmem>> -> memref<1x1x80xi32, #tpu.memory_space<vmem>>
        %dma_wait3A_207 = tpu.memref_squeeze %dma_wait3A_206 : memref<1x1x80xi32, #tpu.memory_space<vmem>> -> memref<1x80xi32, #tpu.memory_space<vmem>>
        %dma_wait3A_208 = arith.constant 0 : i32
        %dma_wait3A_209 = arith.constant 0 : i32
        %dma_wait3A_210 = tpu.memref_slice %arg3[%add3A, %add3A_109, %dma_wait3A_208, %dma_wait3A_209] : memref<32x63x1x80xi32, #tpu.memory_space<hbm>> -> memref<1x1x1x80xi32, #tpu.memory_space<hbm>>
        %dma_wait3A_211 = tpu.memref_squeeze %dma_wait3A_210 : memref<1x1x1x80xi32, #tpu.memory_space<hbm>> -> memref<1x80xi32, #tpu.memory_space<hbm>>
        tpu.wait_dma2 semaphore(%arg14 : memref<!tpu.dma_semaphore, #tpu.memory_space<semaphore_mem>>) src(%dma_wait3A_211 : memref<1x80xi32, #tpu.memory_space<hbm>>) dst(%dma_wait3A_207 : memref<1x80xi32, #tpu.memory_space<vmem>>)
        %dma_start3A_212 = arith.constant 1 : i32
        %dma_start3A_213 = arith.constant 1 : i32
        %dma_start3A_214 = arith.constant 0 : i32
        %dma_start3A_215 = arith.constant 0 : i32
        %dma_start3A_216 = arith.constant 0 : i32
        %dma_start3A_217 = tpu.memref_slice %arg8[%dma_start3A_212, %dma_start3A_215, %dma_start3A_216] : memref<4x80x128xf32, #tpu.memory_space<vmem>> -> memref<1x80x128xf32, #tpu.memory_space<vmem>>
        %dma_start3A_218 = tpu.memref_squeeze %dma_start3A_217 : memref<1x80x128xf32, #tpu.memory_space<vmem>> -> memref<80x128xf32, #tpu.memory_space<vmem>>
        %dma_start3A_219 = arith.constant 0 : i32
        %dma_start3A_220 = tpu.memref_slice %arg7[%dma_start3A_213, %dma_start3A_214, %dma_start3A_219] : memref<4x1x80xi32, #tpu.memory_space<vmem>> -> memref<1x1x80xi32, #tpu.memory_space<vmem>>
        %dma_start3A_221 = tpu.memref_squeeze %dma_start3A_220 : memref<1x1x80xi32, #tpu.memory_space<vmem>> -> memref<80xi32, #tpu.memory_space<vmem>>
        %dma_start3A_222 = arith.constant 0 : i32
        %dma_start3A_223 = arith.constant 0 : i32
        %dma_start3A_224 = tpu.memref_slice %arg6[%dma_start3A_222, %dma_start3A_223] : memref<10000x128xf32, #tpu.memory_space<vmem_shared>> -> memref<10000x128xf32, #tpu.memory_space<vmem_shared>>
        tpu.enqueue_indirect_dma source(%dma_start3A_218 : memref<80x128xf32, #tpu.memory_space<vmem>>) target(%dma_start3A_224 : memref<10000x128xf32, #tpu.memory_space<vmem_shared>>) offsets(%dma_start3A_221 : memref<80xi32, #tpu.memory_space<vmem>>) semaphore(%arg18 : memref<!tpu.dma_semaphore, #tpu.memory_space<semaphore_mem>>) {add = true}
      } else {
      }
      %mul3A_130 = arith.constant 4 : i32
      %mul3A_131 = arith.muli %scan3A_83, %mul3A_130 : i32
      %add3A_132 = arith.constant 2 : i32
      %add3A_133 = arith.addi %mul3A_131, %add3A_132 : i32
      %ge3A_134 = arith.constant 2 : i32
      %ge3A_135 = arith.cmpi sge, %add3A_133, %ge3A_134 : i32
      %lt3A_136 = arith.constant 65 : i32
      %lt3A_137 = arith.cmpi slt, %add3A_133, %lt3A_136 : i32
      %and3A_138 = arith.andi %ge3A_135, %lt3A_137 : i1
      %convert_element_type3A_139 = arith.extui %and3A_138 : i1 to i32
      %cond3A_140 = arith.constant 0 : i32
      %cond3A_141 = arith.cmpi ne, %convert_element_type3A_139, %cond3A_140 : i32
      scf.if %cond3A_141 {
        %dma_wait3A = arith.constant 0 : i32
        %dma_wait3A_178 = arith.constant 0 : i32
        %dma_wait3A_179 = arith.constant 0 : i32
        %dma_wait3A_180 = arith.constant 0 : i32
        %dma_wait3A_181 = arith.constant 0 : i32
        %dma_wait3A_182 = tpu.memref_slice %arg8[%dma_wait3A, %dma_wait3A_180, %dma_wait3A_181] : memref<4x80x128xf32, #tpu.memory_space<vmem>> -> memref<1x80x128xf32, #tpu.memory_space<vmem>>
        %dma_wait3A_183 = tpu.memref_squeeze %dma_wait3A_182 : memref<1x80x128xf32, #tpu.memory_space<vmem>> -> memref<80x128xf32, #tpu.memory_space<vmem>>
        %dma_wait3A_184 = arith.constant 0 : i32
        %dma_wait3A_185 = tpu.memref_slice %arg7[%dma_wait3A_178, %dma_wait3A_179, %dma_wait3A_184] : memref<4x1x80xi32, #tpu.memory_space<vmem>> -> memref<1x1x80xi32, #tpu.memory_space<vmem>>
        %dma_wait3A_186 = tpu.memref_squeeze %dma_wait3A_185 : memref<1x1x80xi32, #tpu.memory_space<vmem>> -> memref<80xi32, #tpu.memory_space<vmem>>
        %dma_wait3A_187 = arith.constant 0 : i32
        %dma_wait3A_188 = arith.constant 0 : i32
        %dma_wait3A_189 = tpu.memref_slice %arg6[%dma_wait3A_187, %dma_wait3A_188] : memref<10000x128xf32, #tpu.memory_space<vmem_shared>> -> memref<10000x128xf32, #tpu.memory_space<vmem_shared>>
        tpu.wait_indirect_dma semaphore(%arg17 : memref<!tpu.dma_semaphore, #tpu.memory_space<semaphore_mem>>) src(%dma_wait3A_183 : memref<80x128xf32, #tpu.memory_space<vmem>>) dst(%dma_wait3A_189 : memref<10000x128xf32, #tpu.memory_space<vmem_shared>>)
      } else {
      }
      %add3A_142 = arith.constant 2 : i32
      %add3A_143 = arith.addi %add3A_133, %add3A_142 : i32
      %lt3A_144 = arith.constant 63 : i32
      %lt3A_145 = arith.cmpi slt, %add3A_143, %lt3A_144 : i32
      %convert_element_type3A_146 = arith.extui %lt3A_145 : i1 to i32
      %cond3A_147 = arith.constant 0 : i32
      %cond3A_148 = arith.cmpi ne, %convert_element_type3A_146, %cond3A_147 : i32
      scf.if %cond3A_148 {
        %add3A_178 = arith.constant 2 : i32
        %add3A_179 = arith.addi %add3A_133, %add3A_178 : i32
        %dma_start3A_180 = arith.constant 0 : i32
        %dma_start3A_181 = arith.constant 0 : i32
        %dma_start3A_182 = arith.constant 0 : i32
        %dma_start3A_183 = tpu.memref_slice %arg7[%dma_start3A_180, %dma_start3A_181, %dma_start3A_182] : memref<4x1x80xi32, #tpu.memory_space<vmem>> -> memref<1x1x80xi32, #tpu.memory_space<vmem>>
        %dma_start3A_184 = tpu.memref_squeeze %dma_start3A_183 : memref<1x1x80xi32, #tpu.memory_space<vmem>> -> memref<1x80xi32, #tpu.memory_space<vmem>>
        %dma_start3A_185 = arith.constant 0 : i32
        %dma_start3A_186 = arith.constant 0 : i32
        %dma_start3A_187 = tpu.memref_slice %arg3[%add3A, %add3A_179, %dma_start3A_185, %dma_start3A_186] : memref<32x63x1x80xi32, #tpu.memory_space<hbm>> -> memref<1x1x1x80xi32, #tpu.memory_space<hbm>>
        %dma_start3A_188 = tpu.memref_squeeze %dma_start3A_187 : memref<1x1x1x80xi32, #tpu.memory_space<hbm>> -> memref<1x80xi32, #tpu.memory_space<hbm>>
        %dma_start3A_189 = arith.constant 0 : i32
        %dma_start3A_190 = arith.constant 0 : i32
        %dma_start3A_191 = tpu.memref_slice %arg7[%dma_start3A_180, %dma_start3A_189, %dma_start3A_190] : memref<4x1x80xi32, #tpu.memory_space<vmem>> -> memref<1x1x80xi32, #tpu.memory_space<vmem>>
        %dma_start3A_192 = tpu.memref_squeeze %dma_start3A_191 : memref<1x1x80xi32, #tpu.memory_space<vmem>> -> memref<1x80xi32, #tpu.memory_space<vmem>>
        %dma_start3A_193 = arith.constant 0 : i32
        %dma_start3A_194 = arith.constant 0 : i32
        %dma_start3A_195 = tpu.memref_slice %arg3[%add3A, %add3A_179, %dma_start3A_193, %dma_start3A_194] : memref<32x63x1x80xi32, #tpu.memory_space<hbm>> -> memref<1x1x1x80xi32, #tpu.memory_space<hbm>>
        %dma_start3A_196 = tpu.memref_squeeze %dma_start3A_195 : memref<1x1x1x80xi32, #tpu.memory_space<hbm>> -> memref<1x80xi32, #tpu.memory_space<hbm>>
        tpu.enqueue_dma source(%dma_start3A_196 : memref<1x80xi32, #tpu.memory_space<hbm>>) target(%dma_start3A_192 : memref<1x80xi32, #tpu.memory_space<vmem>>) target_semaphore(%arg13 : memref<!tpu.dma_semaphore, #tpu.memory_space<semaphore_mem>>)
        %mul3A_197 = arith.constant 5040 : i32
        %mul3A_198 = arith.muli %add3A, %mul3A_197 : i32
        %mul3A_199 = arith.constant 80 : i32
        %mul3A_200 = arith.muli %add3A_179, %mul3A_199 : i32
        %add3A_201 = arith.addi %mul3A_198, %mul3A_200 : i32
        %dma_start3A_202 = arith.constant 0 : i32
        %dma_start3A_203 = arith.constant 0 : i32
        %dma_start3A_204 = arith.constant 0 : i32
        %dma_start3A_205 = tpu.memref_slice %arg8[%dma_start3A_202, %dma_start3A_203, %dma_start3A_204] : memref<4x80x128xf32, #tpu.memory_space<vmem>> -> memref<1x80x128xf32, #tpu.memory_space<vmem>>
        %dma_start3A_206 = tpu.memref_squeeze %dma_start3A_205 : memref<1x80x128xf32, #tpu.memory_space<vmem>> -> memref<80x128xf32, #tpu.memory_space<vmem>>
        %dma_start3A_207 = arith.constant 0 : i32
        %dma_start3A_208 = tpu.memref_slice %arg2[%add3A_201, %dma_start3A_207] : memref<161280x128xf32, #tpu.memory_space<hbm>> -> memref<80x128xf32, #tpu.memory_space<hbm>>
        %dma_start3A_209 = arith.constant 0 : i32
        %dma_start3A_210 = arith.constant 0 : i32
        %dma_start3A_211 = tpu.memref_slice %arg8[%dma_start3A_202, %dma_start3A_209, %dma_start3A_210] : memref<4x80x128xf32, #tpu.memory_space<vmem>> -> memref<1x80x128xf32, #tpu.memory_space<vmem>>
        %dma_start3A_212 = tpu.memref_squeeze %dma_start3A_211 : memref<1x80x128xf32, #tpu.memory_space<vmem>> -> memref<80x128xf32, #tpu.memory_space<vmem>>
        %dma_start3A_213 = arith.constant 0 : i32
        %dma_start3A_214 = tpu.memref_slice %arg2[%add3A_201, %dma_start3A_213] : memref<161280x128xf32, #tpu.memory_space<hbm>> -> memref<80x128xf32, #tpu.memory_space<hbm>>
        tpu.enqueue_dma source(%dma_start3A_214 : memref<80x128xf32, #tpu.memory_space<hbm>>) target(%dma_start3A_212 : memref<80x128xf32, #tpu.memory_space<vmem>>) target_semaphore(%arg9 : memref<!tpu.dma_semaphore, #tpu.memory_space<semaphore_mem>>)
      } else {
      }
      %lt3A_149 = arith.constant 63 : i32
      %lt3A_150 = arith.cmpi slt, %add3A_133, %lt3A_149 : i32
      %convert_element_type3A_151 = arith.extui %lt3A_150 : i1 to i32
      %cond3A_152 = arith.constant 0 : i32
      %cond3A_153 = arith.cmpi ne, %convert_element_type3A_151, %cond3A_152 : i32
      scf.if %cond3A_153 {
        %mul3A_178 = arith.constant 5040 : i32
        %mul3A_179 = arith.muli %add3A, %mul3A_178 : i32
        %mul3A_180 = arith.constant 80 : i32
        %mul3A_181 = arith.muli %add3A_133, %mul3A_180 : i32
        %add3A_182 = arith.addi %mul3A_179, %mul3A_181 : i32
        %dma_wait3A = arith.constant 2 : i32
        %dma_wait3A_183 = arith.constant 0 : i32
        %dma_wait3A_184 = arith.constant 0 : i32
        %dma_wait3A_185 = tpu.memref_slice %arg8[%dma_wait3A, %dma_wait3A_183, %dma_wait3A_184] : memref<4x80x128xf32, #tpu.memory_space<vmem>> -> memref<1x80x128xf32, #tpu.memory_space<vmem>>
        %dma_wait3A_186 = tpu.memref_squeeze %dma_wait3A_185 : memref<1x80x128xf32, #tpu.memory_space<vmem>> -> memref<80x128xf32, #tpu.memory_space<vmem>>
        %dma_wait3A_187 = arith.constant 0 : i32
        %dma_wait3A_188 = tpu.memref_slice %arg2[%add3A_182, %dma_wait3A_187] : memref<161280x128xf32, #tpu.memory_space<hbm>> -> memref<80x128xf32, #tpu.memory_space<hbm>>
        %dma_wait3A_189 = arith.constant 0 : i32
        %dma_wait3A_190 = arith.constant 0 : i32
        %dma_wait3A_191 = tpu.memref_slice %arg8[%dma_wait3A, %dma_wait3A_189, %dma_wait3A_190] : memref<4x80x128xf32, #tpu.memory_space<vmem>> -> memref<1x80x128xf32, #tpu.memory_space<vmem>>
        %dma_wait3A_192 = tpu.memref_squeeze %dma_wait3A_191 : memref<1x80x128xf32, #tpu.memory_space<vmem>> -> memref<80x128xf32, #tpu.memory_space<vmem>>
        %dma_wait3A_193 = arith.constant 0 : i32
        %dma_wait3A_194 = tpu.memref_slice %arg2[%add3A_182, %dma_wait3A_193] : memref<161280x128xf32, #tpu.memory_space<hbm>> -> memref<80x128xf32, #tpu.memory_space<hbm>>
        tpu.wait_dma2 semaphore(%arg11 : memref<!tpu.dma_semaphore, #tpu.memory_space<semaphore_mem>>) src(%dma_wait3A_194 : memref<80x128xf32, #tpu.memory_space<hbm>>) dst(%dma_wait3A_192 : memref<80x128xf32, #tpu.memory_space<vmem>>)
        %dma_wait3A_195 = arith.constant 2 : i32
        %dma_wait3A_196 = arith.constant 0 : i32
        %dma_wait3A_197 = arith.constant 0 : i32
        %dma_wait3A_198 = tpu.memref_slice %arg7[%dma_wait3A_195, %dma_wait3A_196, %dma_wait3A_197] : memref<4x1x80xi32, #tpu.memory_space<vmem>> -> memref<1x1x80xi32, #tpu.memory_space<vmem>>
        %dma_wait3A_199 = tpu.memref_squeeze %dma_wait3A_198 : memref<1x1x80xi32, #tpu.memory_space<vmem>> -> memref<1x80xi32, #tpu.memory_space<vmem>>
        %dma_wait3A_200 = arith.constant 0 : i32
        %dma_wait3A_201 = arith.constant 0 : i32
        %dma_wait3A_202 = tpu.memref_slice %arg3[%add3A, %add3A_133, %dma_wait3A_200, %dma_wait3A_201] : memref<32x63x1x80xi32, #tpu.memory_space<hbm>> -> memref<1x1x1x80xi32, #tpu.memory_space<hbm>>
        %dma_wait3A_203 = tpu.memref_squeeze %dma_wait3A_202 : memref<1x1x1x80xi32, #tpu.memory_space<hbm>> -> memref<1x80xi32, #tpu.memory_space<hbm>>
        %dma_wait3A_204 = arith.constant 0 : i32
        %dma_wait3A_205 = arith.constant 0 : i32
        %dma_wait3A_206 = tpu.memref_slice %arg7[%dma_wait3A_195, %dma_wait3A_204, %dma_wait3A_205] : memref<4x1x80xi32, #tpu.memory_space<vmem>> -> memref<1x1x80xi32, #tpu.memory_space<vmem>>
        %dma_wait3A_207 = tpu.memref_squeeze %dma_wait3A_206 : memref<1x1x80xi32, #tpu.memory_space<vmem>> -> memref<1x80xi32, #tpu.memory_space<vmem>>
        %dma_wait3A_208 = arith.constant 0 : i32
        %dma_wait3A_209 = arith.constant 0 : i32
        %dma_wait3A_210 = tpu.memref_slice %arg3[%add3A, %add3A_133, %dma_wait3A_208, %dma_wait3A_209] : memref<32x63x1x80xi32, #tpu.memory_space<hbm>> -> memref<1x1x1x80xi32, #tpu.memory_space<hbm>>
        %dma_wait3A_211 = tpu.memref_squeeze %dma_wait3A_210 : memref<1x1x1x80xi32, #tpu.memory_space<hbm>> -> memref<1x80xi32, #tpu.memory_space<hbm>>
        tpu.wait_dma2 semaphore(%arg15 : memref<!tpu.dma_semaphore, #tpu.memory_space<semaphore_mem>>) src(%dma_wait3A_211 : memref<1x80xi32, #tpu.memory_space<hbm>>) dst(%dma_wait3A_207 : memref<1x80xi32, #tpu.memory_space<vmem>>)
        %dma_start3A_212 = arith.constant 2 : i32
        %dma_start3A_213 = arith.constant 2 : i32
        %dma_start3A_214 = arith.constant 0 : i32
        %dma_start3A_215 = arith.constant 0 : i32
        %dma_start3A_216 = arith.constant 0 : i32
        %dma_start3A_217 = tpu.memref_slice %arg8[%dma_start3A_212, %dma_start3A_215, %dma_start3A_216] : memref<4x80x128xf32, #tpu.memory_space<vmem>> -> memref<1x80x128xf32, #tpu.memory_space<vmem>>
        %dma_start3A_218 = tpu.memref_squeeze %dma_start3A_217 : memref<1x80x128xf32, #tpu.memory_space<vmem>> -> memref<80x128xf32, #tpu.memory_space<vmem>>
        %dma_start3A_219 = arith.constant 0 : i32
        %dma_start3A_220 = tpu.memref_slice %arg7[%dma_start3A_213, %dma_start3A_214, %dma_start3A_219] : memref<4x1x80xi32, #tpu.memory_space<vmem>> -> memref<1x1x80xi32, #tpu.memory_space<vmem>>
        %dma_start3A_221 = tpu.memref_squeeze %dma_start3A_220 : memref<1x1x80xi32, #tpu.memory_space<vmem>> -> memref<80xi32, #tpu.memory_space<vmem>>
        %dma_start3A_222 = arith.constant 0 : i32
        %dma_start3A_223 = arith.constant 0 : i32
        %dma_start3A_224 = tpu.memref_slice %arg6[%dma_start3A_222, %dma_start3A_223] : memref<10000x128xf32, #tpu.memory_space<vmem_shared>> -> memref<10000x128xf32, #tpu.memory_space<vmem_shared>>
        tpu.enqueue_indirect_dma source(%dma_start3A_218 : memref<80x128xf32, #tpu.memory_space<vmem>>) target(%dma_start3A_224 : memref<10000x128xf32, #tpu.memory_space<vmem_shared>>) offsets(%dma_start3A_221 : memref<80xi32, #tpu.memory_space<vmem>>) semaphore(%arg19 : memref<!tpu.dma_semaphore, #tpu.memory_space<semaphore_mem>>) {add = true}
      } else {
      }
      %mul3A_154 = arith.constant 4 : i32
      %mul3A_155 = arith.muli %scan3A_83, %mul3A_154 : i32
      %add3A_156 = arith.constant 3 : i32
      %add3A_157 = arith.addi %mul3A_155, %add3A_156 : i32
      %ge3A_158 = arith.constant 2 : i32
      %ge3A_159 = arith.cmpi sge, %add3A_157, %ge3A_158 : i32
      %lt3A_160 = arith.constant 65 : i32
      %lt3A_161 = arith.cmpi slt, %add3A_157, %lt3A_160 : i32
      %and3A_162 = arith.andi %ge3A_159, %lt3A_161 : i1
      %convert_element_type3A_163 = arith.extui %and3A_162 : i1 to i32
      %cond3A_164 = arith.constant 0 : i32
      %cond3A_165 = arith.cmpi ne, %convert_element_type3A_163, %cond3A_164 : i32
      scf.if %cond3A_165 {
        %dma_wait3A = arith.constant 1 : i32
        %dma_wait3A_178 = arith.constant 1 : i32
        %dma_wait3A_179 = arith.constant 0 : i32
        %dma_wait3A_180 = arith.constant 0 : i32
        %dma_wait3A_181 = arith.constant 0 : i32
        %dma_wait3A_182 = tpu.memref_slice %arg8[%dma_wait3A, %dma_wait3A_180, %dma_wait3A_181] : memref<4x80x128xf32, #tpu.memory_space<vmem>> -> memref<1x80x128xf32, #tpu.memory_space<vmem>>
        %dma_wait3A_183 = tpu.memref_squeeze %dma_wait3A_182 : memref<1x80x128xf32, #tpu.memory_space<vmem>> -> memref<80x128xf32, #tpu.memory_space<vmem>>
        %dma_wait3A_184 = arith.constant 0 : i32
        %dma_wait3A_185 = tpu.memref_slice %arg7[%dma_wait3A_178, %dma_wait3A_179, %dma_wait3A_184] : memref<4x1x80xi32, #tpu.memory_space<vmem>> -> memref<1x1x80xi32, #tpu.memory_space<vmem>>
        %dma_wait3A_186 = tpu.memref_squeeze %dma_wait3A_185 : memref<1x1x80xi32, #tpu.memory_space<vmem>> -> memref<80xi32, #tpu.memory_space<vmem>>
        %dma_wait3A_187 = arith.constant 0 : i32
        %dma_wait3A_188 = arith.constant 0 : i32
        %dma_wait3A_189 = tpu.memref_slice %arg6[%dma_wait3A_187, %dma_wait3A_188] : memref<10000x128xf32, #tpu.memory_space<vmem_shared>> -> memref<10000x128xf32, #tpu.memory_space<vmem_shared>>
        tpu.wait_indirect_dma semaphore(%arg18 : memref<!tpu.dma_semaphore, #tpu.memory_space<semaphore_mem>>) src(%dma_wait3A_183 : memref<80x128xf32, #tpu.memory_space<vmem>>) dst(%dma_wait3A_189 : memref<10000x128xf32, #tpu.memory_space<vmem_shared>>)
      } else {
      }
      %add3A_166 = arith.constant 2 : i32
      %add3A_167 = arith.addi %add3A_157, %add3A_166 : i32
      %lt3A_168 = arith.constant 63 : i32
      %lt3A_169 = arith.cmpi slt, %add3A_167, %lt3A_168 : i32
      %convert_element_type3A_170 = arith.extui %lt3A_169 : i1 to i32
      %cond3A_171 = arith.constant 0 : i32
      %cond3A_172 = arith.cmpi ne, %convert_element_type3A_170, %cond3A_171 : i32
      scf.if %cond3A_172 {
        %add3A_178 = arith.constant 2 : i32
        %add3A_179 = arith.addi %add3A_157, %add3A_178 : i32
        %dma_start3A_180 = arith.constant 1 : i32
        %dma_start3A_181 = arith.constant 0 : i32
        %dma_start3A_182 = arith.constant 0 : i32
        %dma_start3A_183 = tpu.memref_slice %arg7[%dma_start3A_180, %dma_start3A_181, %dma_start3A_182] : memref<4x1x80xi32, #tpu.memory_space<vmem>> -> memref<1x1x80xi32, #tpu.memory_space<vmem>>
        %dma_start3A_184 = tpu.memref_squeeze %dma_start3A_183 : memref<1x1x80xi32, #tpu.memory_space<vmem>> -> memref<1x80xi32, #tpu.memory_space<vmem>>
        %dma_start3A_185 = arith.constant 0 : i32
        %dma_start3A_186 = arith.constant 0 : i32
        %dma_start3A_187 = tpu.memref_slice %arg3[%add3A, %add3A_179, %dma_start3A_185, %dma_start3A_186] : memref<32x63x1x80xi32, #tpu.memory_space<hbm>> -> memref<1x1x1x80xi32, #tpu.memory_space<hbm>>
        %dma_start3A_188 = tpu.memref_squeeze %dma_start3A_187 : memref<1x1x1x80xi32, #tpu.memory_space<hbm>> -> memref<1x80xi32, #tpu.memory_space<hbm>>
        %dma_start3A_189 = arith.constant 0 : i32
        %dma_start3A_190 = arith.constant 0 : i32
        %dma_start3A_191 = tpu.memref_slice %arg7[%dma_start3A_180, %dma_start3A_189, %dma_start3A_190] : memref<4x1x80xi32, #tpu.memory_space<vmem>> -> memref<1x1x80xi32, #tpu.memory_space<vmem>>
        %dma_start3A_192 = tpu.memref_squeeze %dma_start3A_191 : memref<1x1x80xi32, #tpu.memory_space<vmem>> -> memref<1x80xi32, #tpu.memory_space<vmem>>
        %dma_start3A_193 = arith.constant 0 : i32
        %dma_start3A_194 = arith.constant 0 : i32
        %dma_start3A_195 = tpu.memref_slice %arg3[%add3A, %add3A_179, %dma_start3A_193, %dma_start3A_194] : memref<32x63x1x80xi32, #tpu.memory_space<hbm>> -> memref<1x1x1x80xi32, #tpu.memory_space<hbm>>
        %dma_start3A_196 = tpu.memref_squeeze %dma_start3A_195 : memref<1x1x1x80xi32, #tpu.memory_space<hbm>> -> memref<1x80xi32, #tpu.memory_space<hbm>>
        tpu.enqueue_dma source(%dma_start3A_196 : memref<1x80xi32, #tpu.memory_space<hbm>>) target(%dma_start3A_192 : memref<1x80xi32, #tpu.memory_space<vmem>>) target_semaphore(%arg14 : memref<!tpu.dma_semaphore, #tpu.memory_space<semaphore_mem>>)
        %mul3A_197 = arith.constant 5040 : i32
        %mul3A_198 = arith.muli %add3A, %mul3A_197 : i32
        %mul3A_199 = arith.constant 80 : i32
        %mul3A_200 = arith.muli %add3A_179, %mul3A_199 : i32
        %add3A_201 = arith.addi %mul3A_198, %mul3A_200 : i32
        %dma_start3A_202 = arith.constant 1 : i32
        %dma_start3A_203 = arith.constant 0 : i32
        %dma_start3A_204 = arith.constant 0 : i32
        %dma_start3A_205 = tpu.memref_slice %arg8[%dma_start3A_202, %dma_start3A_203, %dma_start3A_204] : memref<4x80x128xf32, #tpu.memory_space<vmem>> -> memref<1x80x128xf32, #tpu.memory_space<vmem>>
        %dma_start3A_206 = tpu.memref_squeeze %dma_start3A_205 : memref<1x80x128xf32, #tpu.memory_space<vmem>> -> memref<80x128xf32, #tpu.memory_space<vmem>>
        %dma_start3A_207 = arith.constant 0 : i32
        %dma_start3A_208 = tpu.memref_slice %arg2[%add3A_201, %dma_start3A_207] : memref<161280x128xf32, #tpu.memory_space<hbm>> -> memref<80x128xf32, #tpu.memory_space<hbm>>
        %dma_start3A_209 = arith.constant 0 : i32
        %dma_start3A_210 = arith.constant 0 : i32
        %dma_start3A_211 = tpu.memref_slice %arg8[%dma_start3A_202, %dma_start3A_209, %dma_start3A_210] : memref<4x80x128xf32, #tpu.memory_space<vmem>> -> memref<1x80x128xf32, #tpu.memory_space<vmem>>
        %dma_start3A_212 = tpu.memref_squeeze %dma_start3A_211 : memref<1x80x128xf32, #tpu.memory_space<vmem>> -> memref<80x128xf32, #tpu.memory_space<vmem>>
        %dma_start3A_213 = arith.constant 0 : i32
        %dma_start3A_214 = tpu.memref_slice %arg2[%add3A_201, %dma_start3A_213] : memref<161280x128xf32, #tpu.memory_space<hbm>> -> memref<80x128xf32, #tpu.memory_space<hbm>>
        tpu.enqueue_dma source(%dma_start3A_214 : memref<80x128xf32, #tpu.memory_space<hbm>>) target(%dma_start3A_212 : memref<80x128xf32, #tpu.memory_space<vmem>>) target_semaphore(%arg10 : memref<!tpu.dma_semaphore, #tpu.memory_space<semaphore_mem>>)
      } else {
      }
      %lt3A_173 = arith.constant 63 : i32
      %lt3A_174 = arith.cmpi slt, %add3A_157, %lt3A_173 : i32
      %convert_element_type3A_175 = arith.extui %lt3A_174 : i1 to i32
      %cond3A_176 = arith.constant 0 : i32
      %cond3A_177 = arith.cmpi ne, %convert_element_type3A_175, %cond3A_176 : i32
      scf.if %cond3A_177 {
        %mul3A_178 = arith.constant 5040 : i32
        %mul3A_179 = arith.muli %add3A, %mul3A_178 : i32
        %mul3A_180 = arith.constant 80 : i32
        %mul3A_181 = arith.muli %add3A_157, %mul3A_180 : i32
        %add3A_182 = arith.addi %mul3A_179, %mul3A_181 : i32
        %dma_wait3A = arith.constant 3 : i32
        %dma_wait3A_183 = arith.constant 0 : i32
        %dma_wait3A_184 = arith.constant 0 : i32
        %dma_wait3A_185 = tpu.memref_slice %arg8[%dma_wait3A, %dma_wait3A_183, %dma_wait3A_184] : memref<4x80x128xf32, #tpu.memory_space<vmem>> -> memref<1x80x128xf32, #tpu.memory_space<vmem>>
        %dma_wait3A_186 = tpu.memref_squeeze %dma_wait3A_185 : memref<1x80x128xf32, #tpu.memory_space<vmem>> -> memref<80x128xf32, #tpu.memory_space<vmem>>
        %dma_wait3A_187 = arith.constant 0 : i32
        %dma_wait3A_188 = tpu.memref_slice %arg2[%add3A_182, %dma_wait3A_187] : memref<161280x128xf32, #tpu.memory_space<hbm>> -> memref<80x128xf32, #tpu.memory_space<hbm>>
        %dma_wait3A_189 = arith.constant 0 : i32
        %dma_wait3A_190 = arith.constant 0 : i32
        %dma_wait3A_191 = tpu.memref_slice %arg8[%dma_wait3A, %dma_wait3A_189, %dma_wait3A_190] : memref<4x80x128xf32, #tpu.memory_space<vmem>> -> memref<1x80x128xf32, #tpu.memory_space<vmem>>
        %dma_wait3A_192 = tpu.memref_squeeze %dma_wait3A_191 : memref<1x80x128xf32, #tpu.memory_space<vmem>> -> memref<80x128xf32, #tpu.memory_space<vmem>>
        %dma_wait3A_193 = arith.constant 0 : i32
        %dma_wait3A_194 = tpu.memref_slice %arg2[%add3A_182, %dma_wait3A_193] : memref<161280x128xf32, #tpu.memory_space<hbm>> -> memref<80x128xf32, #tpu.memory_space<hbm>>
        tpu.wait_dma2 semaphore(%arg12 : memref<!tpu.dma_semaphore, #tpu.memory_space<semaphore_mem>>) src(%dma_wait3A_194 : memref<80x128xf32, #tpu.memory_space<hbm>>) dst(%dma_wait3A_192 : memref<80x128xf32, #tpu.memory_space<vmem>>)
        %dma_wait3A_195 = arith.constant 3 : i32
        %dma_wait3A_196 = arith.constant 0 : i32
        %dma_wait3A_197 = arith.constant 0 : i32
        %dma_wait3A_198 = tpu.memref_slice %arg7[%dma_wait3A_195, %dma_wait3A_196, %dma_wait3A_197] : memref<4x1x80xi32, #tpu.memory_space<vmem>> -> memref<1x1x80xi32, #tpu.memory_space<vmem>>
        %dma_wait3A_199 = tpu.memref_squeeze %dma_wait3A_198 : memref<1x1x80xi32, #tpu.memory_space<vmem>> -> memref<1x80xi32, #tpu.memory_space<vmem>>
        %dma_wait3A_200 = arith.constant 0 : i32
        %dma_wait3A_201 = arith.constant 0 : i32
        %dma_wait3A_202 = tpu.memref_slice %arg3[%add3A, %add3A_157, %dma_wait3A_200, %dma_wait3A_201] : memref<32x63x1x80xi32, #tpu.memory_space<hbm>> -> memref<1x1x1x80xi32, #tpu.memory_space<hbm>>
        %dma_wait3A_203 = tpu.memref_squeeze %dma_wait3A_202 : memref<1x1x1x80xi32, #tpu.memory_space<hbm>> -> memref<1x80xi32, #tpu.memory_space<hbm>>
        %dma_wait3A_204 = arith.constant 0 : i32
        %dma_wait3A_205 = arith.constant 0 : i32
        %dma_wait3A_206 = tpu.memref_slice %arg7[%dma_wait3A_195, %dma_wait3A_204, %dma_wait3A_205] : memref<4x1x80xi32, #tpu.memory_space<vmem>> -> memref<1x1x80xi32, #tpu.memory_space<vmem>>
        %dma_wait3A_207 = tpu.memref_squeeze %dma_wait3A_206 : memref<1x1x80xi32, #tpu.memory_space<vmem>> -> memref<1x80xi32, #tpu.memory_space<vmem>>
        %dma_wait3A_208 = arith.constant 0 : i32
        %dma_wait3A_209 = arith.constant 0 : i32
        %dma_wait3A_210 = tpu.memref_slice %arg3[%add3A, %add3A_157, %dma_wait3A_208, %dma_wait3A_209] : memref<32x63x1x80xi32, #tpu.memory_space<hbm>> -> memref<1x1x1x80xi32, #tpu.memory_space<hbm>>
        %dma_wait3A_211 = tpu.memref_squeeze %dma_wait3A_210 : memref<1x1x1x80xi32, #tpu.memory_space<hbm>> -> memref<1x80xi32, #tpu.memory_space<hbm>>
        tpu.wait_dma2 semaphore(%arg16 : memref<!tpu.dma_semaphore, #tpu.memory_space<semaphore_mem>>) src(%dma_wait3A_211 : memref<1x80xi32, #tpu.memory_space<hbm>>) dst(%dma_wait3A_207 : memref<1x80xi32, #tpu.memory_space<vmem>>)
        %dma_start3A_212 = arith.constant 3 : i32
        %dma_start3A_213 = arith.constant 3 : i32
        %dma_start3A_214 = arith.constant 0 : i32
        %dma_start3A_215 = arith.constant 0 : i32
        %dma_start3A_216 = arith.constant 0 : i32
        %dma_start3A_217 = tpu.memref_slice %arg8[%dma_start3A_212, %dma_start3A_215, %dma_start3A_216] : memref<4x80x128xf32, #tpu.memory_space<vmem>> -> memref<1x80x128xf32, #tpu.memory_space<vmem>>
        %dma_start3A_218 = tpu.memref_squeeze %dma_start3A_217 : memref<1x80x128xf32, #tpu.memory_space<vmem>> -> memref<80x128xf32, #tpu.memory_space<vmem>>
        %dma_start3A_219 = arith.constant 0 : i32
        %dma_start3A_220 = tpu.memref_slice %arg7[%dma_start3A_213, %dma_start3A_214, %dma_start3A_219] : memref<4x1x80xi32, #tpu.memory_space<vmem>> -> memref<1x1x80xi32, #tpu.memory_space<vmem>>
        %dma_start3A_221 = tpu.memref_squeeze %dma_start3A_220 : memref<1x1x80xi32, #tpu.memory_space<vmem>> -> memref<80xi32, #tpu.memory_space<vmem>>
        %dma_start3A_222 = arith.constant 0 : i32
        %dma_start3A_223 = arith.constant 0 : i32
        %dma_start3A_224 = tpu.memref_slice %arg6[%dma_start3A_222, %dma_start3A_223] : memref<10000x128xf32, #tpu.memory_space<vmem_shared>> -> memref<10000x128xf32, #tpu.memory_space<vmem_shared>>
        tpu.enqueue_indirect_dma source(%dma_start3A_218 : memref<80x128xf32, #tpu.memory_space<vmem>>) target(%dma_start3A_224 : memref<10000x128xf32, #tpu.memory_space<vmem_shared>>) offsets(%dma_start3A_221 : memref<80xi32, #tpu.memory_space<vmem>>) semaphore(%arg20 : memref<!tpu.dma_semaphore, #tpu.memory_space<semaphore_mem>>) {add = true}
      } else {
      }
    }
    %scan3A_76 = arith.constant 17 : i32
    %barrier3A_77 = arith.constant 0 : index
    tpu.barrier barrier_id(%barrier3A_77)
    %lt3A_78 = arith.constant 10 : i32
    %lt3A_79 = arith.cmpi slt, %arg1, %lt3A_78 : i32
    %convert_element_type3A_80 = arith.extui %lt3A_79 : i1 to i32
    %cond3A_81 = arith.constant 0 : i32
    %cond3A_82 = arith.cmpi ne, %convert_element_type3A_80, %cond3A_81 : i32
    scf.if %cond3A_82 {
      %mul3A_83 = arith.constant 1000 : i32
      %mul3A_84 = arith.muli %arg1, %mul3A_83 : i32
      %mul3A_85 = arith.constant 10000 : i32
      %mul3A_86 = arith.muli %arg0, %mul3A_85 : i32
      %mul3A_87 = arith.constant 1000 : i32
      %mul3A_88 = arith.muli %arg1, %mul3A_87 : i32
      %add3A_89 = arith.addi %mul3A_86, %mul3A_88 : i32
      "tpu.region"() ({
        %run_scoped3A = tpu.sem_alloc : memref<!tpu.dma_semaphore, #tpu.memory_space<semaphore_mem>>
        %dma_start3A_90 = arith.constant 0 : i32
        %dma_start3A_91 = tpu.memref_slice %arg5[%add3A_89, %dma_start3A_90] : memref<20000x128xf32, #tpu.memory_space<hbm>> -> memref<1000x128xf32, #tpu.memory_space<hbm>>
        %dma_start3A_92 = arith.constant 0 : i32
        %dma_start3A_93 = tpu.memref_slice %arg6[%mul3A_84, %dma_start3A_92] : memref<10000x128xf32, #tpu.memory_space<vmem_shared>> -> memref<1000x128xf32, #tpu.memory_space<vmem_shared>>
        tpu.enqueue_dma source(%dma_start3A_93 : memref<1000x128xf32, #tpu.memory_space<vmem_shared>>) target(%dma_start3A_91 : memref<1000x128xf32, #tpu.memory_space<hbm>>) target_semaphore(%run_scoped3A : memref<!tpu.dma_semaphore, #tpu.memory_space<semaphore_mem>>)
        %dma_wait3A = arith.constant 0 : i32
        %dma_wait3A_94 = tpu.memref_slice %arg5[%add3A_89, %dma_wait3A] : memref<20000x128xf32, #tpu.memory_space<hbm>> -> memref<1000x128xf32, #tpu.memory_space<hbm>>
        %dma_wait3A_95 = arith.constant 0 : i32
        %dma_wait3A_96 = tpu.memref_slice %arg6[%mul3A_84, %dma_wait3A_95] : memref<10000x128xf32, #tpu.memory_space<vmem_shared>> -> memref<1000x128xf32, #tpu.memory_space<vmem_shared>>
        tpu.wait_dma2 semaphore(%run_scoped3A : memref<!tpu.dma_semaphore, #tpu.memory_space<semaphore_mem>>) src(%dma_wait3A_96 : memref<1000x128xf32, #tpu.memory_space<vmem_shared>>) dst(%dma_wait3A_94 : memref<1000x128xf32, #tpu.memory_space<hbm>>)
        tpu.yield
      }) : () -> ()
    } else {
    }
    return
  }
}

#map = affine_map<(d0, d1) -> (0, 0)>
#map1 = affine_map<(d0, d1) -> (0, 0, 0, 0)>
module attributes {stable_mosaic.version = 14 : i64} {
  func.func @k(%arg0: i32, %arg1: i32, %arg2: memref<20000x128xf32, #tpu.memory_space<hbm>>, %arg3: memref<32x45x1x112xi32, #tpu.memory_space<hbm>>, %arg4: memref<32x45x1x112xi32, #tpu.memory_space<hbm>>, %arg5: memref<161280x128xf32, #tpu.memory_space<hbm>>, %arg6: memref<45x1x112xi32, #tpu.memory_space<vmem>>, %arg7: memref<45x1x112xi32, #tpu.memory_space<vmem>>, %arg8: memref<4x112x128xf32, #tpu.memory_space<vmem>>, %arg9: memref<4x112x128xf32, #tpu.memory_space<vmem>>, %arg10: memref<!tpu.dma_semaphore, #tpu.memory_space<semaphore_mem>>, %arg11: memref<!tpu.dma_semaphore, #tpu.memory_space<semaphore_mem>>, %arg12: memref<!tpu.dma_semaphore, #tpu.memory_space<semaphore_mem>>, %arg13: memref<!tpu.dma_semaphore, #tpu.memory_space<semaphore_mem>>, %arg14: memref<!tpu.dma_semaphore, #tpu.memory_space<semaphore_mem>>, %arg15: memref<!tpu.dma_semaphore, #tpu.memory_space<semaphore_mem>>, %arg16: memref<!tpu.dma_semaphore, #tpu.memory_space<semaphore_mem>>, %arg17: memref<!tpu.dma_semaphore, #tpu.memory_space<semaphore_mem>>, %arg18: memref<!tpu.dma_semaphore, #tpu.memory_space<semaphore_mem>>, %arg19: memref<!tpu.dma_semaphore, #tpu.memory_space<semaphore_mem>>, %arg20: memref<!tpu.dma_semaphore, #tpu.memory_space<semaphore_mem>>, %arg21: memref<!tpu.dma_semaphore, #tpu.memory_space<semaphore_mem>>) attributes {dimension_semantics = [#tpu.dimension_semantics<core_parallel>, #tpu.dimension_semantics<subcore_parallel>], iteration_bounds = array<i64: 2, 16>, scalar_prefetch = 0 : i64, scratch_operands = 16 : i64, tpu.core_type = #tpu.core_type<sc_vector_subcore>, window_params = [{transform_indices = #map}, {transform_indices = #map1}, {transform_indices = #map1}, {transform_indices = #map}]} {
    %mul3A = arith.constant 2 : i32
    %mul3A_0 = arith.muli %arg1, %mul3A : i32
    %add3A = arith.addi %mul3A_0, %arg0 : i32
    "tpu.region"() ({
      %run_scoped3A = tpu.sem_alloc : memref<!tpu.dma_semaphore, #tpu.memory_space<semaphore_mem>>
      %dma_start3A_57 = arith.constant 0 : i32
      %dma_start3A_58 = arith.constant 0 : i32
      %dma_start3A_59 = arith.constant 0 : i32
      %dma_start3A_60 = tpu.memref_slice %arg3[%add3A, %dma_start3A_57, %dma_start3A_58, %dma_start3A_59] : memref<32x45x1x112xi32, #tpu.memory_space<hbm>> -> memref<1x45x1x112xi32, #tpu.memory_space<hbm>>
      %dma_start3A_61 = tpu.memref_squeeze %dma_start3A_60 : memref<1x45x1x112xi32, #tpu.memory_space<hbm>> -> memref<45x1x112xi32, #tpu.memory_space<hbm>>
      %dma_start3A_62 = arith.constant 0 : i32
      %dma_start3A_63 = arith.constant 0 : i32
      %dma_start3A_64 = arith.constant 0 : i32
      %dma_start3A_65 = tpu.memref_slice %arg3[%add3A, %dma_start3A_62, %dma_start3A_63, %dma_start3A_64] : memref<32x45x1x112xi32, #tpu.memory_space<hbm>> -> memref<1x45x1x112xi32, #tpu.memory_space<hbm>>
      %dma_start3A_66 = tpu.memref_squeeze %dma_start3A_65 : memref<1x45x1x112xi32, #tpu.memory_space<hbm>> -> memref<45x1x112xi32, #tpu.memory_space<hbm>>
      tpu.enqueue_dma source(%dma_start3A_66 : memref<45x1x112xi32, #tpu.memory_space<hbm>>) target(%arg6 : memref<45x1x112xi32, #tpu.memory_space<vmem>>) target_semaphore(%run_scoped3A : memref<!tpu.dma_semaphore, #tpu.memory_space<semaphore_mem>>)
      %dma_wait3A = arith.constant 0 : i32
      %dma_wait3A_67 = arith.constant 0 : i32
      %dma_wait3A_68 = arith.constant 0 : i32
      %dma_wait3A_69 = tpu.memref_slice %arg3[%add3A, %dma_wait3A, %dma_wait3A_67, %dma_wait3A_68] : memref<32x45x1x112xi32, #tpu.memory_space<hbm>> -> memref<1x45x1x112xi32, #tpu.memory_space<hbm>>
      %dma_wait3A_70 = tpu.memref_squeeze %dma_wait3A_69 : memref<1x45x1x112xi32, #tpu.memory_space<hbm>> -> memref<45x1x112xi32, #tpu.memory_space<hbm>>
      %dma_wait3A_71 = arith.constant 0 : i32
      %dma_wait3A_72 = arith.constant 0 : i32
      %dma_wait3A_73 = arith.constant 0 : i32
      %dma_wait3A_74 = tpu.memref_slice %arg3[%add3A, %dma_wait3A_71, %dma_wait3A_72, %dma_wait3A_73] : memref<32x45x1x112xi32, #tpu.memory_space<hbm>> -> memref<1x45x1x112xi32, #tpu.memory_space<hbm>>
      %dma_wait3A_75 = tpu.memref_squeeze %dma_wait3A_74 : memref<1x45x1x112xi32, #tpu.memory_space<hbm>> -> memref<45x1x112xi32, #tpu.memory_space<hbm>>
      tpu.wait_dma2 semaphore(%run_scoped3A : memref<!tpu.dma_semaphore, #tpu.memory_space<semaphore_mem>>) src(%dma_wait3A_75 : memref<45x1x112xi32, #tpu.memory_space<hbm>>) dst(%arg6 : memref<45x1x112xi32, #tpu.memory_space<vmem>>)
      tpu.yield
    }) : () -> ()
    "tpu.region"() ({
      %run_scoped3A = tpu.sem_alloc : memref<!tpu.dma_semaphore, #tpu.memory_space<semaphore_mem>>
      %dma_start3A_57 = arith.constant 0 : i32
      %dma_start3A_58 = arith.constant 0 : i32
      %dma_start3A_59 = arith.constant 0 : i32
      %dma_start3A_60 = tpu.memref_slice %arg4[%add3A, %dma_start3A_57, %dma_start3A_58, %dma_start3A_59] : memref<32x45x1x112xi32, #tpu.memory_space<hbm>> -> memref<1x45x1x112xi32, #tpu.memory_space<hbm>>
      %dma_start3A_61 = tpu.memref_squeeze %dma_start3A_60 : memref<1x45x1x112xi32, #tpu.memory_space<hbm>> -> memref<45x1x112xi32, #tpu.memory_space<hbm>>
      %dma_start3A_62 = arith.constant 0 : i32
      %dma_start3A_63 = arith.constant 0 : i32
      %dma_start3A_64 = arith.constant 0 : i32
      %dma_start3A_65 = tpu.memref_slice %arg4[%add3A, %dma_start3A_62, %dma_start3A_63, %dma_start3A_64] : memref<32x45x1x112xi32, #tpu.memory_space<hbm>> -> memref<1x45x1x112xi32, #tpu.memory_space<hbm>>
      %dma_start3A_66 = tpu.memref_squeeze %dma_start3A_65 : memref<1x45x1x112xi32, #tpu.memory_space<hbm>> -> memref<45x1x112xi32, #tpu.memory_space<hbm>>
      tpu.enqueue_dma source(%dma_start3A_66 : memref<45x1x112xi32, #tpu.memory_space<hbm>>) target(%arg7 : memref<45x1x112xi32, #tpu.memory_space<vmem>>) target_semaphore(%run_scoped3A : memref<!tpu.dma_semaphore, #tpu.memory_space<semaphore_mem>>)
      %dma_wait3A = arith.constant 0 : i32
      %dma_wait3A_67 = arith.constant 0 : i32
      %dma_wait3A_68 = arith.constant 0 : i32
      %dma_wait3A_69 = tpu.memref_slice %arg4[%add3A, %dma_wait3A, %dma_wait3A_67, %dma_wait3A_68] : memref<32x45x1x112xi32, #tpu.memory_space<hbm>> -> memref<1x45x1x112xi32, #tpu.memory_space<hbm>>
      %dma_wait3A_70 = tpu.memref_squeeze %dma_wait3A_69 : memref<1x45x1x112xi32, #tpu.memory_space<hbm>> -> memref<45x1x112xi32, #tpu.memory_space<hbm>>
      %dma_wait3A_71 = arith.constant 0 : i32
      %dma_wait3A_72 = arith.constant 0 : i32
      %dma_wait3A_73 = arith.constant 0 : i32
      %dma_wait3A_74 = tpu.memref_slice %arg4[%add3A, %dma_wait3A_71, %dma_wait3A_72, %dma_wait3A_73] : memref<32x45x1x112xi32, #tpu.memory_space<hbm>> -> memref<1x45x1x112xi32, #tpu.memory_space<hbm>>
      %dma_wait3A_75 = tpu.memref_squeeze %dma_wait3A_74 : memref<1x45x1x112xi32, #tpu.memory_space<hbm>> -> memref<45x1x112xi32, #tpu.memory_space<hbm>>
      tpu.wait_dma2 semaphore(%run_scoped3A : memref<!tpu.dma_semaphore, #tpu.memory_space<semaphore_mem>>) src(%dma_wait3A_75 : memref<45x1x112xi32, #tpu.memory_space<hbm>>) dst(%arg7 : memref<45x1x112xi32, #tpu.memory_space<vmem>>)
      tpu.yield
    }) : () -> ()
    %dma_start3A = arith.constant 0 : i32
    %dma_start3A_1 = arith.constant 0 : i32
    %dma_start3A_2 = arith.constant 0 : i32
    %dma_start3A_3 = arith.constant 0 : i32
    %dma_start3A_4 = arith.constant 0 : i32
    %dma_start3A_5 = tpu.memref_slice %arg8[%dma_start3A_2, %dma_start3A_3, %dma_start3A_4] : memref<4x112x128xf32, #tpu.memory_space<vmem>> -> memref<1x112x128xf32, #tpu.memory_space<vmem>>
    %dma_start3A_6 = tpu.memref_squeeze %dma_start3A_5 : memref<1x112x128xf32, #tpu.memory_space<vmem>> -> memref<112x128xf32, #tpu.memory_space<vmem>>
    %dma_start3A_7 = arith.constant 0 : i32
    %dma_start3A_8 = tpu.memref_slice %arg6[%dma_start3A, %dma_start3A_1, %dma_start3A_7] : memref<45x1x112xi32, #tpu.memory_space<vmem>> -> memref<1x1x112xi32, #tpu.memory_space<vmem>>
    %dma_start3A_9 = tpu.memref_squeeze %dma_start3A_8 : memref<1x1x112xi32, #tpu.memory_space<vmem>> -> memref<112xi32, #tpu.memory_space<vmem>>
    %dma_start3A_10 = arith.constant 0 : i32
    %dma_start3A_11 = arith.constant 0 : i32
    %dma_start3A_12 = tpu.memref_slice %arg2[%dma_start3A_10, %dma_start3A_11] : memref<20000x128xf32, #tpu.memory_space<hbm>> -> memref<20000x128xf32, #tpu.memory_space<hbm>>
    tpu.enqueue_indirect_dma source(%dma_start3A_12 : memref<20000x128xf32, #tpu.memory_space<hbm>>) target(%dma_start3A_6 : memref<112x128xf32, #tpu.memory_space<vmem>>) offsets(%dma_start3A_9 : memref<112xi32, #tpu.memory_space<vmem>>) semaphore(%arg10 : memref<!tpu.dma_semaphore, #tpu.memory_space<semaphore_mem>>)
    %dma_start3A_13 = arith.constant 0 : i32
    %dma_start3A_14 = arith.constant 0 : i32
    %dma_start3A_15 = arith.constant 0 : i32
    %dma_start3A_16 = arith.constant 0 : i32
    %dma_start3A_17 = arith.constant 0 : i32
    %dma_start3A_18 = tpu.memref_slice %arg9[%dma_start3A_15, %dma_start3A_16, %dma_start3A_17] : memref<4x112x128xf32, #tpu.memory_space<vmem>> -> memref<1x112x128xf32, #tpu.memory_space<vmem>>
    %dma_start3A_19 = tpu.memref_squeeze %dma_start3A_18 : memref<1x112x128xf32, #tpu.memory_space<vmem>> -> memref<112x128xf32, #tpu.memory_space<vmem>>
    %dma_start3A_20 = arith.constant 0 : i32
    %dma_start3A_21 = tpu.memref_slice %arg7[%dma_start3A_13, %dma_start3A_14, %dma_start3A_20] : memref<45x1x112xi32, #tpu.memory_space<vmem>> -> memref<1x1x112xi32, #tpu.memory_space<vmem>>
    %dma_start3A_22 = tpu.memref_squeeze %dma_start3A_21 : memref<1x1x112xi32, #tpu.memory_space<vmem>> -> memref<112xi32, #tpu.memory_space<vmem>>
    %dma_start3A_23 = arith.constant 0 : i32
    %dma_start3A_24 = arith.constant 0 : i32
    %dma_start3A_25 = tpu.memref_slice %arg2[%dma_start3A_23, %dma_start3A_24] : memref<20000x128xf32, #tpu.memory_space<hbm>> -> memref<20000x128xf32, #tpu.memory_space<hbm>>
    tpu.enqueue_indirect_dma source(%dma_start3A_25 : memref<20000x128xf32, #tpu.memory_space<hbm>>) target(%dma_start3A_19 : memref<112x128xf32, #tpu.memory_space<vmem>>) offsets(%dma_start3A_22 : memref<112xi32, #tpu.memory_space<vmem>>) semaphore(%arg14 : memref<!tpu.dma_semaphore, #tpu.memory_space<semaphore_mem>>)
    %dma_start3A_26 = arith.constant 1 : i32
    %dma_start3A_27 = arith.constant 0 : i32
    %dma_start3A_28 = arith.constant 1 : i32
    %dma_start3A_29 = arith.constant 0 : i32
    %dma_start3A_30 = arith.constant 0 : i32
    %dma_start3A_31 = tpu.memref_slice %arg8[%dma_start3A_28, %dma_start3A_29, %dma_start3A_30] : memref<4x112x128xf32, #tpu.memory_space<vmem>> -> memref<1x112x128xf32, #tpu.memory_space<vmem>>
    %dma_start3A_32 = tpu.memref_squeeze %dma_start3A_31 : memref<1x112x128xf32, #tpu.memory_space<vmem>> -> memref<112x128xf32, #tpu.memory_space<vmem>>
    %dma_start3A_33 = arith.constant 0 : i32
    %dma_start3A_34 = tpu.memref_slice %arg6[%dma_start3A_26, %dma_start3A_27, %dma_start3A_33] : memref<45x1x112xi32, #tpu.memory_space<vmem>> -> memref<1x1x112xi32, #tpu.memory_space<vmem>>
    %dma_start3A_35 = tpu.memref_squeeze %dma_start3A_34 : memref<1x1x112xi32, #tpu.memory_space<vmem>> -> memref<112xi32, #tpu.memory_space<vmem>>
    %dma_start3A_36 = arith.constant 0 : i32
    %dma_start3A_37 = arith.constant 0 : i32
    %dma_start3A_38 = tpu.memref_slice %arg2[%dma_start3A_36, %dma_start3A_37] : memref<20000x128xf32, #tpu.memory_space<hbm>> -> memref<20000x128xf32, #tpu.memory_space<hbm>>
    tpu.enqueue_indirect_dma source(%dma_start3A_38 : memref<20000x128xf32, #tpu.memory_space<hbm>>) target(%dma_start3A_32 : memref<112x128xf32, #tpu.memory_space<vmem>>) offsets(%dma_start3A_35 : memref<112xi32, #tpu.memory_space<vmem>>) semaphore(%arg11 : memref<!tpu.dma_semaphore, #tpu.memory_space<semaphore_mem>>)
    %dma_start3A_39 = arith.constant 1 : i32
    %dma_start3A_40 = arith.constant 0 : i32
    %dma_start3A_41 = arith.constant 1 : i32
    %dma_start3A_42 = arith.constant 0 : i32
    %dma_start3A_43 = arith.constant 0 : i32
    %dma_start3A_44 = tpu.memref_slice %arg9[%dma_start3A_41, %dma_start3A_42, %dma_start3A_43] : memref<4x112x128xf32, #tpu.memory_space<vmem>> -> memref<1x112x128xf32, #tpu.memory_space<vmem>>
    %dma_start3A_45 = tpu.memref_squeeze %dma_start3A_44 : memref<1x112x128xf32, #tpu.memory_space<vmem>> -> memref<112x128xf32, #tpu.memory_space<vmem>>
    %dma_start3A_46 = arith.constant 0 : i32
    %dma_start3A_47 = tpu.memref_slice %arg7[%dma_start3A_39, %dma_start3A_40, %dma_start3A_46] : memref<45x1x112xi32, #tpu.memory_space<vmem>> -> memref<1x1x112xi32, #tpu.memory_space<vmem>>
    %dma_start3A_48 = tpu.memref_squeeze %dma_start3A_47 : memref<1x1x112xi32, #tpu.memory_space<vmem>> -> memref<112xi32, #tpu.memory_space<vmem>>
    %dma_start3A_49 = arith.constant 0 : i32
    %dma_start3A_50 = arith.constant 0 : i32
    %dma_start3A_51 = tpu.memref_slice %arg2[%dma_start3A_49, %dma_start3A_50] : memref<20000x128xf32, #tpu.memory_space<hbm>> -> memref<20000x128xf32, #tpu.memory_space<hbm>>
    tpu.enqueue_indirect_dma source(%dma_start3A_51 : memref<20000x128xf32, #tpu.memory_space<hbm>>) target(%dma_start3A_45 : memref<112x128xf32, #tpu.memory_space<vmem>>) offsets(%dma_start3A_48 : memref<112xi32, #tpu.memory_space<vmem>>) semaphore(%arg15 : memref<!tpu.dma_semaphore, #tpu.memory_space<semaphore_mem>>)
    %scan3A = arith.constant 0 : i32
    %scan3A_52 = arith.constant 0 : i32
    %scan3A_53 = arith.constant 12 : i32
    %scan3A_54 = arith.addi %scan3A_52, %scan3A_53 : i32
    %scan3A_55 = arith.constant 1 : i32
    scf.for %scan3A_57 = %scan3A_52 to %scan3A_54 step %scan3A_55  : i32 {
      %mul3A_58 = arith.constant 4 : i32
      %mul3A_59 = arith.muli %scan3A_57, %mul3A_58 : i32
      %add3A_60 = arith.constant 0 : i32
      %add3A_61 = arith.addi %mul3A_59, %add3A_60 : i32
      %ge3A = arith.constant 2 : i32
      %ge3A_62 = arith.cmpi sge, %add3A_61, %ge3A : i32
      %lt3A = arith.constant 47 : i32
      %lt3A_63 = arith.cmpi slt, %add3A_61, %lt3A : i32
      %and3A = arith.andi %ge3A_62, %lt3A_63 : i1
      %convert_element_type3A = arith.extui %and3A : i1 to i32
      %cond3A = arith.constant 0 : i32
      %cond3A_64 = arith.cmpi ne, %convert_element_type3A, %cond3A : i32
      scf.if %cond3A_64 {
        %sub3A = arith.constant 2 : i32
        %sub3A_149 = arith.subi %add3A_61, %sub3A : i32
        %mul3A_150 = arith.constant 5040 : i32
        %mul3A_151 = arith.muli %add3A, %mul3A_150 : i32
        %mul3A_152 = arith.constant 112 : i32
        %mul3A_153 = arith.muli %sub3A_149, %mul3A_152 : i32
        %add3A_154 = arith.addi %mul3A_151, %mul3A_153 : i32
        %dma_wait3A = arith.constant 2 : i32
        %dma_wait3A_155 = arith.constant 0 : i32
        %dma_wait3A_156 = arith.constant 0 : i32
        %dma_wait3A_157 = tpu.memref_slice %arg8[%dma_wait3A, %dma_wait3A_155, %dma_wait3A_156] : memref<4x112x128xf32, #tpu.memory_space<vmem>> -> memref<1x112x128xf32, #tpu.memory_space<vmem>>
        %dma_wait3A_158 = tpu.memref_squeeze %dma_wait3A_157 : memref<1x112x128xf32, #tpu.memory_space<vmem>> -> memref<112x128xf32, #tpu.memory_space<vmem>>
        %dma_wait3A_159 = arith.constant 0 : i32
        %dma_wait3A_160 = tpu.memref_slice %arg5[%add3A_154, %dma_wait3A_159] : memref<161280x128xf32, #tpu.memory_space<hbm>> -> memref<112x128xf32, #tpu.memory_space<hbm>>
        %dma_wait3A_161 = arith.constant 0 : i32
        %dma_wait3A_162 = tpu.memref_slice %arg5[%add3A_154, %dma_wait3A_161] : memref<161280x128xf32, #tpu.memory_space<hbm>> -> memref<112x128xf32, #tpu.memory_space<hbm>>
        %dma_wait3A_163 = arith.constant 0 : i32
        %dma_wait3A_164 = arith.constant 0 : i32
        %dma_wait3A_165 = tpu.memref_slice %arg8[%dma_wait3A, %dma_wait3A_163, %dma_wait3A_164] : memref<4x112x128xf32, #tpu.memory_space<vmem>> -> memref<1x112x128xf32, #tpu.memory_space<vmem>>
        %dma_wait3A_166 = tpu.memref_squeeze %dma_wait3A_165 : memref<1x112x128xf32, #tpu.memory_space<vmem>> -> memref<112x128xf32, #tpu.memory_space<vmem>>
        tpu.wait_dma2 semaphore(%arg20 : memref<!tpu.dma_semaphore, #tpu.memory_space<semaphore_mem>>) src(%dma_wait3A_166 : memref<112x128xf32, #tpu.memory_space<vmem>>) dst(%dma_wait3A_162 : memref<112x128xf32, #tpu.memory_space<hbm>>)
      } else {
      }
      %add3A_65 = arith.constant 2 : i32
      %add3A_66 = arith.addi %add3A_61, %add3A_65 : i32
      %lt3A_67 = arith.constant 45 : i32
      %lt3A_68 = arith.cmpi slt, %add3A_66, %lt3A_67 : i32
      %convert_element_type3A_69 = arith.extui %lt3A_68 : i1 to i32
      %cond3A_70 = arith.constant 0 : i32
      %cond3A_71 = arith.cmpi ne, %convert_element_type3A_69, %cond3A_70 : i32
      scf.if %cond3A_71 {
        %add3A_149 = arith.constant 2 : i32
        %add3A_150 = arith.addi %add3A_61, %add3A_149 : i32
        %dma_start3A_151 = arith.constant 0 : i32
        %dma_start3A_152 = arith.constant 2 : i32
        %dma_start3A_153 = arith.constant 0 : i32
        %dma_start3A_154 = arith.constant 0 : i32
        %dma_start3A_155 = tpu.memref_slice %arg8[%dma_start3A_152, %dma_start3A_153, %dma_start3A_154] : memref<4x112x128xf32, #tpu.memory_space<vmem>> -> memref<1x112x128xf32, #tpu.memory_space<vmem>>
        %dma_start3A_156 = tpu.memref_squeeze %dma_start3A_155 : memref<1x112x128xf32, #tpu.memory_space<vmem>> -> memref<112x128xf32, #tpu.memory_space<vmem>>
        %dma_start3A_157 = arith.constant 0 : i32
        %dma_start3A_158 = tpu.memref_slice %arg6[%add3A_150, %dma_start3A_151, %dma_start3A_157] : memref<45x1x112xi32, #tpu.memory_space<vmem>> -> memref<1x1x112xi32, #tpu.memory_space<vmem>>
        %dma_start3A_159 = tpu.memref_squeeze %dma_start3A_158 : memref<1x1x112xi32, #tpu.memory_space<vmem>> -> memref<112xi32, #tpu.memory_space<vmem>>
        %dma_start3A_160 = arith.constant 0 : i32
        %dma_start3A_161 = arith.constant 0 : i32
        %dma_start3A_162 = tpu.memref_slice %arg2[%dma_start3A_160, %dma_start3A_161] : memref<20000x128xf32, #tpu.memory_space<hbm>> -> memref<20000x128xf32, #tpu.memory_space<hbm>>
        tpu.enqueue_indirect_dma source(%dma_start3A_162 : memref<20000x128xf32, #tpu.memory_space<hbm>>) target(%dma_start3A_156 : memref<112x128xf32, #tpu.memory_space<vmem>>) offsets(%dma_start3A_159 : memref<112xi32, #tpu.memory_space<vmem>>) semaphore(%arg12 : memref<!tpu.dma_semaphore, #tpu.memory_space<semaphore_mem>>)
        %dma_start3A_163 = arith.constant 0 : i32
        %dma_start3A_164 = arith.constant 2 : i32
        %dma_start3A_165 = arith.constant 0 : i32
        %dma_start3A_166 = arith.constant 0 : i32
        %dma_start3A_167 = tpu.memref_slice %arg9[%dma_start3A_164, %dma_start3A_165, %dma_start3A_166] : memref<4x112x128xf32, #tpu.memory_space<vmem>> -> memref<1x112x128xf32, #tpu.memory_space<vmem>>
        %dma_start3A_168 = tpu.memref_squeeze %dma_start3A_167 : memref<1x112x128xf32, #tpu.memory_space<vmem>> -> memref<112x128xf32, #tpu.memory_space<vmem>>
        %dma_start3A_169 = arith.constant 0 : i32
        %dma_start3A_170 = tpu.memref_slice %arg7[%add3A_150, %dma_start3A_163, %dma_start3A_169] : memref<45x1x112xi32, #tpu.memory_space<vmem>> -> memref<1x1x112xi32, #tpu.memory_space<vmem>>
        %dma_start3A_171 = tpu.memref_squeeze %dma_start3A_170 : memref<1x1x112xi32, #tpu.memory_space<vmem>> -> memref<112xi32, #tpu.memory_space<vmem>>
        %dma_start3A_172 = arith.constant 0 : i32
        %dma_start3A_173 = arith.constant 0 : i32
        %dma_start3A_174 = tpu.memref_slice %arg2[%dma_start3A_172, %dma_start3A_173] : memref<20000x128xf32, #tpu.memory_space<hbm>> -> memref<20000x128xf32, #tpu.memory_space<hbm>>
        tpu.enqueue_indirect_dma source(%dma_start3A_174 : memref<20000x128xf32, #tpu.memory_space<hbm>>) target(%dma_start3A_168 : memref<112x128xf32, #tpu.memory_space<vmem>>) offsets(%dma_start3A_171 : memref<112xi32, #tpu.memory_space<vmem>>) semaphore(%arg16 : memref<!tpu.dma_semaphore, #tpu.memory_space<semaphore_mem>>)
      } else {
      }
      %lt3A_72 = arith.constant 45 : i32
      %lt3A_73 = arith.cmpi slt, %add3A_61, %lt3A_72 : i32
      %convert_element_type3A_74 = arith.extui %lt3A_73 : i1 to i32
      %cond3A_75 = arith.constant 0 : i32
      %cond3A_76 = arith.cmpi ne, %convert_element_type3A_74, %cond3A_75 : i32
      scf.if %cond3A_76 {
        %dma_wait3A = arith.constant 0 : i32
        %dma_wait3A_149 = arith.constant 0 : i32
        %dma_wait3A_150 = arith.constant 0 : i32
        %dma_wait3A_151 = arith.constant 0 : i32
        %dma_wait3A_152 = tpu.memref_slice %arg8[%dma_wait3A_149, %dma_wait3A_150, %dma_wait3A_151] : memref<4x112x128xf32, #tpu.memory_space<vmem>> -> memref<1x112x128xf32, #tpu.memory_space<vmem>>
        %dma_wait3A_153 = tpu.memref_squeeze %dma_wait3A_152 : memref<1x112x128xf32, #tpu.memory_space<vmem>> -> memref<112x128xf32, #tpu.memory_space<vmem>>
        %dma_wait3A_154 = arith.constant 0 : i32
        %dma_wait3A_155 = tpu.memref_slice %arg6[%add3A_61, %dma_wait3A, %dma_wait3A_154] : memref<45x1x112xi32, #tpu.memory_space<vmem>> -> memref<1x1x112xi32, #tpu.memory_space<vmem>>
        %dma_wait3A_156 = tpu.memref_squeeze %dma_wait3A_155 : memref<1x1x112xi32, #tpu.memory_space<vmem>> -> memref<112xi32, #tpu.memory_space<vmem>>
        %dma_wait3A_157 = arith.constant 0 : i32
        %dma_wait3A_158 = arith.constant 0 : i32
        %dma_wait3A_159 = tpu.memref_slice %arg2[%dma_wait3A_157, %dma_wait3A_158] : memref<20000x128xf32, #tpu.memory_space<hbm>> -> memref<20000x128xf32, #tpu.memory_space<hbm>>
        tpu.wait_indirect_dma semaphore(%arg10 : memref<!tpu.dma_semaphore, #tpu.memory_space<semaphore_mem>>) src(%dma_wait3A_159 : memref<20000x128xf32, #tpu.memory_space<hbm>>) dst(%dma_wait3A_153 : memref<112x128xf32, #tpu.memory_space<vmem>>)
        %dma_wait3A_160 = arith.constant 0 : i32
        %dma_wait3A_161 = arith.constant 0 : i32
        %dma_wait3A_162 = arith.constant 0 : i32
        %dma_wait3A_163 = arith.constant 0 : i32
        %dma_wait3A_164 = tpu.memref_slice %arg9[%dma_wait3A_161, %dma_wait3A_162, %dma_wait3A_163] : memref<4x112x128xf32, #tpu.memory_space<vmem>> -> memref<1x112x128xf32, #tpu.memory_space<vmem>>
        %dma_wait3A_165 = tpu.memref_squeeze %dma_wait3A_164 : memref<1x112x128xf32, #tpu.memory_space<vmem>> -> memref<112x128xf32, #tpu.memory_space<vmem>>
        %dma_wait3A_166 = arith.constant 0 : i32
        %dma_wait3A_167 = tpu.memref_slice %arg7[%add3A_61, %dma_wait3A_160, %dma_wait3A_166] : memref<45x1x112xi32, #tpu.memory_space<vmem>> -> memref<1x1x112xi32, #tpu.memory_space<vmem>>
        %dma_wait3A_168 = tpu.memref_squeeze %dma_wait3A_167 : memref<1x1x112xi32, #tpu.memory_space<vmem>> -> memref<112xi32, #tpu.memory_space<vmem>>
        %dma_wait3A_169 = arith.constant 0 : i32
        %dma_wait3A_170 = arith.constant 0 : i32
        %dma_wait3A_171 = tpu.memref_slice %arg2[%dma_wait3A_169, %dma_wait3A_170] : memref<20000x128xf32, #tpu.memory_space<hbm>> -> memref<20000x128xf32, #tpu.memory_space<hbm>>
        tpu.wait_indirect_dma semaphore(%arg14 : memref<!tpu.dma_semaphore, #tpu.memory_space<semaphore_mem>>) src(%dma_wait3A_171 : memref<20000x128xf32, #tpu.memory_space<hbm>>) dst(%dma_wait3A_165 : memref<112x128xf32, #tpu.memory_space<vmem>>)
        %scan3A_172 = arith.constant 0 : i32
        %scan3A_173 = arith.constant 0 : i32
        %scan3A_174 = arith.constant 112 : i32
        %scan3A_175 = arith.addi %scan3A_173, %scan3A_174 : i32
        %scan3A_176 = arith.constant 1 : i32
        scf.for %scan3A_196 = %scan3A_173 to %scan3A_175 step %scan3A_176  : i32 {
          %get3A = arith.constant 0 : i32
          %get3A_197 = arith.index_cast %get3A : i32 to index
          %get3A_198 = arith.index_cast %scan3A_196 : i32 to index
          %get3A_199 = arith.constant 0 : index
          %get3A_200 = tpu.vector_load %arg8[%get3A_197, %get3A_198, %get3A_199] {strides = array<i32>} : memref<4x112x128xf32, #tpu.memory_space<vmem>>, vector<1x1x16xf32>,
          %get3A_201 = vector.shape_cast %get3A_200 : vector<1x1x16xf32> to vector<16xf32>
          %get3A_202 = arith.constant 0 : i32
          %get3A_203 = arith.index_cast %get3A_202 : i32 to index
          %get3A_204 = arith.index_cast %scan3A_196 : i32 to index
          %get3A_205 = arith.constant 0 : index
          %get3A_206 = tpu.vector_load %arg9[%get3A_203, %get3A_204, %get3A_205] {strides = array<i32>} : memref<4x112x128xf32, #tpu.memory_space<vmem>>, vector<1x1x16xf32>,
          %get3A_207 = vector.shape_cast %get3A_206 : vector<1x1x16xf32> to vector<16xf32>
          %add3A_208 = arith.addf %get3A_201, %get3A_207 : vector<16xf32>
          %swap3A = arith.constant 0 : i32
          %swap3A_209 = arith.index_cast %swap3A : i32 to index
          %swap3A_210 = arith.index_cast %scan3A_196 : i32 to index
          %swap3A_211 = arith.constant 0 : index
          %swap3A_212 = tpu.vector_load %arg8[%swap3A_209, %swap3A_210, %swap3A_211] {strides = array<i32>} : memref<4x112x128xf32, #tpu.memory_space<vmem>>, vector<1x1x16xf32>,
          %swap3A_213 = vector.shape_cast %swap3A_212 : vector<1x1x16xf32> to vector<16xf32>
          %swap3A_214 = vector.shape_cast %add3A_208 : vector<16xf32> to vector<1x1x16xf32>
          tpu.vector_store %arg8[%swap3A_209, %swap3A_210, %swap3A_211], %swap3A_214 {strides = array<i32>} : memref<4x112x128xf32, #tpu.memory_space<vmem>>, vector<1x1x16xf32>,
          %get3A_215 = arith.constant 0 : i32
          %get3A_216 = arith.index_cast %get3A_215 : i32 to index
          %get3A_217 = arith.index_cast %scan3A_196 : i32 to index
          %get3A_218 = arith.constant 16 : index
          %get3A_219 = tpu.vector_load %arg8[%get3A_216, %get3A_217, %get3A_218] {strides = array<i32>} : memref<4x112x128xf32, #tpu.memory_space<vmem>>, vector<1x1x16xf32>,
          %get3A_220 = vector.shape_cast %get3A_219 : vector<1x1x16xf32> to vector<16xf32>
          %get3A_221 = arith.constant 0 : i32
          %get3A_222 = arith.index_cast %get3A_221 : i32 to index
          %get3A_223 = arith.index_cast %scan3A_196 : i32 to index
          %get3A_224 = arith.constant 16 : index
          %get3A_225 = tpu.vector_load %arg9[%get3A_222, %get3A_223, %get3A_224] {strides = array<i32>} : memref<4x112x128xf32, #tpu.memory_space<vmem>>, vector<1x1x16xf32>,
          %get3A_226 = vector.shape_cast %get3A_225 : vector<1x1x16xf32> to vector<16xf32>
          %add3A_227 = arith.addf %get3A_220, %get3A_226 : vector<16xf32>
          %swap3A_228 = arith.constant 0 : i32
          %swap3A_229 = arith.index_cast %swap3A_228 : i32 to index
          %swap3A_230 = arith.index_cast %scan3A_196 : i32 to index
          %swap3A_231 = arith.constant 16 : index
          %swap3A_232 = tpu.vector_load %arg8[%swap3A_229, %swap3A_230, %swap3A_231] {strides = array<i32>} : memref<4x112x128xf32, #tpu.memory_space<vmem>>, vector<1x1x16xf32>,
          %swap3A_233 = vector.shape_cast %swap3A_232 : vector<1x1x16xf32> to vector<16xf32>
          %swap3A_234 = vector.shape_cast %add3A_227 : vector<16xf32> to vector<1x1x16xf32>
          tpu.vector_store %arg8[%swap3A_229, %swap3A_230, %swap3A_231], %swap3A_234 {strides = array<i32>} : memref<4x112x128xf32, #tpu.memory_space<vmem>>, vector<1x1x16xf32>,
          %get3A_235 = arith.constant 0 : i32
          %get3A_236 = arith.index_cast %get3A_235 : i32 to index
          %get3A_237 = arith.index_cast %scan3A_196 : i32 to index
          %get3A_238 = arith.constant 32 : index
          %get3A_239 = tpu.vector_load %arg8[%get3A_236, %get3A_237, %get3A_238] {strides = array<i32>} : memref<4x112x128xf32, #tpu.memory_space<vmem>>, vector<1x1x16xf32>,
          %get3A_240 = vector.shape_cast %get3A_239 : vector<1x1x16xf32> to vector<16xf32>
          %get3A_241 = arith.constant 0 : i32
          %get3A_242 = arith.index_cast %get3A_241 : i32 to index
          %get3A_243 = arith.index_cast %scan3A_196 : i32 to index
          %get3A_244 = arith.constant 32 : index
          %get3A_245 = tpu.vector_load %arg9[%get3A_242, %get3A_243, %get3A_244] {strides = array<i32>} : memref<4x112x128xf32, #tpu.memory_space<vmem>>, vector<1x1x16xf32>,
          %get3A_246 = vector.shape_cast %get3A_245 : vector<1x1x16xf32> to vector<16xf32>
          %add3A_247 = arith.addf %get3A_240, %get3A_246 : vector<16xf32>
          %swap3A_248 = arith.constant 0 : i32
          %swap3A_249 = arith.index_cast %swap3A_248 : i32 to index
          %swap3A_250 = arith.index_cast %scan3A_196 : i32 to index
          %swap3A_251 = arith.constant 32 : index
          %swap3A_252 = tpu.vector_load %arg8[%swap3A_249, %swap3A_250, %swap3A_251] {strides = array<i32>} : memref<4x112x128xf32, #tpu.memory_space<vmem>>, vector<1x1x16xf32>,
          %swap3A_253 = vector.shape_cast %swap3A_252 : vector<1x1x16xf32> to vector<16xf32>
          %swap3A_254 = vector.shape_cast %add3A_247 : vector<16xf32> to vector<1x1x16xf32>
          tpu.vector_store %arg8[%swap3A_249, %swap3A_250, %swap3A_251], %swap3A_254 {strides = array<i32>} : memref<4x112x128xf32, #tpu.memory_space<vmem>>, vector<1x1x16xf32>,
          %get3A_255 = arith.constant 0 : i32
          %get3A_256 = arith.index_cast %get3A_255 : i32 to index
          %get3A_257 = arith.index_cast %scan3A_196 : i32 to index
          %get3A_258 = arith.constant 48 : index
          %get3A_259 = tpu.vector_load %arg8[%get3A_256, %get3A_257, %get3A_258] {strides = array<i32>} : memref<4x112x128xf32, #tpu.memory_space<vmem>>, vector<1x1x16xf32>,
          %get3A_260 = vector.shape_cast %get3A_259 : vector<1x1x16xf32> to vector<16xf32>
          %get3A_261 = arith.constant 0 : i32
          %get3A_262 = arith.index_cast %get3A_261 : i32 to index
          %get3A_263 = arith.index_cast %scan3A_196 : i32 to index
          %get3A_264 = arith.constant 48 : index
          %get3A_265 = tpu.vector_load %arg9[%get3A_262, %get3A_263, %get3A_264] {strides = array<i32>} : memref<4x112x128xf32, #tpu.memory_space<vmem>>, vector<1x1x16xf32>,
          %get3A_266 = vector.shape_cast %get3A_265 : vector<1x1x16xf32> to vector<16xf32>
          %add3A_267 = arith.addf %get3A_260, %get3A_266 : vector<16xf32>
          %swap3A_268 = arith.constant 0 : i32
          %swap3A_269 = arith.index_cast %swap3A_268 : i32 to index
          %swap3A_270 = arith.index_cast %scan3A_196 : i32 to index
          %swap3A_271 = arith.constant 48 : index
          %swap3A_272 = tpu.vector_load %arg8[%swap3A_269, %swap3A_270, %swap3A_271] {strides = array<i32>} : memref<4x112x128xf32, #tpu.memory_space<vmem>>, vector<1x1x16xf32>,
          %swap3A_273 = vector.shape_cast %swap3A_272 : vector<1x1x16xf32> to vector<16xf32>
          %swap3A_274 = vector.shape_cast %add3A_267 : vector<16xf32> to vector<1x1x16xf32>
          tpu.vector_store %arg8[%swap3A_269, %swap3A_270, %swap3A_271], %swap3A_274 {strides = array<i32>} : memref<4x112x128xf32, #tpu.memory_space<vmem>>, vector<1x1x16xf32>,
          %get3A_275 = arith.constant 0 : i32
          %get3A_276 = arith.index_cast %get3A_275 : i32 to index
          %get3A_277 = arith.index_cast %scan3A_196 : i32 to index
          %get3A_278 = arith.constant 64 : index
          %get3A_279 = tpu.vector_load %arg8[%get3A_276, %get3A_277, %get3A_278] {strides = array<i32>} : memref<4x112x128xf32, #tpu.memory_space<vmem>>, vector<1x1x16xf32>,
          %get3A_280 = vector.shape_cast %get3A_279 : vector<1x1x16xf32> to vector<16xf32>
          %get3A_281 = arith.constant 0 : i32
          %get3A_282 = arith.index_cast %get3A_281 : i32 to index
          %get3A_283 = arith.index_cast %scan3A_196 : i32 to index
          %get3A_284 = arith.constant 64 : index
          %get3A_285 = tpu.vector_load %arg9[%get3A_282, %get3A_283, %get3A_284] {strides = array<i32>} : memref<4x112x128xf32, #tpu.memory_space<vmem>>, vector<1x1x16xf32>,
          %get3A_286 = vector.shape_cast %get3A_285 : vector<1x1x16xf32> to vector<16xf32>
          %add3A_287 = arith.addf %get3A_280, %get3A_286 : vector<16xf32>
          %swap3A_288 = arith.constant 0 : i32
          %swap3A_289 = arith.index_cast %swap3A_288 : i32 to index
          %swap3A_290 = arith.index_cast %scan3A_196 : i32 to index
          %swap3A_291 = arith.constant 64 : index
          %swap3A_292 = tpu.vector_load %arg8[%swap3A_289, %swap3A_290, %swap3A_291] {strides = array<i32>} : memref<4x112x128xf32, #tpu.memory_space<vmem>>, vector<1x1x16xf32>,
          %swap3A_293 = vector.shape_cast %swap3A_292 : vector<1x1x16xf32> to vector<16xf32>
          %swap3A_294 = vector.shape_cast %add3A_287 : vector<16xf32> to vector<1x1x16xf32>
          tpu.vector_store %arg8[%swap3A_289, %swap3A_290, %swap3A_291], %swap3A_294 {strides = array<i32>} : memref<4x112x128xf32, #tpu.memory_space<vmem>>, vector<1x1x16xf32>,
          %get3A_295 = arith.constant 0 : i32
          %get3A_296 = arith.index_cast %get3A_295 : i32 to index
          %get3A_297 = arith.index_cast %scan3A_196 : i32 to index
          %get3A_298 = arith.constant 80 : index
          %get3A_299 = tpu.vector_load %arg8[%get3A_296, %get3A_297, %get3A_298] {strides = array<i32>} : memref<4x112x128xf32, #tpu.memory_space<vmem>>, vector<1x1x16xf32>,
          %get3A_300 = vector.shape_cast %get3A_299 : vector<1x1x16xf32> to vector<16xf32>
          %get3A_301 = arith.constant 0 : i32
          %get3A_302 = arith.index_cast %get3A_301 : i32 to index
          %get3A_303 = arith.index_cast %scan3A_196 : i32 to index
          %get3A_304 = arith.constant 80 : index
          %get3A_305 = tpu.vector_load %arg9[%get3A_302, %get3A_303, %get3A_304] {strides = array<i32>} : memref<4x112x128xf32, #tpu.memory_space<vmem>>, vector<1x1x16xf32>,
          %get3A_306 = vector.shape_cast %get3A_305 : vector<1x1x16xf32> to vector<16xf32>
          %add3A_307 = arith.addf %get3A_300, %get3A_306 : vector<16xf32>
          %swap3A_308 = arith.constant 0 : i32
          %swap3A_309 = arith.index_cast %swap3A_308 : i32 to index
          %swap3A_310 = arith.index_cast %scan3A_196 : i32 to index
          %swap3A_311 = arith.constant 80 : index
          %swap3A_312 = tpu.vector_load %arg8[%swap3A_309, %swap3A_310, %swap3A_311] {strides = array<i32>} : memref<4x112x128xf32, #tpu.memory_space<vmem>>, vector<1x1x16xf32>,
          %swap3A_313 = vector.shape_cast %swap3A_312 : vector<1x1x16xf32> to vector<16xf32>
          %swap3A_314 = vector.shape_cast %add3A_307 : vector<16xf32> to vector<1x1x16xf32>
          tpu.vector_store %arg8[%swap3A_309, %swap3A_310, %swap3A_311], %swap3A_314 {strides = array<i32>} : memref<4x112x128xf32, #tpu.memory_space<vmem>>, vector<1x1x16xf32>,
          %get3A_315 = arith.constant 0 : i32
          %get3A_316 = arith.index_cast %get3A_315 : i32 to index
          %get3A_317 = arith.index_cast %scan3A_196 : i32 to index
          %get3A_318 = arith.constant 96 : index
          %get3A_319 = tpu.vector_load %arg8[%get3A_316, %get3A_317, %get3A_318] {strides = array<i32>} : memref<4x112x128xf32, #tpu.memory_space<vmem>>, vector<1x1x16xf32>,
          %get3A_320 = vector.shape_cast %get3A_319 : vector<1x1x16xf32> to vector<16xf32>
          %get3A_321 = arith.constant 0 : i32
          %get3A_322 = arith.index_cast %get3A_321 : i32 to index
          %get3A_323 = arith.index_cast %scan3A_196 : i32 to index
          %get3A_324 = arith.constant 96 : index
          %get3A_325 = tpu.vector_load %arg9[%get3A_322, %get3A_323, %get3A_324] {strides = array<i32>} : memref<4x112x128xf32, #tpu.memory_space<vmem>>, vector<1x1x16xf32>,
          %get3A_326 = vector.shape_cast %get3A_325 : vector<1x1x16xf32> to vector<16xf32>
          %add3A_327 = arith.addf %get3A_320, %get3A_326 : vector<16xf32>
          %swap3A_328 = arith.constant 0 : i32
          %swap3A_329 = arith.index_cast %swap3A_328 : i32 to index
          %swap3A_330 = arith.index_cast %scan3A_196 : i32 to index
          %swap3A_331 = arith.constant 96 : index
          %swap3A_332 = tpu.vector_load %arg8[%swap3A_329, %swap3A_330, %swap3A_331] {strides = array<i32>} : memref<4x112x128xf32, #tpu.memory_space<vmem>>, vector<1x1x16xf32>,
          %swap3A_333 = vector.shape_cast %swap3A_332 : vector<1x1x16xf32> to vector<16xf32>
          %swap3A_334 = vector.shape_cast %add3A_327 : vector<16xf32> to vector<1x1x16xf32>
          tpu.vector_store %arg8[%swap3A_329, %swap3A_330, %swap3A_331], %swap3A_334 {strides = array<i32>} : memref<4x112x128xf32, #tpu.memory_space<vmem>>, vector<1x1x16xf32>,
          %get3A_335 = arith.constant 0 : i32
          %get3A_336 = arith.index_cast %get3A_335 : i32 to index
          %get3A_337 = arith.index_cast %scan3A_196 : i32 to index
          %get3A_338 = arith.constant 112 : index
          %get3A_339 = tpu.vector_load %arg8[%get3A_336, %get3A_337, %get3A_338] {strides = array<i32>} : memref<4x112x128xf32, #tpu.memory_space<vmem>>, vector<1x1x16xf32>,
          %get3A_340 = vector.shape_cast %get3A_339 : vector<1x1x16xf32> to vector<16xf32>
          %get3A_341 = arith.constant 0 : i32
          %get3A_342 = arith.index_cast %get3A_341 : i32 to index
          %get3A_343 = arith.index_cast %scan3A_196 : i32 to index
          %get3A_344 = arith.constant 112 : index
          %get3A_345 = tpu.vector_load %arg9[%get3A_342, %get3A_343, %get3A_344] {strides = array<i32>} : memref<4x112x128xf32, #tpu.memory_space<vmem>>, vector<1x1x16xf32>,
          %get3A_346 = vector.shape_cast %get3A_345 : vector<1x1x16xf32> to vector<16xf32>
          %add3A_347 = arith.addf %get3A_340, %get3A_346 : vector<16xf32>
          %swap3A_348 = arith.constant 0 : i32
          %swap3A_349 = arith.index_cast %swap3A_348 : i32 to index
          %swap3A_350 = arith.index_cast %scan3A_196 : i32 to index
          %swap3A_351 = arith.constant 112 : index
          %swap3A_352 = tpu.vector_load %arg8[%swap3A_349, %swap3A_350, %swap3A_351] {strides = array<i32>} : memref<4x112x128xf32, #tpu.memory_space<vmem>>, vector<1x1x16xf32>,
          %swap3A_353 = vector.shape_cast %swap3A_352 : vector<1x1x16xf32> to vector<16xf32>
          %swap3A_354 = vector.shape_cast %add3A_347 : vector<16xf32> to vector<1x1x16xf32>
          tpu.vector_store %arg8[%swap3A_349, %swap3A_350, %swap3A_351], %swap3A_354 {strides = array<i32>} : memref<4x112x128xf32, #tpu.memory_space<vmem>>, vector<1x1x16xf32>,
        }
        %scan3A_177 = arith.constant 112 : i32
        %mul3A_178 = arith.constant 5040 : i32
        %mul3A_179 = arith.muli %add3A, %mul3A_178 : i32
        %mul3A_180 = arith.constant 112 : i32
        %mul3A_181 = arith.muli %add3A_61, %mul3A_180 : i32
        %add3A_182 = arith.addi %mul3A_179, %mul3A_181 : i32
        %dma_start3A_183 = arith.constant 0 : i32
        %dma_start3A_184 = arith.constant 0 : i32
        %dma_start3A_185 = arith.constant 0 : i32
        %dma_start3A_186 = tpu.memref_slice %arg8[%dma_start3A_183, %dma_start3A_184, %dma_start3A_185] : memref<4x112x128xf32, #tpu.memory_space<vmem>> -> memref<1x112x128xf32, #tpu.memory_space<vmem>>
        %dma_start3A_187 = tpu.memref_squeeze %dma_start3A_186 : memref<1x112x128xf32, #tpu.memory_space<vmem>> -> memref<112x128xf32, #tpu.memory_space<vmem>>
        %dma_start3A_188 = arith.constant 0 : i32
        %dma_start3A_189 = tpu.memref_slice %arg5[%add3A_182, %dma_start3A_188] : memref<161280x128xf32, #tpu.memory_space<hbm>> -> memref<112x128xf32, #tpu.memory_space<hbm>>
        %dma_start3A_190 = arith.constant 0 : i32
        %dma_start3A_191 = tpu.memref_slice %arg5[%add3A_182, %dma_start3A_190] : memref<161280x128xf32, #tpu.memory_space<hbm>> -> memref<112x128xf32, #tpu.memory_space<hbm>>
        %dma_start3A_192 = arith.constant 0 : i32
        %dma_start3A_193 = arith.constant 0 : i32
        %dma_start3A_194 = tpu.memref_slice %arg8[%dma_start3A_183, %dma_start3A_192, %dma_start3A_193] : memref<4x112x128xf32, #tpu.memory_space<vmem>> -> memref<1x112x128xf32, #tpu.memory_space<vmem>>
        %dma_start3A_195 = tpu.memref_squeeze %dma_start3A_194 : memref<1x112x128xf32, #tpu.memory_space<vmem>> -> memref<112x128xf32, #tpu.memory_space<vmem>>
        tpu.enqueue_dma source(%dma_start3A_195 : memref<112x128xf32, #tpu.memory_space<vmem>>) target(%dma_start3A_191 : memref<112x128xf32, #tpu.memory_space<hbm>>) target_semaphore(%arg18 : memref<!tpu.dma_semaphore, #tpu.memory_space<semaphore_mem>>)
      } else {
      }
      %mul3A_77 = arith.constant 4 : i32
      %mul3A_78 = arith.muli %scan3A_57, %mul3A_77 : i32
      %add3A_79 = arith.constant 1 : i32
      %add3A_80 = arith.addi %mul3A_78, %add3A_79 : i32
      %ge3A_81 = arith.constant 2 : i32
      %ge3A_82 = arith.cmpi sge, %add3A_80, %ge3A_81 : i32
      %lt3A_83 = arith.constant 47 : i32
      %lt3A_84 = arith.cmpi slt, %add3A_80, %lt3A_83 : i32
      %and3A_85 = arith.andi %ge3A_82, %lt3A_84 : i1
      %convert_element_type3A_86 = arith.extui %and3A_85 : i1 to i32
      %cond3A_87 = arith.constant 0 : i32
      %cond3A_88 = arith.cmpi ne, %convert_element_type3A_86, %cond3A_87 : i32
      scf.if %cond3A_88 {
        %sub3A = arith.constant 2 : i32
        %sub3A_149 = arith.subi %add3A_80, %sub3A : i32
        %mul3A_150 = arith.constant 5040 : i32
        %mul3A_151 = arith.muli %add3A, %mul3A_150 : i32
        %mul3A_152 = arith.constant 112 : i32
        %mul3A_153 = arith.muli %sub3A_149, %mul3A_152 : i32
        %add3A_154 = arith.addi %mul3A_151, %mul3A_153 : i32
        %dma_wait3A = arith.constant 3 : i32
        %dma_wait3A_155 = arith.constant 0 : i32
        %dma_wait3A_156 = arith.constant 0 : i32
        %dma_wait3A_157 = tpu.memref_slice %arg8[%dma_wait3A, %dma_wait3A_155, %dma_wait3A_156] : memref<4x112x128xf32, #tpu.memory_space<vmem>> -> memref<1x112x128xf32, #tpu.memory_space<vmem>>
        %dma_wait3A_158 = tpu.memref_squeeze %dma_wait3A_157 : memref<1x112x128xf32, #tpu.memory_space<vmem>> -> memref<112x128xf32, #tpu.memory_space<vmem>>
        %dma_wait3A_159 = arith.constant 0 : i32
        %dma_wait3A_160 = tpu.memref_slice %arg5[%add3A_154, %dma_wait3A_159] : memref<161280x128xf32, #tpu.memory_space<hbm>> -> memref<112x128xf32, #tpu.memory_space<hbm>>
        %dma_wait3A_161 = arith.constant 0 : i32
        %dma_wait3A_162 = tpu.memref_slice %arg5[%add3A_154, %dma_wait3A_161] : memref<161280x128xf32, #tpu.memory_space<hbm>> -> memref<112x128xf32, #tpu.memory_space<hbm>>
        %dma_wait3A_163 = arith.constant 0 : i32
        %dma_wait3A_164 = arith.constant 0 : i32
        %dma_wait3A_165 = tpu.memref_slice %arg8[%dma_wait3A, %dma_wait3A_163, %dma_wait3A_164] : memref<4x112x128xf32, #tpu.memory_space<vmem>> -> memref<1x112x128xf32, #tpu.memory_space<vmem>>
        %dma_wait3A_166 = tpu.memref_squeeze %dma_wait3A_165 : memref<1x112x128xf32, #tpu.memory_space<vmem>> -> memref<112x128xf32, #tpu.memory_space<vmem>>
        tpu.wait_dma2 semaphore(%arg21 : memref<!tpu.dma_semaphore, #tpu.memory_space<semaphore_mem>>) src(%dma_wait3A_166 : memref<112x128xf32, #tpu.memory_space<vmem>>) dst(%dma_wait3A_162 : memref<112x128xf32, #tpu.memory_space<hbm>>)
      } else {
      }
      %add3A_89 = arith.constant 2 : i32
      %add3A_90 = arith.addi %add3A_80, %add3A_89 : i32
      %lt3A_91 = arith.constant 45 : i32
      %lt3A_92 = arith.cmpi slt, %add3A_90, %lt3A_91 : i32
      %convert_element_type3A_93 = arith.extui %lt3A_92 : i1 to i32
      %cond3A_94 = arith.constant 0 : i32
      %cond3A_95 = arith.cmpi ne, %convert_element_type3A_93, %cond3A_94 : i32
      scf.if %cond3A_95 {
        %add3A_149 = arith.constant 2 : i32
        %add3A_150 = arith.addi %add3A_80, %add3A_149 : i32
        %dma_start3A_151 = arith.constant 0 : i32
        %dma_start3A_152 = arith.constant 3 : i32
        %dma_start3A_153 = arith.constant 0 : i32
        %dma_start3A_154 = arith.constant 0 : i32
        %dma_start3A_155 = tpu.memref_slice %arg8[%dma_start3A_152, %dma_start3A_153, %dma_start3A_154] : memref<4x112x128xf32, #tpu.memory_space<vmem>> -> memref<1x112x128xf32, #tpu.memory_space<vmem>>
        %dma_start3A_156 = tpu.memref_squeeze %dma_start3A_155 : memref<1x112x128xf32, #tpu.memory_space<vmem>> -> memref<112x128xf32, #tpu.memory_space<vmem>>
        %dma_start3A_157 = arith.constant 0 : i32
        %dma_start3A_158 = tpu.memref_slice %arg6[%add3A_150, %dma_start3A_151, %dma_start3A_157] : memref<45x1x112xi32, #tpu.memory_space<vmem>> -> memref<1x1x112xi32, #tpu.memory_space<vmem>>
        %dma_start3A_159 = tpu.memref_squeeze %dma_start3A_158 : memref<1x1x112xi32, #tpu.memory_space<vmem>> -> memref<112xi32, #tpu.memory_space<vmem>>
        %dma_start3A_160 = arith.constant 0 : i32
        %dma_start3A_161 = arith.constant 0 : i32
        %dma_start3A_162 = tpu.memref_slice %arg2[%dma_start3A_160, %dma_start3A_161] : memref<20000x128xf32, #tpu.memory_space<hbm>> -> memref<20000x128xf32, #tpu.memory_space<hbm>>
        tpu.enqueue_indirect_dma source(%dma_start3A_162 : memref<20000x128xf32, #tpu.memory_space<hbm>>) target(%dma_start3A_156 : memref<112x128xf32, #tpu.memory_space<vmem>>) offsets(%dma_start3A_159 : memref<112xi32, #tpu.memory_space<vmem>>) semaphore(%arg13 : memref<!tpu.dma_semaphore, #tpu.memory_space<semaphore_mem>>)
        %dma_start3A_163 = arith.constant 0 : i32
        %dma_start3A_164 = arith.constant 3 : i32
        %dma_start3A_165 = arith.constant 0 : i32
        %dma_start3A_166 = arith.constant 0 : i32
        %dma_start3A_167 = tpu.memref_slice %arg9[%dma_start3A_164, %dma_start3A_165, %dma_start3A_166] : memref<4x112x128xf32, #tpu.memory_space<vmem>> -> memref<1x112x128xf32, #tpu.memory_space<vmem>>
        %dma_start3A_168 = tpu.memref_squeeze %dma_start3A_167 : memref<1x112x128xf32, #tpu.memory_space<vmem>> -> memref<112x128xf32, #tpu.memory_space<vmem>>
        %dma_start3A_169 = arith.constant 0 : i32
        %dma_start3A_170 = tpu.memref_slice %arg7[%add3A_150, %dma_start3A_163, %dma_start3A_169] : memref<45x1x112xi32, #tpu.memory_space<vmem>> -> memref<1x1x112xi32, #tpu.memory_space<vmem>>
        %dma_start3A_171 = tpu.memref_squeeze %dma_start3A_170 : memref<1x1x112xi32, #tpu.memory_space<vmem>> -> memref<112xi32, #tpu.memory_space<vmem>>
        %dma_start3A_172 = arith.constant 0 : i32
        %dma_start3A_173 = arith.constant 0 : i32
        %dma_start3A_174 = tpu.memref_slice %arg2[%dma_start3A_172, %dma_start3A_173] : memref<20000x128xf32, #tpu.memory_space<hbm>> -> memref<20000x128xf32, #tpu.memory_space<hbm>>
        tpu.enqueue_indirect_dma source(%dma_start3A_174 : memref<20000x128xf32, #tpu.memory_space<hbm>>) target(%dma_start3A_168 : memref<112x128xf32, #tpu.memory_space<vmem>>) offsets(%dma_start3A_171 : memref<112xi32, #tpu.memory_space<vmem>>) semaphore(%arg17 : memref<!tpu.dma_semaphore, #tpu.memory_space<semaphore_mem>>)
      } else {
      }
      %lt3A_96 = arith.constant 45 : i32
      %lt3A_97 = arith.cmpi slt, %add3A_80, %lt3A_96 : i32
      %convert_element_type3A_98 = arith.extui %lt3A_97 : i1 to i32
      %cond3A_99 = arith.constant 0 : i32
      %cond3A_100 = arith.cmpi ne, %convert_element_type3A_98, %cond3A_99 : i32
      scf.if %cond3A_100 {
        %dma_wait3A = arith.constant 0 : i32
        %dma_wait3A_149 = arith.constant 1 : i32
        %dma_wait3A_150 = arith.constant 0 : i32
        %dma_wait3A_151 = arith.constant 0 : i32
        %dma_wait3A_152 = tpu.memref_slice %arg8[%dma_wait3A_149, %dma_wait3A_150, %dma_wait3A_151] : memref<4x112x128xf32, #tpu.memory_space<vmem>> -> memref<1x112x128xf32, #tpu.memory_space<vmem>>
        %dma_wait3A_153 = tpu.memref_squeeze %dma_wait3A_152 : memref<1x112x128xf32, #tpu.memory_space<vmem>> -> memref<112x128xf32, #tpu.memory_space<vmem>>
        %dma_wait3A_154 = arith.constant 0 : i32
        %dma_wait3A_155 = tpu.memref_slice %arg6[%add3A_80, %dma_wait3A, %dma_wait3A_154] : memref<45x1x112xi32, #tpu.memory_space<vmem>> -> memref<1x1x112xi32, #tpu.memory_space<vmem>>
        %dma_wait3A_156 = tpu.memref_squeeze %dma_wait3A_155 : memref<1x1x112xi32, #tpu.memory_space<vmem>> -> memref<112xi32, #tpu.memory_space<vmem>>
        %dma_wait3A_157 = arith.constant 0 : i32
        %dma_wait3A_158 = arith.constant 0 : i32
        %dma_wait3A_159 = tpu.memref_slice %arg2[%dma_wait3A_157, %dma_wait3A_158] : memref<20000x128xf32, #tpu.memory_space<hbm>> -> memref<20000x128xf32, #tpu.memory_space<hbm>>
        tpu.wait_indirect_dma semaphore(%arg11 : memref<!tpu.dma_semaphore, #tpu.memory_space<semaphore_mem>>) src(%dma_wait3A_159 : memref<20000x128xf32, #tpu.memory_space<hbm>>) dst(%dma_wait3A_153 : memref<112x128xf32, #tpu.memory_space<vmem>>)
        %dma_wait3A_160 = arith.constant 0 : i32
        %dma_wait3A_161 = arith.constant 1 : i32
        %dma_wait3A_162 = arith.constant 0 : i32
        %dma_wait3A_163 = arith.constant 0 : i32
        %dma_wait3A_164 = tpu.memref_slice %arg9[%dma_wait3A_161, %dma_wait3A_162, %dma_wait3A_163] : memref<4x112x128xf32, #tpu.memory_space<vmem>> -> memref<1x112x128xf32, #tpu.memory_space<vmem>>
        %dma_wait3A_165 = tpu.memref_squeeze %dma_wait3A_164 : memref<1x112x128xf32, #tpu.memory_space<vmem>> -> memref<112x128xf32, #tpu.memory_space<vmem>>
        %dma_wait3A_166 = arith.constant 0 : i32
        %dma_wait3A_167 = tpu.memref_slice %arg7[%add3A_80, %dma_wait3A_160, %dma_wait3A_166] : memref<45x1x112xi32, #tpu.memory_space<vmem>> -> memref<1x1x112xi32, #tpu.memory_space<vmem>>
        %dma_wait3A_168 = tpu.memref_squeeze %dma_wait3A_167 : memref<1x1x112xi32, #tpu.memory_space<vmem>> -> memref<112xi32, #tpu.memory_space<vmem>>
        %dma_wait3A_169 = arith.constant 0 : i32
        %dma_wait3A_170 = arith.constant 0 : i32
        %dma_wait3A_171 = tpu.memref_slice %arg2[%dma_wait3A_169, %dma_wait3A_170] : memref<20000x128xf32, #tpu.memory_space<hbm>> -> memref<20000x128xf32, #tpu.memory_space<hbm>>
        tpu.wait_indirect_dma semaphore(%arg15 : memref<!tpu.dma_semaphore, #tpu.memory_space<semaphore_mem>>) src(%dma_wait3A_171 : memref<20000x128xf32, #tpu.memory_space<hbm>>) dst(%dma_wait3A_165 : memref<112x128xf32, #tpu.memory_space<vmem>>)
        %scan3A_172 = arith.constant 0 : i32
        %scan3A_173 = arith.constant 0 : i32
        %scan3A_174 = arith.constant 112 : i32
        %scan3A_175 = arith.addi %scan3A_173, %scan3A_174 : i32
        %scan3A_176 = arith.constant 1 : i32
        scf.for %scan3A_196 = %scan3A_173 to %scan3A_175 step %scan3A_176  : i32 {
          %get3A = arith.constant 1 : i32
          %get3A_197 = arith.index_cast %get3A : i32 to index
          %get3A_198 = arith.index_cast %scan3A_196 : i32 to index
          %get3A_199 = arith.constant 0 : index
          %get3A_200 = tpu.vector_load %arg8[%get3A_197, %get3A_198, %get3A_199] {strides = array<i32>} : memref<4x112x128xf32, #tpu.memory_space<vmem>>, vector<1x1x16xf32>,
          %get3A_201 = vector.shape_cast %get3A_200 : vector<1x1x16xf32> to vector<16xf32>
          %get3A_202 = arith.constant 1 : i32
          %get3A_203 = arith.index_cast %get3A_202 : i32 to index
          %get3A_204 = arith.index_cast %scan3A_196 : i32 to index
          %get3A_205 = arith.constant 0 : index
          %get3A_206 = tpu.vector_load %arg9[%get3A_203, %get3A_204, %get3A_205] {strides = array<i32>} : memref<4x112x128xf32, #tpu.memory_space<vmem>>, vector<1x1x16xf32>,
          %get3A_207 = vector.shape_cast %get3A_206 : vector<1x1x16xf32> to vector<16xf32>
          %add3A_208 = arith.addf %get3A_201, %get3A_207 : vector<16xf32>
          %swap3A = arith.constant 1 : i32
          %swap3A_209 = arith.index_cast %swap3A : i32 to index
          %swap3A_210 = arith.index_cast %scan3A_196 : i32 to index
          %swap3A_211 = arith.constant 0 : index
          %swap3A_212 = tpu.vector_load %arg8[%swap3A_209, %swap3A_210, %swap3A_211] {strides = array<i32>} : memref<4x112x128xf32, #tpu.memory_space<vmem>>, vector<1x1x16xf32>,
          %swap3A_213 = vector.shape_cast %swap3A_212 : vector<1x1x16xf32> to vector<16xf32>
          %swap3A_214 = vector.shape_cast %add3A_208 : vector<16xf32> to vector<1x1x16xf32>
          tpu.vector_store %arg8[%swap3A_209, %swap3A_210, %swap3A_211], %swap3A_214 {strides = array<i32>} : memref<4x112x128xf32, #tpu.memory_space<vmem>>, vector<1x1x16xf32>,
          %get3A_215 = arith.constant 1 : i32
          %get3A_216 = arith.index_cast %get3A_215 : i32 to index
          %get3A_217 = arith.index_cast %scan3A_196 : i32 to index
          %get3A_218 = arith.constant 16 : index
          %get3A_219 = tpu.vector_load %arg8[%get3A_216, %get3A_217, %get3A_218] {strides = array<i32>} : memref<4x112x128xf32, #tpu.memory_space<vmem>>, vector<1x1x16xf32>,
          %get3A_220 = vector.shape_cast %get3A_219 : vector<1x1x16xf32> to vector<16xf32>
          %get3A_221 = arith.constant 1 : i32
          %get3A_222 = arith.index_cast %get3A_221 : i32 to index
          %get3A_223 = arith.index_cast %scan3A_196 : i32 to index
          %get3A_224 = arith.constant 16 : index
          %get3A_225 = tpu.vector_load %arg9[%get3A_222, %get3A_223, %get3A_224] {strides = array<i32>} : memref<4x112x128xf32, #tpu.memory_space<vmem>>, vector<1x1x16xf32>,
          %get3A_226 = vector.shape_cast %get3A_225 : vector<1x1x16xf32> to vector<16xf32>
          %add3A_227 = arith.addf %get3A_220, %get3A_226 : vector<16xf32>
          %swap3A_228 = arith.constant 1 : i32
          %swap3A_229 = arith.index_cast %swap3A_228 : i32 to index
          %swap3A_230 = arith.index_cast %scan3A_196 : i32 to index
          %swap3A_231 = arith.constant 16 : index
          %swap3A_232 = tpu.vector_load %arg8[%swap3A_229, %swap3A_230, %swap3A_231] {strides = array<i32>} : memref<4x112x128xf32, #tpu.memory_space<vmem>>, vector<1x1x16xf32>,
          %swap3A_233 = vector.shape_cast %swap3A_232 : vector<1x1x16xf32> to vector<16xf32>
          %swap3A_234 = vector.shape_cast %add3A_227 : vector<16xf32> to vector<1x1x16xf32>
          tpu.vector_store %arg8[%swap3A_229, %swap3A_230, %swap3A_231], %swap3A_234 {strides = array<i32>} : memref<4x112x128xf32, #tpu.memory_space<vmem>>, vector<1x1x16xf32>,
          %get3A_235 = arith.constant 1 : i32
          %get3A_236 = arith.index_cast %get3A_235 : i32 to index
          %get3A_237 = arith.index_cast %scan3A_196 : i32 to index
          %get3A_238 = arith.constant 32 : index
          %get3A_239 = tpu.vector_load %arg8[%get3A_236, %get3A_237, %get3A_238] {strides = array<i32>} : memref<4x112x128xf32, #tpu.memory_space<vmem>>, vector<1x1x16xf32>,
          %get3A_240 = vector.shape_cast %get3A_239 : vector<1x1x16xf32> to vector<16xf32>
          %get3A_241 = arith.constant 1 : i32
          %get3A_242 = arith.index_cast %get3A_241 : i32 to index
          %get3A_243 = arith.index_cast %scan3A_196 : i32 to index
          %get3A_244 = arith.constant 32 : index
          %get3A_245 = tpu.vector_load %arg9[%get3A_242, %get3A_243, %get3A_244] {strides = array<i32>} : memref<4x112x128xf32, #tpu.memory_space<vmem>>, vector<1x1x16xf32>,
          %get3A_246 = vector.shape_cast %get3A_245 : vector<1x1x16xf32> to vector<16xf32>
          %add3A_247 = arith.addf %get3A_240, %get3A_246 : vector<16xf32>
          %swap3A_248 = arith.constant 1 : i32
          %swap3A_249 = arith.index_cast %swap3A_248 : i32 to index
          %swap3A_250 = arith.index_cast %scan3A_196 : i32 to index
          %swap3A_251 = arith.constant 32 : index
          %swap3A_252 = tpu.vector_load %arg8[%swap3A_249, %swap3A_250, %swap3A_251] {strides = array<i32>} : memref<4x112x128xf32, #tpu.memory_space<vmem>>, vector<1x1x16xf32>,
          %swap3A_253 = vector.shape_cast %swap3A_252 : vector<1x1x16xf32> to vector<16xf32>
          %swap3A_254 = vector.shape_cast %add3A_247 : vector<16xf32> to vector<1x1x16xf32>
          tpu.vector_store %arg8[%swap3A_249, %swap3A_250, %swap3A_251], %swap3A_254 {strides = array<i32>} : memref<4x112x128xf32, #tpu.memory_space<vmem>>, vector<1x1x16xf32>,
          %get3A_255 = arith.constant 1 : i32
          %get3A_256 = arith.index_cast %get3A_255 : i32 to index
          %get3A_257 = arith.index_cast %scan3A_196 : i32 to index
          %get3A_258 = arith.constant 48 : index
          %get3A_259 = tpu.vector_load %arg8[%get3A_256, %get3A_257, %get3A_258] {strides = array<i32>} : memref<4x112x128xf32, #tpu.memory_space<vmem>>, vector<1x1x16xf32>,
          %get3A_260 = vector.shape_cast %get3A_259 : vector<1x1x16xf32> to vector<16xf32>
          %get3A_261 = arith.constant 1 : i32
          %get3A_262 = arith.index_cast %get3A_261 : i32 to index
          %get3A_263 = arith.index_cast %scan3A_196 : i32 to index
          %get3A_264 = arith.constant 48 : index
          %get3A_265 = tpu.vector_load %arg9[%get3A_262, %get3A_263, %get3A_264] {strides = array<i32>} : memref<4x112x128xf32, #tpu.memory_space<vmem>>, vector<1x1x16xf32>,
          %get3A_266 = vector.shape_cast %get3A_265 : vector<1x1x16xf32> to vector<16xf32>
          %add3A_267 = arith.addf %get3A_260, %get3A_266 : vector<16xf32>
          %swap3A_268 = arith.constant 1 : i32
          %swap3A_269 = arith.index_cast %swap3A_268 : i32 to index
          %swap3A_270 = arith.index_cast %scan3A_196 : i32 to index
          %swap3A_271 = arith.constant 48 : index
          %swap3A_272 = tpu.vector_load %arg8[%swap3A_269, %swap3A_270, %swap3A_271] {strides = array<i32>} : memref<4x112x128xf32, #tpu.memory_space<vmem>>, vector<1x1x16xf32>,
          %swap3A_273 = vector.shape_cast %swap3A_272 : vector<1x1x16xf32> to vector<16xf32>
          %swap3A_274 = vector.shape_cast %add3A_267 : vector<16xf32> to vector<1x1x16xf32>
          tpu.vector_store %arg8[%swap3A_269, %swap3A_270, %swap3A_271], %swap3A_274 {strides = array<i32>} : memref<4x112x128xf32, #tpu.memory_space<vmem>>, vector<1x1x16xf32>,
          %get3A_275 = arith.constant 1 : i32
          %get3A_276 = arith.index_cast %get3A_275 : i32 to index
          %get3A_277 = arith.index_cast %scan3A_196 : i32 to index
          %get3A_278 = arith.constant 64 : index
          %get3A_279 = tpu.vector_load %arg8[%get3A_276, %get3A_277, %get3A_278] {strides = array<i32>} : memref<4x112x128xf32, #tpu.memory_space<vmem>>, vector<1x1x16xf32>,
          %get3A_280 = vector.shape_cast %get3A_279 : vector<1x1x16xf32> to vector<16xf32>
          %get3A_281 = arith.constant 1 : i32
          %get3A_282 = arith.index_cast %get3A_281 : i32 to index
          %get3A_283 = arith.index_cast %scan3A_196 : i32 to index
          %get3A_284 = arith.constant 64 : index
          %get3A_285 = tpu.vector_load %arg9[%get3A_282, %get3A_283, %get3A_284] {strides = array<i32>} : memref<4x112x128xf32, #tpu.memory_space<vmem>>, vector<1x1x16xf32>,
          %get3A_286 = vector.shape_cast %get3A_285 : vector<1x1x16xf32> to vector<16xf32>
          %add3A_287 = arith.addf %get3A_280, %get3A_286 : vector<16xf32>
          %swap3A_288 = arith.constant 1 : i32
          %swap3A_289 = arith.index_cast %swap3A_288 : i32 to index
          %swap3A_290 = arith.index_cast %scan3A_196 : i32 to index
          %swap3A_291 = arith.constant 64 : index
          %swap3A_292 = tpu.vector_load %arg8[%swap3A_289, %swap3A_290, %swap3A_291] {strides = array<i32>} : memref<4x112x128xf32, #tpu.memory_space<vmem>>, vector<1x1x16xf32>,
          %swap3A_293 = vector.shape_cast %swap3A_292 : vector<1x1x16xf32> to vector<16xf32>
          %swap3A_294 = vector.shape_cast %add3A_287 : vector<16xf32> to vector<1x1x16xf32>
          tpu.vector_store %arg8[%swap3A_289, %swap3A_290, %swap3A_291], %swap3A_294 {strides = array<i32>} : memref<4x112x128xf32, #tpu.memory_space<vmem>>, vector<1x1x16xf32>,
          %get3A_295 = arith.constant 1 : i32
          %get3A_296 = arith.index_cast %get3A_295 : i32 to index
          %get3A_297 = arith.index_cast %scan3A_196 : i32 to index
          %get3A_298 = arith.constant 80 : index
          %get3A_299 = tpu.vector_load %arg8[%get3A_296, %get3A_297, %get3A_298] {strides = array<i32>} : memref<4x112x128xf32, #tpu.memory_space<vmem>>, vector<1x1x16xf32>,
          %get3A_300 = vector.shape_cast %get3A_299 : vector<1x1x16xf32> to vector<16xf32>
          %get3A_301 = arith.constant 1 : i32
          %get3A_302 = arith.index_cast %get3A_301 : i32 to index
          %get3A_303 = arith.index_cast %scan3A_196 : i32 to index
          %get3A_304 = arith.constant 80 : index
          %get3A_305 = tpu.vector_load %arg9[%get3A_302, %get3A_303, %get3A_304] {strides = array<i32>} : memref<4x112x128xf32, #tpu.memory_space<vmem>>, vector<1x1x16xf32>,
          %get3A_306 = vector.shape_cast %get3A_305 : vector<1x1x16xf32> to vector<16xf32>
          %add3A_307 = arith.addf %get3A_300, %get3A_306 : vector<16xf32>
          %swap3A_308 = arith.constant 1 : i32
          %swap3A_309 = arith.index_cast %swap3A_308 : i32 to index
          %swap3A_310 = arith.index_cast %scan3A_196 : i32 to index
          %swap3A_311 = arith.constant 80 : index
          %swap3A_312 = tpu.vector_load %arg8[%swap3A_309, %swap3A_310, %swap3A_311] {strides = array<i32>} : memref<4x112x128xf32, #tpu.memory_space<vmem>>, vector<1x1x16xf32>,
          %swap3A_313 = vector.shape_cast %swap3A_312 : vector<1x1x16xf32> to vector<16xf32>
          %swap3A_314 = vector.shape_cast %add3A_307 : vector<16xf32> to vector<1x1x16xf32>
          tpu.vector_store %arg8[%swap3A_309, %swap3A_310, %swap3A_311], %swap3A_314 {strides = array<i32>} : memref<4x112x128xf32, #tpu.memory_space<vmem>>, vector<1x1x16xf32>,
          %get3A_315 = arith.constant 1 : i32
          %get3A_316 = arith.index_cast %get3A_315 : i32 to index
          %get3A_317 = arith.index_cast %scan3A_196 : i32 to index
          %get3A_318 = arith.constant 96 : index
          %get3A_319 = tpu.vector_load %arg8[%get3A_316, %get3A_317, %get3A_318] {strides = array<i32>} : memref<4x112x128xf32, #tpu.memory_space<vmem>>, vector<1x1x16xf32>,
          %get3A_320 = vector.shape_cast %get3A_319 : vector<1x1x16xf32> to vector<16xf32>
          %get3A_321 = arith.constant 1 : i32
          %get3A_322 = arith.index_cast %get3A_321 : i32 to index
          %get3A_323 = arith.index_cast %scan3A_196 : i32 to index
          %get3A_324 = arith.constant 96 : index
          %get3A_325 = tpu.vector_load %arg9[%get3A_322, %get3A_323, %get3A_324] {strides = array<i32>} : memref<4x112x128xf32, #tpu.memory_space<vmem>>, vector<1x1x16xf32>,
          %get3A_326 = vector.shape_cast %get3A_325 : vector<1x1x16xf32> to vector<16xf32>
          %add3A_327 = arith.addf %get3A_320, %get3A_326 : vector<16xf32>
          %swap3A_328 = arith.constant 1 : i32
          %swap3A_329 = arith.index_cast %swap3A_328 : i32 to index
          %swap3A_330 = arith.index_cast %scan3A_196 : i32 to index
          %swap3A_331 = arith.constant 96 : index
          %swap3A_332 = tpu.vector_load %arg8[%swap3A_329, %swap3A_330, %swap3A_331] {strides = array<i32>} : memref<4x112x128xf32, #tpu.memory_space<vmem>>, vector<1x1x16xf32>,
          %swap3A_333 = vector.shape_cast %swap3A_332 : vector<1x1x16xf32> to vector<16xf32>
          %swap3A_334 = vector.shape_cast %add3A_327 : vector<16xf32> to vector<1x1x16xf32>
          tpu.vector_store %arg8[%swap3A_329, %swap3A_330, %swap3A_331], %swap3A_334 {strides = array<i32>} : memref<4x112x128xf32, #tpu.memory_space<vmem>>, vector<1x1x16xf32>,
          %get3A_335 = arith.constant 1 : i32
          %get3A_336 = arith.index_cast %get3A_335 : i32 to index
          %get3A_337 = arith.index_cast %scan3A_196 : i32 to index
          %get3A_338 = arith.constant 112 : index
          %get3A_339 = tpu.vector_load %arg8[%get3A_336, %get3A_337, %get3A_338] {strides = array<i32>} : memref<4x112x128xf32, #tpu.memory_space<vmem>>, vector<1x1x16xf32>,
          %get3A_340 = vector.shape_cast %get3A_339 : vector<1x1x16xf32> to vector<16xf32>
          %get3A_341 = arith.constant 1 : i32
          %get3A_342 = arith.index_cast %get3A_341 : i32 to index
          %get3A_343 = arith.index_cast %scan3A_196 : i32 to index
          %get3A_344 = arith.constant 112 : index
          %get3A_345 = tpu.vector_load %arg9[%get3A_342, %get3A_343, %get3A_344] {strides = array<i32>} : memref<4x112x128xf32, #tpu.memory_space<vmem>>, vector<1x1x16xf32>,
          %get3A_346 = vector.shape_cast %get3A_345 : vector<1x1x16xf32> to vector<16xf32>
          %add3A_347 = arith.addf %get3A_340, %get3A_346 : vector<16xf32>
          %swap3A_348 = arith.constant 1 : i32
          %swap3A_349 = arith.index_cast %swap3A_348 : i32 to index
          %swap3A_350 = arith.index_cast %scan3A_196 : i32 to index
          %swap3A_351 = arith.constant 112 : index
          %swap3A_352 = tpu.vector_load %arg8[%swap3A_349, %swap3A_350, %swap3A_351] {strides = array<i32>} : memref<4x112x128xf32, #tpu.memory_space<vmem>>, vector<1x1x16xf32>,
          %swap3A_353 = vector.shape_cast %swap3A_352 : vector<1x1x16xf32> to vector<16xf32>
          %swap3A_354 = vector.shape_cast %add3A_347 : vector<16xf32> to vector<1x1x16xf32>
          tpu.vector_store %arg8[%swap3A_349, %swap3A_350, %swap3A_351], %swap3A_354 {strides = array<i32>} : memref<4x112x128xf32, #tpu.memory_space<vmem>>, vector<1x1x16xf32>,
        }
        %scan3A_177 = arith.constant 112 : i32
        %mul3A_178 = arith.constant 5040 : i32
        %mul3A_179 = arith.muli %add3A, %mul3A_178 : i32
        %mul3A_180 = arith.constant 112 : i32
        %mul3A_181 = arith.muli %add3A_80, %mul3A_180 : i32
        %add3A_182 = arith.addi %mul3A_179, %mul3A_181 : i32
        %dma_start3A_183 = arith.constant 1 : i32
        %dma_start3A_184 = arith.constant 0 : i32
        %dma_start3A_185 = arith.constant 0 : i32
        %dma_start3A_186 = tpu.memref_slice %arg8[%dma_start3A_183, %dma_start3A_184, %dma_start3A_185] : memref<4x112x128xf32, #tpu.memory_space<vmem>> -> memref<1x112x128xf32, #tpu.memory_space<vmem>>
        %dma_start3A_187 = tpu.memref_squeeze %dma_start3A_186 : memref<1x112x128xf32, #tpu.memory_space<vmem>> -> memref<112x128xf32, #tpu.memory_space<vmem>>
        %dma_start3A_188 = arith.constant 0 : i32
        %dma_start3A_189 = tpu.memref_slice %arg5[%add3A_182, %dma_start3A_188] : memref<161280x128xf32, #tpu.memory_space<hbm>> -> memref<112x128xf32, #tpu.memory_space<hbm>>
        %dma_start3A_190 = arith.constant 0 : i32
        %dma_start3A_191 = tpu.memref_slice %arg5[%add3A_182, %dma_start3A_190] : memref<161280x128xf32, #tpu.memory_space<hbm>> -> memref<112x128xf32, #tpu.memory_space<hbm>>
        %dma_start3A_192 = arith.constant 0 : i32
        %dma_start3A_193 = arith.constant 0 : i32
        %dma_start3A_194 = tpu.memref_slice %arg8[%dma_start3A_183, %dma_start3A_192, %dma_start3A_193] : memref<4x112x128xf32, #tpu.memory_space<vmem>> -> memref<1x112x128xf32, #tpu.memory_space<vmem>>
        %dma_start3A_195 = tpu.memref_squeeze %dma_start3A_194 : memref<1x112x128xf32, #tpu.memory_space<vmem>> -> memref<112x128xf32, #tpu.memory_space<vmem>>
        tpu.enqueue_dma source(%dma_start3A_195 : memref<112x128xf32, #tpu.memory_space<vmem>>) target(%dma_start3A_191 : memref<112x128xf32, #tpu.memory_space<hbm>>) target_semaphore(%arg19 : memref<!tpu.dma_semaphore, #tpu.memory_space<semaphore_mem>>)
      } else {
      }
      %mul3A_101 = arith.constant 4 : i32
      %mul3A_102 = arith.muli %scan3A_57, %mul3A_101 : i32
      %add3A_103 = arith.constant 2 : i32
      %add3A_104 = arith.addi %mul3A_102, %add3A_103 : i32
      %ge3A_105 = arith.constant 2 : i32
      %ge3A_106 = arith.cmpi sge, %add3A_104, %ge3A_105 : i32
      %lt3A_107 = arith.constant 47 : i32
      %lt3A_108 = arith.cmpi slt, %add3A_104, %lt3A_107 : i32
      %and3A_109 = arith.andi %ge3A_106, %lt3A_108 : i1
      %convert_element_type3A_110 = arith.extui %and3A_109 : i1 to i32
      %cond3A_111 = arith.constant 0 : i32
      %cond3A_112 = arith.cmpi ne, %convert_element_type3A_110, %cond3A_111 : i32
      scf.if %cond3A_112 {
        %sub3A = arith.constant 2 : i32
        %sub3A_149 = arith.subi %add3A_104, %sub3A : i32
        %mul3A_150 = arith.constant 5040 : i32
        %mul3A_151 = arith.muli %add3A, %mul3A_150 : i32
        %mul3A_152 = arith.constant 112 : i32
        %mul3A_153 = arith.muli %sub3A_149, %mul3A_152 : i32
        %add3A_154 = arith.addi %mul3A_151, %mul3A_153 : i32
        %dma_wait3A = arith.constant 0 : i32
        %dma_wait3A_155 = arith.constant 0 : i32
        %dma_wait3A_156 = arith.constant 0 : i32
        %dma_wait3A_157 = tpu.memref_slice %arg8[%dma_wait3A, %dma_wait3A_155, %dma_wait3A_156] : memref<4x112x128xf32, #tpu.memory_space<vmem>> -> memref<1x112x128xf32, #tpu.memory_space<vmem>>
        %dma_wait3A_158 = tpu.memref_squeeze %dma_wait3A_157 : memref<1x112x128xf32, #tpu.memory_space<vmem>> -> memref<112x128xf32, #tpu.memory_space<vmem>>
        %dma_wait3A_159 = arith.constant 0 : i32
        %dma_wait3A_160 = tpu.memref_slice %arg5[%add3A_154, %dma_wait3A_159] : memref<161280x128xf32, #tpu.memory_space<hbm>> -> memref<112x128xf32, #tpu.memory_space<hbm>>
        %dma_wait3A_161 = arith.constant 0 : i32
        %dma_wait3A_162 = tpu.memref_slice %arg5[%add3A_154, %dma_wait3A_161] : memref<161280x128xf32, #tpu.memory_space<hbm>> -> memref<112x128xf32, #tpu.memory_space<hbm>>
        %dma_wait3A_163 = arith.constant 0 : i32
        %dma_wait3A_164 = arith.constant 0 : i32
        %dma_wait3A_165 = tpu.memref_slice %arg8[%dma_wait3A, %dma_wait3A_163, %dma_wait3A_164] : memref<4x112x128xf32, #tpu.memory_space<vmem>> -> memref<1x112x128xf32, #tpu.memory_space<vmem>>
        %dma_wait3A_166 = tpu.memref_squeeze %dma_wait3A_165 : memref<1x112x128xf32, #tpu.memory_space<vmem>> -> memref<112x128xf32, #tpu.memory_space<vmem>>
        tpu.wait_dma2 semaphore(%arg18 : memref<!tpu.dma_semaphore, #tpu.memory_space<semaphore_mem>>) src(%dma_wait3A_166 : memref<112x128xf32, #tpu.memory_space<vmem>>) dst(%dma_wait3A_162 : memref<112x128xf32, #tpu.memory_space<hbm>>)
      } else {
      }
      %add3A_113 = arith.constant 2 : i32
      %add3A_114 = arith.addi %add3A_104, %add3A_113 : i32
      %lt3A_115 = arith.constant 45 : i32
      %lt3A_116 = arith.cmpi slt, %add3A_114, %lt3A_115 : i32
      %convert_element_type3A_117 = arith.extui %lt3A_116 : i1 to i32
      %cond3A_118 = arith.constant 0 : i32
      %cond3A_119 = arith.cmpi ne, %convert_element_type3A_117, %cond3A_118 : i32
      scf.if %cond3A_119 {
        %add3A_149 = arith.constant 2 : i32
        %add3A_150 = arith.addi %add3A_104, %add3A_149 : i32
        %dma_start3A_151 = arith.constant 0 : i32
        %dma_start3A_152 = arith.constant 0 : i32
        %dma_start3A_153 = arith.constant 0 : i32
        %dma_start3A_154 = arith.constant 0 : i32
        %dma_start3A_155 = tpu.memref_slice %arg8[%dma_start3A_152, %dma_start3A_153, %dma_start3A_154] : memref<4x112x128xf32, #tpu.memory_space<vmem>> -> memref<1x112x128xf32, #tpu.memory_space<vmem>>
        %dma_start3A_156 = tpu.memref_squeeze %dma_start3A_155 : memref<1x112x128xf32, #tpu.memory_space<vmem>> -> memref<112x128xf32, #tpu.memory_space<vmem>>
        %dma_start3A_157 = arith.constant 0 : i32
        %dma_start3A_158 = tpu.memref_slice %arg6[%add3A_150, %dma_start3A_151, %dma_start3A_157] : memref<45x1x112xi32, #tpu.memory_space<vmem>> -> memref<1x1x112xi32, #tpu.memory_space<vmem>>
        %dma_start3A_159 = tpu.memref_squeeze %dma_start3A_158 : memref<1x1x112xi32, #tpu.memory_space<vmem>> -> memref<112xi32, #tpu.memory_space<vmem>>
        %dma_start3A_160 = arith.constant 0 : i32
        %dma_start3A_161 = arith.constant 0 : i32
        %dma_start3A_162 = tpu.memref_slice %arg2[%dma_start3A_160, %dma_start3A_161] : memref<20000x128xf32, #tpu.memory_space<hbm>> -> memref<20000x128xf32, #tpu.memory_space<hbm>>
        tpu.enqueue_indirect_dma source(%dma_start3A_162 : memref<20000x128xf32, #tpu.memory_space<hbm>>) target(%dma_start3A_156 : memref<112x128xf32, #tpu.memory_space<vmem>>) offsets(%dma_start3A_159 : memref<112xi32, #tpu.memory_space<vmem>>) semaphore(%arg10 : memref<!tpu.dma_semaphore, #tpu.memory_space<semaphore_mem>>)
        %dma_start3A_163 = arith.constant 0 : i32
        %dma_start3A_164 = arith.constant 0 : i32
        %dma_start3A_165 = arith.constant 0 : i32
        %dma_start3A_166 = arith.constant 0 : i32
        %dma_start3A_167 = tpu.memref_slice %arg9[%dma_start3A_164, %dma_start3A_165, %dma_start3A_166] : memref<4x112x128xf32, #tpu.memory_space<vmem>> -> memref<1x112x128xf32, #tpu.memory_space<vmem>>
        %dma_start3A_168 = tpu.memref_squeeze %dma_start3A_167 : memref<1x112x128xf32, #tpu.memory_space<vmem>> -> memref<112x128xf32, #tpu.memory_space<vmem>>
        %dma_start3A_169 = arith.constant 0 : i32
        %dma_start3A_170 = tpu.memref_slice %arg7[%add3A_150, %dma_start3A_163, %dma_start3A_169] : memref<45x1x112xi32, #tpu.memory_space<vmem>> -> memref<1x1x112xi32, #tpu.memory_space<vmem>>
        %dma_start3A_171 = tpu.memref_squeeze %dma_start3A_170 : memref<1x1x112xi32, #tpu.memory_space<vmem>> -> memref<112xi32, #tpu.memory_space<vmem>>
        %dma_start3A_172 = arith.constant 0 : i32
        %dma_start3A_173 = arith.constant 0 : i32
        %dma_start3A_174 = tpu.memref_slice %arg2[%dma_start3A_172, %dma_start3A_173] : memref<20000x128xf32, #tpu.memory_space<hbm>> -> memref<20000x128xf32, #tpu.memory_space<hbm>>
        tpu.enqueue_indirect_dma source(%dma_start3A_174 : memref<20000x128xf32, #tpu.memory_space<hbm>>) target(%dma_start3A_168 : memref<112x128xf32, #tpu.memory_space<vmem>>) offsets(%dma_start3A_171 : memref<112xi32, #tpu.memory_space<vmem>>) semaphore(%arg14 : memref<!tpu.dma_semaphore, #tpu.memory_space<semaphore_mem>>)
      } else {
      }
      %lt3A_120 = arith.constant 45 : i32
      %lt3A_121 = arith.cmpi slt, %add3A_104, %lt3A_120 : i32
      %convert_element_type3A_122 = arith.extui %lt3A_121 : i1 to i32
      %cond3A_123 = arith.constant 0 : i32
      %cond3A_124 = arith.cmpi ne, %convert_element_type3A_122, %cond3A_123 : i32
      scf.if %cond3A_124 {
        %dma_wait3A = arith.constant 0 : i32
        %dma_wait3A_149 = arith.constant 2 : i32
        %dma_wait3A_150 = arith.constant 0 : i32
        %dma_wait3A_151 = arith.constant 0 : i32
        %dma_wait3A_152 = tpu.memref_slice %arg8[%dma_wait3A_149, %dma_wait3A_150, %dma_wait3A_151] : memref<4x112x128xf32, #tpu.memory_space<vmem>> -> memref<1x112x128xf32, #tpu.memory_space<vmem>>
        %dma_wait3A_153 = tpu.memref_squeeze %dma_wait3A_152 : memref<1x112x128xf32, #tpu.memory_space<vmem>> -> memref<112x128xf32, #tpu.memory_space<vmem>>
        %dma_wait3A_154 = arith.constant 0 : i32
        %dma_wait3A_155 = tpu.memref_slice %arg6[%add3A_104, %dma_wait3A, %dma_wait3A_154] : memref<45x1x112xi32, #tpu.memory_space<vmem>> -> memref<1x1x112xi32, #tpu.memory_space<vmem>>
        %dma_wait3A_156 = tpu.memref_squeeze %dma_wait3A_155 : memref<1x1x112xi32, #tpu.memory_space<vmem>> -> memref<112xi32, #tpu.memory_space<vmem>>
        %dma_wait3A_157 = arith.constant 0 : i32
        %dma_wait3A_158 = arith.constant 0 : i32
        %dma_wait3A_159 = tpu.memref_slice %arg2[%dma_wait3A_157, %dma_wait3A_158] : memref<20000x128xf32, #tpu.memory_space<hbm>> -> memref<20000x128xf32, #tpu.memory_space<hbm>>
        tpu.wait_indirect_dma semaphore(%arg12 : memref<!tpu.dma_semaphore, #tpu.memory_space<semaphore_mem>>) src(%dma_wait3A_159 : memref<20000x128xf32, #tpu.memory_space<hbm>>) dst(%dma_wait3A_153 : memref<112x128xf32, #tpu.memory_space<vmem>>)
        %dma_wait3A_160 = arith.constant 0 : i32
        %dma_wait3A_161 = arith.constant 2 : i32
        %dma_wait3A_162 = arith.constant 0 : i32
        %dma_wait3A_163 = arith.constant 0 : i32
        %dma_wait3A_164 = tpu.memref_slice %arg9[%dma_wait3A_161, %dma_wait3A_162, %dma_wait3A_163] : memref<4x112x128xf32, #tpu.memory_space<vmem>> -> memref<1x112x128xf32, #tpu.memory_space<vmem>>
        %dma_wait3A_165 = tpu.memref_squeeze %dma_wait3A_164 : memref<1x112x128xf32, #tpu.memory_space<vmem>> -> memref<112x128xf32, #tpu.memory_space<vmem>>
        %dma_wait3A_166 = arith.constant 0 : i32
        %dma_wait3A_167 = tpu.memref_slice %arg7[%add3A_104, %dma_wait3A_160, %dma_wait3A_166] : memref<45x1x112xi32, #tpu.memory_space<vmem>> -> memref<1x1x112xi32, #tpu.memory_space<vmem>>
        %dma_wait3A_168 = tpu.memref_squeeze %dma_wait3A_167 : memref<1x1x112xi32, #tpu.memory_space<vmem>> -> memref<112xi32, #tpu.memory_space<vmem>>
        %dma_wait3A_169 = arith.constant 0 : i32
        %dma_wait3A_170 = arith.constant 0 : i32
        %dma_wait3A_171 = tpu.memref_slice %arg2[%dma_wait3A_169, %dma_wait3A_170] : memref<20000x128xf32, #tpu.memory_space<hbm>> -> memref<20000x128xf32, #tpu.memory_space<hbm>>
        tpu.wait_indirect_dma semaphore(%arg16 : memref<!tpu.dma_semaphore, #tpu.memory_space<semaphore_mem>>) src(%dma_wait3A_171 : memref<20000x128xf32, #tpu.memory_space<hbm>>) dst(%dma_wait3A_165 : memref<112x128xf32, #tpu.memory_space<vmem>>)
        %scan3A_172 = arith.constant 0 : i32
        %scan3A_173 = arith.constant 0 : i32
        %scan3A_174 = arith.constant 112 : i32
        %scan3A_175 = arith.addi %scan3A_173, %scan3A_174 : i32
        %scan3A_176 = arith.constant 1 : i32
        scf.for %scan3A_196 = %scan3A_173 to %scan3A_175 step %scan3A_176  : i32 {
          %get3A = arith.constant 2 : i32
          %get3A_197 = arith.index_cast %get3A : i32 to index
          %get3A_198 = arith.index_cast %scan3A_196 : i32 to index
          %get3A_199 = arith.constant 0 : index
          %get3A_200 = tpu.vector_load %arg8[%get3A_197, %get3A_198, %get3A_199] {strides = array<i32>} : memref<4x112x128xf32, #tpu.memory_space<vmem>>, vector<1x1x16xf32>,
          %get3A_201 = vector.shape_cast %get3A_200 : vector<1x1x16xf32> to vector<16xf32>
          %get3A_202 = arith.constant 2 : i32
          %get3A_203 = arith.index_cast %get3A_202 : i32 to index
          %get3A_204 = arith.index_cast %scan3A_196 : i32 to index
          %get3A_205 = arith.constant 0 : index
          %get3A_206 = tpu.vector_load %arg9[%get3A_203, %get3A_204, %get3A_205] {strides = array<i32>} : memref<4x112x128xf32, #tpu.memory_space<vmem>>, vector<1x1x16xf32>,
          %get3A_207 = vector.shape_cast %get3A_206 : vector<1x1x16xf32> to vector<16xf32>
          %add3A_208 = arith.addf %get3A_201, %get3A_207 : vector<16xf32>
          %swap3A = arith.constant 2 : i32
          %swap3A_209 = arith.index_cast %swap3A : i32 to index
          %swap3A_210 = arith.index_cast %scan3A_196 : i32 to index
          %swap3A_211 = arith.constant 0 : index
          %swap3A_212 = tpu.vector_load %arg8[%swap3A_209, %swap3A_210, %swap3A_211] {strides = array<i32>} : memref<4x112x128xf32, #tpu.memory_space<vmem>>, vector<1x1x16xf32>,
          %swap3A_213 = vector.shape_cast %swap3A_212 : vector<1x1x16xf32> to vector<16xf32>
          %swap3A_214 = vector.shape_cast %add3A_208 : vector<16xf32> to vector<1x1x16xf32>
          tpu.vector_store %arg8[%swap3A_209, %swap3A_210, %swap3A_211], %swap3A_214 {strides = array<i32>} : memref<4x112x128xf32, #tpu.memory_space<vmem>>, vector<1x1x16xf32>,
          %get3A_215 = arith.constant 2 : i32
          %get3A_216 = arith.index_cast %get3A_215 : i32 to index
          %get3A_217 = arith.index_cast %scan3A_196 : i32 to index
          %get3A_218 = arith.constant 16 : index
          %get3A_219 = tpu.vector_load %arg8[%get3A_216, %get3A_217, %get3A_218] {strides = array<i32>} : memref<4x112x128xf32, #tpu.memory_space<vmem>>, vector<1x1x16xf32>,
          %get3A_220 = vector.shape_cast %get3A_219 : vector<1x1x16xf32> to vector<16xf32>
          %get3A_221 = arith.constant 2 : i32
          %get3A_222 = arith.index_cast %get3A_221 : i32 to index
          %get3A_223 = arith.index_cast %scan3A_196 : i32 to index
          %get3A_224 = arith.constant 16 : index
          %get3A_225 = tpu.vector_load %arg9[%get3A_222, %get3A_223, %get3A_224] {strides = array<i32>} : memref<4x112x128xf32, #tpu.memory_space<vmem>>, vector<1x1x16xf32>,
          %get3A_226 = vector.shape_cast %get3A_225 : vector<1x1x16xf32> to vector<16xf32>
          %add3A_227 = arith.addf %get3A_220, %get3A_226 : vector<16xf32>
          %swap3A_228 = arith.constant 2 : i32
          %swap3A_229 = arith.index_cast %swap3A_228 : i32 to index
          %swap3A_230 = arith.index_cast %scan3A_196 : i32 to index
          %swap3A_231 = arith.constant 16 : index
          %swap3A_232 = tpu.vector_load %arg8[%swap3A_229, %swap3A_230, %swap3A_231] {strides = array<i32>} : memref<4x112x128xf32, #tpu.memory_space<vmem>>, vector<1x1x16xf32>,
          %swap3A_233 = vector.shape_cast %swap3A_232 : vector<1x1x16xf32> to vector<16xf32>
          %swap3A_234 = vector.shape_cast %add3A_227 : vector<16xf32> to vector<1x1x16xf32>
          tpu.vector_store %arg8[%swap3A_229, %swap3A_230, %swap3A_231], %swap3A_234 {strides = array<i32>} : memref<4x112x128xf32, #tpu.memory_space<vmem>>, vector<1x1x16xf32>,
          %get3A_235 = arith.constant 2 : i32
          %get3A_236 = arith.index_cast %get3A_235 : i32 to index
          %get3A_237 = arith.index_cast %scan3A_196 : i32 to index
          %get3A_238 = arith.constant 32 : index
          %get3A_239 = tpu.vector_load %arg8[%get3A_236, %get3A_237, %get3A_238] {strides = array<i32>} : memref<4x112x128xf32, #tpu.memory_space<vmem>>, vector<1x1x16xf32>,
          %get3A_240 = vector.shape_cast %get3A_239 : vector<1x1x16xf32> to vector<16xf32>
          %get3A_241 = arith.constant 2 : i32
          %get3A_242 = arith.index_cast %get3A_241 : i32 to index
          %get3A_243 = arith.index_cast %scan3A_196 : i32 to index
          %get3A_244 = arith.constant 32 : index
          %get3A_245 = tpu.vector_load %arg9[%get3A_242, %get3A_243, %get3A_244] {strides = array<i32>} : memref<4x112x128xf32, #tpu.memory_space<vmem>>, vector<1x1x16xf32>,
          %get3A_246 = vector.shape_cast %get3A_245 : vector<1x1x16xf32> to vector<16xf32>
          %add3A_247 = arith.addf %get3A_240, %get3A_246 : vector<16xf32>
          %swap3A_248 = arith.constant 2 : i32
          %swap3A_249 = arith.index_cast %swap3A_248 : i32 to index
          %swap3A_250 = arith.index_cast %scan3A_196 : i32 to index
          %swap3A_251 = arith.constant 32 : index
          %swap3A_252 = tpu.vector_load %arg8[%swap3A_249, %swap3A_250, %swap3A_251] {strides = array<i32>} : memref<4x112x128xf32, #tpu.memory_space<vmem>>, vector<1x1x16xf32>,
          %swap3A_253 = vector.shape_cast %swap3A_252 : vector<1x1x16xf32> to vector<16xf32>
          %swap3A_254 = vector.shape_cast %add3A_247 : vector<16xf32> to vector<1x1x16xf32>
          tpu.vector_store %arg8[%swap3A_249, %swap3A_250, %swap3A_251], %swap3A_254 {strides = array<i32>} : memref<4x112x128xf32, #tpu.memory_space<vmem>>, vector<1x1x16xf32>,
          %get3A_255 = arith.constant 2 : i32
          %get3A_256 = arith.index_cast %get3A_255 : i32 to index
          %get3A_257 = arith.index_cast %scan3A_196 : i32 to index
          %get3A_258 = arith.constant 48 : index
          %get3A_259 = tpu.vector_load %arg8[%get3A_256, %get3A_257, %get3A_258] {strides = array<i32>} : memref<4x112x128xf32, #tpu.memory_space<vmem>>, vector<1x1x16xf32>,
          %get3A_260 = vector.shape_cast %get3A_259 : vector<1x1x16xf32> to vector<16xf32>
          %get3A_261 = arith.constant 2 : i32
          %get3A_262 = arith.index_cast %get3A_261 : i32 to index
          %get3A_263 = arith.index_cast %scan3A_196 : i32 to index
          %get3A_264 = arith.constant 48 : index
          %get3A_265 = tpu.vector_load %arg9[%get3A_262, %get3A_263, %get3A_264] {strides = array<i32>} : memref<4x112x128xf32, #tpu.memory_space<vmem>>, vector<1x1x16xf32>,
          %get3A_266 = vector.shape_cast %get3A_265 : vector<1x1x16xf32> to vector<16xf32>
          %add3A_267 = arith.addf %get3A_260, %get3A_266 : vector<16xf32>
          %swap3A_268 = arith.constant 2 : i32
          %swap3A_269 = arith.index_cast %swap3A_268 : i32 to index
          %swap3A_270 = arith.index_cast %scan3A_196 : i32 to index
          %swap3A_271 = arith.constant 48 : index
          %swap3A_272 = tpu.vector_load %arg8[%swap3A_269, %swap3A_270, %swap3A_271] {strides = array<i32>} : memref<4x112x128xf32, #tpu.memory_space<vmem>>, vector<1x1x16xf32>,
          %swap3A_273 = vector.shape_cast %swap3A_272 : vector<1x1x16xf32> to vector<16xf32>
          %swap3A_274 = vector.shape_cast %add3A_267 : vector<16xf32> to vector<1x1x16xf32>
          tpu.vector_store %arg8[%swap3A_269, %swap3A_270, %swap3A_271], %swap3A_274 {strides = array<i32>} : memref<4x112x128xf32, #tpu.memory_space<vmem>>, vector<1x1x16xf32>,
          %get3A_275 = arith.constant 2 : i32
          %get3A_276 = arith.index_cast %get3A_275 : i32 to index
          %get3A_277 = arith.index_cast %scan3A_196 : i32 to index
          %get3A_278 = arith.constant 64 : index
          %get3A_279 = tpu.vector_load %arg8[%get3A_276, %get3A_277, %get3A_278] {strides = array<i32>} : memref<4x112x128xf32, #tpu.memory_space<vmem>>, vector<1x1x16xf32>,
          %get3A_280 = vector.shape_cast %get3A_279 : vector<1x1x16xf32> to vector<16xf32>
          %get3A_281 = arith.constant 2 : i32
          %get3A_282 = arith.index_cast %get3A_281 : i32 to index
          %get3A_283 = arith.index_cast %scan3A_196 : i32 to index
          %get3A_284 = arith.constant 64 : index
          %get3A_285 = tpu.vector_load %arg9[%get3A_282, %get3A_283, %get3A_284] {strides = array<i32>} : memref<4x112x128xf32, #tpu.memory_space<vmem>>, vector<1x1x16xf32>,
          %get3A_286 = vector.shape_cast %get3A_285 : vector<1x1x16xf32> to vector<16xf32>
          %add3A_287 = arith.addf %get3A_280, %get3A_286 : vector<16xf32>
          %swap3A_288 = arith.constant 2 : i32
          %swap3A_289 = arith.index_cast %swap3A_288 : i32 to index
          %swap3A_290 = arith.index_cast %scan3A_196 : i32 to index
          %swap3A_291 = arith.constant 64 : index
          %swap3A_292 = tpu.vector_load %arg8[%swap3A_289, %swap3A_290, %swap3A_291] {strides = array<i32>} : memref<4x112x128xf32, #tpu.memory_space<vmem>>, vector<1x1x16xf32>,
          %swap3A_293 = vector.shape_cast %swap3A_292 : vector<1x1x16xf32> to vector<16xf32>
          %swap3A_294 = vector.shape_cast %add3A_287 : vector<16xf32> to vector<1x1x16xf32>
          tpu.vector_store %arg8[%swap3A_289, %swap3A_290, %swap3A_291], %swap3A_294 {strides = array<i32>} : memref<4x112x128xf32, #tpu.memory_space<vmem>>, vector<1x1x16xf32>,
          %get3A_295 = arith.constant 2 : i32
          %get3A_296 = arith.index_cast %get3A_295 : i32 to index
          %get3A_297 = arith.index_cast %scan3A_196 : i32 to index
          %get3A_298 = arith.constant 80 : index
          %get3A_299 = tpu.vector_load %arg8[%get3A_296, %get3A_297, %get3A_298] {strides = array<i32>} : memref<4x112x128xf32, #tpu.memory_space<vmem>>, vector<1x1x16xf32>,
          %get3A_300 = vector.shape_cast %get3A_299 : vector<1x1x16xf32> to vector<16xf32>
          %get3A_301 = arith.constant 2 : i32
          %get3A_302 = arith.index_cast %get3A_301 : i32 to index
          %get3A_303 = arith.index_cast %scan3A_196 : i32 to index
          %get3A_304 = arith.constant 80 : index
          %get3A_305 = tpu.vector_load %arg9[%get3A_302, %get3A_303, %get3A_304] {strides = array<i32>} : memref<4x112x128xf32, #tpu.memory_space<vmem>>, vector<1x1x16xf32>,
          %get3A_306 = vector.shape_cast %get3A_305 : vector<1x1x16xf32> to vector<16xf32>
          %add3A_307 = arith.addf %get3A_300, %get3A_306 : vector<16xf32>
          %swap3A_308 = arith.constant 2 : i32
          %swap3A_309 = arith.index_cast %swap3A_308 : i32 to index
          %swap3A_310 = arith.index_cast %scan3A_196 : i32 to index
          %swap3A_311 = arith.constant 80 : index
          %swap3A_312 = tpu.vector_load %arg8[%swap3A_309, %swap3A_310, %swap3A_311] {strides = array<i32>} : memref<4x112x128xf32, #tpu.memory_space<vmem>>, vector<1x1x16xf32>,
          %swap3A_313 = vector.shape_cast %swap3A_312 : vector<1x1x16xf32> to vector<16xf32>
          %swap3A_314 = vector.shape_cast %add3A_307 : vector<16xf32> to vector<1x1x16xf32>
          tpu.vector_store %arg8[%swap3A_309, %swap3A_310, %swap3A_311], %swap3A_314 {strides = array<i32>} : memref<4x112x128xf32, #tpu.memory_space<vmem>>, vector<1x1x16xf32>,
          %get3A_315 = arith.constant 2 : i32
          %get3A_316 = arith.index_cast %get3A_315 : i32 to index
          %get3A_317 = arith.index_cast %scan3A_196 : i32 to index
          %get3A_318 = arith.constant 96 : index
          %get3A_319 = tpu.vector_load %arg8[%get3A_316, %get3A_317, %get3A_318] {strides = array<i32>} : memref<4x112x128xf32, #tpu.memory_space<vmem>>, vector<1x1x16xf32>,
          %get3A_320 = vector.shape_cast %get3A_319 : vector<1x1x16xf32> to vector<16xf32>
          %get3A_321 = arith.constant 2 : i32
          %get3A_322 = arith.index_cast %get3A_321 : i32 to index
          %get3A_323 = arith.index_cast %scan3A_196 : i32 to index
          %get3A_324 = arith.constant 96 : index
          %get3A_325 = tpu.vector_load %arg9[%get3A_322, %get3A_323, %get3A_324] {strides = array<i32>} : memref<4x112x128xf32, #tpu.memory_space<vmem>>, vector<1x1x16xf32>,
          %get3A_326 = vector.shape_cast %get3A_325 : vector<1x1x16xf32> to vector<16xf32>
          %add3A_327 = arith.addf %get3A_320, %get3A_326 : vector<16xf32>
          %swap3A_328 = arith.constant 2 : i32
          %swap3A_329 = arith.index_cast %swap3A_328 : i32 to index
          %swap3A_330 = arith.index_cast %scan3A_196 : i32 to index
          %swap3A_331 = arith.constant 96 : index
          %swap3A_332 = tpu.vector_load %arg8[%swap3A_329, %swap3A_330, %swap3A_331] {strides = array<i32>} : memref<4x112x128xf32, #tpu.memory_space<vmem>>, vector<1x1x16xf32>,
          %swap3A_333 = vector.shape_cast %swap3A_332 : vector<1x1x16xf32> to vector<16xf32>
          %swap3A_334 = vector.shape_cast %add3A_327 : vector<16xf32> to vector<1x1x16xf32>
          tpu.vector_store %arg8[%swap3A_329, %swap3A_330, %swap3A_331], %swap3A_334 {strides = array<i32>} : memref<4x112x128xf32, #tpu.memory_space<vmem>>, vector<1x1x16xf32>,
          %get3A_335 = arith.constant 2 : i32
          %get3A_336 = arith.index_cast %get3A_335 : i32 to index
          %get3A_337 = arith.index_cast %scan3A_196 : i32 to index
          %get3A_338 = arith.constant 112 : index
          %get3A_339 = tpu.vector_load %arg8[%get3A_336, %get3A_337, %get3A_338] {strides = array<i32>} : memref<4x112x128xf32, #tpu.memory_space<vmem>>, vector<1x1x16xf32>,
          %get3A_340 = vector.shape_cast %get3A_339 : vector<1x1x16xf32> to vector<16xf32>
          %get3A_341 = arith.constant 2 : i32
          %get3A_342 = arith.index_cast %get3A_341 : i32 to index
          %get3A_343 = arith.index_cast %scan3A_196 : i32 to index
          %get3A_344 = arith.constant 112 : index
          %get3A_345 = tpu.vector_load %arg9[%get3A_342, %get3A_343, %get3A_344] {strides = array<i32>} : memref<4x112x128xf32, #tpu.memory_space<vmem>>, vector<1x1x16xf32>,
          %get3A_346 = vector.shape_cast %get3A_345 : vector<1x1x16xf32> to vector<16xf32>
          %add3A_347 = arith.addf %get3A_340, %get3A_346 : vector<16xf32>
          %swap3A_348 = arith.constant 2 : i32
          %swap3A_349 = arith.index_cast %swap3A_348 : i32 to index
          %swap3A_350 = arith.index_cast %scan3A_196 : i32 to index
          %swap3A_351 = arith.constant 112 : index
          %swap3A_352 = tpu.vector_load %arg8[%swap3A_349, %swap3A_350, %swap3A_351] {strides = array<i32>} : memref<4x112x128xf32, #tpu.memory_space<vmem>>, vector<1x1x16xf32>,
          %swap3A_353 = vector.shape_cast %swap3A_352 : vector<1x1x16xf32> to vector<16xf32>
          %swap3A_354 = vector.shape_cast %add3A_347 : vector<16xf32> to vector<1x1x16xf32>
          tpu.vector_store %arg8[%swap3A_349, %swap3A_350, %swap3A_351], %swap3A_354 {strides = array<i32>} : memref<4x112x128xf32, #tpu.memory_space<vmem>>, vector<1x1x16xf32>,
        }
        %scan3A_177 = arith.constant 112 : i32
        %mul3A_178 = arith.constant 5040 : i32
        %mul3A_179 = arith.muli %add3A, %mul3A_178 : i32
        %mul3A_180 = arith.constant 112 : i32
        %mul3A_181 = arith.muli %add3A_104, %mul3A_180 : i32
        %add3A_182 = arith.addi %mul3A_179, %mul3A_181 : i32
        %dma_start3A_183 = arith.constant 2 : i32
        %dma_start3A_184 = arith.constant 0 : i32
        %dma_start3A_185 = arith.constant 0 : i32
        %dma_start3A_186 = tpu.memref_slice %arg8[%dma_start3A_183, %dma_start3A_184, %dma_start3A_185] : memref<4x112x128xf32, #tpu.memory_space<vmem>> -> memref<1x112x128xf32, #tpu.memory_space<vmem>>
        %dma_start3A_187 = tpu.memref_squeeze %dma_start3A_186 : memref<1x112x128xf32, #tpu.memory_space<vmem>> -> memref<112x128xf32, #tpu.memory_space<vmem>>
        %dma_start3A_188 = arith.constant 0 : i32
        %dma_start3A_189 = tpu.memref_slice %arg5[%add3A_182, %dma_start3A_188] : memref<161280x128xf32, #tpu.memory_space<hbm>> -> memref<112x128xf32, #tpu.memory_space<hbm>>
        %dma_start3A_190 = arith.constant 0 : i32
        %dma_start3A_191 = tpu.memref_slice %arg5[%add3A_182, %dma_start3A_190] : memref<161280x128xf32, #tpu.memory_space<hbm>> -> memref<112x128xf32, #tpu.memory_space<hbm>>
        %dma_start3A_192 = arith.constant 0 : i32
        %dma_start3A_193 = arith.constant 0 : i32
        %dma_start3A_194 = tpu.memref_slice %arg8[%dma_start3A_183, %dma_start3A_192, %dma_start3A_193] : memref<4x112x128xf32, #tpu.memory_space<vmem>> -> memref<1x112x128xf32, #tpu.memory_space<vmem>>
        %dma_start3A_195 = tpu.memref_squeeze %dma_start3A_194 : memref<1x112x128xf32, #tpu.memory_space<vmem>> -> memref<112x128xf32, #tpu.memory_space<vmem>>
        tpu.enqueue_dma source(%dma_start3A_195 : memref<112x128xf32, #tpu.memory_space<vmem>>) target(%dma_start3A_191 : memref<112x128xf32, #tpu.memory_space<hbm>>) target_semaphore(%arg20 : memref<!tpu.dma_semaphore, #tpu.memory_space<semaphore_mem>>)
      } else {
      }
      %mul3A_125 = arith.constant 4 : i32
      %mul3A_126 = arith.muli %scan3A_57, %mul3A_125 : i32
      %add3A_127 = arith.constant 3 : i32
      %add3A_128 = arith.addi %mul3A_126, %add3A_127 : i32
      %ge3A_129 = arith.constant 2 : i32
      %ge3A_130 = arith.cmpi sge, %add3A_128, %ge3A_129 : i32
      %lt3A_131 = arith.constant 47 : i32
      %lt3A_132 = arith.cmpi slt, %add3A_128, %lt3A_131 : i32
      %and3A_133 = arith.andi %ge3A_130, %lt3A_132 : i1
      %convert_element_type3A_134 = arith.extui %and3A_133 : i1 to i32
      %cond3A_135 = arith.constant 0 : i32
      %cond3A_136 = arith.cmpi ne, %convert_element_type3A_134, %cond3A_135 : i32
      scf.if %cond3A_136 {
        %sub3A = arith.constant 2 : i32
        %sub3A_149 = arith.subi %add3A_128, %sub3A : i32
        %mul3A_150 = arith.constant 5040 : i32
        %mul3A_151 = arith.muli %add3A, %mul3A_150 : i32
        %mul3A_152 = arith.constant 112 : i32
        %mul3A_153 = arith.muli %sub3A_149, %mul3A_152 : i32
        %add3A_154 = arith.addi %mul3A_151, %mul3A_153 : i32
        %dma_wait3A = arith.constant 1 : i32
        %dma_wait3A_155 = arith.constant 0 : i32
        %dma_wait3A_156 = arith.constant 0 : i32
        %dma_wait3A_157 = tpu.memref_slice %arg8[%dma_wait3A, %dma_wait3A_155, %dma_wait3A_156] : memref<4x112x128xf32, #tpu.memory_space<vmem>> -> memref<1x112x128xf32, #tpu.memory_space<vmem>>
        %dma_wait3A_158 = tpu.memref_squeeze %dma_wait3A_157 : memref<1x112x128xf32, #tpu.memory_space<vmem>> -> memref<112x128xf32, #tpu.memory_space<vmem>>
        %dma_wait3A_159 = arith.constant 0 : i32
        %dma_wait3A_160 = tpu.memref_slice %arg5[%add3A_154, %dma_wait3A_159] : memref<161280x128xf32, #tpu.memory_space<hbm>> -> memref<112x128xf32, #tpu.memory_space<hbm>>
        %dma_wait3A_161 = arith.constant 0 : i32
        %dma_wait3A_162 = tpu.memref_slice %arg5[%add3A_154, %dma_wait3A_161] : memref<161280x128xf32, #tpu.memory_space<hbm>> -> memref<112x128xf32, #tpu.memory_space<hbm>>
        %dma_wait3A_163 = arith.constant 0 : i32
        %dma_wait3A_164 = arith.constant 0 : i32
        %dma_wait3A_165 = tpu.memref_slice %arg8[%dma_wait3A, %dma_wait3A_163, %dma_wait3A_164] : memref<4x112x128xf32, #tpu.memory_space<vmem>> -> memref<1x112x128xf32, #tpu.memory_space<vmem>>
        %dma_wait3A_166 = tpu.memref_squeeze %dma_wait3A_165 : memref<1x112x128xf32, #tpu.memory_space<vmem>> -> memref<112x128xf32, #tpu.memory_space<vmem>>
        tpu.wait_dma2 semaphore(%arg19 : memref<!tpu.dma_semaphore, #tpu.memory_space<semaphore_mem>>) src(%dma_wait3A_166 : memref<112x128xf32, #tpu.memory_space<vmem>>) dst(%dma_wait3A_162 : memref<112x128xf32, #tpu.memory_space<hbm>>)
      } else {
      }
      %add3A_137 = arith.constant 2 : i32
      %add3A_138 = arith.addi %add3A_128, %add3A_137 : i32
      %lt3A_139 = arith.constant 45 : i32
      %lt3A_140 = arith.cmpi slt, %add3A_138, %lt3A_139 : i32
      %convert_element_type3A_141 = arith.extui %lt3A_140 : i1 to i32
      %cond3A_142 = arith.constant 0 : i32
      %cond3A_143 = arith.cmpi ne, %convert_element_type3A_141, %cond3A_142 : i32
      scf.if %cond3A_143 {
        %add3A_149 = arith.constant 2 : i32
        %add3A_150 = arith.addi %add3A_128, %add3A_149 : i32
        %dma_start3A_151 = arith.constant 0 : i32
        %dma_start3A_152 = arith.constant 1 : i32
        %dma_start3A_153 = arith.constant 0 : i32
        %dma_start3A_154 = arith.constant 0 : i32
        %dma_start3A_155 = tpu.memref_slice %arg8[%dma_start3A_152, %dma_start3A_153, %dma_start3A_154] : memref<4x112x128xf32, #tpu.memory_space<vmem>> -> memref<1x112x128xf32, #tpu.memory_space<vmem>>
        %dma_start3A_156 = tpu.memref_squeeze %dma_start3A_155 : memref<1x112x128xf32, #tpu.memory_space<vmem>> -> memref<112x128xf32, #tpu.memory_space<vmem>>
        %dma_start3A_157 = arith.constant 0 : i32
        %dma_start3A_158 = tpu.memref_slice %arg6[%add3A_150, %dma_start3A_151, %dma_start3A_157] : memref<45x1x112xi32, #tpu.memory_space<vmem>> -> memref<1x1x112xi32, #tpu.memory_space<vmem>>
        %dma_start3A_159 = tpu.memref_squeeze %dma_start3A_158 : memref<1x1x112xi32, #tpu.memory_space<vmem>> -> memref<112xi32, #tpu.memory_space<vmem>>
        %dma_start3A_160 = arith.constant 0 : i32
        %dma_start3A_161 = arith.constant 0 : i32
        %dma_start3A_162 = tpu.memref_slice %arg2[%dma_start3A_160, %dma_start3A_161] : memref<20000x128xf32, #tpu.memory_space<hbm>> -> memref<20000x128xf32, #tpu.memory_space<hbm>>
        tpu.enqueue_indirect_dma source(%dma_start3A_162 : memref<20000x128xf32, #tpu.memory_space<hbm>>) target(%dma_start3A_156 : memref<112x128xf32, #tpu.memory_space<vmem>>) offsets(%dma_start3A_159 : memref<112xi32, #tpu.memory_space<vmem>>) semaphore(%arg11 : memref<!tpu.dma_semaphore, #tpu.memory_space<semaphore_mem>>)
        %dma_start3A_163 = arith.constant 0 : i32
        %dma_start3A_164 = arith.constant 1 : i32
        %dma_start3A_165 = arith.constant 0 : i32
        %dma_start3A_166 = arith.constant 0 : i32
        %dma_start3A_167 = tpu.memref_slice %arg9[%dma_start3A_164, %dma_start3A_165, %dma_start3A_166] : memref<4x112x128xf32, #tpu.memory_space<vmem>> -> memref<1x112x128xf32, #tpu.memory_space<vmem>>
        %dma_start3A_168 = tpu.memref_squeeze %dma_start3A_167 : memref<1x112x128xf32, #tpu.memory_space<vmem>> -> memref<112x128xf32, #tpu.memory_space<vmem>>
        %dma_start3A_169 = arith.constant 0 : i32
        %dma_start3A_170 = tpu.memref_slice %arg7[%add3A_150, %dma_start3A_163, %dma_start3A_169] : memref<45x1x112xi32, #tpu.memory_space<vmem>> -> memref<1x1x112xi32, #tpu.memory_space<vmem>>
        %dma_start3A_171 = tpu.memref_squeeze %dma_start3A_170 : memref<1x1x112xi32, #tpu.memory_space<vmem>> -> memref<112xi32, #tpu.memory_space<vmem>>
        %dma_start3A_172 = arith.constant 0 : i32
        %dma_start3A_173 = arith.constant 0 : i32
        %dma_start3A_174 = tpu.memref_slice %arg2[%dma_start3A_172, %dma_start3A_173] : memref<20000x128xf32, #tpu.memory_space<hbm>> -> memref<20000x128xf32, #tpu.memory_space<hbm>>
        tpu.enqueue_indirect_dma source(%dma_start3A_174 : memref<20000x128xf32, #tpu.memory_space<hbm>>) target(%dma_start3A_168 : memref<112x128xf32, #tpu.memory_space<vmem>>) offsets(%dma_start3A_171 : memref<112xi32, #tpu.memory_space<vmem>>) semaphore(%arg15 : memref<!tpu.dma_semaphore, #tpu.memory_space<semaphore_mem>>)
      } else {
      }
      %lt3A_144 = arith.constant 45 : i32
      %lt3A_145 = arith.cmpi slt, %add3A_128, %lt3A_144 : i32
      %convert_element_type3A_146 = arith.extui %lt3A_145 : i1 to i32
      %cond3A_147 = arith.constant 0 : i32
      %cond3A_148 = arith.cmpi ne, %convert_element_type3A_146, %cond3A_147 : i32
      scf.if %cond3A_148 {
        %dma_wait3A = arith.constant 0 : i32
        %dma_wait3A_149 = arith.constant 3 : i32
        %dma_wait3A_150 = arith.constant 0 : i32
        %dma_wait3A_151 = arith.constant 0 : i32
        %dma_wait3A_152 = tpu.memref_slice %arg8[%dma_wait3A_149, %dma_wait3A_150, %dma_wait3A_151] : memref<4x112x128xf32, #tpu.memory_space<vmem>> -> memref<1x112x128xf32, #tpu.memory_space<vmem>>
        %dma_wait3A_153 = tpu.memref_squeeze %dma_wait3A_152 : memref<1x112x128xf32, #tpu.memory_space<vmem>> -> memref<112x128xf32, #tpu.memory_space<vmem>>
        %dma_wait3A_154 = arith.constant 0 : i32
        %dma_wait3A_155 = tpu.memref_slice %arg6[%add3A_128, %dma_wait3A, %dma_wait3A_154] : memref<45x1x112xi32, #tpu.memory_space<vmem>> -> memref<1x1x112xi32, #tpu.memory_space<vmem>>
        %dma_wait3A_156 = tpu.memref_squeeze %dma_wait3A_155 : memref<1x1x112xi32, #tpu.memory_space<vmem>> -> memref<112xi32, #tpu.memory_space<vmem>>
        %dma_wait3A_157 = arith.constant 0 : i32
        %dma_wait3A_158 = arith.constant 0 : i32
        %dma_wait3A_159 = tpu.memref_slice %arg2[%dma_wait3A_157, %dma_wait3A_158] : memref<20000x128xf32, #tpu.memory_space<hbm>> -> memref<20000x128xf32, #tpu.memory_space<hbm>>
        tpu.wait_indirect_dma semaphore(%arg13 : memref<!tpu.dma_semaphore, #tpu.memory_space<semaphore_mem>>) src(%dma_wait3A_159 : memref<20000x128xf32, #tpu.memory_space<hbm>>) dst(%dma_wait3A_153 : memref<112x128xf32, #tpu.memory_space<vmem>>)
        %dma_wait3A_160 = arith.constant 0 : i32
        %dma_wait3A_161 = arith.constant 3 : i32
        %dma_wait3A_162 = arith.constant 0 : i32
        %dma_wait3A_163 = arith.constant 0 : i32
        %dma_wait3A_164 = tpu.memref_slice %arg9[%dma_wait3A_161, %dma_wait3A_162, %dma_wait3A_163] : memref<4x112x128xf32, #tpu.memory_space<vmem>> -> memref<1x112x128xf32, #tpu.memory_space<vmem>>
        %dma_wait3A_165 = tpu.memref_squeeze %dma_wait3A_164 : memref<1x112x128xf32, #tpu.memory_space<vmem>> -> memref<112x128xf32, #tpu.memory_space<vmem>>
        %dma_wait3A_166 = arith.constant 0 : i32
        %dma_wait3A_167 = tpu.memref_slice %arg7[%add3A_128, %dma_wait3A_160, %dma_wait3A_166] : memref<45x1x112xi32, #tpu.memory_space<vmem>> -> memref<1x1x112xi32, #tpu.memory_space<vmem>>
        %dma_wait3A_168 = tpu.memref_squeeze %dma_wait3A_167 : memref<1x1x112xi32, #tpu.memory_space<vmem>> -> memref<112xi32, #tpu.memory_space<vmem>>
        %dma_wait3A_169 = arith.constant 0 : i32
        %dma_wait3A_170 = arith.constant 0 : i32
        %dma_wait3A_171 = tpu.memref_slice %arg2[%dma_wait3A_169, %dma_wait3A_170] : memref<20000x128xf32, #tpu.memory_space<hbm>> -> memref<20000x128xf32, #tpu.memory_space<hbm>>
        tpu.wait_indirect_dma semaphore(%arg17 : memref<!tpu.dma_semaphore, #tpu.memory_space<semaphore_mem>>) src(%dma_wait3A_171 : memref<20000x128xf32, #tpu.memory_space<hbm>>) dst(%dma_wait3A_165 : memref<112x128xf32, #tpu.memory_space<vmem>>)
        %scan3A_172 = arith.constant 0 : i32
        %scan3A_173 = arith.constant 0 : i32
        %scan3A_174 = arith.constant 112 : i32
        %scan3A_175 = arith.addi %scan3A_173, %scan3A_174 : i32
        %scan3A_176 = arith.constant 1 : i32
        scf.for %scan3A_196 = %scan3A_173 to %scan3A_175 step %scan3A_176  : i32 {
          %get3A = arith.constant 3 : i32
          %get3A_197 = arith.index_cast %get3A : i32 to index
          %get3A_198 = arith.index_cast %scan3A_196 : i32 to index
          %get3A_199 = arith.constant 0 : index
          %get3A_200 = tpu.vector_load %arg8[%get3A_197, %get3A_198, %get3A_199] {strides = array<i32>} : memref<4x112x128xf32, #tpu.memory_space<vmem>>, vector<1x1x16xf32>,
          %get3A_201 = vector.shape_cast %get3A_200 : vector<1x1x16xf32> to vector<16xf32>
          %get3A_202 = arith.constant 3 : i32
          %get3A_203 = arith.index_cast %get3A_202 : i32 to index
          %get3A_204 = arith.index_cast %scan3A_196 : i32 to index
          %get3A_205 = arith.constant 0 : index
          %get3A_206 = tpu.vector_load %arg9[%get3A_203, %get3A_204, %get3A_205] {strides = array<i32>} : memref<4x112x128xf32, #tpu.memory_space<vmem>>, vector<1x1x16xf32>,
          %get3A_207 = vector.shape_cast %get3A_206 : vector<1x1x16xf32> to vector<16xf32>
          %add3A_208 = arith.addf %get3A_201, %get3A_207 : vector<16xf32>
          %swap3A = arith.constant 3 : i32
          %swap3A_209 = arith.index_cast %swap3A : i32 to index
          %swap3A_210 = arith.index_cast %scan3A_196 : i32 to index
          %swap3A_211 = arith.constant 0 : index
          %swap3A_212 = tpu.vector_load %arg8[%swap3A_209, %swap3A_210, %swap3A_211] {strides = array<i32>} : memref<4x112x128xf32, #tpu.memory_space<vmem>>, vector<1x1x16xf32>,
          %swap3A_213 = vector.shape_cast %swap3A_212 : vector<1x1x16xf32> to vector<16xf32>
          %swap3A_214 = vector.shape_cast %add3A_208 : vector<16xf32> to vector<1x1x16xf32>
          tpu.vector_store %arg8[%swap3A_209, %swap3A_210, %swap3A_211], %swap3A_214 {strides = array<i32>} : memref<4x112x128xf32, #tpu.memory_space<vmem>>, vector<1x1x16xf32>,
          %get3A_215 = arith.constant 3 : i32
          %get3A_216 = arith.index_cast %get3A_215 : i32 to index
          %get3A_217 = arith.index_cast %scan3A_196 : i32 to index
          %get3A_218 = arith.constant 16 : index
          %get3A_219 = tpu.vector_load %arg8[%get3A_216, %get3A_217, %get3A_218] {strides = array<i32>} : memref<4x112x128xf32, #tpu.memory_space<vmem>>, vector<1x1x16xf32>,
          %get3A_220 = vector.shape_cast %get3A_219 : vector<1x1x16xf32> to vector<16xf32>
          %get3A_221 = arith.constant 3 : i32
          %get3A_222 = arith.index_cast %get3A_221 : i32 to index
          %get3A_223 = arith.index_cast %scan3A_196 : i32 to index
          %get3A_224 = arith.constant 16 : index
          %get3A_225 = tpu.vector_load %arg9[%get3A_222, %get3A_223, %get3A_224] {strides = array<i32>} : memref<4x112x128xf32, #tpu.memory_space<vmem>>, vector<1x1x16xf32>,
          %get3A_226 = vector.shape_cast %get3A_225 : vector<1x1x16xf32> to vector<16xf32>
          %add3A_227 = arith.addf %get3A_220, %get3A_226 : vector<16xf32>
          %swap3A_228 = arith.constant 3 : i32
          %swap3A_229 = arith.index_cast %swap3A_228 : i32 to index
          %swap3A_230 = arith.index_cast %scan3A_196 : i32 to index
          %swap3A_231 = arith.constant 16 : index
          %swap3A_232 = tpu.vector_load %arg8[%swap3A_229, %swap3A_230, %swap3A_231] {strides = array<i32>} : memref<4x112x128xf32, #tpu.memory_space<vmem>>, vector<1x1x16xf32>,
          %swap3A_233 = vector.shape_cast %swap3A_232 : vector<1x1x16xf32> to vector<16xf32>
          %swap3A_234 = vector.shape_cast %add3A_227 : vector<16xf32> to vector<1x1x16xf32>
          tpu.vector_store %arg8[%swap3A_229, %swap3A_230, %swap3A_231], %swap3A_234 {strides = array<i32>} : memref<4x112x128xf32, #tpu.memory_space<vmem>>, vector<1x1x16xf32>,
          %get3A_235 = arith.constant 3 : i32
          %get3A_236 = arith.index_cast %get3A_235 : i32 to index
          %get3A_237 = arith.index_cast %scan3A_196 : i32 to index
          %get3A_238 = arith.constant 32 : index
          %get3A_239 = tpu.vector_load %arg8[%get3A_236, %get3A_237, %get3A_238] {strides = array<i32>} : memref<4x112x128xf32, #tpu.memory_space<vmem>>, vector<1x1x16xf32>,
          %get3A_240 = vector.shape_cast %get3A_239 : vector<1x1x16xf32> to vector<16xf32>
          %get3A_241 = arith.constant 3 : i32
          %get3A_242 = arith.index_cast %get3A_241 : i32 to index
          %get3A_243 = arith.index_cast %scan3A_196 : i32 to index
          %get3A_244 = arith.constant 32 : index
          %get3A_245 = tpu.vector_load %arg9[%get3A_242, %get3A_243, %get3A_244] {strides = array<i32>} : memref<4x112x128xf32, #tpu.memory_space<vmem>>, vector<1x1x16xf32>,
          %get3A_246 = vector.shape_cast %get3A_245 : vector<1x1x16xf32> to vector<16xf32>
          %add3A_247 = arith.addf %get3A_240, %get3A_246 : vector<16xf32>
          %swap3A_248 = arith.constant 3 : i32
          %swap3A_249 = arith.index_cast %swap3A_248 : i32 to index
          %swap3A_250 = arith.index_cast %scan3A_196 : i32 to index
          %swap3A_251 = arith.constant 32 : index
          %swap3A_252 = tpu.vector_load %arg8[%swap3A_249, %swap3A_250, %swap3A_251] {strides = array<i32>} : memref<4x112x128xf32, #tpu.memory_space<vmem>>, vector<1x1x16xf32>,
          %swap3A_253 = vector.shape_cast %swap3A_252 : vector<1x1x16xf32> to vector<16xf32>
          %swap3A_254 = vector.shape_cast %add3A_247 : vector<16xf32> to vector<1x1x16xf32>
          tpu.vector_store %arg8[%swap3A_249, %swap3A_250, %swap3A_251], %swap3A_254 {strides = array<i32>} : memref<4x112x128xf32, #tpu.memory_space<vmem>>, vector<1x1x16xf32>,
          %get3A_255 = arith.constant 3 : i32
          %get3A_256 = arith.index_cast %get3A_255 : i32 to index
          %get3A_257 = arith.index_cast %scan3A_196 : i32 to index
          %get3A_258 = arith.constant 48 : index
          %get3A_259 = tpu.vector_load %arg8[%get3A_256, %get3A_257, %get3A_258] {strides = array<i32>} : memref<4x112x128xf32, #tpu.memory_space<vmem>>, vector<1x1x16xf32>,
          %get3A_260 = vector.shape_cast %get3A_259 : vector<1x1x16xf32> to vector<16xf32>
          %get3A_261 = arith.constant 3 : i32
          %get3A_262 = arith.index_cast %get3A_261 : i32 to index
          %get3A_263 = arith.index_cast %scan3A_196 : i32 to index
          %get3A_264 = arith.constant 48 : index
          %get3A_265 = tpu.vector_load %arg9[%get3A_262, %get3A_263, %get3A_264] {strides = array<i32>} : memref<4x112x128xf32, #tpu.memory_space<vmem>>, vector<1x1x16xf32>,
          %get3A_266 = vector.shape_cast %get3A_265 : vector<1x1x16xf32> to vector<16xf32>
          %add3A_267 = arith.addf %get3A_260, %get3A_266 : vector<16xf32>
          %swap3A_268 = arith.constant 3 : i32
          %swap3A_269 = arith.index_cast %swap3A_268 : i32 to index
          %swap3A_270 = arith.index_cast %scan3A_196 : i32 to index
          %swap3A_271 = arith.constant 48 : index
          %swap3A_272 = tpu.vector_load %arg8[%swap3A_269, %swap3A_270, %swap3A_271] {strides = array<i32>} : memref<4x112x128xf32, #tpu.memory_space<vmem>>, vector<1x1x16xf32>,
          %swap3A_273 = vector.shape_cast %swap3A_272 : vector<1x1x16xf32> to vector<16xf32>
          %swap3A_274 = vector.shape_cast %add3A_267 : vector<16xf32> to vector<1x1x16xf32>
          tpu.vector_store %arg8[%swap3A_269, %swap3A_270, %swap3A_271], %swap3A_274 {strides = array<i32>} : memref<4x112x128xf32, #tpu.memory_space<vmem>>, vector<1x1x16xf32>,
          %get3A_275 = arith.constant 3 : i32
          %get3A_276 = arith.index_cast %get3A_275 : i32 to index
          %get3A_277 = arith.index_cast %scan3A_196 : i32 to index
          %get3A_278 = arith.constant 64 : index
          %get3A_279 = tpu.vector_load %arg8[%get3A_276, %get3A_277, %get3A_278] {strides = array<i32>} : memref<4x112x128xf32, #tpu.memory_space<vmem>>, vector<1x1x16xf32>,
          %get3A_280 = vector.shape_cast %get3A_279 : vector<1x1x16xf32> to vector<16xf32>
          %get3A_281 = arith.constant 3 : i32
          %get3A_282 = arith.index_cast %get3A_281 : i32 to index
          %get3A_283 = arith.index_cast %scan3A_196 : i32 to index
          %get3A_284 = arith.constant 64 : index
          %get3A_285 = tpu.vector_load %arg9[%get3A_282, %get3A_283, %get3A_284] {strides = array<i32>} : memref<4x112x128xf32, #tpu.memory_space<vmem>>, vector<1x1x16xf32>,
          %get3A_286 = vector.shape_cast %get3A_285 : vector<1x1x16xf32> to vector<16xf32>
          %add3A_287 = arith.addf %get3A_280, %get3A_286 : vector<16xf32>
          %swap3A_288 = arith.constant 3 : i32
          %swap3A_289 = arith.index_cast %swap3A_288 : i32 to index
          %swap3A_290 = arith.index_cast %scan3A_196 : i32 to index
          %swap3A_291 = arith.constant 64 : index
          %swap3A_292 = tpu.vector_load %arg8[%swap3A_289, %swap3A_290, %swap3A_291] {strides = array<i32>} : memref<4x112x128xf32, #tpu.memory_space<vmem>>, vector<1x1x16xf32>,
          %swap3A_293 = vector.shape_cast %swap3A_292 : vector<1x1x16xf32> to vector<16xf32>
          %swap3A_294 = vector.shape_cast %add3A_287 : vector<16xf32> to vector<1x1x16xf32>
          tpu.vector_store %arg8[%swap3A_289, %swap3A_290, %swap3A_291], %swap3A_294 {strides = array<i32>} : memref<4x112x128xf32, #tpu.memory_space<vmem>>, vector<1x1x16xf32>,
          %get3A_295 = arith.constant 3 : i32
          %get3A_296 = arith.index_cast %get3A_295 : i32 to index
          %get3A_297 = arith.index_cast %scan3A_196 : i32 to index
          %get3A_298 = arith.constant 80 : index
          %get3A_299 = tpu.vector_load %arg8[%get3A_296, %get3A_297, %get3A_298] {strides = array<i32>} : memref<4x112x128xf32, #tpu.memory_space<vmem>>, vector<1x1x16xf32>,
          %get3A_300 = vector.shape_cast %get3A_299 : vector<1x1x16xf32> to vector<16xf32>
          %get3A_301 = arith.constant 3 : i32
          %get3A_302 = arith.index_cast %get3A_301 : i32 to index
          %get3A_303 = arith.index_cast %scan3A_196 : i32 to index
          %get3A_304 = arith.constant 80 : index
          %get3A_305 = tpu.vector_load %arg9[%get3A_302, %get3A_303, %get3A_304] {strides = array<i32>} : memref<4x112x128xf32, #tpu.memory_space<vmem>>, vector<1x1x16xf32>,
          %get3A_306 = vector.shape_cast %get3A_305 : vector<1x1x16xf32> to vector<16xf32>
          %add3A_307 = arith.addf %get3A_300, %get3A_306 : vector<16xf32>
          %swap3A_308 = arith.constant 3 : i32
          %swap3A_309 = arith.index_cast %swap3A_308 : i32 to index
          %swap3A_310 = arith.index_cast %scan3A_196 : i32 to index
          %swap3A_311 = arith.constant 80 : index
          %swap3A_312 = tpu.vector_load %arg8[%swap3A_309, %swap3A_310, %swap3A_311] {strides = array<i32>} : memref<4x112x128xf32, #tpu.memory_space<vmem>>, vector<1x1x16xf32>,
          %swap3A_313 = vector.shape_cast %swap3A_312 : vector<1x1x16xf32> to vector<16xf32>
          %swap3A_314 = vector.shape_cast %add3A_307 : vector<16xf32> to vector<1x1x16xf32>
          tpu.vector_store %arg8[%swap3A_309, %swap3A_310, %swap3A_311], %swap3A_314 {strides = array<i32>} : memref<4x112x128xf32, #tpu.memory_space<vmem>>, vector<1x1x16xf32>,
          %get3A_315 = arith.constant 3 : i32
          %get3A_316 = arith.index_cast %get3A_315 : i32 to index
          %get3A_317 = arith.index_cast %scan3A_196 : i32 to index
          %get3A_318 = arith.constant 96 : index
          %get3A_319 = tpu.vector_load %arg8[%get3A_316, %get3A_317, %get3A_318] {strides = array<i32>} : memref<4x112x128xf32, #tpu.memory_space<vmem>>, vector<1x1x16xf32>,
          %get3A_320 = vector.shape_cast %get3A_319 : vector<1x1x16xf32> to vector<16xf32>
          %get3A_321 = arith.constant 3 : i32
          %get3A_322 = arith.index_cast %get3A_321 : i32 to index
          %get3A_323 = arith.index_cast %scan3A_196 : i32 to index
          %get3A_324 = arith.constant 96 : index
          %get3A_325 = tpu.vector_load %arg9[%get3A_322, %get3A_323, %get3A_324] {strides = array<i32>} : memref<4x112x128xf32, #tpu.memory_space<vmem>>, vector<1x1x16xf32>,
          %get3A_326 = vector.shape_cast %get3A_325 : vector<1x1x16xf32> to vector<16xf32>
          %add3A_327 = arith.addf %get3A_320, %get3A_326 : vector<16xf32>
          %swap3A_328 = arith.constant 3 : i32
          %swap3A_329 = arith.index_cast %swap3A_328 : i32 to index
          %swap3A_330 = arith.index_cast %scan3A_196 : i32 to index
          %swap3A_331 = arith.constant 96 : index
          %swap3A_332 = tpu.vector_load %arg8[%swap3A_329, %swap3A_330, %swap3A_331] {strides = array<i32>} : memref<4x112x128xf32, #tpu.memory_space<vmem>>, vector<1x1x16xf32>,
          %swap3A_333 = vector.shape_cast %swap3A_332 : vector<1x1x16xf32> to vector<16xf32>
          %swap3A_334 = vector.shape_cast %add3A_327 : vector<16xf32> to vector<1x1x16xf32>
          tpu.vector_store %arg8[%swap3A_329, %swap3A_330, %swap3A_331], %swap3A_334 {strides = array<i32>} : memref<4x112x128xf32, #tpu.memory_space<vmem>>, vector<1x1x16xf32>,
          %get3A_335 = arith.constant 3 : i32
          %get3A_336 = arith.index_cast %get3A_335 : i32 to index
          %get3A_337 = arith.index_cast %scan3A_196 : i32 to index
          %get3A_338 = arith.constant 112 : index
          %get3A_339 = tpu.vector_load %arg8[%get3A_336, %get3A_337, %get3A_338] {strides = array<i32>} : memref<4x112x128xf32, #tpu.memory_space<vmem>>, vector<1x1x16xf32>,
          %get3A_340 = vector.shape_cast %get3A_339 : vector<1x1x16xf32> to vector<16xf32>
          %get3A_341 = arith.constant 3 : i32
          %get3A_342 = arith.index_cast %get3A_341 : i32 to index
          %get3A_343 = arith.index_cast %scan3A_196 : i32 to index
          %get3A_344 = arith.constant 112 : index
          %get3A_345 = tpu.vector_load %arg9[%get3A_342, %get3A_343, %get3A_344] {strides = array<i32>} : memref<4x112x128xf32, #tpu.memory_space<vmem>>, vector<1x1x16xf32>,
          %get3A_346 = vector.shape_cast %get3A_345 : vector<1x1x16xf32> to vector<16xf32>
          %add3A_347 = arith.addf %get3A_340, %get3A_346 : vector<16xf32>
          %swap3A_348 = arith.constant 3 : i32
          %swap3A_349 = arith.index_cast %swap3A_348 : i32 to index
          %swap3A_350 = arith.index_cast %scan3A_196 : i32 to index
          %swap3A_351 = arith.constant 112 : index
          %swap3A_352 = tpu.vector_load %arg8[%swap3A_349, %swap3A_350, %swap3A_351] {strides = array<i32>} : memref<4x112x128xf32, #tpu.memory_space<vmem>>, vector<1x1x16xf32>,
          %swap3A_353 = vector.shape_cast %swap3A_352 : vector<1x1x16xf32> to vector<16xf32>
          %swap3A_354 = vector.shape_cast %add3A_347 : vector<16xf32> to vector<1x1x16xf32>
          tpu.vector_store %arg8[%swap3A_349, %swap3A_350, %swap3A_351], %swap3A_354 {strides = array<i32>} : memref<4x112x128xf32, #tpu.memory_space<vmem>>, vector<1x1x16xf32>,
        }
        %scan3A_177 = arith.constant 112 : i32
        %mul3A_178 = arith.constant 5040 : i32
        %mul3A_179 = arith.muli %add3A, %mul3A_178 : i32
        %mul3A_180 = arith.constant 112 : i32
        %mul3A_181 = arith.muli %add3A_128, %mul3A_180 : i32
        %add3A_182 = arith.addi %mul3A_179, %mul3A_181 : i32
        %dma_start3A_183 = arith.constant 3 : i32
        %dma_start3A_184 = arith.constant 0 : i32
        %dma_start3A_185 = arith.constant 0 : i32
        %dma_start3A_186 = tpu.memref_slice %arg8[%dma_start3A_183, %dma_start3A_184, %dma_start3A_185] : memref<4x112x128xf32, #tpu.memory_space<vmem>> -> memref<1x112x128xf32, #tpu.memory_space<vmem>>
        %dma_start3A_187 = tpu.memref_squeeze %dma_start3A_186 : memref<1x112x128xf32, #tpu.memory_space<vmem>> -> memref<112x128xf32, #tpu.memory_space<vmem>>
        %dma_start3A_188 = arith.constant 0 : i32
        %dma_start3A_189 = tpu.memref_slice %arg5[%add3A_182, %dma_start3A_188] : memref<161280x128xf32, #tpu.memory_space<hbm>> -> memref<112x128xf32, #tpu.memory_space<hbm>>
        %dma_start3A_190 = arith.constant 0 : i32
        %dma_start3A_191 = tpu.memref_slice %arg5[%add3A_182, %dma_start3A_190] : memref<161280x128xf32, #tpu.memory_space<hbm>> -> memref<112x128xf32, #tpu.memory_space<hbm>>
        %dma_start3A_192 = arith.constant 0 : i32
        %dma_start3A_193 = arith.constant 0 : i32
        %dma_start3A_194 = tpu.memref_slice %arg8[%dma_start3A_183, %dma_start3A_192, %dma_start3A_193] : memref<4x112x128xf32, #tpu.memory_space<vmem>> -> memref<1x112x128xf32, #tpu.memory_space<vmem>>
        %dma_start3A_195 = tpu.memref_squeeze %dma_start3A_194 : memref<1x112x128xf32, #tpu.memory_space<vmem>> -> memref<112x128xf32, #tpu.memory_space<vmem>>
        tpu.enqueue_dma source(%dma_start3A_195 : memref<112x128xf32, #tpu.memory_space<vmem>>) target(%dma_start3A_191 : memref<112x128xf32, #tpu.memory_space<hbm>>) target_semaphore(%arg21 : memref<!tpu.dma_semaphore, #tpu.memory_space<semaphore_mem>>)
      } else {
      }
    }
    %scan3A_56 = arith.constant 12 : i32
    return
  }
}

#map = affine_map<(d0, d1) -> (0, 0)>
#map1 = affine_map<(d0, d1) -> (0, 0, 0, 0)>
module attributes {stable_mosaic.version = 14 : i64} {
  func.func @k(%arg0: i32, %arg1: i32, %arg2: memref<20000x128xf32, #tpu.memory_space<hbm>>, %arg3: memref<32x62x1x80xi32, #tpu.memory_space<hbm>>, %arg4: memref<32x62x1x80xi32, #tpu.memory_space<hbm>>, %arg5: memref<158720x128xf32, #tpu.memory_space<hbm>>, %arg6: memref<62x1x80xi32, #tpu.memory_space<vmem>>, %arg7: memref<62x1x80xi32, #tpu.memory_space<vmem>>, %arg8: memref<4x80x128xf32, #tpu.memory_space<vmem>>, %arg9: memref<4x80x128xf32, #tpu.memory_space<vmem>>, %arg10: memref<!tpu.dma_semaphore, #tpu.memory_space<semaphore_mem>>, %arg11: memref<!tpu.dma_semaphore, #tpu.memory_space<semaphore_mem>>, %arg12: memref<!tpu.dma_semaphore, #tpu.memory_space<semaphore_mem>>, %arg13: memref<!tpu.dma_semaphore, #tpu.memory_space<semaphore_mem>>, %arg14: memref<!tpu.dma_semaphore, #tpu.memory_space<semaphore_mem>>, %arg15: memref<!tpu.dma_semaphore, #tpu.memory_space<semaphore_mem>>, %arg16: memref<!tpu.dma_semaphore, #tpu.memory_space<semaphore_mem>>, %arg17: memref<!tpu.dma_semaphore, #tpu.memory_space<semaphore_mem>>, %arg18: memref<!tpu.dma_semaphore, #tpu.memory_space<semaphore_mem>>, %arg19: memref<!tpu.dma_semaphore, #tpu.memory_space<semaphore_mem>>, %arg20: memref<!tpu.dma_semaphore, #tpu.memory_space<semaphore_mem>>, %arg21: memref<!tpu.dma_semaphore, #tpu.memory_space<semaphore_mem>>) attributes {dimension_semantics = [#tpu.dimension_semantics<core_parallel>, #tpu.dimension_semantics<subcore_parallel>], iteration_bounds = array<i64: 2, 16>, scalar_prefetch = 0 : i64, scratch_operands = 16 : i64, tpu.core_type = #tpu.core_type<sc_vector_subcore>, window_params = [{transform_indices = #map}, {transform_indices = #map1}, {transform_indices = #map1}, {transform_indices = #map}]} {
    %mul3A = arith.constant 2 : i32
    %mul3A_0 = arith.muli %arg1, %mul3A : i32
    %add3A = arith.addi %mul3A_0, %arg0 : i32
    "tpu.region"() ({
      %run_scoped3A = tpu.sem_alloc : memref<!tpu.dma_semaphore, #tpu.memory_space<semaphore_mem>>
      %dma_start3A_57 = arith.constant 0 : i32
      %dma_start3A_58 = arith.constant 0 : i32
      %dma_start3A_59 = arith.constant 0 : i32
      %dma_start3A_60 = tpu.memref_slice %arg3[%add3A, %dma_start3A_57, %dma_start3A_58, %dma_start3A_59] : memref<32x62x1x80xi32, #tpu.memory_space<hbm>> -> memref<1x62x1x80xi32, #tpu.memory_space<hbm>>
      %dma_start3A_61 = tpu.memref_squeeze %dma_start3A_60 : memref<1x62x1x80xi32, #tpu.memory_space<hbm>> -> memref<62x1x80xi32, #tpu.memory_space<hbm>>
      %dma_start3A_62 = arith.constant 0 : i32
      %dma_start3A_63 = arith.constant 0 : i32
      %dma_start3A_64 = arith.constant 0 : i32
      %dma_start3A_65 = tpu.memref_slice %arg3[%add3A, %dma_start3A_62, %dma_start3A_63, %dma_start3A_64] : memref<32x62x1x80xi32, #tpu.memory_space<hbm>> -> memref<1x62x1x80xi32, #tpu.memory_space<hbm>>
      %dma_start3A_66 = tpu.memref_squeeze %dma_start3A_65 : memref<1x62x1x80xi32, #tpu.memory_space<hbm>> -> memref<62x1x80xi32, #tpu.memory_space<hbm>>
      tpu.enqueue_dma source(%dma_start3A_66 : memref<62x1x80xi32, #tpu.memory_space<hbm>>) target(%arg6 : memref<62x1x80xi32, #tpu.memory_space<vmem>>) target_semaphore(%run_scoped3A : memref<!tpu.dma_semaphore, #tpu.memory_space<semaphore_mem>>)
      %dma_wait3A = arith.constant 0 : i32
      %dma_wait3A_67 = arith.constant 0 : i32
      %dma_wait3A_68 = arith.constant 0 : i32
      %dma_wait3A_69 = tpu.memref_slice %arg3[%add3A, %dma_wait3A, %dma_wait3A_67, %dma_wait3A_68] : memref<32x62x1x80xi32, #tpu.memory_space<hbm>> -> memref<1x62x1x80xi32, #tpu.memory_space<hbm>>
      %dma_wait3A_70 = tpu.memref_squeeze %dma_wait3A_69 : memref<1x62x1x80xi32, #tpu.memory_space<hbm>> -> memref<62x1x80xi32, #tpu.memory_space<hbm>>
      %dma_wait3A_71 = arith.constant 0 : i32
      %dma_wait3A_72 = arith.constant 0 : i32
      %dma_wait3A_73 = arith.constant 0 : i32
      %dma_wait3A_74 = tpu.memref_slice %arg3[%add3A, %dma_wait3A_71, %dma_wait3A_72, %dma_wait3A_73] : memref<32x62x1x80xi32, #tpu.memory_space<hbm>> -> memref<1x62x1x80xi32, #tpu.memory_space<hbm>>
      %dma_wait3A_75 = tpu.memref_squeeze %dma_wait3A_74 : memref<1x62x1x80xi32, #tpu.memory_space<hbm>> -> memref<62x1x80xi32, #tpu.memory_space<hbm>>
      tpu.wait_dma2 semaphore(%run_scoped3A : memref<!tpu.dma_semaphore, #tpu.memory_space<semaphore_mem>>) src(%dma_wait3A_75 : memref<62x1x80xi32, #tpu.memory_space<hbm>>) dst(%arg6 : memref<62x1x80xi32, #tpu.memory_space<vmem>>)
      tpu.yield
    }) : () -> ()
    "tpu.region"() ({
      %run_scoped3A = tpu.sem_alloc : memref<!tpu.dma_semaphore, #tpu.memory_space<semaphore_mem>>
      %dma_start3A_57 = arith.constant 0 : i32
      %dma_start3A_58 = arith.constant 0 : i32
      %dma_start3A_59 = arith.constant 0 : i32
      %dma_start3A_60 = tpu.memref_slice %arg4[%add3A, %dma_start3A_57, %dma_start3A_58, %dma_start3A_59] : memref<32x62x1x80xi32, #tpu.memory_space<hbm>> -> memref<1x62x1x80xi32, #tpu.memory_space<hbm>>
      %dma_start3A_61 = tpu.memref_squeeze %dma_start3A_60 : memref<1x62x1x80xi32, #tpu.memory_space<hbm>> -> memref<62x1x80xi32, #tpu.memory_space<hbm>>
      %dma_start3A_62 = arith.constant 0 : i32
      %dma_start3A_63 = arith.constant 0 : i32
      %dma_start3A_64 = arith.constant 0 : i32
      %dma_start3A_65 = tpu.memref_slice %arg4[%add3A, %dma_start3A_62, %dma_start3A_63, %dma_start3A_64] : memref<32x62x1x80xi32, #tpu.memory_space<hbm>> -> memref<1x62x1x80xi32, #tpu.memory_space<hbm>>
      %dma_start3A_66 = tpu.memref_squeeze %dma_start3A_65 : memref<1x62x1x80xi32, #tpu.memory_space<hbm>> -> memref<62x1x80xi32, #tpu.memory_space<hbm>>
      tpu.enqueue_dma source(%dma_start3A_66 : memref<62x1x80xi32, #tpu.memory_space<hbm>>) target(%arg7 : memref<62x1x80xi32, #tpu.memory_space<vmem>>) target_semaphore(%run_scoped3A : memref<!tpu.dma_semaphore, #tpu.memory_space<semaphore_mem>>)
      %dma_wait3A = arith.constant 0 : i32
      %dma_wait3A_67 = arith.constant 0 : i32
      %dma_wait3A_68 = arith.constant 0 : i32
      %dma_wait3A_69 = tpu.memref_slice %arg4[%add3A, %dma_wait3A, %dma_wait3A_67, %dma_wait3A_68] : memref<32x62x1x80xi32, #tpu.memory_space<hbm>> -> memref<1x62x1x80xi32, #tpu.memory_space<hbm>>
      %dma_wait3A_70 = tpu.memref_squeeze %dma_wait3A_69 : memref<1x62x1x80xi32, #tpu.memory_space<hbm>> -> memref<62x1x80xi32, #tpu.memory_space<hbm>>
      %dma_wait3A_71 = arith.constant 0 : i32
      %dma_wait3A_72 = arith.constant 0 : i32
      %dma_wait3A_73 = arith.constant 0 : i32
      %dma_wait3A_74 = tpu.memref_slice %arg4[%add3A, %dma_wait3A_71, %dma_wait3A_72, %dma_wait3A_73] : memref<32x62x1x80xi32, #tpu.memory_space<hbm>> -> memref<1x62x1x80xi32, #tpu.memory_space<hbm>>
      %dma_wait3A_75 = tpu.memref_squeeze %dma_wait3A_74 : memref<1x62x1x80xi32, #tpu.memory_space<hbm>> -> memref<62x1x80xi32, #tpu.memory_space<hbm>>
      tpu.wait_dma2 semaphore(%run_scoped3A : memref<!tpu.dma_semaphore, #tpu.memory_space<semaphore_mem>>) src(%dma_wait3A_75 : memref<62x1x80xi32, #tpu.memory_space<hbm>>) dst(%arg7 : memref<62x1x80xi32, #tpu.memory_space<vmem>>)
      tpu.yield
    }) : () -> ()
    %dma_start3A = arith.constant 0 : i32
    %dma_start3A_1 = arith.constant 0 : i32
    %dma_start3A_2 = arith.constant 0 : i32
    %dma_start3A_3 = arith.constant 0 : i32
    %dma_start3A_4 = arith.constant 0 : i32
    %dma_start3A_5 = tpu.memref_slice %arg8[%dma_start3A_2, %dma_start3A_3, %dma_start3A_4] : memref<4x80x128xf32, #tpu.memory_space<vmem>> -> memref<1x80x128xf32, #tpu.memory_space<vmem>>
    %dma_start3A_6 = tpu.memref_squeeze %dma_start3A_5 : memref<1x80x128xf32, #tpu.memory_space<vmem>> -> memref<80x128xf32, #tpu.memory_space<vmem>>
    %dma_start3A_7 = arith.constant 0 : i32
    %dma_start3A_8 = tpu.memref_slice %arg6[%dma_start3A, %dma_start3A_1, %dma_start3A_7] : memref<62x1x80xi32, #tpu.memory_space<vmem>> -> memref<1x1x80xi32, #tpu.memory_space<vmem>>
    %dma_start3A_9 = tpu.memref_squeeze %dma_start3A_8 : memref<1x1x80xi32, #tpu.memory_space<vmem>> -> memref<80xi32, #tpu.memory_space<vmem>>
    %dma_start3A_10 = arith.constant 0 : i32
    %dma_start3A_11 = arith.constant 0 : i32
    %dma_start3A_12 = tpu.memref_slice %arg2[%dma_start3A_10, %dma_start3A_11] : memref<20000x128xf32, #tpu.memory_space<hbm>> -> memref<20000x128xf32, #tpu.memory_space<hbm>>
    tpu.enqueue_indirect_dma source(%dma_start3A_12 : memref<20000x128xf32, #tpu.memory_space<hbm>>) target(%dma_start3A_6 : memref<80x128xf32, #tpu.memory_space<vmem>>) offsets(%dma_start3A_9 : memref<80xi32, #tpu.memory_space<vmem>>) semaphore(%arg10 : memref<!tpu.dma_semaphore, #tpu.memory_space<semaphore_mem>>)
    %dma_start3A_13 = arith.constant 0 : i32
    %dma_start3A_14 = arith.constant 0 : i32
    %dma_start3A_15 = arith.constant 0 : i32
    %dma_start3A_16 = arith.constant 0 : i32
    %dma_start3A_17 = arith.constant 0 : i32
    %dma_start3A_18 = tpu.memref_slice %arg9[%dma_start3A_15, %dma_start3A_16, %dma_start3A_17] : memref<4x80x128xf32, #tpu.memory_space<vmem>> -> memref<1x80x128xf32, #tpu.memory_space<vmem>>
    %dma_start3A_19 = tpu.memref_squeeze %dma_start3A_18 : memref<1x80x128xf32, #tpu.memory_space<vmem>> -> memref<80x128xf32, #tpu.memory_space<vmem>>
    %dma_start3A_20 = arith.constant 0 : i32
    %dma_start3A_21 = tpu.memref_slice %arg7[%dma_start3A_13, %dma_start3A_14, %dma_start3A_20] : memref<62x1x80xi32, #tpu.memory_space<vmem>> -> memref<1x1x80xi32, #tpu.memory_space<vmem>>
    %dma_start3A_22 = tpu.memref_squeeze %dma_start3A_21 : memref<1x1x80xi32, #tpu.memory_space<vmem>> -> memref<80xi32, #tpu.memory_space<vmem>>
    %dma_start3A_23 = arith.constant 0 : i32
    %dma_start3A_24 = arith.constant 0 : i32
    %dma_start3A_25 = tpu.memref_slice %arg2[%dma_start3A_23, %dma_start3A_24] : memref<20000x128xf32, #tpu.memory_space<hbm>> -> memref<20000x128xf32, #tpu.memory_space<hbm>>
    tpu.enqueue_indirect_dma source(%dma_start3A_25 : memref<20000x128xf32, #tpu.memory_space<hbm>>) target(%dma_start3A_19 : memref<80x128xf32, #tpu.memory_space<vmem>>) offsets(%dma_start3A_22 : memref<80xi32, #tpu.memory_space<vmem>>) semaphore(%arg14 : memref<!tpu.dma_semaphore, #tpu.memory_space<semaphore_mem>>)
    %dma_start3A_26 = arith.constant 1 : i32
    %dma_start3A_27 = arith.constant 0 : i32
    %dma_start3A_28 = arith.constant 1 : i32
    %dma_start3A_29 = arith.constant 0 : i32
    %dma_start3A_30 = arith.constant 0 : i32
    %dma_start3A_31 = tpu.memref_slice %arg8[%dma_start3A_28, %dma_start3A_29, %dma_start3A_30] : memref<4x80x128xf32, #tpu.memory_space<vmem>> -> memref<1x80x128xf32, #tpu.memory_space<vmem>>
    %dma_start3A_32 = tpu.memref_squeeze %dma_start3A_31 : memref<1x80x128xf32, #tpu.memory_space<vmem>> -> memref<80x128xf32, #tpu.memory_space<vmem>>
    %dma_start3A_33 = arith.constant 0 : i32
    %dma_start3A_34 = tpu.memref_slice %arg6[%dma_start3A_26, %dma_start3A_27, %dma_start3A_33] : memref<62x1x80xi32, #tpu.memory_space<vmem>> -> memref<1x1x80xi32, #tpu.memory_space<vmem>>
    %dma_start3A_35 = tpu.memref_squeeze %dma_start3A_34 : memref<1x1x80xi32, #tpu.memory_space<vmem>> -> memref<80xi32, #tpu.memory_space<vmem>>
    %dma_start3A_36 = arith.constant 0 : i32
    %dma_start3A_37 = arith.constant 0 : i32
    %dma_start3A_38 = tpu.memref_slice %arg2[%dma_start3A_36, %dma_start3A_37] : memref<20000x128xf32, #tpu.memory_space<hbm>> -> memref<20000x128xf32, #tpu.memory_space<hbm>>
    tpu.enqueue_indirect_dma source(%dma_start3A_38 : memref<20000x128xf32, #tpu.memory_space<hbm>>) target(%dma_start3A_32 : memref<80x128xf32, #tpu.memory_space<vmem>>) offsets(%dma_start3A_35 : memref<80xi32, #tpu.memory_space<vmem>>) semaphore(%arg11 : memref<!tpu.dma_semaphore, #tpu.memory_space<semaphore_mem>>)
    %dma_start3A_39 = arith.constant 1 : i32
    %dma_start3A_40 = arith.constant 0 : i32
    %dma_start3A_41 = arith.constant 1 : i32
    %dma_start3A_42 = arith.constant 0 : i32
    %dma_start3A_43 = arith.constant 0 : i32
    %dma_start3A_44 = tpu.memref_slice %arg9[%dma_start3A_41, %dma_start3A_42, %dma_start3A_43] : memref<4x80x128xf32, #tpu.memory_space<vmem>> -> memref<1x80x128xf32, #tpu.memory_space<vmem>>
    %dma_start3A_45 = tpu.memref_squeeze %dma_start3A_44 : memref<1x80x128xf32, #tpu.memory_space<vmem>> -> memref<80x128xf32, #tpu.memory_space<vmem>>
    %dma_start3A_46 = arith.constant 0 : i32
    %dma_start3A_47 = tpu.memref_slice %arg7[%dma_start3A_39, %dma_start3A_40, %dma_start3A_46] : memref<62x1x80xi32, #tpu.memory_space<vmem>> -> memref<1x1x80xi32, #tpu.memory_space<vmem>>
    %dma_start3A_48 = tpu.memref_squeeze %dma_start3A_47 : memref<1x1x80xi32, #tpu.memory_space<vmem>> -> memref<80xi32, #tpu.memory_space<vmem>>
    %dma_start3A_49 = arith.constant 0 : i32
    %dma_start3A_50 = arith.constant 0 : i32
    %dma_start3A_51 = tpu.memref_slice %arg2[%dma_start3A_49, %dma_start3A_50] : memref<20000x128xf32, #tpu.memory_space<hbm>> -> memref<20000x128xf32, #tpu.memory_space<hbm>>
    tpu.enqueue_indirect_dma source(%dma_start3A_51 : memref<20000x128xf32, #tpu.memory_space<hbm>>) target(%dma_start3A_45 : memref<80x128xf32, #tpu.memory_space<vmem>>) offsets(%dma_start3A_48 : memref<80xi32, #tpu.memory_space<vmem>>) semaphore(%arg15 : memref<!tpu.dma_semaphore, #tpu.memory_space<semaphore_mem>>)
    %scan3A = arith.constant 0 : i32
    %scan3A_52 = arith.constant 0 : i32
    %scan3A_53 = arith.constant 16 : i32
    %scan3A_54 = arith.addi %scan3A_52, %scan3A_53 : i32
    %scan3A_55 = arith.constant 1 : i32
    scf.for %scan3A_57 = %scan3A_52 to %scan3A_54 step %scan3A_55  : i32 {
      %mul3A_58 = arith.constant 4 : i32
      %mul3A_59 = arith.muli %scan3A_57, %mul3A_58 : i32
      %add3A_60 = arith.constant 0 : i32
      %add3A_61 = arith.addi %mul3A_59, %add3A_60 : i32
      %ge3A = arith.constant 2 : i32
      %ge3A_62 = arith.cmpi sge, %add3A_61, %ge3A : i32
      %lt3A = arith.constant 64 : i32
      %lt3A_63 = arith.cmpi slt, %add3A_61, %lt3A : i32
      %and3A = arith.andi %ge3A_62, %lt3A_63 : i1
      %convert_element_type3A = arith.extui %and3A : i1 to i32
      %cond3A = arith.constant 0 : i32
      %cond3A_64 = arith.cmpi ne, %convert_element_type3A, %cond3A : i32
      scf.if %cond3A_64 {
        %sub3A = arith.constant 2 : i32
        %sub3A_149 = arith.subi %add3A_61, %sub3A : i32
        %mul3A_150 = arith.constant 4960 : i32
        %mul3A_151 = arith.muli %add3A, %mul3A_150 : i32
        %mul3A_152 = arith.constant 80 : i32
        %mul3A_153 = arith.muli %sub3A_149, %mul3A_152 : i32
        %add3A_154 = arith.addi %mul3A_151, %mul3A_153 : i32
        %dma_wait3A = arith.constant 2 : i32
        %dma_wait3A_155 = arith.constant 0 : i32
        %dma_wait3A_156 = arith.constant 0 : i32
        %dma_wait3A_157 = tpu.memref_slice %arg8[%dma_wait3A, %dma_wait3A_155, %dma_wait3A_156] : memref<4x80x128xf32, #tpu.memory_space<vmem>> -> memref<1x80x128xf32, #tpu.memory_space<vmem>>
        %dma_wait3A_158 = tpu.memref_squeeze %dma_wait3A_157 : memref<1x80x128xf32, #tpu.memory_space<vmem>> -> memref<80x128xf32, #tpu.memory_space<vmem>>
        %dma_wait3A_159 = arith.constant 0 : i32
        %dma_wait3A_160 = tpu.memref_slice %arg5[%add3A_154, %dma_wait3A_159] : memref<158720x128xf32, #tpu.memory_space<hbm>> -> memref<80x128xf32, #tpu.memory_space<hbm>>
        %dma_wait3A_161 = arith.constant 0 : i32
        %dma_wait3A_162 = tpu.memref_slice %arg5[%add3A_154, %dma_wait3A_161] : memref<158720x128xf32, #tpu.memory_space<hbm>> -> memref<80x128xf32, #tpu.memory_space<hbm>>
        %dma_wait3A_163 = arith.constant 0 : i32
        %dma_wait3A_164 = arith.constant 0 : i32
        %dma_wait3A_165 = tpu.memref_slice %arg8[%dma_wait3A, %dma_wait3A_163, %dma_wait3A_164] : memref<4x80x128xf32, #tpu.memory_space<vmem>> -> memref<1x80x128xf32, #tpu.memory_space<vmem>>
        %dma_wait3A_166 = tpu.memref_squeeze %dma_wait3A_165 : memref<1x80x128xf32, #tpu.memory_space<vmem>> -> memref<80x128xf32, #tpu.memory_space<vmem>>
        tpu.wait_dma2 semaphore(%arg20 : memref<!tpu.dma_semaphore, #tpu.memory_space<semaphore_mem>>) src(%dma_wait3A_166 : memref<80x128xf32, #tpu.memory_space<vmem>>) dst(%dma_wait3A_162 : memref<80x128xf32, #tpu.memory_space<hbm>>)
      } else {
      }
      %add3A_65 = arith.constant 2 : i32
      %add3A_66 = arith.addi %add3A_61, %add3A_65 : i32
      %lt3A_67 = arith.constant 62 : i32
      %lt3A_68 = arith.cmpi slt, %add3A_66, %lt3A_67 : i32
      %convert_element_type3A_69 = arith.extui %lt3A_68 : i1 to i32
      %cond3A_70 = arith.constant 0 : i32
      %cond3A_71 = arith.cmpi ne, %convert_element_type3A_69, %cond3A_70 : i32
      scf.if %cond3A_71 {
        %add3A_149 = arith.constant 2 : i32
        %add3A_150 = arith.addi %add3A_61, %add3A_149 : i32
        %dma_start3A_151 = arith.constant 0 : i32
        %dma_start3A_152 = arith.constant 2 : i32
        %dma_start3A_153 = arith.constant 0 : i32
        %dma_start3A_154 = arith.constant 0 : i32
        %dma_start3A_155 = tpu.memref_slice %arg8[%dma_start3A_152, %dma_start3A_153, %dma_start3A_154] : memref<4x80x128xf32, #tpu.memory_space<vmem>> -> memref<1x80x128xf32, #tpu.memory_space<vmem>>
        %dma_start3A_156 = tpu.memref_squeeze %dma_start3A_155 : memref<1x80x128xf32, #tpu.memory_space<vmem>> -> memref<80x128xf32, #tpu.memory_space<vmem>>
        %dma_start3A_157 = arith.constant 0 : i32
        %dma_start3A_158 = tpu.memref_slice %arg6[%add3A_150, %dma_start3A_151, %dma_start3A_157] : memref<62x1x80xi32, #tpu.memory_space<vmem>> -> memref<1x1x80xi32, #tpu.memory_space<vmem>>
        %dma_start3A_159 = tpu.memref_squeeze %dma_start3A_158 : memref<1x1x80xi32, #tpu.memory_space<vmem>> -> memref<80xi32, #tpu.memory_space<vmem>>
        %dma_start3A_160 = arith.constant 0 : i32
        %dma_start3A_161 = arith.constant 0 : i32
        %dma_start3A_162 = tpu.memref_slice %arg2[%dma_start3A_160, %dma_start3A_161] : memref<20000x128xf32, #tpu.memory_space<hbm>> -> memref<20000x128xf32, #tpu.memory_space<hbm>>
        tpu.enqueue_indirect_dma source(%dma_start3A_162 : memref<20000x128xf32, #tpu.memory_space<hbm>>) target(%dma_start3A_156 : memref<80x128xf32, #tpu.memory_space<vmem>>) offsets(%dma_start3A_159 : memref<80xi32, #tpu.memory_space<vmem>>) semaphore(%arg12 : memref<!tpu.dma_semaphore, #tpu.memory_space<semaphore_mem>>)
        %dma_start3A_163 = arith.constant 0 : i32
        %dma_start3A_164 = arith.constant 2 : i32
        %dma_start3A_165 = arith.constant 0 : i32
        %dma_start3A_166 = arith.constant 0 : i32
        %dma_start3A_167 = tpu.memref_slice %arg9[%dma_start3A_164, %dma_start3A_165, %dma_start3A_166] : memref<4x80x128xf32, #tpu.memory_space<vmem>> -> memref<1x80x128xf32, #tpu.memory_space<vmem>>
        %dma_start3A_168 = tpu.memref_squeeze %dma_start3A_167 : memref<1x80x128xf32, #tpu.memory_space<vmem>> -> memref<80x128xf32, #tpu.memory_space<vmem>>
        %dma_start3A_169 = arith.constant 0 : i32
        %dma_start3A_170 = tpu.memref_slice %arg7[%add3A_150, %dma_start3A_163, %dma_start3A_169] : memref<62x1x80xi32, #tpu.memory_space<vmem>> -> memref<1x1x80xi32, #tpu.memory_space<vmem>>
        %dma_start3A_171 = tpu.memref_squeeze %dma_start3A_170 : memref<1x1x80xi32, #tpu.memory_space<vmem>> -> memref<80xi32, #tpu.memory_space<vmem>>
        %dma_start3A_172 = arith.constant 0 : i32
        %dma_start3A_173 = arith.constant 0 : i32
        %dma_start3A_174 = tpu.memref_slice %arg2[%dma_start3A_172, %dma_start3A_173] : memref<20000x128xf32, #tpu.memory_space<hbm>> -> memref<20000x128xf32, #tpu.memory_space<hbm>>
        tpu.enqueue_indirect_dma source(%dma_start3A_174 : memref<20000x128xf32, #tpu.memory_space<hbm>>) target(%dma_start3A_168 : memref<80x128xf32, #tpu.memory_space<vmem>>) offsets(%dma_start3A_171 : memref<80xi32, #tpu.memory_space<vmem>>) semaphore(%arg16 : memref<!tpu.dma_semaphore, #tpu.memory_space<semaphore_mem>>)
      } else {
      }
      %lt3A_72 = arith.constant 62 : i32
      %lt3A_73 = arith.cmpi slt, %add3A_61, %lt3A_72 : i32
      %convert_element_type3A_74 = arith.extui %lt3A_73 : i1 to i32
      %cond3A_75 = arith.constant 0 : i32
      %cond3A_76 = arith.cmpi ne, %convert_element_type3A_74, %cond3A_75 : i32
      scf.if %cond3A_76 {
        %dma_wait3A = arith.constant 0 : i32
        %dma_wait3A_149 = arith.constant 0 : i32
        %dma_wait3A_150 = arith.constant 0 : i32
        %dma_wait3A_151 = arith.constant 0 : i32
        %dma_wait3A_152 = tpu.memref_slice %arg8[%dma_wait3A_149, %dma_wait3A_150, %dma_wait3A_151] : memref<4x80x128xf32, #tpu.memory_space<vmem>> -> memref<1x80x128xf32, #tpu.memory_space<vmem>>
        %dma_wait3A_153 = tpu.memref_squeeze %dma_wait3A_152 : memref<1x80x128xf32, #tpu.memory_space<vmem>> -> memref<80x128xf32, #tpu.memory_space<vmem>>
        %dma_wait3A_154 = arith.constant 0 : i32
        %dma_wait3A_155 = tpu.memref_slice %arg6[%add3A_61, %dma_wait3A, %dma_wait3A_154] : memref<62x1x80xi32, #tpu.memory_space<vmem>> -> memref<1x1x80xi32, #tpu.memory_space<vmem>>
        %dma_wait3A_156 = tpu.memref_squeeze %dma_wait3A_155 : memref<1x1x80xi32, #tpu.memory_space<vmem>> -> memref<80xi32, #tpu.memory_space<vmem>>
        %dma_wait3A_157 = arith.constant 0 : i32
        %dma_wait3A_158 = arith.constant 0 : i32
        %dma_wait3A_159 = tpu.memref_slice %arg2[%dma_wait3A_157, %dma_wait3A_158] : memref<20000x128xf32, #tpu.memory_space<hbm>> -> memref<20000x128xf32, #tpu.memory_space<hbm>>
        tpu.wait_indirect_dma semaphore(%arg10 : memref<!tpu.dma_semaphore, #tpu.memory_space<semaphore_mem>>) src(%dma_wait3A_159 : memref<20000x128xf32, #tpu.memory_space<hbm>>) dst(%dma_wait3A_153 : memref<80x128xf32, #tpu.memory_space<vmem>>)
        %dma_wait3A_160 = arith.constant 0 : i32
        %dma_wait3A_161 = arith.constant 0 : i32
        %dma_wait3A_162 = arith.constant 0 : i32
        %dma_wait3A_163 = arith.constant 0 : i32
        %dma_wait3A_164 = tpu.memref_slice %arg9[%dma_wait3A_161, %dma_wait3A_162, %dma_wait3A_163] : memref<4x80x128xf32, #tpu.memory_space<vmem>> -> memref<1x80x128xf32, #tpu.memory_space<vmem>>
        %dma_wait3A_165 = tpu.memref_squeeze %dma_wait3A_164 : memref<1x80x128xf32, #tpu.memory_space<vmem>> -> memref<80x128xf32, #tpu.memory_space<vmem>>
        %dma_wait3A_166 = arith.constant 0 : i32
        %dma_wait3A_167 = tpu.memref_slice %arg7[%add3A_61, %dma_wait3A_160, %dma_wait3A_166] : memref<62x1x80xi32, #tpu.memory_space<vmem>> -> memref<1x1x80xi32, #tpu.memory_space<vmem>>
        %dma_wait3A_168 = tpu.memref_squeeze %dma_wait3A_167 : memref<1x1x80xi32, #tpu.memory_space<vmem>> -> memref<80xi32, #tpu.memory_space<vmem>>
        %dma_wait3A_169 = arith.constant 0 : i32
        %dma_wait3A_170 = arith.constant 0 : i32
        %dma_wait3A_171 = tpu.memref_slice %arg2[%dma_wait3A_169, %dma_wait3A_170] : memref<20000x128xf32, #tpu.memory_space<hbm>> -> memref<20000x128xf32, #tpu.memory_space<hbm>>
        tpu.wait_indirect_dma semaphore(%arg14 : memref<!tpu.dma_semaphore, #tpu.memory_space<semaphore_mem>>) src(%dma_wait3A_171 : memref<20000x128xf32, #tpu.memory_space<hbm>>) dst(%dma_wait3A_165 : memref<80x128xf32, #tpu.memory_space<vmem>>)
        %scan3A_172 = arith.constant 0 : i32
        %scan3A_173 = arith.constant 0 : i32
        %scan3A_174 = arith.constant 80 : i32
        %scan3A_175 = arith.addi %scan3A_173, %scan3A_174 : i32
        %scan3A_176 = arith.constant 1 : i32
        scf.for %scan3A_196 = %scan3A_173 to %scan3A_175 step %scan3A_176  : i32 {
          %get3A = arith.constant 0 : i32
          %get3A_197 = arith.index_cast %get3A : i32 to index
          %get3A_198 = arith.index_cast %scan3A_196 : i32 to index
          %get3A_199 = arith.constant 0 : index
          %get3A_200 = tpu.vector_load %arg8[%get3A_197, %get3A_198, %get3A_199] {strides = array<i32>} : memref<4x80x128xf32, #tpu.memory_space<vmem>>, vector<1x1x16xf32>,
          %get3A_201 = vector.shape_cast %get3A_200 : vector<1x1x16xf32> to vector<16xf32>
          %get3A_202 = arith.constant 0 : i32
          %get3A_203 = arith.index_cast %get3A_202 : i32 to index
          %get3A_204 = arith.index_cast %scan3A_196 : i32 to index
          %get3A_205 = arith.constant 0 : index
          %get3A_206 = tpu.vector_load %arg9[%get3A_203, %get3A_204, %get3A_205] {strides = array<i32>} : memref<4x80x128xf32, #tpu.memory_space<vmem>>, vector<1x1x16xf32>,
          %get3A_207 = vector.shape_cast %get3A_206 : vector<1x1x16xf32> to vector<16xf32>
          %add3A_208 = arith.addf %get3A_201, %get3A_207 : vector<16xf32>
          %swap3A = arith.constant 0 : i32
          %swap3A_209 = arith.index_cast %swap3A : i32 to index
          %swap3A_210 = arith.index_cast %scan3A_196 : i32 to index
          %swap3A_211 = arith.constant 0 : index
          %swap3A_212 = tpu.vector_load %arg8[%swap3A_209, %swap3A_210, %swap3A_211] {strides = array<i32>} : memref<4x80x128xf32, #tpu.memory_space<vmem>>, vector<1x1x16xf32>,
          %swap3A_213 = vector.shape_cast %swap3A_212 : vector<1x1x16xf32> to vector<16xf32>
          %swap3A_214 = vector.shape_cast %add3A_208 : vector<16xf32> to vector<1x1x16xf32>
          tpu.vector_store %arg8[%swap3A_209, %swap3A_210, %swap3A_211], %swap3A_214 {strides = array<i32>} : memref<4x80x128xf32, #tpu.memory_space<vmem>>, vector<1x1x16xf32>,
          %get3A_215 = arith.constant 0 : i32
          %get3A_216 = arith.index_cast %get3A_215 : i32 to index
          %get3A_217 = arith.index_cast %scan3A_196 : i32 to index
          %get3A_218 = arith.constant 16 : index
          %get3A_219 = tpu.vector_load %arg8[%get3A_216, %get3A_217, %get3A_218] {strides = array<i32>} : memref<4x80x128xf32, #tpu.memory_space<vmem>>, vector<1x1x16xf32>,
          %get3A_220 = vector.shape_cast %get3A_219 : vector<1x1x16xf32> to vector<16xf32>
          %get3A_221 = arith.constant 0 : i32
          %get3A_222 = arith.index_cast %get3A_221 : i32 to index
          %get3A_223 = arith.index_cast %scan3A_196 : i32 to index
          %get3A_224 = arith.constant 16 : index
          %get3A_225 = tpu.vector_load %arg9[%get3A_222, %get3A_223, %get3A_224] {strides = array<i32>} : memref<4x80x128xf32, #tpu.memory_space<vmem>>, vector<1x1x16xf32>,
          %get3A_226 = vector.shape_cast %get3A_225 : vector<1x1x16xf32> to vector<16xf32>
          %add3A_227 = arith.addf %get3A_220, %get3A_226 : vector<16xf32>
          %swap3A_228 = arith.constant 0 : i32
          %swap3A_229 = arith.index_cast %swap3A_228 : i32 to index
          %swap3A_230 = arith.index_cast %scan3A_196 : i32 to index
          %swap3A_231 = arith.constant 16 : index
          %swap3A_232 = tpu.vector_load %arg8[%swap3A_229, %swap3A_230, %swap3A_231] {strides = array<i32>} : memref<4x80x128xf32, #tpu.memory_space<vmem>>, vector<1x1x16xf32>,
          %swap3A_233 = vector.shape_cast %swap3A_232 : vector<1x1x16xf32> to vector<16xf32>
          %swap3A_234 = vector.shape_cast %add3A_227 : vector<16xf32> to vector<1x1x16xf32>
          tpu.vector_store %arg8[%swap3A_229, %swap3A_230, %swap3A_231], %swap3A_234 {strides = array<i32>} : memref<4x80x128xf32, #tpu.memory_space<vmem>>, vector<1x1x16xf32>,
          %get3A_235 = arith.constant 0 : i32
          %get3A_236 = arith.index_cast %get3A_235 : i32 to index
          %get3A_237 = arith.index_cast %scan3A_196 : i32 to index
          %get3A_238 = arith.constant 32 : index
          %get3A_239 = tpu.vector_load %arg8[%get3A_236, %get3A_237, %get3A_238] {strides = array<i32>} : memref<4x80x128xf32, #tpu.memory_space<vmem>>, vector<1x1x16xf32>,
          %get3A_240 = vector.shape_cast %get3A_239 : vector<1x1x16xf32> to vector<16xf32>
          %get3A_241 = arith.constant 0 : i32
          %get3A_242 = arith.index_cast %get3A_241 : i32 to index
          %get3A_243 = arith.index_cast %scan3A_196 : i32 to index
          %get3A_244 = arith.constant 32 : index
          %get3A_245 = tpu.vector_load %arg9[%get3A_242, %get3A_243, %get3A_244] {strides = array<i32>} : memref<4x80x128xf32, #tpu.memory_space<vmem>>, vector<1x1x16xf32>,
          %get3A_246 = vector.shape_cast %get3A_245 : vector<1x1x16xf32> to vector<16xf32>
          %add3A_247 = arith.addf %get3A_240, %get3A_246 : vector<16xf32>
          %swap3A_248 = arith.constant 0 : i32
          %swap3A_249 = arith.index_cast %swap3A_248 : i32 to index
          %swap3A_250 = arith.index_cast %scan3A_196 : i32 to index
          %swap3A_251 = arith.constant 32 : index
          %swap3A_252 = tpu.vector_load %arg8[%swap3A_249, %swap3A_250, %swap3A_251] {strides = array<i32>} : memref<4x80x128xf32, #tpu.memory_space<vmem>>, vector<1x1x16xf32>,
          %swap3A_253 = vector.shape_cast %swap3A_252 : vector<1x1x16xf32> to vector<16xf32>
          %swap3A_254 = vector.shape_cast %add3A_247 : vector<16xf32> to vector<1x1x16xf32>
          tpu.vector_store %arg8[%swap3A_249, %swap3A_250, %swap3A_251], %swap3A_254 {strides = array<i32>} : memref<4x80x128xf32, #tpu.memory_space<vmem>>, vector<1x1x16xf32>,
          %get3A_255 = arith.constant 0 : i32
          %get3A_256 = arith.index_cast %get3A_255 : i32 to index
          %get3A_257 = arith.index_cast %scan3A_196 : i32 to index
          %get3A_258 = arith.constant 48 : index
          %get3A_259 = tpu.vector_load %arg8[%get3A_256, %get3A_257, %get3A_258] {strides = array<i32>} : memref<4x80x128xf32, #tpu.memory_space<vmem>>, vector<1x1x16xf32>,
          %get3A_260 = vector.shape_cast %get3A_259 : vector<1x1x16xf32> to vector<16xf32>
          %get3A_261 = arith.constant 0 : i32
          %get3A_262 = arith.index_cast %get3A_261 : i32 to index
          %get3A_263 = arith.index_cast %scan3A_196 : i32 to index
          %get3A_264 = arith.constant 48 : index
          %get3A_265 = tpu.vector_load %arg9[%get3A_262, %get3A_263, %get3A_264] {strides = array<i32>} : memref<4x80x128xf32, #tpu.memory_space<vmem>>, vector<1x1x16xf32>,
          %get3A_266 = vector.shape_cast %get3A_265 : vector<1x1x16xf32> to vector<16xf32>
          %add3A_267 = arith.addf %get3A_260, %get3A_266 : vector<16xf32>
          %swap3A_268 = arith.constant 0 : i32
          %swap3A_269 = arith.index_cast %swap3A_268 : i32 to index
          %swap3A_270 = arith.index_cast %scan3A_196 : i32 to index
          %swap3A_271 = arith.constant 48 : index
          %swap3A_272 = tpu.vector_load %arg8[%swap3A_269, %swap3A_270, %swap3A_271] {strides = array<i32>} : memref<4x80x128xf32, #tpu.memory_space<vmem>>, vector<1x1x16xf32>,
          %swap3A_273 = vector.shape_cast %swap3A_272 : vector<1x1x16xf32> to vector<16xf32>
          %swap3A_274 = vector.shape_cast %add3A_267 : vector<16xf32> to vector<1x1x16xf32>
          tpu.vector_store %arg8[%swap3A_269, %swap3A_270, %swap3A_271], %swap3A_274 {strides = array<i32>} : memref<4x80x128xf32, #tpu.memory_space<vmem>>, vector<1x1x16xf32>,
          %get3A_275 = arith.constant 0 : i32
          %get3A_276 = arith.index_cast %get3A_275 : i32 to index
          %get3A_277 = arith.index_cast %scan3A_196 : i32 to index
          %get3A_278 = arith.constant 64 : index
          %get3A_279 = tpu.vector_load %arg8[%get3A_276, %get3A_277, %get3A_278] {strides = array<i32>} : memref<4x80x128xf32, #tpu.memory_space<vmem>>, vector<1x1x16xf32>,
          %get3A_280 = vector.shape_cast %get3A_279 : vector<1x1x16xf32> to vector<16xf32>
          %get3A_281 = arith.constant 0 : i32
          %get3A_282 = arith.index_cast %get3A_281 : i32 to index
          %get3A_283 = arith.index_cast %scan3A_196 : i32 to index
          %get3A_284 = arith.constant 64 : index
          %get3A_285 = tpu.vector_load %arg9[%get3A_282, %get3A_283, %get3A_284] {strides = array<i32>} : memref<4x80x128xf32, #tpu.memory_space<vmem>>, vector<1x1x16xf32>,
          %get3A_286 = vector.shape_cast %get3A_285 : vector<1x1x16xf32> to vector<16xf32>
          %add3A_287 = arith.addf %get3A_280, %get3A_286 : vector<16xf32>
          %swap3A_288 = arith.constant 0 : i32
          %swap3A_289 = arith.index_cast %swap3A_288 : i32 to index
          %swap3A_290 = arith.index_cast %scan3A_196 : i32 to index
          %swap3A_291 = arith.constant 64 : index
          %swap3A_292 = tpu.vector_load %arg8[%swap3A_289, %swap3A_290, %swap3A_291] {strides = array<i32>} : memref<4x80x128xf32, #tpu.memory_space<vmem>>, vector<1x1x16xf32>,
          %swap3A_293 = vector.shape_cast %swap3A_292 : vector<1x1x16xf32> to vector<16xf32>
          %swap3A_294 = vector.shape_cast %add3A_287 : vector<16xf32> to vector<1x1x16xf32>
          tpu.vector_store %arg8[%swap3A_289, %swap3A_290, %swap3A_291], %swap3A_294 {strides = array<i32>} : memref<4x80x128xf32, #tpu.memory_space<vmem>>, vector<1x1x16xf32>,
          %get3A_295 = arith.constant 0 : i32
          %get3A_296 = arith.index_cast %get3A_295 : i32 to index
          %get3A_297 = arith.index_cast %scan3A_196 : i32 to index
          %get3A_298 = arith.constant 80 : index
          %get3A_299 = tpu.vector_load %arg8[%get3A_296, %get3A_297, %get3A_298] {strides = array<i32>} : memref<4x80x128xf32, #tpu.memory_space<vmem>>, vector<1x1x16xf32>,
          %get3A_300 = vector.shape_cast %get3A_299 : vector<1x1x16xf32> to vector<16xf32>
          %get3A_301 = arith.constant 0 : i32
          %get3A_302 = arith.index_cast %get3A_301 : i32 to index
          %get3A_303 = arith.index_cast %scan3A_196 : i32 to index
          %get3A_304 = arith.constant 80 : index
          %get3A_305 = tpu.vector_load %arg9[%get3A_302, %get3A_303, %get3A_304] {strides = array<i32>} : memref<4x80x128xf32, #tpu.memory_space<vmem>>, vector<1x1x16xf32>,
          %get3A_306 = vector.shape_cast %get3A_305 : vector<1x1x16xf32> to vector<16xf32>
          %add3A_307 = arith.addf %get3A_300, %get3A_306 : vector<16xf32>
          %swap3A_308 = arith.constant 0 : i32
          %swap3A_309 = arith.index_cast %swap3A_308 : i32 to index
          %swap3A_310 = arith.index_cast %scan3A_196 : i32 to index
          %swap3A_311 = arith.constant 80 : index
          %swap3A_312 = tpu.vector_load %arg8[%swap3A_309, %swap3A_310, %swap3A_311] {strides = array<i32>} : memref<4x80x128xf32, #tpu.memory_space<vmem>>, vector<1x1x16xf32>,
          %swap3A_313 = vector.shape_cast %swap3A_312 : vector<1x1x16xf32> to vector<16xf32>
          %swap3A_314 = vector.shape_cast %add3A_307 : vector<16xf32> to vector<1x1x16xf32>
          tpu.vector_store %arg8[%swap3A_309, %swap3A_310, %swap3A_311], %swap3A_314 {strides = array<i32>} : memref<4x80x128xf32, #tpu.memory_space<vmem>>, vector<1x1x16xf32>,
          %get3A_315 = arith.constant 0 : i32
          %get3A_316 = arith.index_cast %get3A_315 : i32 to index
          %get3A_317 = arith.index_cast %scan3A_196 : i32 to index
          %get3A_318 = arith.constant 96 : index
          %get3A_319 = tpu.vector_load %arg8[%get3A_316, %get3A_317, %get3A_318] {strides = array<i32>} : memref<4x80x128xf32, #tpu.memory_space<vmem>>, vector<1x1x16xf32>,
          %get3A_320 = vector.shape_cast %get3A_319 : vector<1x1x16xf32> to vector<16xf32>
          %get3A_321 = arith.constant 0 : i32
          %get3A_322 = arith.index_cast %get3A_321 : i32 to index
          %get3A_323 = arith.index_cast %scan3A_196 : i32 to index
          %get3A_324 = arith.constant 96 : index
          %get3A_325 = tpu.vector_load %arg9[%get3A_322, %get3A_323, %get3A_324] {strides = array<i32>} : memref<4x80x128xf32, #tpu.memory_space<vmem>>, vector<1x1x16xf32>,
          %get3A_326 = vector.shape_cast %get3A_325 : vector<1x1x16xf32> to vector<16xf32>
          %add3A_327 = arith.addf %get3A_320, %get3A_326 : vector<16xf32>
          %swap3A_328 = arith.constant 0 : i32
          %swap3A_329 = arith.index_cast %swap3A_328 : i32 to index
          %swap3A_330 = arith.index_cast %scan3A_196 : i32 to index
          %swap3A_331 = arith.constant 96 : index
          %swap3A_332 = tpu.vector_load %arg8[%swap3A_329, %swap3A_330, %swap3A_331] {strides = array<i32>} : memref<4x80x128xf32, #tpu.memory_space<vmem>>, vector<1x1x16xf32>,
          %swap3A_333 = vector.shape_cast %swap3A_332 : vector<1x1x16xf32> to vector<16xf32>
          %swap3A_334 = vector.shape_cast %add3A_327 : vector<16xf32> to vector<1x1x16xf32>
          tpu.vector_store %arg8[%swap3A_329, %swap3A_330, %swap3A_331], %swap3A_334 {strides = array<i32>} : memref<4x80x128xf32, #tpu.memory_space<vmem>>, vector<1x1x16xf32>,
          %get3A_335 = arith.constant 0 : i32
          %get3A_336 = arith.index_cast %get3A_335 : i32 to index
          %get3A_337 = arith.index_cast %scan3A_196 : i32 to index
          %get3A_338 = arith.constant 112 : index
          %get3A_339 = tpu.vector_load %arg8[%get3A_336, %get3A_337, %get3A_338] {strides = array<i32>} : memref<4x80x128xf32, #tpu.memory_space<vmem>>, vector<1x1x16xf32>,
          %get3A_340 = vector.shape_cast %get3A_339 : vector<1x1x16xf32> to vector<16xf32>
          %get3A_341 = arith.constant 0 : i32
          %get3A_342 = arith.index_cast %get3A_341 : i32 to index
          %get3A_343 = arith.index_cast %scan3A_196 : i32 to index
          %get3A_344 = arith.constant 112 : index
          %get3A_345 = tpu.vector_load %arg9[%get3A_342, %get3A_343, %get3A_344] {strides = array<i32>} : memref<4x80x128xf32, #tpu.memory_space<vmem>>, vector<1x1x16xf32>,
          %get3A_346 = vector.shape_cast %get3A_345 : vector<1x1x16xf32> to vector<16xf32>
          %add3A_347 = arith.addf %get3A_340, %get3A_346 : vector<16xf32>
          %swap3A_348 = arith.constant 0 : i32
          %swap3A_349 = arith.index_cast %swap3A_348 : i32 to index
          %swap3A_350 = arith.index_cast %scan3A_196 : i32 to index
          %swap3A_351 = arith.constant 112 : index
          %swap3A_352 = tpu.vector_load %arg8[%swap3A_349, %swap3A_350, %swap3A_351] {strides = array<i32>} : memref<4x80x128xf32, #tpu.memory_space<vmem>>, vector<1x1x16xf32>,
          %swap3A_353 = vector.shape_cast %swap3A_352 : vector<1x1x16xf32> to vector<16xf32>
          %swap3A_354 = vector.shape_cast %add3A_347 : vector<16xf32> to vector<1x1x16xf32>
          tpu.vector_store %arg8[%swap3A_349, %swap3A_350, %swap3A_351], %swap3A_354 {strides = array<i32>} : memref<4x80x128xf32, #tpu.memory_space<vmem>>, vector<1x1x16xf32>,
        }
        %scan3A_177 = arith.constant 80 : i32
        %mul3A_178 = arith.constant 4960 : i32
        %mul3A_179 = arith.muli %add3A, %mul3A_178 : i32
        %mul3A_180 = arith.constant 80 : i32
        %mul3A_181 = arith.muli %add3A_61, %mul3A_180 : i32
        %add3A_182 = arith.addi %mul3A_179, %mul3A_181 : i32
        %dma_start3A_183 = arith.constant 0 : i32
        %dma_start3A_184 = arith.constant 0 : i32
        %dma_start3A_185 = arith.constant 0 : i32
        %dma_start3A_186 = tpu.memref_slice %arg8[%dma_start3A_183, %dma_start3A_184, %dma_start3A_185] : memref<4x80x128xf32, #tpu.memory_space<vmem>> -> memref<1x80x128xf32, #tpu.memory_space<vmem>>
        %dma_start3A_187 = tpu.memref_squeeze %dma_start3A_186 : memref<1x80x128xf32, #tpu.memory_space<vmem>> -> memref<80x128xf32, #tpu.memory_space<vmem>>
        %dma_start3A_188 = arith.constant 0 : i32
        %dma_start3A_189 = tpu.memref_slice %arg5[%add3A_182, %dma_start3A_188] : memref<158720x128xf32, #tpu.memory_space<hbm>> -> memref<80x128xf32, #tpu.memory_space<hbm>>
        %dma_start3A_190 = arith.constant 0 : i32
        %dma_start3A_191 = tpu.memref_slice %arg5[%add3A_182, %dma_start3A_190] : memref<158720x128xf32, #tpu.memory_space<hbm>> -> memref<80x128xf32, #tpu.memory_space<hbm>>
        %dma_start3A_192 = arith.constant 0 : i32
        %dma_start3A_193 = arith.constant 0 : i32
        %dma_start3A_194 = tpu.memref_slice %arg8[%dma_start3A_183, %dma_start3A_192, %dma_start3A_193] : memref<4x80x128xf32, #tpu.memory_space<vmem>> -> memref<1x80x128xf32, #tpu.memory_space<vmem>>
        %dma_start3A_195 = tpu.memref_squeeze %dma_start3A_194 : memref<1x80x128xf32, #tpu.memory_space<vmem>> -> memref<80x128xf32, #tpu.memory_space<vmem>>
        tpu.enqueue_dma source(%dma_start3A_195 : memref<80x128xf32, #tpu.memory_space<vmem>>) target(%dma_start3A_191 : memref<80x128xf32, #tpu.memory_space<hbm>>) target_semaphore(%arg18 : memref<!tpu.dma_semaphore, #tpu.memory_space<semaphore_mem>>)
      } else {
      }
      %mul3A_77 = arith.constant 4 : i32
      %mul3A_78 = arith.muli %scan3A_57, %mul3A_77 : i32
      %add3A_79 = arith.constant 1 : i32
      %add3A_80 = arith.addi %mul3A_78, %add3A_79 : i32
      %ge3A_81 = arith.constant 2 : i32
      %ge3A_82 = arith.cmpi sge, %add3A_80, %ge3A_81 : i32
      %lt3A_83 = arith.constant 64 : i32
      %lt3A_84 = arith.cmpi slt, %add3A_80, %lt3A_83 : i32
      %and3A_85 = arith.andi %ge3A_82, %lt3A_84 : i1
      %convert_element_type3A_86 = arith.extui %and3A_85 : i1 to i32
      %cond3A_87 = arith.constant 0 : i32
      %cond3A_88 = arith.cmpi ne, %convert_element_type3A_86, %cond3A_87 : i32
      scf.if %cond3A_88 {
        %sub3A = arith.constant 2 : i32
        %sub3A_149 = arith.subi %add3A_80, %sub3A : i32
        %mul3A_150 = arith.constant 4960 : i32
        %mul3A_151 = arith.muli %add3A, %mul3A_150 : i32
        %mul3A_152 = arith.constant 80 : i32
        %mul3A_153 = arith.muli %sub3A_149, %mul3A_152 : i32
        %add3A_154 = arith.addi %mul3A_151, %mul3A_153 : i32
        %dma_wait3A = arith.constant 3 : i32
        %dma_wait3A_155 = arith.constant 0 : i32
        %dma_wait3A_156 = arith.constant 0 : i32
        %dma_wait3A_157 = tpu.memref_slice %arg8[%dma_wait3A, %dma_wait3A_155, %dma_wait3A_156] : memref<4x80x128xf32, #tpu.memory_space<vmem>> -> memref<1x80x128xf32, #tpu.memory_space<vmem>>
        %dma_wait3A_158 = tpu.memref_squeeze %dma_wait3A_157 : memref<1x80x128xf32, #tpu.memory_space<vmem>> -> memref<80x128xf32, #tpu.memory_space<vmem>>
        %dma_wait3A_159 = arith.constant 0 : i32
        %dma_wait3A_160 = tpu.memref_slice %arg5[%add3A_154, %dma_wait3A_159] : memref<158720x128xf32, #tpu.memory_space<hbm>> -> memref<80x128xf32, #tpu.memory_space<hbm>>
        %dma_wait3A_161 = arith.constant 0 : i32
        %dma_wait3A_162 = tpu.memref_slice %arg5[%add3A_154, %dma_wait3A_161] : memref<158720x128xf32, #tpu.memory_space<hbm>> -> memref<80x128xf32, #tpu.memory_space<hbm>>
        %dma_wait3A_163 = arith.constant 0 : i32
        %dma_wait3A_164 = arith.constant 0 : i32
        %dma_wait3A_165 = tpu.memref_slice %arg8[%dma_wait3A, %dma_wait3A_163, %dma_wait3A_164] : memref<4x80x128xf32, #tpu.memory_space<vmem>> -> memref<1x80x128xf32, #tpu.memory_space<vmem>>
        %dma_wait3A_166 = tpu.memref_squeeze %dma_wait3A_165 : memref<1x80x128xf32, #tpu.memory_space<vmem>> -> memref<80x128xf32, #tpu.memory_space<vmem>>
        tpu.wait_dma2 semaphore(%arg21 : memref<!tpu.dma_semaphore, #tpu.memory_space<semaphore_mem>>) src(%dma_wait3A_166 : memref<80x128xf32, #tpu.memory_space<vmem>>) dst(%dma_wait3A_162 : memref<80x128xf32, #tpu.memory_space<hbm>>)
      } else {
      }
      %add3A_89 = arith.constant 2 : i32
      %add3A_90 = arith.addi %add3A_80, %add3A_89 : i32
      %lt3A_91 = arith.constant 62 : i32
      %lt3A_92 = arith.cmpi slt, %add3A_90, %lt3A_91 : i32
      %convert_element_type3A_93 = arith.extui %lt3A_92 : i1 to i32
      %cond3A_94 = arith.constant 0 : i32
      %cond3A_95 = arith.cmpi ne, %convert_element_type3A_93, %cond3A_94 : i32
      scf.if %cond3A_95 {
        %add3A_149 = arith.constant 2 : i32
        %add3A_150 = arith.addi %add3A_80, %add3A_149 : i32
        %dma_start3A_151 = arith.constant 0 : i32
        %dma_start3A_152 = arith.constant 3 : i32
        %dma_start3A_153 = arith.constant 0 : i32
        %dma_start3A_154 = arith.constant 0 : i32
        %dma_start3A_155 = tpu.memref_slice %arg8[%dma_start3A_152, %dma_start3A_153, %dma_start3A_154] : memref<4x80x128xf32, #tpu.memory_space<vmem>> -> memref<1x80x128xf32, #tpu.memory_space<vmem>>
        %dma_start3A_156 = tpu.memref_squeeze %dma_start3A_155 : memref<1x80x128xf32, #tpu.memory_space<vmem>> -> memref<80x128xf32, #tpu.memory_space<vmem>>
        %dma_start3A_157 = arith.constant 0 : i32
        %dma_start3A_158 = tpu.memref_slice %arg6[%add3A_150, %dma_start3A_151, %dma_start3A_157] : memref<62x1x80xi32, #tpu.memory_space<vmem>> -> memref<1x1x80xi32, #tpu.memory_space<vmem>>
        %dma_start3A_159 = tpu.memref_squeeze %dma_start3A_158 : memref<1x1x80xi32, #tpu.memory_space<vmem>> -> memref<80xi32, #tpu.memory_space<vmem>>
        %dma_start3A_160 = arith.constant 0 : i32
        %dma_start3A_161 = arith.constant 0 : i32
        %dma_start3A_162 = tpu.memref_slice %arg2[%dma_start3A_160, %dma_start3A_161] : memref<20000x128xf32, #tpu.memory_space<hbm>> -> memref<20000x128xf32, #tpu.memory_space<hbm>>
        tpu.enqueue_indirect_dma source(%dma_start3A_162 : memref<20000x128xf32, #tpu.memory_space<hbm>>) target(%dma_start3A_156 : memref<80x128xf32, #tpu.memory_space<vmem>>) offsets(%dma_start3A_159 : memref<80xi32, #tpu.memory_space<vmem>>) semaphore(%arg13 : memref<!tpu.dma_semaphore, #tpu.memory_space<semaphore_mem>>)
        %dma_start3A_163 = arith.constant 0 : i32
        %dma_start3A_164 = arith.constant 3 : i32
        %dma_start3A_165 = arith.constant 0 : i32
        %dma_start3A_166 = arith.constant 0 : i32
        %dma_start3A_167 = tpu.memref_slice %arg9[%dma_start3A_164, %dma_start3A_165, %dma_start3A_166] : memref<4x80x128xf32, #tpu.memory_space<vmem>> -> memref<1x80x128xf32, #tpu.memory_space<vmem>>
        %dma_start3A_168 = tpu.memref_squeeze %dma_start3A_167 : memref<1x80x128xf32, #tpu.memory_space<vmem>> -> memref<80x128xf32, #tpu.memory_space<vmem>>
        %dma_start3A_169 = arith.constant 0 : i32
        %dma_start3A_170 = tpu.memref_slice %arg7[%add3A_150, %dma_start3A_163, %dma_start3A_169] : memref<62x1x80xi32, #tpu.memory_space<vmem>> -> memref<1x1x80xi32, #tpu.memory_space<vmem>>
        %dma_start3A_171 = tpu.memref_squeeze %dma_start3A_170 : memref<1x1x80xi32, #tpu.memory_space<vmem>> -> memref<80xi32, #tpu.memory_space<vmem>>
        %dma_start3A_172 = arith.constant 0 : i32
        %dma_start3A_173 = arith.constant 0 : i32
        %dma_start3A_174 = tpu.memref_slice %arg2[%dma_start3A_172, %dma_start3A_173] : memref<20000x128xf32, #tpu.memory_space<hbm>> -> memref<20000x128xf32, #tpu.memory_space<hbm>>
        tpu.enqueue_indirect_dma source(%dma_start3A_174 : memref<20000x128xf32, #tpu.memory_space<hbm>>) target(%dma_start3A_168 : memref<80x128xf32, #tpu.memory_space<vmem>>) offsets(%dma_start3A_171 : memref<80xi32, #tpu.memory_space<vmem>>) semaphore(%arg17 : memref<!tpu.dma_semaphore, #tpu.memory_space<semaphore_mem>>)
      } else {
      }
      %lt3A_96 = arith.constant 62 : i32
      %lt3A_97 = arith.cmpi slt, %add3A_80, %lt3A_96 : i32
      %convert_element_type3A_98 = arith.extui %lt3A_97 : i1 to i32
      %cond3A_99 = arith.constant 0 : i32
      %cond3A_100 = arith.cmpi ne, %convert_element_type3A_98, %cond3A_99 : i32
      scf.if %cond3A_100 {
        %dma_wait3A = arith.constant 0 : i32
        %dma_wait3A_149 = arith.constant 1 : i32
        %dma_wait3A_150 = arith.constant 0 : i32
        %dma_wait3A_151 = arith.constant 0 : i32
        %dma_wait3A_152 = tpu.memref_slice %arg8[%dma_wait3A_149, %dma_wait3A_150, %dma_wait3A_151] : memref<4x80x128xf32, #tpu.memory_space<vmem>> -> memref<1x80x128xf32, #tpu.memory_space<vmem>>
        %dma_wait3A_153 = tpu.memref_squeeze %dma_wait3A_152 : memref<1x80x128xf32, #tpu.memory_space<vmem>> -> memref<80x128xf32, #tpu.memory_space<vmem>>
        %dma_wait3A_154 = arith.constant 0 : i32
        %dma_wait3A_155 = tpu.memref_slice %arg6[%add3A_80, %dma_wait3A, %dma_wait3A_154] : memref<62x1x80xi32, #tpu.memory_space<vmem>> -> memref<1x1x80xi32, #tpu.memory_space<vmem>>
        %dma_wait3A_156 = tpu.memref_squeeze %dma_wait3A_155 : memref<1x1x80xi32, #tpu.memory_space<vmem>> -> memref<80xi32, #tpu.memory_space<vmem>>
        %dma_wait3A_157 = arith.constant 0 : i32
        %dma_wait3A_158 = arith.constant 0 : i32
        %dma_wait3A_159 = tpu.memref_slice %arg2[%dma_wait3A_157, %dma_wait3A_158] : memref<20000x128xf32, #tpu.memory_space<hbm>> -> memref<20000x128xf32, #tpu.memory_space<hbm>>
        tpu.wait_indirect_dma semaphore(%arg11 : memref<!tpu.dma_semaphore, #tpu.memory_space<semaphore_mem>>) src(%dma_wait3A_159 : memref<20000x128xf32, #tpu.memory_space<hbm>>) dst(%dma_wait3A_153 : memref<80x128xf32, #tpu.memory_space<vmem>>)
        %dma_wait3A_160 = arith.constant 0 : i32
        %dma_wait3A_161 = arith.constant 1 : i32
        %dma_wait3A_162 = arith.constant 0 : i32
        %dma_wait3A_163 = arith.constant 0 : i32
        %dma_wait3A_164 = tpu.memref_slice %arg9[%dma_wait3A_161, %dma_wait3A_162, %dma_wait3A_163] : memref<4x80x128xf32, #tpu.memory_space<vmem>> -> memref<1x80x128xf32, #tpu.memory_space<vmem>>
        %dma_wait3A_165 = tpu.memref_squeeze %dma_wait3A_164 : memref<1x80x128xf32, #tpu.memory_space<vmem>> -> memref<80x128xf32, #tpu.memory_space<vmem>>
        %dma_wait3A_166 = arith.constant 0 : i32
        %dma_wait3A_167 = tpu.memref_slice %arg7[%add3A_80, %dma_wait3A_160, %dma_wait3A_166] : memref<62x1x80xi32, #tpu.memory_space<vmem>> -> memref<1x1x80xi32, #tpu.memory_space<vmem>>
        %dma_wait3A_168 = tpu.memref_squeeze %dma_wait3A_167 : memref<1x1x80xi32, #tpu.memory_space<vmem>> -> memref<80xi32, #tpu.memory_space<vmem>>
        %dma_wait3A_169 = arith.constant 0 : i32
        %dma_wait3A_170 = arith.constant 0 : i32
        %dma_wait3A_171 = tpu.memref_slice %arg2[%dma_wait3A_169, %dma_wait3A_170] : memref<20000x128xf32, #tpu.memory_space<hbm>> -> memref<20000x128xf32, #tpu.memory_space<hbm>>
        tpu.wait_indirect_dma semaphore(%arg15 : memref<!tpu.dma_semaphore, #tpu.memory_space<semaphore_mem>>) src(%dma_wait3A_171 : memref<20000x128xf32, #tpu.memory_space<hbm>>) dst(%dma_wait3A_165 : memref<80x128xf32, #tpu.memory_space<vmem>>)
        %scan3A_172 = arith.constant 0 : i32
        %scan3A_173 = arith.constant 0 : i32
        %scan3A_174 = arith.constant 80 : i32
        %scan3A_175 = arith.addi %scan3A_173, %scan3A_174 : i32
        %scan3A_176 = arith.constant 1 : i32
        scf.for %scan3A_196 = %scan3A_173 to %scan3A_175 step %scan3A_176  : i32 {
          %get3A = arith.constant 1 : i32
          %get3A_197 = arith.index_cast %get3A : i32 to index
          %get3A_198 = arith.index_cast %scan3A_196 : i32 to index
          %get3A_199 = arith.constant 0 : index
          %get3A_200 = tpu.vector_load %arg8[%get3A_197, %get3A_198, %get3A_199] {strides = array<i32>} : memref<4x80x128xf32, #tpu.memory_space<vmem>>, vector<1x1x16xf32>,
          %get3A_201 = vector.shape_cast %get3A_200 : vector<1x1x16xf32> to vector<16xf32>
          %get3A_202 = arith.constant 1 : i32
          %get3A_203 = arith.index_cast %get3A_202 : i32 to index
          %get3A_204 = arith.index_cast %scan3A_196 : i32 to index
          %get3A_205 = arith.constant 0 : index
          %get3A_206 = tpu.vector_load %arg9[%get3A_203, %get3A_204, %get3A_205] {strides = array<i32>} : memref<4x80x128xf32, #tpu.memory_space<vmem>>, vector<1x1x16xf32>,
          %get3A_207 = vector.shape_cast %get3A_206 : vector<1x1x16xf32> to vector<16xf32>
          %add3A_208 = arith.addf %get3A_201, %get3A_207 : vector<16xf32>
          %swap3A = arith.constant 1 : i32
          %swap3A_209 = arith.index_cast %swap3A : i32 to index
          %swap3A_210 = arith.index_cast %scan3A_196 : i32 to index
          %swap3A_211 = arith.constant 0 : index
          %swap3A_212 = tpu.vector_load %arg8[%swap3A_209, %swap3A_210, %swap3A_211] {strides = array<i32>} : memref<4x80x128xf32, #tpu.memory_space<vmem>>, vector<1x1x16xf32>,
          %swap3A_213 = vector.shape_cast %swap3A_212 : vector<1x1x16xf32> to vector<16xf32>
          %swap3A_214 = vector.shape_cast %add3A_208 : vector<16xf32> to vector<1x1x16xf32>
          tpu.vector_store %arg8[%swap3A_209, %swap3A_210, %swap3A_211], %swap3A_214 {strides = array<i32>} : memref<4x80x128xf32, #tpu.memory_space<vmem>>, vector<1x1x16xf32>,
          %get3A_215 = arith.constant 1 : i32
          %get3A_216 = arith.index_cast %get3A_215 : i32 to index
          %get3A_217 = arith.index_cast %scan3A_196 : i32 to index
          %get3A_218 = arith.constant 16 : index
          %get3A_219 = tpu.vector_load %arg8[%get3A_216, %get3A_217, %get3A_218] {strides = array<i32>} : memref<4x80x128xf32, #tpu.memory_space<vmem>>, vector<1x1x16xf32>,
          %get3A_220 = vector.shape_cast %get3A_219 : vector<1x1x16xf32> to vector<16xf32>
          %get3A_221 = arith.constant 1 : i32
          %get3A_222 = arith.index_cast %get3A_221 : i32 to index
          %get3A_223 = arith.index_cast %scan3A_196 : i32 to index
          %get3A_224 = arith.constant 16 : index
          %get3A_225 = tpu.vector_load %arg9[%get3A_222, %get3A_223, %get3A_224] {strides = array<i32>} : memref<4x80x128xf32, #tpu.memory_space<vmem>>, vector<1x1x16xf32>,
          %get3A_226 = vector.shape_cast %get3A_225 : vector<1x1x16xf32> to vector<16xf32>
          %add3A_227 = arith.addf %get3A_220, %get3A_226 : vector<16xf32>
          %swap3A_228 = arith.constant 1 : i32
          %swap3A_229 = arith.index_cast %swap3A_228 : i32 to index
          %swap3A_230 = arith.index_cast %scan3A_196 : i32 to index
          %swap3A_231 = arith.constant 16 : index
          %swap3A_232 = tpu.vector_load %arg8[%swap3A_229, %swap3A_230, %swap3A_231] {strides = array<i32>} : memref<4x80x128xf32, #tpu.memory_space<vmem>>, vector<1x1x16xf32>,
          %swap3A_233 = vector.shape_cast %swap3A_232 : vector<1x1x16xf32> to vector<16xf32>
          %swap3A_234 = vector.shape_cast %add3A_227 : vector<16xf32> to vector<1x1x16xf32>
          tpu.vector_store %arg8[%swap3A_229, %swap3A_230, %swap3A_231], %swap3A_234 {strides = array<i32>} : memref<4x80x128xf32, #tpu.memory_space<vmem>>, vector<1x1x16xf32>,
          %get3A_235 = arith.constant 1 : i32
          %get3A_236 = arith.index_cast %get3A_235 : i32 to index
          %get3A_237 = arith.index_cast %scan3A_196 : i32 to index
          %get3A_238 = arith.constant 32 : index
          %get3A_239 = tpu.vector_load %arg8[%get3A_236, %get3A_237, %get3A_238] {strides = array<i32>} : memref<4x80x128xf32, #tpu.memory_space<vmem>>, vector<1x1x16xf32>,
          %get3A_240 = vector.shape_cast %get3A_239 : vector<1x1x16xf32> to vector<16xf32>
          %get3A_241 = arith.constant 1 : i32
          %get3A_242 = arith.index_cast %get3A_241 : i32 to index
          %get3A_243 = arith.index_cast %scan3A_196 : i32 to index
          %get3A_244 = arith.constant 32 : index
          %get3A_245 = tpu.vector_load %arg9[%get3A_242, %get3A_243, %get3A_244] {strides = array<i32>} : memref<4x80x128xf32, #tpu.memory_space<vmem>>, vector<1x1x16xf32>,
          %get3A_246 = vector.shape_cast %get3A_245 : vector<1x1x16xf32> to vector<16xf32>
          %add3A_247 = arith.addf %get3A_240, %get3A_246 : vector<16xf32>
          %swap3A_248 = arith.constant 1 : i32
          %swap3A_249 = arith.index_cast %swap3A_248 : i32 to index
          %swap3A_250 = arith.index_cast %scan3A_196 : i32 to index
          %swap3A_251 = arith.constant 32 : index
          %swap3A_252 = tpu.vector_load %arg8[%swap3A_249, %swap3A_250, %swap3A_251] {strides = array<i32>} : memref<4x80x128xf32, #tpu.memory_space<vmem>>, vector<1x1x16xf32>,
          %swap3A_253 = vector.shape_cast %swap3A_252 : vector<1x1x16xf32> to vector<16xf32>
          %swap3A_254 = vector.shape_cast %add3A_247 : vector<16xf32> to vector<1x1x16xf32>
          tpu.vector_store %arg8[%swap3A_249, %swap3A_250, %swap3A_251], %swap3A_254 {strides = array<i32>} : memref<4x80x128xf32, #tpu.memory_space<vmem>>, vector<1x1x16xf32>,
          %get3A_255 = arith.constant 1 : i32
          %get3A_256 = arith.index_cast %get3A_255 : i32 to index
          %get3A_257 = arith.index_cast %scan3A_196 : i32 to index
          %get3A_258 = arith.constant 48 : index
          %get3A_259 = tpu.vector_load %arg8[%get3A_256, %get3A_257, %get3A_258] {strides = array<i32>} : memref<4x80x128xf32, #tpu.memory_space<vmem>>, vector<1x1x16xf32>,
          %get3A_260 = vector.shape_cast %get3A_259 : vector<1x1x16xf32> to vector<16xf32>
          %get3A_261 = arith.constant 1 : i32
          %get3A_262 = arith.index_cast %get3A_261 : i32 to index
          %get3A_263 = arith.index_cast %scan3A_196 : i32 to index
          %get3A_264 = arith.constant 48 : index
          %get3A_265 = tpu.vector_load %arg9[%get3A_262, %get3A_263, %get3A_264] {strides = array<i32>} : memref<4x80x128xf32, #tpu.memory_space<vmem>>, vector<1x1x16xf32>,
          %get3A_266 = vector.shape_cast %get3A_265 : vector<1x1x16xf32> to vector<16xf32>
          %add3A_267 = arith.addf %get3A_260, %get3A_266 : vector<16xf32>
          %swap3A_268 = arith.constant 1 : i32
          %swap3A_269 = arith.index_cast %swap3A_268 : i32 to index
          %swap3A_270 = arith.index_cast %scan3A_196 : i32 to index
          %swap3A_271 = arith.constant 48 : index
          %swap3A_272 = tpu.vector_load %arg8[%swap3A_269, %swap3A_270, %swap3A_271] {strides = array<i32>} : memref<4x80x128xf32, #tpu.memory_space<vmem>>, vector<1x1x16xf32>,
          %swap3A_273 = vector.shape_cast %swap3A_272 : vector<1x1x16xf32> to vector<16xf32>
          %swap3A_274 = vector.shape_cast %add3A_267 : vector<16xf32> to vector<1x1x16xf32>
          tpu.vector_store %arg8[%swap3A_269, %swap3A_270, %swap3A_271], %swap3A_274 {strides = array<i32>} : memref<4x80x128xf32, #tpu.memory_space<vmem>>, vector<1x1x16xf32>,
          %get3A_275 = arith.constant 1 : i32
          %get3A_276 = arith.index_cast %get3A_275 : i32 to index
          %get3A_277 = arith.index_cast %scan3A_196 : i32 to index
          %get3A_278 = arith.constant 64 : index
          %get3A_279 = tpu.vector_load %arg8[%get3A_276, %get3A_277, %get3A_278] {strides = array<i32>} : memref<4x80x128xf32, #tpu.memory_space<vmem>>, vector<1x1x16xf32>,
          %get3A_280 = vector.shape_cast %get3A_279 : vector<1x1x16xf32> to vector<16xf32>
          %get3A_281 = arith.constant 1 : i32
          %get3A_282 = arith.index_cast %get3A_281 : i32 to index
          %get3A_283 = arith.index_cast %scan3A_196 : i32 to index
          %get3A_284 = arith.constant 64 : index
          %get3A_285 = tpu.vector_load %arg9[%get3A_282, %get3A_283, %get3A_284] {strides = array<i32>} : memref<4x80x128xf32, #tpu.memory_space<vmem>>, vector<1x1x16xf32>,
          %get3A_286 = vector.shape_cast %get3A_285 : vector<1x1x16xf32> to vector<16xf32>
          %add3A_287 = arith.addf %get3A_280, %get3A_286 : vector<16xf32>
          %swap3A_288 = arith.constant 1 : i32
          %swap3A_289 = arith.index_cast %swap3A_288 : i32 to index
          %swap3A_290 = arith.index_cast %scan3A_196 : i32 to index
          %swap3A_291 = arith.constant 64 : index
          %swap3A_292 = tpu.vector_load %arg8[%swap3A_289, %swap3A_290, %swap3A_291] {strides = array<i32>} : memref<4x80x128xf32, #tpu.memory_space<vmem>>, vector<1x1x16xf32>,
          %swap3A_293 = vector.shape_cast %swap3A_292 : vector<1x1x16xf32> to vector<16xf32>
          %swap3A_294 = vector.shape_cast %add3A_287 : vector<16xf32> to vector<1x1x16xf32>
          tpu.vector_store %arg8[%swap3A_289, %swap3A_290, %swap3A_291], %swap3A_294 {strides = array<i32>} : memref<4x80x128xf32, #tpu.memory_space<vmem>>, vector<1x1x16xf32>,
          %get3A_295 = arith.constant 1 : i32
          %get3A_296 = arith.index_cast %get3A_295 : i32 to index
          %get3A_297 = arith.index_cast %scan3A_196 : i32 to index
          %get3A_298 = arith.constant 80 : index
          %get3A_299 = tpu.vector_load %arg8[%get3A_296, %get3A_297, %get3A_298] {strides = array<i32>} : memref<4x80x128xf32, #tpu.memory_space<vmem>>, vector<1x1x16xf32>,
          %get3A_300 = vector.shape_cast %get3A_299 : vector<1x1x16xf32> to vector<16xf32>
          %get3A_301 = arith.constant 1 : i32
          %get3A_302 = arith.index_cast %get3A_301 : i32 to index
          %get3A_303 = arith.index_cast %scan3A_196 : i32 to index
          %get3A_304 = arith.constant 80 : index
          %get3A_305 = tpu.vector_load %arg9[%get3A_302, %get3A_303, %get3A_304] {strides = array<i32>} : memref<4x80x128xf32, #tpu.memory_space<vmem>>, vector<1x1x16xf32>,
          %get3A_306 = vector.shape_cast %get3A_305 : vector<1x1x16xf32> to vector<16xf32>
          %add3A_307 = arith.addf %get3A_300, %get3A_306 : vector<16xf32>
          %swap3A_308 = arith.constant 1 : i32
          %swap3A_309 = arith.index_cast %swap3A_308 : i32 to index
          %swap3A_310 = arith.index_cast %scan3A_196 : i32 to index
          %swap3A_311 = arith.constant 80 : index
          %swap3A_312 = tpu.vector_load %arg8[%swap3A_309, %swap3A_310, %swap3A_311] {strides = array<i32>} : memref<4x80x128xf32, #tpu.memory_space<vmem>>, vector<1x1x16xf32>,
          %swap3A_313 = vector.shape_cast %swap3A_312 : vector<1x1x16xf32> to vector<16xf32>
          %swap3A_314 = vector.shape_cast %add3A_307 : vector<16xf32> to vector<1x1x16xf32>
          tpu.vector_store %arg8[%swap3A_309, %swap3A_310, %swap3A_311], %swap3A_314 {strides = array<i32>} : memref<4x80x128xf32, #tpu.memory_space<vmem>>, vector<1x1x16xf32>,
          %get3A_315 = arith.constant 1 : i32
          %get3A_316 = arith.index_cast %get3A_315 : i32 to index
          %get3A_317 = arith.index_cast %scan3A_196 : i32 to index
          %get3A_318 = arith.constant 96 : index
          %get3A_319 = tpu.vector_load %arg8[%get3A_316, %get3A_317, %get3A_318] {strides = array<i32>} : memref<4x80x128xf32, #tpu.memory_space<vmem>>, vector<1x1x16xf32>,
          %get3A_320 = vector.shape_cast %get3A_319 : vector<1x1x16xf32> to vector<16xf32>
          %get3A_321 = arith.constant 1 : i32
          %get3A_322 = arith.index_cast %get3A_321 : i32 to index
          %get3A_323 = arith.index_cast %scan3A_196 : i32 to index
          %get3A_324 = arith.constant 96 : index
          %get3A_325 = tpu.vector_load %arg9[%get3A_322, %get3A_323, %get3A_324] {strides = array<i32>} : memref<4x80x128xf32, #tpu.memory_space<vmem>>, vector<1x1x16xf32>,
          %get3A_326 = vector.shape_cast %get3A_325 : vector<1x1x16xf32> to vector<16xf32>
          %add3A_327 = arith.addf %get3A_320, %get3A_326 : vector<16xf32>
          %swap3A_328 = arith.constant 1 : i32
          %swap3A_329 = arith.index_cast %swap3A_328 : i32 to index
          %swap3A_330 = arith.index_cast %scan3A_196 : i32 to index
          %swap3A_331 = arith.constant 96 : index
          %swap3A_332 = tpu.vector_load %arg8[%swap3A_329, %swap3A_330, %swap3A_331] {strides = array<i32>} : memref<4x80x128xf32, #tpu.memory_space<vmem>>, vector<1x1x16xf32>,
          %swap3A_333 = vector.shape_cast %swap3A_332 : vector<1x1x16xf32> to vector<16xf32>
          %swap3A_334 = vector.shape_cast %add3A_327 : vector<16xf32> to vector<1x1x16xf32>
          tpu.vector_store %arg8[%swap3A_329, %swap3A_330, %swap3A_331], %swap3A_334 {strides = array<i32>} : memref<4x80x128xf32, #tpu.memory_space<vmem>>, vector<1x1x16xf32>,
          %get3A_335 = arith.constant 1 : i32
          %get3A_336 = arith.index_cast %get3A_335 : i32 to index
          %get3A_337 = arith.index_cast %scan3A_196 : i32 to index
          %get3A_338 = arith.constant 112 : index
          %get3A_339 = tpu.vector_load %arg8[%get3A_336, %get3A_337, %get3A_338] {strides = array<i32>} : memref<4x80x128xf32, #tpu.memory_space<vmem>>, vector<1x1x16xf32>,
          %get3A_340 = vector.shape_cast %get3A_339 : vector<1x1x16xf32> to vector<16xf32>
          %get3A_341 = arith.constant 1 : i32
          %get3A_342 = arith.index_cast %get3A_341 : i32 to index
          %get3A_343 = arith.index_cast %scan3A_196 : i32 to index
          %get3A_344 = arith.constant 112 : index
          %get3A_345 = tpu.vector_load %arg9[%get3A_342, %get3A_343, %get3A_344] {strides = array<i32>} : memref<4x80x128xf32, #tpu.memory_space<vmem>>, vector<1x1x16xf32>,
          %get3A_346 = vector.shape_cast %get3A_345 : vector<1x1x16xf32> to vector<16xf32>
          %add3A_347 = arith.addf %get3A_340, %get3A_346 : vector<16xf32>
          %swap3A_348 = arith.constant 1 : i32
          %swap3A_349 = arith.index_cast %swap3A_348 : i32 to index
          %swap3A_350 = arith.index_cast %scan3A_196 : i32 to index
          %swap3A_351 = arith.constant 112 : index
          %swap3A_352 = tpu.vector_load %arg8[%swap3A_349, %swap3A_350, %swap3A_351] {strides = array<i32>} : memref<4x80x128xf32, #tpu.memory_space<vmem>>, vector<1x1x16xf32>,
          %swap3A_353 = vector.shape_cast %swap3A_352 : vector<1x1x16xf32> to vector<16xf32>
          %swap3A_354 = vector.shape_cast %add3A_347 : vector<16xf32> to vector<1x1x16xf32>
          tpu.vector_store %arg8[%swap3A_349, %swap3A_350, %swap3A_351], %swap3A_354 {strides = array<i32>} : memref<4x80x128xf32, #tpu.memory_space<vmem>>, vector<1x1x16xf32>,
        }
        %scan3A_177 = arith.constant 80 : i32
        %mul3A_178 = arith.constant 4960 : i32
        %mul3A_179 = arith.muli %add3A, %mul3A_178 : i32
        %mul3A_180 = arith.constant 80 : i32
        %mul3A_181 = arith.muli %add3A_80, %mul3A_180 : i32
        %add3A_182 = arith.addi %mul3A_179, %mul3A_181 : i32
        %dma_start3A_183 = arith.constant 1 : i32
        %dma_start3A_184 = arith.constant 0 : i32
        %dma_start3A_185 = arith.constant 0 : i32
        %dma_start3A_186 = tpu.memref_slice %arg8[%dma_start3A_183, %dma_start3A_184, %dma_start3A_185] : memref<4x80x128xf32, #tpu.memory_space<vmem>> -> memref<1x80x128xf32, #tpu.memory_space<vmem>>
        %dma_start3A_187 = tpu.memref_squeeze %dma_start3A_186 : memref<1x80x128xf32, #tpu.memory_space<vmem>> -> memref<80x128xf32, #tpu.memory_space<vmem>>
        %dma_start3A_188 = arith.constant 0 : i32
        %dma_start3A_189 = tpu.memref_slice %arg5[%add3A_182, %dma_start3A_188] : memref<158720x128xf32, #tpu.memory_space<hbm>> -> memref<80x128xf32, #tpu.memory_space<hbm>>
        %dma_start3A_190 = arith.constant 0 : i32
        %dma_start3A_191 = tpu.memref_slice %arg5[%add3A_182, %dma_start3A_190] : memref<158720x128xf32, #tpu.memory_space<hbm>> -> memref<80x128xf32, #tpu.memory_space<hbm>>
        %dma_start3A_192 = arith.constant 0 : i32
        %dma_start3A_193 = arith.constant 0 : i32
        %dma_start3A_194 = tpu.memref_slice %arg8[%dma_start3A_183, %dma_start3A_192, %dma_start3A_193] : memref<4x80x128xf32, #tpu.memory_space<vmem>> -> memref<1x80x128xf32, #tpu.memory_space<vmem>>
        %dma_start3A_195 = tpu.memref_squeeze %dma_start3A_194 : memref<1x80x128xf32, #tpu.memory_space<vmem>> -> memref<80x128xf32, #tpu.memory_space<vmem>>
        tpu.enqueue_dma source(%dma_start3A_195 : memref<80x128xf32, #tpu.memory_space<vmem>>) target(%dma_start3A_191 : memref<80x128xf32, #tpu.memory_space<hbm>>) target_semaphore(%arg19 : memref<!tpu.dma_semaphore, #tpu.memory_space<semaphore_mem>>)
      } else {
      }
      %mul3A_101 = arith.constant 4 : i32
      %mul3A_102 = arith.muli %scan3A_57, %mul3A_101 : i32
      %add3A_103 = arith.constant 2 : i32
      %add3A_104 = arith.addi %mul3A_102, %add3A_103 : i32
      %ge3A_105 = arith.constant 2 : i32
      %ge3A_106 = arith.cmpi sge, %add3A_104, %ge3A_105 : i32
      %lt3A_107 = arith.constant 64 : i32
      %lt3A_108 = arith.cmpi slt, %add3A_104, %lt3A_107 : i32
      %and3A_109 = arith.andi %ge3A_106, %lt3A_108 : i1
      %convert_element_type3A_110 = arith.extui %and3A_109 : i1 to i32
      %cond3A_111 = arith.constant 0 : i32
      %cond3A_112 = arith.cmpi ne, %convert_element_type3A_110, %cond3A_111 : i32
      scf.if %cond3A_112 {
        %sub3A = arith.constant 2 : i32
        %sub3A_149 = arith.subi %add3A_104, %sub3A : i32
        %mul3A_150 = arith.constant 4960 : i32
        %mul3A_151 = arith.muli %add3A, %mul3A_150 : i32
        %mul3A_152 = arith.constant 80 : i32
        %mul3A_153 = arith.muli %sub3A_149, %mul3A_152 : i32
        %add3A_154 = arith.addi %mul3A_151, %mul3A_153 : i32
        %dma_wait3A = arith.constant 0 : i32
        %dma_wait3A_155 = arith.constant 0 : i32
        %dma_wait3A_156 = arith.constant 0 : i32
        %dma_wait3A_157 = tpu.memref_slice %arg8[%dma_wait3A, %dma_wait3A_155, %dma_wait3A_156] : memref<4x80x128xf32, #tpu.memory_space<vmem>> -> memref<1x80x128xf32, #tpu.memory_space<vmem>>
        %dma_wait3A_158 = tpu.memref_squeeze %dma_wait3A_157 : memref<1x80x128xf32, #tpu.memory_space<vmem>> -> memref<80x128xf32, #tpu.memory_space<vmem>>
        %dma_wait3A_159 = arith.constant 0 : i32
        %dma_wait3A_160 = tpu.memref_slice %arg5[%add3A_154, %dma_wait3A_159] : memref<158720x128xf32, #tpu.memory_space<hbm>> -> memref<80x128xf32, #tpu.memory_space<hbm>>
        %dma_wait3A_161 = arith.constant 0 : i32
        %dma_wait3A_162 = tpu.memref_slice %arg5[%add3A_154, %dma_wait3A_161] : memref<158720x128xf32, #tpu.memory_space<hbm>> -> memref<80x128xf32, #tpu.memory_space<hbm>>
        %dma_wait3A_163 = arith.constant 0 : i32
        %dma_wait3A_164 = arith.constant 0 : i32
        %dma_wait3A_165 = tpu.memref_slice %arg8[%dma_wait3A, %dma_wait3A_163, %dma_wait3A_164] : memref<4x80x128xf32, #tpu.memory_space<vmem>> -> memref<1x80x128xf32, #tpu.memory_space<vmem>>
        %dma_wait3A_166 = tpu.memref_squeeze %dma_wait3A_165 : memref<1x80x128xf32, #tpu.memory_space<vmem>> -> memref<80x128xf32, #tpu.memory_space<vmem>>
        tpu.wait_dma2 semaphore(%arg18 : memref<!tpu.dma_semaphore, #tpu.memory_space<semaphore_mem>>) src(%dma_wait3A_166 : memref<80x128xf32, #tpu.memory_space<vmem>>) dst(%dma_wait3A_162 : memref<80x128xf32, #tpu.memory_space<hbm>>)
      } else {
      }
      %add3A_113 = arith.constant 2 : i32
      %add3A_114 = arith.addi %add3A_104, %add3A_113 : i32
      %lt3A_115 = arith.constant 62 : i32
      %lt3A_116 = arith.cmpi slt, %add3A_114, %lt3A_115 : i32
      %convert_element_type3A_117 = arith.extui %lt3A_116 : i1 to i32
      %cond3A_118 = arith.constant 0 : i32
      %cond3A_119 = arith.cmpi ne, %convert_element_type3A_117, %cond3A_118 : i32
      scf.if %cond3A_119 {
        %add3A_149 = arith.constant 2 : i32
        %add3A_150 = arith.addi %add3A_104, %add3A_149 : i32
        %dma_start3A_151 = arith.constant 0 : i32
        %dma_start3A_152 = arith.constant 0 : i32
        %dma_start3A_153 = arith.constant 0 : i32
        %dma_start3A_154 = arith.constant 0 : i32
        %dma_start3A_155 = tpu.memref_slice %arg8[%dma_start3A_152, %dma_start3A_153, %dma_start3A_154] : memref<4x80x128xf32, #tpu.memory_space<vmem>> -> memref<1x80x128xf32, #tpu.memory_space<vmem>>
        %dma_start3A_156 = tpu.memref_squeeze %dma_start3A_155 : memref<1x80x128xf32, #tpu.memory_space<vmem>> -> memref<80x128xf32, #tpu.memory_space<vmem>>
        %dma_start3A_157 = arith.constant 0 : i32
        %dma_start3A_158 = tpu.memref_slice %arg6[%add3A_150, %dma_start3A_151, %dma_start3A_157] : memref<62x1x80xi32, #tpu.memory_space<vmem>> -> memref<1x1x80xi32, #tpu.memory_space<vmem>>
        %dma_start3A_159 = tpu.memref_squeeze %dma_start3A_158 : memref<1x1x80xi32, #tpu.memory_space<vmem>> -> memref<80xi32, #tpu.memory_space<vmem>>
        %dma_start3A_160 = arith.constant 0 : i32
        %dma_start3A_161 = arith.constant 0 : i32
        %dma_start3A_162 = tpu.memref_slice %arg2[%dma_start3A_160, %dma_start3A_161] : memref<20000x128xf32, #tpu.memory_space<hbm>> -> memref<20000x128xf32, #tpu.memory_space<hbm>>
        tpu.enqueue_indirect_dma source(%dma_start3A_162 : memref<20000x128xf32, #tpu.memory_space<hbm>>) target(%dma_start3A_156 : memref<80x128xf32, #tpu.memory_space<vmem>>) offsets(%dma_start3A_159 : memref<80xi32, #tpu.memory_space<vmem>>) semaphore(%arg10 : memref<!tpu.dma_semaphore, #tpu.memory_space<semaphore_mem>>)
        %dma_start3A_163 = arith.constant 0 : i32
        %dma_start3A_164 = arith.constant 0 : i32
        %dma_start3A_165 = arith.constant 0 : i32
        %dma_start3A_166 = arith.constant 0 : i32
        %dma_start3A_167 = tpu.memref_slice %arg9[%dma_start3A_164, %dma_start3A_165, %dma_start3A_166] : memref<4x80x128xf32, #tpu.memory_space<vmem>> -> memref<1x80x128xf32, #tpu.memory_space<vmem>>
        %dma_start3A_168 = tpu.memref_squeeze %dma_start3A_167 : memref<1x80x128xf32, #tpu.memory_space<vmem>> -> memref<80x128xf32, #tpu.memory_space<vmem>>
        %dma_start3A_169 = arith.constant 0 : i32
        %dma_start3A_170 = tpu.memref_slice %arg7[%add3A_150, %dma_start3A_163, %dma_start3A_169] : memref<62x1x80xi32, #tpu.memory_space<vmem>> -> memref<1x1x80xi32, #tpu.memory_space<vmem>>
        %dma_start3A_171 = tpu.memref_squeeze %dma_start3A_170 : memref<1x1x80xi32, #tpu.memory_space<vmem>> -> memref<80xi32, #tpu.memory_space<vmem>>
        %dma_start3A_172 = arith.constant 0 : i32
        %dma_start3A_173 = arith.constant 0 : i32
        %dma_start3A_174 = tpu.memref_slice %arg2[%dma_start3A_172, %dma_start3A_173] : memref<20000x128xf32, #tpu.memory_space<hbm>> -> memref<20000x128xf32, #tpu.memory_space<hbm>>
        tpu.enqueue_indirect_dma source(%dma_start3A_174 : memref<20000x128xf32, #tpu.memory_space<hbm>>) target(%dma_start3A_168 : memref<80x128xf32, #tpu.memory_space<vmem>>) offsets(%dma_start3A_171 : memref<80xi32, #tpu.memory_space<vmem>>) semaphore(%arg14 : memref<!tpu.dma_semaphore, #tpu.memory_space<semaphore_mem>>)
      } else {
      }
      %lt3A_120 = arith.constant 62 : i32
      %lt3A_121 = arith.cmpi slt, %add3A_104, %lt3A_120 : i32
      %convert_element_type3A_122 = arith.extui %lt3A_121 : i1 to i32
      %cond3A_123 = arith.constant 0 : i32
      %cond3A_124 = arith.cmpi ne, %convert_element_type3A_122, %cond3A_123 : i32
      scf.if %cond3A_124 {
        %dma_wait3A = arith.constant 0 : i32
        %dma_wait3A_149 = arith.constant 2 : i32
        %dma_wait3A_150 = arith.constant 0 : i32
        %dma_wait3A_151 = arith.constant 0 : i32
        %dma_wait3A_152 = tpu.memref_slice %arg8[%dma_wait3A_149, %dma_wait3A_150, %dma_wait3A_151] : memref<4x80x128xf32, #tpu.memory_space<vmem>> -> memref<1x80x128xf32, #tpu.memory_space<vmem>>
        %dma_wait3A_153 = tpu.memref_squeeze %dma_wait3A_152 : memref<1x80x128xf32, #tpu.memory_space<vmem>> -> memref<80x128xf32, #tpu.memory_space<vmem>>
        %dma_wait3A_154 = arith.constant 0 : i32
        %dma_wait3A_155 = tpu.memref_slice %arg6[%add3A_104, %dma_wait3A, %dma_wait3A_154] : memref<62x1x80xi32, #tpu.memory_space<vmem>> -> memref<1x1x80xi32, #tpu.memory_space<vmem>>
        %dma_wait3A_156 = tpu.memref_squeeze %dma_wait3A_155 : memref<1x1x80xi32, #tpu.memory_space<vmem>> -> memref<80xi32, #tpu.memory_space<vmem>>
        %dma_wait3A_157 = arith.constant 0 : i32
        %dma_wait3A_158 = arith.constant 0 : i32
        %dma_wait3A_159 = tpu.memref_slice %arg2[%dma_wait3A_157, %dma_wait3A_158] : memref<20000x128xf32, #tpu.memory_space<hbm>> -> memref<20000x128xf32, #tpu.memory_space<hbm>>
        tpu.wait_indirect_dma semaphore(%arg12 : memref<!tpu.dma_semaphore, #tpu.memory_space<semaphore_mem>>) src(%dma_wait3A_159 : memref<20000x128xf32, #tpu.memory_space<hbm>>) dst(%dma_wait3A_153 : memref<80x128xf32, #tpu.memory_space<vmem>>)
        %dma_wait3A_160 = arith.constant 0 : i32
        %dma_wait3A_161 = arith.constant 2 : i32
        %dma_wait3A_162 = arith.constant 0 : i32
        %dma_wait3A_163 = arith.constant 0 : i32
        %dma_wait3A_164 = tpu.memref_slice %arg9[%dma_wait3A_161, %dma_wait3A_162, %dma_wait3A_163] : memref<4x80x128xf32, #tpu.memory_space<vmem>> -> memref<1x80x128xf32, #tpu.memory_space<vmem>>
        %dma_wait3A_165 = tpu.memref_squeeze %dma_wait3A_164 : memref<1x80x128xf32, #tpu.memory_space<vmem>> -> memref<80x128xf32, #tpu.memory_space<vmem>>
        %dma_wait3A_166 = arith.constant 0 : i32
        %dma_wait3A_167 = tpu.memref_slice %arg7[%add3A_104, %dma_wait3A_160, %dma_wait3A_166] : memref<62x1x80xi32, #tpu.memory_space<vmem>> -> memref<1x1x80xi32, #tpu.memory_space<vmem>>
        %dma_wait3A_168 = tpu.memref_squeeze %dma_wait3A_167 : memref<1x1x80xi32, #tpu.memory_space<vmem>> -> memref<80xi32, #tpu.memory_space<vmem>>
        %dma_wait3A_169 = arith.constant 0 : i32
        %dma_wait3A_170 = arith.constant 0 : i32
        %dma_wait3A_171 = tpu.memref_slice %arg2[%dma_wait3A_169, %dma_wait3A_170] : memref<20000x128xf32, #tpu.memory_space<hbm>> -> memref<20000x128xf32, #tpu.memory_space<hbm>>
        tpu.wait_indirect_dma semaphore(%arg16 : memref<!tpu.dma_semaphore, #tpu.memory_space<semaphore_mem>>) src(%dma_wait3A_171 : memref<20000x128xf32, #tpu.memory_space<hbm>>) dst(%dma_wait3A_165 : memref<80x128xf32, #tpu.memory_space<vmem>>)
        %scan3A_172 = arith.constant 0 : i32
        %scan3A_173 = arith.constant 0 : i32
        %scan3A_174 = arith.constant 80 : i32
        %scan3A_175 = arith.addi %scan3A_173, %scan3A_174 : i32
        %scan3A_176 = arith.constant 1 : i32
        scf.for %scan3A_196 = %scan3A_173 to %scan3A_175 step %scan3A_176  : i32 {
          %get3A = arith.constant 2 : i32
          %get3A_197 = arith.index_cast %get3A : i32 to index
          %get3A_198 = arith.index_cast %scan3A_196 : i32 to index
          %get3A_199 = arith.constant 0 : index
          %get3A_200 = tpu.vector_load %arg8[%get3A_197, %get3A_198, %get3A_199] {strides = array<i32>} : memref<4x80x128xf32, #tpu.memory_space<vmem>>, vector<1x1x16xf32>,
          %get3A_201 = vector.shape_cast %get3A_200 : vector<1x1x16xf32> to vector<16xf32>
          %get3A_202 = arith.constant 2 : i32
          %get3A_203 = arith.index_cast %get3A_202 : i32 to index
          %get3A_204 = arith.index_cast %scan3A_196 : i32 to index
          %get3A_205 = arith.constant 0 : index
          %get3A_206 = tpu.vector_load %arg9[%get3A_203, %get3A_204, %get3A_205] {strides = array<i32>} : memref<4x80x128xf32, #tpu.memory_space<vmem>>, vector<1x1x16xf32>,
          %get3A_207 = vector.shape_cast %get3A_206 : vector<1x1x16xf32> to vector<16xf32>
          %add3A_208 = arith.addf %get3A_201, %get3A_207 : vector<16xf32>
          %swap3A = arith.constant 2 : i32
          %swap3A_209 = arith.index_cast %swap3A : i32 to index
          %swap3A_210 = arith.index_cast %scan3A_196 : i32 to index
          %swap3A_211 = arith.constant 0 : index
          %swap3A_212 = tpu.vector_load %arg8[%swap3A_209, %swap3A_210, %swap3A_211] {strides = array<i32>} : memref<4x80x128xf32, #tpu.memory_space<vmem>>, vector<1x1x16xf32>,
          %swap3A_213 = vector.shape_cast %swap3A_212 : vector<1x1x16xf32> to vector<16xf32>
          %swap3A_214 = vector.shape_cast %add3A_208 : vector<16xf32> to vector<1x1x16xf32>
          tpu.vector_store %arg8[%swap3A_209, %swap3A_210, %swap3A_211], %swap3A_214 {strides = array<i32>} : memref<4x80x128xf32, #tpu.memory_space<vmem>>, vector<1x1x16xf32>,
          %get3A_215 = arith.constant 2 : i32
          %get3A_216 = arith.index_cast %get3A_215 : i32 to index
          %get3A_217 = arith.index_cast %scan3A_196 : i32 to index
          %get3A_218 = arith.constant 16 : index
          %get3A_219 = tpu.vector_load %arg8[%get3A_216, %get3A_217, %get3A_218] {strides = array<i32>} : memref<4x80x128xf32, #tpu.memory_space<vmem>>, vector<1x1x16xf32>,
          %get3A_220 = vector.shape_cast %get3A_219 : vector<1x1x16xf32> to vector<16xf32>
          %get3A_221 = arith.constant 2 : i32
          %get3A_222 = arith.index_cast %get3A_221 : i32 to index
          %get3A_223 = arith.index_cast %scan3A_196 : i32 to index
          %get3A_224 = arith.constant 16 : index
          %get3A_225 = tpu.vector_load %arg9[%get3A_222, %get3A_223, %get3A_224] {strides = array<i32>} : memref<4x80x128xf32, #tpu.memory_space<vmem>>, vector<1x1x16xf32>,
          %get3A_226 = vector.shape_cast %get3A_225 : vector<1x1x16xf32> to vector<16xf32>
          %add3A_227 = arith.addf %get3A_220, %get3A_226 : vector<16xf32>
          %swap3A_228 = arith.constant 2 : i32
          %swap3A_229 = arith.index_cast %swap3A_228 : i32 to index
          %swap3A_230 = arith.index_cast %scan3A_196 : i32 to index
          %swap3A_231 = arith.constant 16 : index
          %swap3A_232 = tpu.vector_load %arg8[%swap3A_229, %swap3A_230, %swap3A_231] {strides = array<i32>} : memref<4x80x128xf32, #tpu.memory_space<vmem>>, vector<1x1x16xf32>,
          %swap3A_233 = vector.shape_cast %swap3A_232 : vector<1x1x16xf32> to vector<16xf32>
          %swap3A_234 = vector.shape_cast %add3A_227 : vector<16xf32> to vector<1x1x16xf32>
          tpu.vector_store %arg8[%swap3A_229, %swap3A_230, %swap3A_231], %swap3A_234 {strides = array<i32>} : memref<4x80x128xf32, #tpu.memory_space<vmem>>, vector<1x1x16xf32>,
          %get3A_235 = arith.constant 2 : i32
          %get3A_236 = arith.index_cast %get3A_235 : i32 to index
          %get3A_237 = arith.index_cast %scan3A_196 : i32 to index
          %get3A_238 = arith.constant 32 : index
          %get3A_239 = tpu.vector_load %arg8[%get3A_236, %get3A_237, %get3A_238] {strides = array<i32>} : memref<4x80x128xf32, #tpu.memory_space<vmem>>, vector<1x1x16xf32>,
          %get3A_240 = vector.shape_cast %get3A_239 : vector<1x1x16xf32> to vector<16xf32>
          %get3A_241 = arith.constant 2 : i32
          %get3A_242 = arith.index_cast %get3A_241 : i32 to index
          %get3A_243 = arith.index_cast %scan3A_196 : i32 to index
          %get3A_244 = arith.constant 32 : index
          %get3A_245 = tpu.vector_load %arg9[%get3A_242, %get3A_243, %get3A_244] {strides = array<i32>} : memref<4x80x128xf32, #tpu.memory_space<vmem>>, vector<1x1x16xf32>,
          %get3A_246 = vector.shape_cast %get3A_245 : vector<1x1x16xf32> to vector<16xf32>
          %add3A_247 = arith.addf %get3A_240, %get3A_246 : vector<16xf32>
          %swap3A_248 = arith.constant 2 : i32
          %swap3A_249 = arith.index_cast %swap3A_248 : i32 to index
          %swap3A_250 = arith.index_cast %scan3A_196 : i32 to index
          %swap3A_251 = arith.constant 32 : index
          %swap3A_252 = tpu.vector_load %arg8[%swap3A_249, %swap3A_250, %swap3A_251] {strides = array<i32>} : memref<4x80x128xf32, #tpu.memory_space<vmem>>, vector<1x1x16xf32>,
          %swap3A_253 = vector.shape_cast %swap3A_252 : vector<1x1x16xf32> to vector<16xf32>
          %swap3A_254 = vector.shape_cast %add3A_247 : vector<16xf32> to vector<1x1x16xf32>
          tpu.vector_store %arg8[%swap3A_249, %swap3A_250, %swap3A_251], %swap3A_254 {strides = array<i32>} : memref<4x80x128xf32, #tpu.memory_space<vmem>>, vector<1x1x16xf32>,
          %get3A_255 = arith.constant 2 : i32
          %get3A_256 = arith.index_cast %get3A_255 : i32 to index
          %get3A_257 = arith.index_cast %scan3A_196 : i32 to index
          %get3A_258 = arith.constant 48 : index
          %get3A_259 = tpu.vector_load %arg8[%get3A_256, %get3A_257, %get3A_258] {strides = array<i32>} : memref<4x80x128xf32, #tpu.memory_space<vmem>>, vector<1x1x16xf32>,
          %get3A_260 = vector.shape_cast %get3A_259 : vector<1x1x16xf32> to vector<16xf32>
          %get3A_261 = arith.constant 2 : i32
          %get3A_262 = arith.index_cast %get3A_261 : i32 to index
          %get3A_263 = arith.index_cast %scan3A_196 : i32 to index
          %get3A_264 = arith.constant 48 : index
          %get3A_265 = tpu.vector_load %arg9[%get3A_262, %get3A_263, %get3A_264] {strides = array<i32>} : memref<4x80x128xf32, #tpu.memory_space<vmem>>, vector<1x1x16xf32>,
          %get3A_266 = vector.shape_cast %get3A_265 : vector<1x1x16xf32> to vector<16xf32>
          %add3A_267 = arith.addf %get3A_260, %get3A_266 : vector<16xf32>
          %swap3A_268 = arith.constant 2 : i32
          %swap3A_269 = arith.index_cast %swap3A_268 : i32 to index
          %swap3A_270 = arith.index_cast %scan3A_196 : i32 to index
          %swap3A_271 = arith.constant 48 : index
          %swap3A_272 = tpu.vector_load %arg8[%swap3A_269, %swap3A_270, %swap3A_271] {strides = array<i32>} : memref<4x80x128xf32, #tpu.memory_space<vmem>>, vector<1x1x16xf32>,
          %swap3A_273 = vector.shape_cast %swap3A_272 : vector<1x1x16xf32> to vector<16xf32>
          %swap3A_274 = vector.shape_cast %add3A_267 : vector<16xf32> to vector<1x1x16xf32>
          tpu.vector_store %arg8[%swap3A_269, %swap3A_270, %swap3A_271], %swap3A_274 {strides = array<i32>} : memref<4x80x128xf32, #tpu.memory_space<vmem>>, vector<1x1x16xf32>,
          %get3A_275 = arith.constant 2 : i32
          %get3A_276 = arith.index_cast %get3A_275 : i32 to index
          %get3A_277 = arith.index_cast %scan3A_196 : i32 to index
          %get3A_278 = arith.constant 64 : index
          %get3A_279 = tpu.vector_load %arg8[%get3A_276, %get3A_277, %get3A_278] {strides = array<i32>} : memref<4x80x128xf32, #tpu.memory_space<vmem>>, vector<1x1x16xf32>,
          %get3A_280 = vector.shape_cast %get3A_279 : vector<1x1x16xf32> to vector<16xf32>
          %get3A_281 = arith.constant 2 : i32
          %get3A_282 = arith.index_cast %get3A_281 : i32 to index
          %get3A_283 = arith.index_cast %scan3A_196 : i32 to index
          %get3A_284 = arith.constant 64 : index
          %get3A_285 = tpu.vector_load %arg9[%get3A_282, %get3A_283, %get3A_284] {strides = array<i32>} : memref<4x80x128xf32, #tpu.memory_space<vmem>>, vector<1x1x16xf32>,
          %get3A_286 = vector.shape_cast %get3A_285 : vector<1x1x16xf32> to vector<16xf32>
          %add3A_287 = arith.addf %get3A_280, %get3A_286 : vector<16xf32>
          %swap3A_288 = arith.constant 2 : i32
          %swap3A_289 = arith.index_cast %swap3A_288 : i32 to index
          %swap3A_290 = arith.index_cast %scan3A_196 : i32 to index
          %swap3A_291 = arith.constant 64 : index
          %swap3A_292 = tpu.vector_load %arg8[%swap3A_289, %swap3A_290, %swap3A_291] {strides = array<i32>} : memref<4x80x128xf32, #tpu.memory_space<vmem>>, vector<1x1x16xf32>,
          %swap3A_293 = vector.shape_cast %swap3A_292 : vector<1x1x16xf32> to vector<16xf32>
          %swap3A_294 = vector.shape_cast %add3A_287 : vector<16xf32> to vector<1x1x16xf32>
          tpu.vector_store %arg8[%swap3A_289, %swap3A_290, %swap3A_291], %swap3A_294 {strides = array<i32>} : memref<4x80x128xf32, #tpu.memory_space<vmem>>, vector<1x1x16xf32>,
          %get3A_295 = arith.constant 2 : i32
          %get3A_296 = arith.index_cast %get3A_295 : i32 to index
          %get3A_297 = arith.index_cast %scan3A_196 : i32 to index
          %get3A_298 = arith.constant 80 : index
          %get3A_299 = tpu.vector_load %arg8[%get3A_296, %get3A_297, %get3A_298] {strides = array<i32>} : memref<4x80x128xf32, #tpu.memory_space<vmem>>, vector<1x1x16xf32>,
          %get3A_300 = vector.shape_cast %get3A_299 : vector<1x1x16xf32> to vector<16xf32>
          %get3A_301 = arith.constant 2 : i32
          %get3A_302 = arith.index_cast %get3A_301 : i32 to index
          %get3A_303 = arith.index_cast %scan3A_196 : i32 to index
          %get3A_304 = arith.constant 80 : index
          %get3A_305 = tpu.vector_load %arg9[%get3A_302, %get3A_303, %get3A_304] {strides = array<i32>} : memref<4x80x128xf32, #tpu.memory_space<vmem>>, vector<1x1x16xf32>,
          %get3A_306 = vector.shape_cast %get3A_305 : vector<1x1x16xf32> to vector<16xf32>
          %add3A_307 = arith.addf %get3A_300, %get3A_306 : vector<16xf32>
          %swap3A_308 = arith.constant 2 : i32
          %swap3A_309 = arith.index_cast %swap3A_308 : i32 to index
          %swap3A_310 = arith.index_cast %scan3A_196 : i32 to index
          %swap3A_311 = arith.constant 80 : index
          %swap3A_312 = tpu.vector_load %arg8[%swap3A_309, %swap3A_310, %swap3A_311] {strides = array<i32>} : memref<4x80x128xf32, #tpu.memory_space<vmem>>, vector<1x1x16xf32>,
          %swap3A_313 = vector.shape_cast %swap3A_312 : vector<1x1x16xf32> to vector<16xf32>
          %swap3A_314 = vector.shape_cast %add3A_307 : vector<16xf32> to vector<1x1x16xf32>
          tpu.vector_store %arg8[%swap3A_309, %swap3A_310, %swap3A_311], %swap3A_314 {strides = array<i32>} : memref<4x80x128xf32, #tpu.memory_space<vmem>>, vector<1x1x16xf32>,
          %get3A_315 = arith.constant 2 : i32
          %get3A_316 = arith.index_cast %get3A_315 : i32 to index
          %get3A_317 = arith.index_cast %scan3A_196 : i32 to index
          %get3A_318 = arith.constant 96 : index
          %get3A_319 = tpu.vector_load %arg8[%get3A_316, %get3A_317, %get3A_318] {strides = array<i32>} : memref<4x80x128xf32, #tpu.memory_space<vmem>>, vector<1x1x16xf32>,
          %get3A_320 = vector.shape_cast %get3A_319 : vector<1x1x16xf32> to vector<16xf32>
          %get3A_321 = arith.constant 2 : i32
          %get3A_322 = arith.index_cast %get3A_321 : i32 to index
          %get3A_323 = arith.index_cast %scan3A_196 : i32 to index
          %get3A_324 = arith.constant 96 : index
          %get3A_325 = tpu.vector_load %arg9[%get3A_322, %get3A_323, %get3A_324] {strides = array<i32>} : memref<4x80x128xf32, #tpu.memory_space<vmem>>, vector<1x1x16xf32>,
          %get3A_326 = vector.shape_cast %get3A_325 : vector<1x1x16xf32> to vector<16xf32>
          %add3A_327 = arith.addf %get3A_320, %get3A_326 : vector<16xf32>
          %swap3A_328 = arith.constant 2 : i32
          %swap3A_329 = arith.index_cast %swap3A_328 : i32 to index
          %swap3A_330 = arith.index_cast %scan3A_196 : i32 to index
          %swap3A_331 = arith.constant 96 : index
          %swap3A_332 = tpu.vector_load %arg8[%swap3A_329, %swap3A_330, %swap3A_331] {strides = array<i32>} : memref<4x80x128xf32, #tpu.memory_space<vmem>>, vector<1x1x16xf32>,
          %swap3A_333 = vector.shape_cast %swap3A_332 : vector<1x1x16xf32> to vector<16xf32>
          %swap3A_334 = vector.shape_cast %add3A_327 : vector<16xf32> to vector<1x1x16xf32>
          tpu.vector_store %arg8[%swap3A_329, %swap3A_330, %swap3A_331], %swap3A_334 {strides = array<i32>} : memref<4x80x128xf32, #tpu.memory_space<vmem>>, vector<1x1x16xf32>,
          %get3A_335 = arith.constant 2 : i32
          %get3A_336 = arith.index_cast %get3A_335 : i32 to index
          %get3A_337 = arith.index_cast %scan3A_196 : i32 to index
          %get3A_338 = arith.constant 112 : index
          %get3A_339 = tpu.vector_load %arg8[%get3A_336, %get3A_337, %get3A_338] {strides = array<i32>} : memref<4x80x128xf32, #tpu.memory_space<vmem>>, vector<1x1x16xf32>,
          %get3A_340 = vector.shape_cast %get3A_339 : vector<1x1x16xf32> to vector<16xf32>
          %get3A_341 = arith.constant 2 : i32
          %get3A_342 = arith.index_cast %get3A_341 : i32 to index
          %get3A_343 = arith.index_cast %scan3A_196 : i32 to index
          %get3A_344 = arith.constant 112 : index
          %get3A_345 = tpu.vector_load %arg9[%get3A_342, %get3A_343, %get3A_344] {strides = array<i32>} : memref<4x80x128xf32, #tpu.memory_space<vmem>>, vector<1x1x16xf32>,
          %get3A_346 = vector.shape_cast %get3A_345 : vector<1x1x16xf32> to vector<16xf32>
          %add3A_347 = arith.addf %get3A_340, %get3A_346 : vector<16xf32>
          %swap3A_348 = arith.constant 2 : i32
          %swap3A_349 = arith.index_cast %swap3A_348 : i32 to index
          %swap3A_350 = arith.index_cast %scan3A_196 : i32 to index
          %swap3A_351 = arith.constant 112 : index
          %swap3A_352 = tpu.vector_load %arg8[%swap3A_349, %swap3A_350, %swap3A_351] {strides = array<i32>} : memref<4x80x128xf32, #tpu.memory_space<vmem>>, vector<1x1x16xf32>,
          %swap3A_353 = vector.shape_cast %swap3A_352 : vector<1x1x16xf32> to vector<16xf32>
          %swap3A_354 = vector.shape_cast %add3A_347 : vector<16xf32> to vector<1x1x16xf32>
          tpu.vector_store %arg8[%swap3A_349, %swap3A_350, %swap3A_351], %swap3A_354 {strides = array<i32>} : memref<4x80x128xf32, #tpu.memory_space<vmem>>, vector<1x1x16xf32>,
        }
        %scan3A_177 = arith.constant 80 : i32
        %mul3A_178 = arith.constant 4960 : i32
        %mul3A_179 = arith.muli %add3A, %mul3A_178 : i32
        %mul3A_180 = arith.constant 80 : i32
        %mul3A_181 = arith.muli %add3A_104, %mul3A_180 : i32
        %add3A_182 = arith.addi %mul3A_179, %mul3A_181 : i32
        %dma_start3A_183 = arith.constant 2 : i32
        %dma_start3A_184 = arith.constant 0 : i32
        %dma_start3A_185 = arith.constant 0 : i32
        %dma_start3A_186 = tpu.memref_slice %arg8[%dma_start3A_183, %dma_start3A_184, %dma_start3A_185] : memref<4x80x128xf32, #tpu.memory_space<vmem>> -> memref<1x80x128xf32, #tpu.memory_space<vmem>>
        %dma_start3A_187 = tpu.memref_squeeze %dma_start3A_186 : memref<1x80x128xf32, #tpu.memory_space<vmem>> -> memref<80x128xf32, #tpu.memory_space<vmem>>
        %dma_start3A_188 = arith.constant 0 : i32
        %dma_start3A_189 = tpu.memref_slice %arg5[%add3A_182, %dma_start3A_188] : memref<158720x128xf32, #tpu.memory_space<hbm>> -> memref<80x128xf32, #tpu.memory_space<hbm>>
        %dma_start3A_190 = arith.constant 0 : i32
        %dma_start3A_191 = tpu.memref_slice %arg5[%add3A_182, %dma_start3A_190] : memref<158720x128xf32, #tpu.memory_space<hbm>> -> memref<80x128xf32, #tpu.memory_space<hbm>>
        %dma_start3A_192 = arith.constant 0 : i32
        %dma_start3A_193 = arith.constant 0 : i32
        %dma_start3A_194 = tpu.memref_slice %arg8[%dma_start3A_183, %dma_start3A_192, %dma_start3A_193] : memref<4x80x128xf32, #tpu.memory_space<vmem>> -> memref<1x80x128xf32, #tpu.memory_space<vmem>>
        %dma_start3A_195 = tpu.memref_squeeze %dma_start3A_194 : memref<1x80x128xf32, #tpu.memory_space<vmem>> -> memref<80x128xf32, #tpu.memory_space<vmem>>
        tpu.enqueue_dma source(%dma_start3A_195 : memref<80x128xf32, #tpu.memory_space<vmem>>) target(%dma_start3A_191 : memref<80x128xf32, #tpu.memory_space<hbm>>) target_semaphore(%arg20 : memref<!tpu.dma_semaphore, #tpu.memory_space<semaphore_mem>>)
      } else {
      }
      %mul3A_125 = arith.constant 4 : i32
      %mul3A_126 = arith.muli %scan3A_57, %mul3A_125 : i32
      %add3A_127 = arith.constant 3 : i32
      %add3A_128 = arith.addi %mul3A_126, %add3A_127 : i32
      %ge3A_129 = arith.constant 2 : i32
      %ge3A_130 = arith.cmpi sge, %add3A_128, %ge3A_129 : i32
      %lt3A_131 = arith.constant 64 : i32
      %lt3A_132 = arith.cmpi slt, %add3A_128, %lt3A_131 : i32
      %and3A_133 = arith.andi %ge3A_130, %lt3A_132 : i1
      %convert_element_type3A_134 = arith.extui %and3A_133 : i1 to i32
      %cond3A_135 = arith.constant 0 : i32
      %cond3A_136 = arith.cmpi ne, %convert_element_type3A_134, %cond3A_135 : i32
      scf.if %cond3A_136 {
        %sub3A = arith.constant 2 : i32
        %sub3A_149 = arith.subi %add3A_128, %sub3A : i32
        %mul3A_150 = arith.constant 4960 : i32
        %mul3A_151 = arith.muli %add3A, %mul3A_150 : i32
        %mul3A_152 = arith.constant 80 : i32
        %mul3A_153 = arith.muli %sub3A_149, %mul3A_152 : i32
        %add3A_154 = arith.addi %mul3A_151, %mul3A_153 : i32
        %dma_wait3A = arith.constant 1 : i32
        %dma_wait3A_155 = arith.constant 0 : i32
        %dma_wait3A_156 = arith.constant 0 : i32
        %dma_wait3A_157 = tpu.memref_slice %arg8[%dma_wait3A, %dma_wait3A_155, %dma_wait3A_156] : memref<4x80x128xf32, #tpu.memory_space<vmem>> -> memref<1x80x128xf32, #tpu.memory_space<vmem>>
        %dma_wait3A_158 = tpu.memref_squeeze %dma_wait3A_157 : memref<1x80x128xf32, #tpu.memory_space<vmem>> -> memref<80x128xf32, #tpu.memory_space<vmem>>
        %dma_wait3A_159 = arith.constant 0 : i32
        %dma_wait3A_160 = tpu.memref_slice %arg5[%add3A_154, %dma_wait3A_159] : memref<158720x128xf32, #tpu.memory_space<hbm>> -> memref<80x128xf32, #tpu.memory_space<hbm>>
        %dma_wait3A_161 = arith.constant 0 : i32
        %dma_wait3A_162 = tpu.memref_slice %arg5[%add3A_154, %dma_wait3A_161] : memref<158720x128xf32, #tpu.memory_space<hbm>> -> memref<80x128xf32, #tpu.memory_space<hbm>>
        %dma_wait3A_163 = arith.constant 0 : i32
        %dma_wait3A_164 = arith.constant 0 : i32
        %dma_wait3A_165 = tpu.memref_slice %arg8[%dma_wait3A, %dma_wait3A_163, %dma_wait3A_164] : memref<4x80x128xf32, #tpu.memory_space<vmem>> -> memref<1x80x128xf32, #tpu.memory_space<vmem>>
        %dma_wait3A_166 = tpu.memref_squeeze %dma_wait3A_165 : memref<1x80x128xf32, #tpu.memory_space<vmem>> -> memref<80x128xf32, #tpu.memory_space<vmem>>
        tpu.wait_dma2 semaphore(%arg19 : memref<!tpu.dma_semaphore, #tpu.memory_space<semaphore_mem>>) src(%dma_wait3A_166 : memref<80x128xf32, #tpu.memory_space<vmem>>) dst(%dma_wait3A_162 : memref<80x128xf32, #tpu.memory_space<hbm>>)
      } else {
      }
      %add3A_137 = arith.constant 2 : i32
      %add3A_138 = arith.addi %add3A_128, %add3A_137 : i32
      %lt3A_139 = arith.constant 62 : i32
      %lt3A_140 = arith.cmpi slt, %add3A_138, %lt3A_139 : i32
      %convert_element_type3A_141 = arith.extui %lt3A_140 : i1 to i32
      %cond3A_142 = arith.constant 0 : i32
      %cond3A_143 = arith.cmpi ne, %convert_element_type3A_141, %cond3A_142 : i32
      scf.if %cond3A_143 {
        %add3A_149 = arith.constant 2 : i32
        %add3A_150 = arith.addi %add3A_128, %add3A_149 : i32
        %dma_start3A_151 = arith.constant 0 : i32
        %dma_start3A_152 = arith.constant 1 : i32
        %dma_start3A_153 = arith.constant 0 : i32
        %dma_start3A_154 = arith.constant 0 : i32
        %dma_start3A_155 = tpu.memref_slice %arg8[%dma_start3A_152, %dma_start3A_153, %dma_start3A_154] : memref<4x80x128xf32, #tpu.memory_space<vmem>> -> memref<1x80x128xf32, #tpu.memory_space<vmem>>
        %dma_start3A_156 = tpu.memref_squeeze %dma_start3A_155 : memref<1x80x128xf32, #tpu.memory_space<vmem>> -> memref<80x128xf32, #tpu.memory_space<vmem>>
        %dma_start3A_157 = arith.constant 0 : i32
        %dma_start3A_158 = tpu.memref_slice %arg6[%add3A_150, %dma_start3A_151, %dma_start3A_157] : memref<62x1x80xi32, #tpu.memory_space<vmem>> -> memref<1x1x80xi32, #tpu.memory_space<vmem>>
        %dma_start3A_159 = tpu.memref_squeeze %dma_start3A_158 : memref<1x1x80xi32, #tpu.memory_space<vmem>> -> memref<80xi32, #tpu.memory_space<vmem>>
        %dma_start3A_160 = arith.constant 0 : i32
        %dma_start3A_161 = arith.constant 0 : i32
        %dma_start3A_162 = tpu.memref_slice %arg2[%dma_start3A_160, %dma_start3A_161] : memref<20000x128xf32, #tpu.memory_space<hbm>> -> memref<20000x128xf32, #tpu.memory_space<hbm>>
        tpu.enqueue_indirect_dma source(%dma_start3A_162 : memref<20000x128xf32, #tpu.memory_space<hbm>>) target(%dma_start3A_156 : memref<80x128xf32, #tpu.memory_space<vmem>>) offsets(%dma_start3A_159 : memref<80xi32, #tpu.memory_space<vmem>>) semaphore(%arg11 : memref<!tpu.dma_semaphore, #tpu.memory_space<semaphore_mem>>)
        %dma_start3A_163 = arith.constant 0 : i32
        %dma_start3A_164 = arith.constant 1 : i32
        %dma_start3A_165 = arith.constant 0 : i32
        %dma_start3A_166 = arith.constant 0 : i32
        %dma_start3A_167 = tpu.memref_slice %arg9[%dma_start3A_164, %dma_start3A_165, %dma_start3A_166] : memref<4x80x128xf32, #tpu.memory_space<vmem>> -> memref<1x80x128xf32, #tpu.memory_space<vmem>>
        %dma_start3A_168 = tpu.memref_squeeze %dma_start3A_167 : memref<1x80x128xf32, #tpu.memory_space<vmem>> -> memref<80x128xf32, #tpu.memory_space<vmem>>
        %dma_start3A_169 = arith.constant 0 : i32
        %dma_start3A_170 = tpu.memref_slice %arg7[%add3A_150, %dma_start3A_163, %dma_start3A_169] : memref<62x1x80xi32, #tpu.memory_space<vmem>> -> memref<1x1x80xi32, #tpu.memory_space<vmem>>
        %dma_start3A_171 = tpu.memref_squeeze %dma_start3A_170 : memref<1x1x80xi32, #tpu.memory_space<vmem>> -> memref<80xi32, #tpu.memory_space<vmem>>
        %dma_start3A_172 = arith.constant 0 : i32
        %dma_start3A_173 = arith.constant 0 : i32
        %dma_start3A_174 = tpu.memref_slice %arg2[%dma_start3A_172, %dma_start3A_173] : memref<20000x128xf32, #tpu.memory_space<hbm>> -> memref<20000x128xf32, #tpu.memory_space<hbm>>
        tpu.enqueue_indirect_dma source(%dma_start3A_174 : memref<20000x128xf32, #tpu.memory_space<hbm>>) target(%dma_start3A_168 : memref<80x128xf32, #tpu.memory_space<vmem>>) offsets(%dma_start3A_171 : memref<80xi32, #tpu.memory_space<vmem>>) semaphore(%arg15 : memref<!tpu.dma_semaphore, #tpu.memory_space<semaphore_mem>>)
      } else {
      }
      %lt3A_144 = arith.constant 62 : i32
      %lt3A_145 = arith.cmpi slt, %add3A_128, %lt3A_144 : i32
      %convert_element_type3A_146 = arith.extui %lt3A_145 : i1 to i32
      %cond3A_147 = arith.constant 0 : i32
      %cond3A_148 = arith.cmpi ne, %convert_element_type3A_146, %cond3A_147 : i32
      scf.if %cond3A_148 {
        %dma_wait3A = arith.constant 0 : i32
        %dma_wait3A_149 = arith.constant 3 : i32
        %dma_wait3A_150 = arith.constant 0 : i32
        %dma_wait3A_151 = arith.constant 0 : i32
        %dma_wait3A_152 = tpu.memref_slice %arg8[%dma_wait3A_149, %dma_wait3A_150, %dma_wait3A_151] : memref<4x80x128xf32, #tpu.memory_space<vmem>> -> memref<1x80x128xf32, #tpu.memory_space<vmem>>
        %dma_wait3A_153 = tpu.memref_squeeze %dma_wait3A_152 : memref<1x80x128xf32, #tpu.memory_space<vmem>> -> memref<80x128xf32, #tpu.memory_space<vmem>>
        %dma_wait3A_154 = arith.constant 0 : i32
        %dma_wait3A_155 = tpu.memref_slice %arg6[%add3A_128, %dma_wait3A, %dma_wait3A_154] : memref<62x1x80xi32, #tpu.memory_space<vmem>> -> memref<1x1x80xi32, #tpu.memory_space<vmem>>
        %dma_wait3A_156 = tpu.memref_squeeze %dma_wait3A_155 : memref<1x1x80xi32, #tpu.memory_space<vmem>> -> memref<80xi32, #tpu.memory_space<vmem>>
        %dma_wait3A_157 = arith.constant 0 : i32
        %dma_wait3A_158 = arith.constant 0 : i32
        %dma_wait3A_159 = tpu.memref_slice %arg2[%dma_wait3A_157, %dma_wait3A_158] : memref<20000x128xf32, #tpu.memory_space<hbm>> -> memref<20000x128xf32, #tpu.memory_space<hbm>>
        tpu.wait_indirect_dma semaphore(%arg13 : memref<!tpu.dma_semaphore, #tpu.memory_space<semaphore_mem>>) src(%dma_wait3A_159 : memref<20000x128xf32, #tpu.memory_space<hbm>>) dst(%dma_wait3A_153 : memref<80x128xf32, #tpu.memory_space<vmem>>)
        %dma_wait3A_160 = arith.constant 0 : i32
        %dma_wait3A_161 = arith.constant 3 : i32
        %dma_wait3A_162 = arith.constant 0 : i32
        %dma_wait3A_163 = arith.constant 0 : i32
        %dma_wait3A_164 = tpu.memref_slice %arg9[%dma_wait3A_161, %dma_wait3A_162, %dma_wait3A_163] : memref<4x80x128xf32, #tpu.memory_space<vmem>> -> memref<1x80x128xf32, #tpu.memory_space<vmem>>
        %dma_wait3A_165 = tpu.memref_squeeze %dma_wait3A_164 : memref<1x80x128xf32, #tpu.memory_space<vmem>> -> memref<80x128xf32, #tpu.memory_space<vmem>>
        %dma_wait3A_166 = arith.constant 0 : i32
        %dma_wait3A_167 = tpu.memref_slice %arg7[%add3A_128, %dma_wait3A_160, %dma_wait3A_166] : memref<62x1x80xi32, #tpu.memory_space<vmem>> -> memref<1x1x80xi32, #tpu.memory_space<vmem>>
        %dma_wait3A_168 = tpu.memref_squeeze %dma_wait3A_167 : memref<1x1x80xi32, #tpu.memory_space<vmem>> -> memref<80xi32, #tpu.memory_space<vmem>>
        %dma_wait3A_169 = arith.constant 0 : i32
        %dma_wait3A_170 = arith.constant 0 : i32
        %dma_wait3A_171 = tpu.memref_slice %arg2[%dma_wait3A_169, %dma_wait3A_170] : memref<20000x128xf32, #tpu.memory_space<hbm>> -> memref<20000x128xf32, #tpu.memory_space<hbm>>
        tpu.wait_indirect_dma semaphore(%arg17 : memref<!tpu.dma_semaphore, #tpu.memory_space<semaphore_mem>>) src(%dma_wait3A_171 : memref<20000x128xf32, #tpu.memory_space<hbm>>) dst(%dma_wait3A_165 : memref<80x128xf32, #tpu.memory_space<vmem>>)
        %scan3A_172 = arith.constant 0 : i32
        %scan3A_173 = arith.constant 0 : i32
        %scan3A_174 = arith.constant 80 : i32
        %scan3A_175 = arith.addi %scan3A_173, %scan3A_174 : i32
        %scan3A_176 = arith.constant 1 : i32
        scf.for %scan3A_196 = %scan3A_173 to %scan3A_175 step %scan3A_176  : i32 {
          %get3A = arith.constant 3 : i32
          %get3A_197 = arith.index_cast %get3A : i32 to index
          %get3A_198 = arith.index_cast %scan3A_196 : i32 to index
          %get3A_199 = arith.constant 0 : index
          %get3A_200 = tpu.vector_load %arg8[%get3A_197, %get3A_198, %get3A_199] {strides = array<i32>} : memref<4x80x128xf32, #tpu.memory_space<vmem>>, vector<1x1x16xf32>,
          %get3A_201 = vector.shape_cast %get3A_200 : vector<1x1x16xf32> to vector<16xf32>
          %get3A_202 = arith.constant 3 : i32
          %get3A_203 = arith.index_cast %get3A_202 : i32 to index
          %get3A_204 = arith.index_cast %scan3A_196 : i32 to index
          %get3A_205 = arith.constant 0 : index
          %get3A_206 = tpu.vector_load %arg9[%get3A_203, %get3A_204, %get3A_205] {strides = array<i32>} : memref<4x80x128xf32, #tpu.memory_space<vmem>>, vector<1x1x16xf32>,
          %get3A_207 = vector.shape_cast %get3A_206 : vector<1x1x16xf32> to vector<16xf32>
          %add3A_208 = arith.addf %get3A_201, %get3A_207 : vector<16xf32>
          %swap3A = arith.constant 3 : i32
          %swap3A_209 = arith.index_cast %swap3A : i32 to index
          %swap3A_210 = arith.index_cast %scan3A_196 : i32 to index
          %swap3A_211 = arith.constant 0 : index
          %swap3A_212 = tpu.vector_load %arg8[%swap3A_209, %swap3A_210, %swap3A_211] {strides = array<i32>} : memref<4x80x128xf32, #tpu.memory_space<vmem>>, vector<1x1x16xf32>,
          %swap3A_213 = vector.shape_cast %swap3A_212 : vector<1x1x16xf32> to vector<16xf32>
          %swap3A_214 = vector.shape_cast %add3A_208 : vector<16xf32> to vector<1x1x16xf32>
          tpu.vector_store %arg8[%swap3A_209, %swap3A_210, %swap3A_211], %swap3A_214 {strides = array<i32>} : memref<4x80x128xf32, #tpu.memory_space<vmem>>, vector<1x1x16xf32>,
          %get3A_215 = arith.constant 3 : i32
          %get3A_216 = arith.index_cast %get3A_215 : i32 to index
          %get3A_217 = arith.index_cast %scan3A_196 : i32 to index
          %get3A_218 = arith.constant 16 : index
          %get3A_219 = tpu.vector_load %arg8[%get3A_216, %get3A_217, %get3A_218] {strides = array<i32>} : memref<4x80x128xf32, #tpu.memory_space<vmem>>, vector<1x1x16xf32>,
          %get3A_220 = vector.shape_cast %get3A_219 : vector<1x1x16xf32> to vector<16xf32>
          %get3A_221 = arith.constant 3 : i32
          %get3A_222 = arith.index_cast %get3A_221 : i32 to index
          %get3A_223 = arith.index_cast %scan3A_196 : i32 to index
          %get3A_224 = arith.constant 16 : index
          %get3A_225 = tpu.vector_load %arg9[%get3A_222, %get3A_223, %get3A_224] {strides = array<i32>} : memref<4x80x128xf32, #tpu.memory_space<vmem>>, vector<1x1x16xf32>,
          %get3A_226 = vector.shape_cast %get3A_225 : vector<1x1x16xf32> to vector<16xf32>
          %add3A_227 = arith.addf %get3A_220, %get3A_226 : vector<16xf32>
          %swap3A_228 = arith.constant 3 : i32
          %swap3A_229 = arith.index_cast %swap3A_228 : i32 to index
          %swap3A_230 = arith.index_cast %scan3A_196 : i32 to index
          %swap3A_231 = arith.constant 16 : index
          %swap3A_232 = tpu.vector_load %arg8[%swap3A_229, %swap3A_230, %swap3A_231] {strides = array<i32>} : memref<4x80x128xf32, #tpu.memory_space<vmem>>, vector<1x1x16xf32>,
          %swap3A_233 = vector.shape_cast %swap3A_232 : vector<1x1x16xf32> to vector<16xf32>
          %swap3A_234 = vector.shape_cast %add3A_227 : vector<16xf32> to vector<1x1x16xf32>
          tpu.vector_store %arg8[%swap3A_229, %swap3A_230, %swap3A_231], %swap3A_234 {strides = array<i32>} : memref<4x80x128xf32, #tpu.memory_space<vmem>>, vector<1x1x16xf32>,
          %get3A_235 = arith.constant 3 : i32
          %get3A_236 = arith.index_cast %get3A_235 : i32 to index
          %get3A_237 = arith.index_cast %scan3A_196 : i32 to index
          %get3A_238 = arith.constant 32 : index
          %get3A_239 = tpu.vector_load %arg8[%get3A_236, %get3A_237, %get3A_238] {strides = array<i32>} : memref<4x80x128xf32, #tpu.memory_space<vmem>>, vector<1x1x16xf32>,
          %get3A_240 = vector.shape_cast %get3A_239 : vector<1x1x16xf32> to vector<16xf32>
          %get3A_241 = arith.constant 3 : i32
          %get3A_242 = arith.index_cast %get3A_241 : i32 to index
          %get3A_243 = arith.index_cast %scan3A_196 : i32 to index
          %get3A_244 = arith.constant 32 : index
          %get3A_245 = tpu.vector_load %arg9[%get3A_242, %get3A_243, %get3A_244] {strides = array<i32>} : memref<4x80x128xf32, #tpu.memory_space<vmem>>, vector<1x1x16xf32>,
          %get3A_246 = vector.shape_cast %get3A_245 : vector<1x1x16xf32> to vector<16xf32>
          %add3A_247 = arith.addf %get3A_240, %get3A_246 : vector<16xf32>
          %swap3A_248 = arith.constant 3 : i32
          %swap3A_249 = arith.index_cast %swap3A_248 : i32 to index
          %swap3A_250 = arith.index_cast %scan3A_196 : i32 to index
          %swap3A_251 = arith.constant 32 : index
          %swap3A_252 = tpu.vector_load %arg8[%swap3A_249, %swap3A_250, %swap3A_251] {strides = array<i32>} : memref<4x80x128xf32, #tpu.memory_space<vmem>>, vector<1x1x16xf32>,
          %swap3A_253 = vector.shape_cast %swap3A_252 : vector<1x1x16xf32> to vector<16xf32>
          %swap3A_254 = vector.shape_cast %add3A_247 : vector<16xf32> to vector<1x1x16xf32>
          tpu.vector_store %arg8[%swap3A_249, %swap3A_250, %swap3A_251], %swap3A_254 {strides = array<i32>} : memref<4x80x128xf32, #tpu.memory_space<vmem>>, vector<1x1x16xf32>,
          %get3A_255 = arith.constant 3 : i32
          %get3A_256 = arith.index_cast %get3A_255 : i32 to index
          %get3A_257 = arith.index_cast %scan3A_196 : i32 to index
          %get3A_258 = arith.constant 48 : index
          %get3A_259 = tpu.vector_load %arg8[%get3A_256, %get3A_257, %get3A_258] {strides = array<i32>} : memref<4x80x128xf32, #tpu.memory_space<vmem>>, vector<1x1x16xf32>,
          %get3A_260 = vector.shape_cast %get3A_259 : vector<1x1x16xf32> to vector<16xf32>
          %get3A_261 = arith.constant 3 : i32
          %get3A_262 = arith.index_cast %get3A_261 : i32 to index
          %get3A_263 = arith.index_cast %scan3A_196 : i32 to index
          %get3A_264 = arith.constant 48 : index
          %get3A_265 = tpu.vector_load %arg9[%get3A_262, %get3A_263, %get3A_264] {strides = array<i32>} : memref<4x80x128xf32, #tpu.memory_space<vmem>>, vector<1x1x16xf32>,
          %get3A_266 = vector.shape_cast %get3A_265 : vector<1x1x16xf32> to vector<16xf32>
          %add3A_267 = arith.addf %get3A_260, %get3A_266 : vector<16xf32>
          %swap3A_268 = arith.constant 3 : i32
          %swap3A_269 = arith.index_cast %swap3A_268 : i32 to index
          %swap3A_270 = arith.index_cast %scan3A_196 : i32 to index
          %swap3A_271 = arith.constant 48 : index
          %swap3A_272 = tpu.vector_load %arg8[%swap3A_269, %swap3A_270, %swap3A_271] {strides = array<i32>} : memref<4x80x128xf32, #tpu.memory_space<vmem>>, vector<1x1x16xf32>,
          %swap3A_273 = vector.shape_cast %swap3A_272 : vector<1x1x16xf32> to vector<16xf32>
          %swap3A_274 = vector.shape_cast %add3A_267 : vector<16xf32> to vector<1x1x16xf32>
          tpu.vector_store %arg8[%swap3A_269, %swap3A_270, %swap3A_271], %swap3A_274 {strides = array<i32>} : memref<4x80x128xf32, #tpu.memory_space<vmem>>, vector<1x1x16xf32>,
          %get3A_275 = arith.constant 3 : i32
          %get3A_276 = arith.index_cast %get3A_275 : i32 to index
          %get3A_277 = arith.index_cast %scan3A_196 : i32 to index
          %get3A_278 = arith.constant 64 : index
          %get3A_279 = tpu.vector_load %arg8[%get3A_276, %get3A_277, %get3A_278] {strides = array<i32>} : memref<4x80x128xf32, #tpu.memory_space<vmem>>, vector<1x1x16xf32>,
          %get3A_280 = vector.shape_cast %get3A_279 : vector<1x1x16xf32> to vector<16xf32>
          %get3A_281 = arith.constant 3 : i32
          %get3A_282 = arith.index_cast %get3A_281 : i32 to index
          %get3A_283 = arith.index_cast %scan3A_196 : i32 to index
          %get3A_284 = arith.constant 64 : index
          %get3A_285 = tpu.vector_load %arg9[%get3A_282, %get3A_283, %get3A_284] {strides = array<i32>} : memref<4x80x128xf32, #tpu.memory_space<vmem>>, vector<1x1x16xf32>,
          %get3A_286 = vector.shape_cast %get3A_285 : vector<1x1x16xf32> to vector<16xf32>
          %add3A_287 = arith.addf %get3A_280, %get3A_286 : vector<16xf32>
          %swap3A_288 = arith.constant 3 : i32
          %swap3A_289 = arith.index_cast %swap3A_288 : i32 to index
          %swap3A_290 = arith.index_cast %scan3A_196 : i32 to index
          %swap3A_291 = arith.constant 64 : index
          %swap3A_292 = tpu.vector_load %arg8[%swap3A_289, %swap3A_290, %swap3A_291] {strides = array<i32>} : memref<4x80x128xf32, #tpu.memory_space<vmem>>, vector<1x1x16xf32>,
          %swap3A_293 = vector.shape_cast %swap3A_292 : vector<1x1x16xf32> to vector<16xf32>
          %swap3A_294 = vector.shape_cast %add3A_287 : vector<16xf32> to vector<1x1x16xf32>
          tpu.vector_store %arg8[%swap3A_289, %swap3A_290, %swap3A_291], %swap3A_294 {strides = array<i32>} : memref<4x80x128xf32, #tpu.memory_space<vmem>>, vector<1x1x16xf32>,
          %get3A_295 = arith.constant 3 : i32
          %get3A_296 = arith.index_cast %get3A_295 : i32 to index
          %get3A_297 = arith.index_cast %scan3A_196 : i32 to index
          %get3A_298 = arith.constant 80 : index
          %get3A_299 = tpu.vector_load %arg8[%get3A_296, %get3A_297, %get3A_298] {strides = array<i32>} : memref<4x80x128xf32, #tpu.memory_space<vmem>>, vector<1x1x16xf32>,
          %get3A_300 = vector.shape_cast %get3A_299 : vector<1x1x16xf32> to vector<16xf32>
          %get3A_301 = arith.constant 3 : i32
          %get3A_302 = arith.index_cast %get3A_301 : i32 to index
          %get3A_303 = arith.index_cast %scan3A_196 : i32 to index
          %get3A_304 = arith.constant 80 : index
          %get3A_305 = tpu.vector_load %arg9[%get3A_302, %get3A_303, %get3A_304] {strides = array<i32>} : memref<4x80x128xf32, #tpu.memory_space<vmem>>, vector<1x1x16xf32>,
          %get3A_306 = vector.shape_cast %get3A_305 : vector<1x1x16xf32> to vector<16xf32>
          %add3A_307 = arith.addf %get3A_300, %get3A_306 : vector<16xf32>
          %swap3A_308 = arith.constant 3 : i32
          %swap3A_309 = arith.index_cast %swap3A_308 : i32 to index
          %swap3A_310 = arith.index_cast %scan3A_196 : i32 to index
          %swap3A_311 = arith.constant 80 : index
          %swap3A_312 = tpu.vector_load %arg8[%swap3A_309, %swap3A_310, %swap3A_311] {strides = array<i32>} : memref<4x80x128xf32, #tpu.memory_space<vmem>>, vector<1x1x16xf32>,
          %swap3A_313 = vector.shape_cast %swap3A_312 : vector<1x1x16xf32> to vector<16xf32>
          %swap3A_314 = vector.shape_cast %add3A_307 : vector<16xf32> to vector<1x1x16xf32>
          tpu.vector_store %arg8[%swap3A_309, %swap3A_310, %swap3A_311], %swap3A_314 {strides = array<i32>} : memref<4x80x128xf32, #tpu.memory_space<vmem>>, vector<1x1x16xf32>,
          %get3A_315 = arith.constant 3 : i32
          %get3A_316 = arith.index_cast %get3A_315 : i32 to index
          %get3A_317 = arith.index_cast %scan3A_196 : i32 to index
          %get3A_318 = arith.constant 96 : index
          %get3A_319 = tpu.vector_load %arg8[%get3A_316, %get3A_317, %get3A_318] {strides = array<i32>} : memref<4x80x128xf32, #tpu.memory_space<vmem>>, vector<1x1x16xf32>,
          %get3A_320 = vector.shape_cast %get3A_319 : vector<1x1x16xf32> to vector<16xf32>
          %get3A_321 = arith.constant 3 : i32
          %get3A_322 = arith.index_cast %get3A_321 : i32 to index
          %get3A_323 = arith.index_cast %scan3A_196 : i32 to index
          %get3A_324 = arith.constant 96 : index
          %get3A_325 = tpu.vector_load %arg9[%get3A_322, %get3A_323, %get3A_324] {strides = array<i32>} : memref<4x80x128xf32, #tpu.memory_space<vmem>>, vector<1x1x16xf32>,
          %get3A_326 = vector.shape_cast %get3A_325 : vector<1x1x16xf32> to vector<16xf32>
          %add3A_327 = arith.addf %get3A_320, %get3A_326 : vector<16xf32>
          %swap3A_328 = arith.constant 3 : i32
          %swap3A_329 = arith.index_cast %swap3A_328 : i32 to index
          %swap3A_330 = arith.index_cast %scan3A_196 : i32 to index
          %swap3A_331 = arith.constant 96 : index
          %swap3A_332 = tpu.vector_load %arg8[%swap3A_329, %swap3A_330, %swap3A_331] {strides = array<i32>} : memref<4x80x128xf32, #tpu.memory_space<vmem>>, vector<1x1x16xf32>,
          %swap3A_333 = vector.shape_cast %swap3A_332 : vector<1x1x16xf32> to vector<16xf32>
          %swap3A_334 = vector.shape_cast %add3A_327 : vector<16xf32> to vector<1x1x16xf32>
          tpu.vector_store %arg8[%swap3A_329, %swap3A_330, %swap3A_331], %swap3A_334 {strides = array<i32>} : memref<4x80x128xf32, #tpu.memory_space<vmem>>, vector<1x1x16xf32>,
          %get3A_335 = arith.constant 3 : i32
          %get3A_336 = arith.index_cast %get3A_335 : i32 to index
          %get3A_337 = arith.index_cast %scan3A_196 : i32 to index
          %get3A_338 = arith.constant 112 : index
          %get3A_339 = tpu.vector_load %arg8[%get3A_336, %get3A_337, %get3A_338] {strides = array<i32>} : memref<4x80x128xf32, #tpu.memory_space<vmem>>, vector<1x1x16xf32>,
          %get3A_340 = vector.shape_cast %get3A_339 : vector<1x1x16xf32> to vector<16xf32>
          %get3A_341 = arith.constant 3 : i32
          %get3A_342 = arith.index_cast %get3A_341 : i32 to index
          %get3A_343 = arith.index_cast %scan3A_196 : i32 to index
          %get3A_344 = arith.constant 112 : index
          %get3A_345 = tpu.vector_load %arg9[%get3A_342, %get3A_343, %get3A_344] {strides = array<i32>} : memref<4x80x128xf32, #tpu.memory_space<vmem>>, vector<1x1x16xf32>,
          %get3A_346 = vector.shape_cast %get3A_345 : vector<1x1x16xf32> to vector<16xf32>
          %add3A_347 = arith.addf %get3A_340, %get3A_346 : vector<16xf32>
          %swap3A_348 = arith.constant 3 : i32
          %swap3A_349 = arith.index_cast %swap3A_348 : i32 to index
          %swap3A_350 = arith.index_cast %scan3A_196 : i32 to index
          %swap3A_351 = arith.constant 112 : index
          %swap3A_352 = tpu.vector_load %arg8[%swap3A_349, %swap3A_350, %swap3A_351] {strides = array<i32>} : memref<4x80x128xf32, #tpu.memory_space<vmem>>, vector<1x1x16xf32>,
          %swap3A_353 = vector.shape_cast %swap3A_352 : vector<1x1x16xf32> to vector<16xf32>
          %swap3A_354 = vector.shape_cast %add3A_347 : vector<16xf32> to vector<1x1x16xf32>
          tpu.vector_store %arg8[%swap3A_349, %swap3A_350, %swap3A_351], %swap3A_354 {strides = array<i32>} : memref<4x80x128xf32, #tpu.memory_space<vmem>>, vector<1x1x16xf32>,
        }
        %scan3A_177 = arith.constant 80 : i32
        %mul3A_178 = arith.constant 4960 : i32
        %mul3A_179 = arith.muli %add3A, %mul3A_178 : i32
        %mul3A_180 = arith.constant 80 : i32
        %mul3A_181 = arith.muli %add3A_128, %mul3A_180 : i32
        %add3A_182 = arith.addi %mul3A_179, %mul3A_181 : i32
        %dma_start3A_183 = arith.constant 3 : i32
        %dma_start3A_184 = arith.constant 0 : i32
        %dma_start3A_185 = arith.constant 0 : i32
        %dma_start3A_186 = tpu.memref_slice %arg8[%dma_start3A_183, %dma_start3A_184, %dma_start3A_185] : memref<4x80x128xf32, #tpu.memory_space<vmem>> -> memref<1x80x128xf32, #tpu.memory_space<vmem>>
        %dma_start3A_187 = tpu.memref_squeeze %dma_start3A_186 : memref<1x80x128xf32, #tpu.memory_space<vmem>> -> memref<80x128xf32, #tpu.memory_space<vmem>>
        %dma_start3A_188 = arith.constant 0 : i32
        %dma_start3A_189 = tpu.memref_slice %arg5[%add3A_182, %dma_start3A_188] : memref<158720x128xf32, #tpu.memory_space<hbm>> -> memref<80x128xf32, #tpu.memory_space<hbm>>
        %dma_start3A_190 = arith.constant 0 : i32
        %dma_start3A_191 = tpu.memref_slice %arg5[%add3A_182, %dma_start3A_190] : memref<158720x128xf32, #tpu.memory_space<hbm>> -> memref<80x128xf32, #tpu.memory_space<hbm>>
        %dma_start3A_192 = arith.constant 0 : i32
        %dma_start3A_193 = arith.constant 0 : i32
        %dma_start3A_194 = tpu.memref_slice %arg8[%dma_start3A_183, %dma_start3A_192, %dma_start3A_193] : memref<4x80x128xf32, #tpu.memory_space<vmem>> -> memref<1x80x128xf32, #tpu.memory_space<vmem>>
        %dma_start3A_195 = tpu.memref_squeeze %dma_start3A_194 : memref<1x80x128xf32, #tpu.memory_space<vmem>> -> memref<80x128xf32, #tpu.memory_space<vmem>>
        tpu.enqueue_dma source(%dma_start3A_195 : memref<80x128xf32, #tpu.memory_space<vmem>>) target(%dma_start3A_191 : memref<80x128xf32, #tpu.memory_space<hbm>>) target_semaphore(%arg21 : memref<!tpu.dma_semaphore, #tpu.memory_space<semaphore_mem>>)
      } else {
      }
    }
    %scan3A_56 = arith.constant 16 : i32
    return
  }
}

module attributes {stable_mosaic.version = 14 : i64} {
  func.func @body(%arg0: i32, %arg1: memref<1000x128xf32, #tpu.memory_space<vmem>>, %arg2: memref<1x128x128xf32, #tpu.memory_space<vmem>>, %arg3: memref<1000x128xf32, #tpu.memory_space<vmem>>) attributes {dimension_semantics = [#tpu.dimension_semantics<arbitrary>], iteration_bounds = array<i64: 20>, scalar_prefetch = 0 : i64, scratch_operands = 0 : i64, tpu.core_type = #tpu.core_type<tc>, window_params = [{transform_indices = @transform_0, window_bounds = array<i64: 1000, 128>}, {transform_indices = @transform_1, window_bounds = array<i64: 1, 128, 128>}, {transform_indices = @transform_2, window_bounds = array<i64: 1000, 128>}]} {
    %get3A = arith.constant 0 : index
    %get3A_0 = arith.constant 0 : index
    %get3A_1 = vector.load %arg1[%get3A, %get3A_0] : memref<1000x128xf32, #tpu.memory_space<vmem>>, vector<1000x128xf32>
    %get3A_2 = arith.constant 0 : index
    %get3A_3 = arith.constant 0 : index
    %get3A_4 = arith.constant 0 : index
    %get3A_5 = vector.load %arg2[%get3A_2, %get3A_3, %get3A_4] : memref<1x128x128xf32, #tpu.memory_space<vmem>>, vector<1x128x128xf32>
    %get3A_6 = vector.shape_cast %get3A_5 : vector<1x128x128xf32> to vector<128x128xf32>
    %dot_general3A = arith.constant dense<0.000000e+00> : vector<1000x128xf32>
    %dot_general3A_7 = tpu.matmul %get3A_1, %get3A_6, %dot_general3A {dimension_numbers = #tpu.dot_dimension_numbers<[1], [0], [0], [1], [0, 0, 1, 1], [], []>, transpose_lhs_hint = false} : vector<1000x128xf32>, vector<128x128xf32>, vector<1000x128xf32> -> vector<1000x128xf32>
    %swap3A = arith.constant 0 : index
    %swap3A_8 = arith.constant 0 : index
    %swap3A_9 = vector.load %arg3[%swap3A, %swap3A_8] : memref<1000x128xf32, #tpu.memory_space<vmem>>, vector<1000x128xf32>
    tpu.vector_store %arg3[%swap3A, %swap3A_8], %dot_general3A_7 {strides = array<i32>} : memref<1000x128xf32, #tpu.memory_space<vmem>>, vector<1000x128xf32>,
    return
  }
  func.func @transform_0(%arg0: i32) -> (i32, i32) {
    %jit3A = arith.constant 10 : i32
    %eq3A = arith.constant 0 : i32
    %eq3A_0 = arith.cmpi eq, %jit3A, %eq3A : i32
    %jit3A_1 = arith.constant 1 : i32
    %select_n3A = arith.select %eq3A_0, %jit3A_1, %jit3A : i32
    %rem3A = arith.remsi %arg0, %select_n3A : i32
    %ne3A = arith.constant 0 : i32
    %ne3A_2 = arith.cmpi ne, %rem3A, %ne3A : i32
    %lt3A = arith.constant 0 : i32
    %lt3A_3 = arith.cmpi slt, %rem3A, %lt3A : i32
    %lt3A_4 = arith.constant 0 : i32
    %lt3A_5 = arith.cmpi slt, %select_n3A, %lt3A_4 : i32
    %ne3A_6 = arith.xori %lt3A_3, %lt3A_5 : i1
    %and3A = arith.andi %ne3A_6, %ne3A_2 : i1
    %add3A = arith.addi %rem3A, %select_n3A : i32
    %select_n3A_7 = arith.select %and3A, %add3A, %rem3A : i32
    %c0_i32 = arith.constant 0 : i32
    %c0_i32_8 = arith.constant 0 : i32
    return %select_n3A_7, %c0_i32 : i32, i32
  }
  func.func @transform_1(%arg0: i32) -> (i32, i32, i32) {
    %jit3A = arith.constant 10 : i32
    %div3A = arith.divsi %arg0, %jit3A : i32
    %sign3A = arith.constant 0 : i32
    %sign3A_0 = arith.cmpi sgt, %arg0, %sign3A : i32
    %sign3A_1 = arith.extui %sign3A_0 : i1 to i32
    %sign3A_2 = arith.constant 0 : i32
    %sign3A_3 = arith.cmpi slt, %arg0, %sign3A_2 : i32
    %sign3A_4 = arith.extui %sign3A_3 : i1 to i32
    %sign3A_5 = arith.subi %sign3A_1, %sign3A_4 : i32
    %sign3A_6 = arith.constant 0 : i32
    %sign3A_7 = arith.cmpi sgt, %jit3A, %sign3A_6 : i32
    %sign3A_8 = arith.extui %sign3A_7 : i1 to i32
    %sign3A_9 = arith.constant 0 : i32
    %sign3A_10 = arith.cmpi slt, %jit3A, %sign3A_9 : i32
    %sign3A_11 = arith.extui %sign3A_10 : i1 to i32
    %sign3A_12 = arith.subi %sign3A_8, %sign3A_11 : i32
    %ne3A = arith.cmpi ne, %sign3A_5, %sign3A_12 : i32
    %rem3A = arith.remsi %arg0, %jit3A : i32
    %ne3A_13 = arith.constant 0 : i32
    %ne3A_14 = arith.cmpi ne, %rem3A, %ne3A_13 : i32
    %and3A = arith.andi %ne3A, %ne3A_14 : i1
    %sub3A = arith.constant 1 : i32
    %sub3A_15 = arith.subi %div3A, %sub3A : i32
    %select_n3A = arith.select %and3A, %sub3A_15, %div3A : i32
    %c0_i32 = arith.constant 0 : i32
    %c0_i32_16 = arith.constant 0 : i32
    %c0_i32_17 = arith.constant 0 : i32
    return %select_n3A, %c0_i32, %c0_i32_16 : i32, i32, i32
  }
  func.func @transform_2(%arg0: i32) -> (i32, i32) {
    %c0_i32 = arith.constant 0 : i32
    %c0_i32_0 = arith.constant 0 : i32
    return %arg0, %c0_i32 : i32, i32
  }
}

module attributes {stable_mosaic.version = 14 : i64} {
  func.func @body(%arg0: i32, %arg1: memref<2016x16xf32, #tpu.memory_space<vmem>>, %arg2: memref<2016x128xf32, #tpu.memory_space<vmem>>, %arg3: memref<16x128xf32, #tpu.memory_space<vmem>>, %arg4: memref<1x128xf32, #tpu.memory_space<vmem>>, %arg5: memref<128x128xf32, #tpu.memory_space<vmem>>, %arg6: memref<1x128xf32, #tpu.memory_space<vmem>>, %arg7: memref<1x128xf32, #tpu.memory_space<vmem>>, %arg8: memref<1x1xf32, #tpu.memory_space<vmem>>, %arg9: memref<2016x128xf32, #tpu.memory_space<vmem>>) attributes {dimension_semantics = [#tpu.dimension_semantics<arbitrary>], iteration_bounds = array<i64: 80>, scalar_prefetch = 0 : i64, scratch_operands = 0 : i64, tpu.core_type = #tpu.core_type<tc>, window_params = [{transform_indices = @transform_0, window_bounds = array<i64: 2016, 16>}, {transform_indices = @transform_1, window_bounds = array<i64: 2016, 128>}, {pipeline_mode = #tpu.pipeline_mode<synchronous>, transform_indices = @transform_2, window_bounds = array<i64: 16, 128>}, {pipeline_mode = #tpu.pipeline_mode<synchronous>, transform_indices = @transform_3, window_bounds = array<i64: 1, 128>}, {pipeline_mode = #tpu.pipeline_mode<synchronous>, transform_indices = @transform_4, window_bounds = array<i64: 128, 128>}, {pipeline_mode = #tpu.pipeline_mode<synchronous>, transform_indices = @transform_5, window_bounds = array<i64: 1, 128>}, {pipeline_mode = #tpu.pipeline_mode<synchronous>, transform_indices = @transform_6, window_bounds = array<i64: 1, 128>}, {pipeline_mode = #tpu.pipeline_mode<synchronous>, transform_indices = @transform_7, window_bounds = array<i64: 1, 1>}, {transform_indices = @transform_8, window_bounds = array<i64: 2016, 128>}]} {
    %get3A = arith.constant 0 : index
    %get3A_0 = arith.constant 0 : index
    %get3A_1 = vector.load %arg1[%get3A, %get3A_0] : memref<2016x16xf32, #tpu.memory_space<vmem>>, vector<2016x16xf32>
    %get3A_2 = arith.constant 0 : index
    %get3A_3 = arith.constant 0 : index
    %get3A_4 = vector.load %arg3[%get3A_2, %get3A_3] : memref<16x128xf32, #tpu.memory_space<vmem>>, vector<16x128xf32>
    %dot_general3A = arith.constant dense<0.000000e+00> : vector<2016x128xf32>
    %dot_general3A_5 = tpu.matmul %get3A_1, %get3A_4, %dot_general3A {dimension_numbers = #tpu.dot_dimension_numbers<[1], [0], [0], [1], [0, 0, 1, 1], [], []>, transpose_lhs_hint = false} : vector<2016x16xf32>, vector<16x128xf32>, vector<2016x128xf32> -> vector<2016x128xf32>
    %get3A_6 = arith.constant 0 : index
    %get3A_7 = arith.constant 0 : index
    %get3A_8 = vector.load %arg2[%get3A_6, %get3A_7] : memref<2016x128xf32, #tpu.memory_space<vmem>>, vector<2016x128xf32>
    %add3A = arith.addf %dot_general3A_5, %get3A_8 : vector<2016x128xf32>
    %get3A_9 = arith.constant 0 : index
    %get3A_10 = arith.constant 0 : index
    %get3A_11 = vector.load %arg4[%get3A_9, %get3A_10] : memref<1x128xf32, #tpu.memory_space<vmem>>, vector<1x128xf32>
    %add3A_12 = vector.broadcast %get3A_11 : vector<1x128xf32> to vector<2016x128xf32>
    %add3A_13 = arith.addf %add3A, %add3A_12 : vector<2016x128xf32>
    %max3A = arith.constant 0.000000e+00 : f32
    %max3A_14 = vector.broadcast %max3A : f32 to vector<2016x128xf32>
    %max3A_15 = arith.maximumf %add3A_13, %max3A_14 : vector<2016x128xf32>
    %get3A_16 = arith.constant 0 : index
    %get3A_17 = arith.constant 0 : index
    %get3A_18 = vector.load %arg5[%get3A_16, %get3A_17] : memref<128x128xf32, #tpu.memory_space<vmem>>, vector<128x128xf32>
    %dot_general3A_19 = arith.constant dense<0.000000e+00> : vector<2016x128xf32>
    %dot_general3A_20 = tpu.matmul %max3A_15, %get3A_18, %dot_general3A_19 {dimension_numbers = #tpu.dot_dimension_numbers<[1], [0], [0], [1], [0, 0, 1, 1], [], []>, transpose_lhs_hint = false} : vector<2016x128xf32>, vector<128x128xf32>, vector<2016x128xf32> -> vector<2016x128xf32>
    %get3A_21 = arith.constant 0 : index
    %get3A_22 = arith.constant 0 : index
    %get3A_23 = vector.load %arg6[%get3A_21, %get3A_22] : memref<1x128xf32, #tpu.memory_space<vmem>>, vector<1x128xf32>
    %add3A_24 = vector.broadcast %get3A_23 : vector<1x128xf32> to vector<2016x128xf32>
    %add3A_25 = arith.addf %dot_general3A_20, %add3A_24 : vector<2016x128xf32>
    %max3A_26 = arith.constant 0.000000e+00 : f32
    %max3A_27 = vector.broadcast %max3A_26 : f32 to vector<2016x128xf32>
    %max3A_28 = arith.maximumf %add3A_25, %max3A_27 : vector<2016x128xf32>
    %get3A_29 = arith.constant 0 : index
    %get3A_30 = arith.constant 0 : index
    %get3A_31 = vector.load %arg7[%get3A_29, %get3A_30] : memref<1x128xf32, #tpu.memory_space<vmem>>, vector<1x128xf32>
    %mul3A = vector.broadcast %get3A_31 : vector<1x128xf32> to vector<2016x128xf32>
    %mul3A_32 = arith.mulf %max3A_28, %mul3A : vector<2016x128xf32>
    %reduce_sum3A = arith.constant dense<0.000000e+00> : vector<2016xf32>
    %reduce_sum3A_33 = vector.multi_reduction <add>, %mul3A_32, %reduce_sum3A [1] : vector<2016x128xf32> to vector<2016xf32>
    %broadcast_in_dim3A = vector.shape_cast %reduce_sum3A_33 : vector<2016xf32> to vector<2016x1xf32>
    %get3A_34 = arith.constant 0 : index
    %get3A_35 = arith.constant 0 : index
    %get3A_36 = vector.load %arg8[%get3A_34, %get3A_35] : memref<1x1xf32, #tpu.memory_space<vmem>>, vector<1x1xf32>
    %get3A_37 = vector.extract %get3A_36[0, 0] : f32 from vector<1x1xf32>
    %add3A_38 = vector.broadcast %get3A_37 : f32 to vector<2016x1xf32>
    %add3A_39 = arith.addf %broadcast_in_dim3A, %add3A_38 : vector<2016x1xf32>
    %neg3A = arith.constant 0.000000e+00 : f32
    %neg3A_40 = vector.broadcast %neg3A : f32 to vector<2016x1xf32>
    %neg3A_41 = arith.subf %neg3A_40, %add3A_39 : vector<2016x1xf32>
    %exp3A = math.exp %neg3A_41 : vector<2016x1xf32>
    %add3A_42 = arith.constant 1.000000e+00 : f32
    %add3A_43 = vector.broadcast %add3A_42 : f32 to vector<2016x1xf32>
    %add3A_44 = arith.addf %add3A_43, %exp3A : vector<2016x1xf32>
    %div3A = arith.constant 1.000000e+00 : f32
    %div3A_45 = vector.broadcast %div3A : f32 to vector<2016x1xf32>
    %div3A_46 = arith.divf %div3A_45, %add3A_44 : vector<2016x1xf32>
    %mul3A_47 = vector.broadcast %div3A_46 : vector<2016x1xf32> to vector<2016x128xf32>
    %mul3A_48 = arith.mulf %max3A_28, %mul3A_47 : vector<2016x128xf32>
    %swap3A = arith.constant 0 : index
    %swap3A_49 = arith.constant 0 : index
    %swap3A_50 = vector.load %arg9[%swap3A, %swap3A_49] : memref<2016x128xf32, #tpu.memory_space<vmem>>, vector<2016x128xf32>
    tpu.vector_store %arg9[%swap3A, %swap3A_49], %mul3A_48 {strides = array<i32>} : memref<2016x128xf32, #tpu.memory_space<vmem>>, vector<2016x128xf32>,
    return
  }
  func.func @transform_0(%arg0: i32) -> (i32, i32) {
    %c0_i32 = arith.constant 0 : i32
    %c0_i32_0 = arith.constant 0 : i32
    return %arg0, %c0_i32 : i32, i32
  }
  func.func @transform_1(%arg0: i32) -> (i32, i32) {
    %c0_i32 = arith.constant 0 : i32
    %c0_i32_0 = arith.constant 0 : i32
    return %arg0, %c0_i32 : i32, i32
  }
  func.func @transform_2(%arg0: i32) -> (i32, i32) {
    %c0_i32 = arith.constant 0 : i32
    %c0_i32_0 = arith.constant 0 : i32
    %c0_i32_1 = arith.constant 0 : i32
    return %c0_i32, %c0_i32_0 : i32, i32
  }
  func.func @transform_3(%arg0: i32) -> (i32, i32) {
    %c0_i32 = arith.constant 0 : i32
    %c0_i32_0 = arith.constant 0 : i32
    %c0_i32_1 = arith.constant 0 : i32
    return %c0_i32, %c0_i32_0 : i32, i32
  }
  func.func @transform_4(%arg0: i32) -> (i32, i32) {
    %c0_i32 = arith.constant 0 : i32
    %c0_i32_0 = arith.constant 0 : i32
    %c0_i32_1 = arith.constant 0 : i32
    return %c0_i32, %c0_i32_0 : i32, i32
  }
  func.func @transform_5(%arg0: i32) -> (i32, i32) {
    %c0_i32 = arith.constant 0 : i32
    %c0_i32_0 = arith.constant 0 : i32
    %c0_i32_1 = arith.constant 0 : i32
    return %c0_i32, %c0_i32_0 : i32, i32
  }
  func.func @transform_6(%arg0: i32) -> (i32, i32) {
    %c0_i32 = arith.constant 0 : i32
    %c0_i32_0 = arith.constant 0 : i32
    %c0_i32_1 = arith.constant 0 : i32
    return %c0_i32, %c0_i32_0 : i32, i32
  }
  func.func @transform_7(%arg0: i32) -> (i32, i32) {
    %c0_i32 = arith.constant 0 : i32
    %c0_i32_0 = arith.constant 0 : i32
    %c0_i32_1 = arith.constant 0 : i32
    return %c0_i32, %c0_i32_0 : i32, i32
  }
  func.func @transform_8(%arg0: i32) -> (i32, i32) {
    %c0_i32 = arith.constant 0 : i32
    %c0_i32_0 = arith.constant 0 : i32
    return %arg0, %c0_i32 : i32, i32
  }
}

module attributes {stable_mosaic.version = 14 : i64} {
  func.func @body(%arg0: i32, %arg1: memref<2480x16xf32, #tpu.memory_space<vmem>>, %arg2: memref<2480x128xf32, #tpu.memory_space<vmem>>, %arg3: memref<16x128xf32, #tpu.memory_space<vmem>>, %arg4: memref<1x128xf32, #tpu.memory_space<vmem>>, %arg5: memref<128x128xf32, #tpu.memory_space<vmem>>, %arg6: memref<1x128xf32, #tpu.memory_space<vmem>>, %arg7: memref<1x128xf32, #tpu.memory_space<vmem>>, %arg8: memref<1x1xf32, #tpu.memory_space<vmem>>, %arg9: memref<2480x128xf32, #tpu.memory_space<vmem>>) attributes {dimension_semantics = [#tpu.dimension_semantics<arbitrary>], iteration_bounds = array<i64: 64>, scalar_prefetch = 0 : i64, scratch_operands = 0 : i64, tpu.core_type = #tpu.core_type<tc>, window_params = [{transform_indices = @transform_0, window_bounds = array<i64: 2480, 16>}, {transform_indices = @transform_1, window_bounds = array<i64: 2480, 128>}, {pipeline_mode = #tpu.pipeline_mode<synchronous>, transform_indices = @transform_2, window_bounds = array<i64: 16, 128>}, {pipeline_mode = #tpu.pipeline_mode<synchronous>, transform_indices = @transform_3, window_bounds = array<i64: 1, 128>}, {pipeline_mode = #tpu.pipeline_mode<synchronous>, transform_indices = @transform_4, window_bounds = array<i64: 128, 128>}, {pipeline_mode = #tpu.pipeline_mode<synchronous>, transform_indices = @transform_5, window_bounds = array<i64: 1, 128>}, {pipeline_mode = #tpu.pipeline_mode<synchronous>, transform_indices = @transform_6, window_bounds = array<i64: 1, 128>}, {pipeline_mode = #tpu.pipeline_mode<synchronous>, transform_indices = @transform_7, window_bounds = array<i64: 1, 1>}, {transform_indices = @transform_8, window_bounds = array<i64: 2480, 128>}]} {
    %get3A = arith.constant 0 : index
    %get3A_0 = arith.constant 0 : index
    %get3A_1 = vector.load %arg1[%get3A, %get3A_0] : memref<2480x16xf32, #tpu.memory_space<vmem>>, vector<2480x16xf32>
    %get3A_2 = arith.constant 0 : index
    %get3A_3 = arith.constant 0 : index
    %get3A_4 = vector.load %arg3[%get3A_2, %get3A_3] : memref<16x128xf32, #tpu.memory_space<vmem>>, vector<16x128xf32>
    %dot_general3A = arith.constant dense<0.000000e+00> : vector<2480x128xf32>
    %dot_general3A_5 = tpu.matmul %get3A_1, %get3A_4, %dot_general3A {dimension_numbers = #tpu.dot_dimension_numbers<[1], [0], [0], [1], [0, 0, 1, 1], [], []>, transpose_lhs_hint = false} : vector<2480x16xf32>, vector<16x128xf32>, vector<2480x128xf32> -> vector<2480x128xf32>
    %get3A_6 = arith.constant 0 : index
    %get3A_7 = arith.constant 0 : index
    %get3A_8 = vector.load %arg2[%get3A_6, %get3A_7] : memref<2480x128xf32, #tpu.memory_space<vmem>>, vector<2480x128xf32>
    %add3A = arith.addf %dot_general3A_5, %get3A_8 : vector<2480x128xf32>
    %get3A_9 = arith.constant 0 : index
    %get3A_10 = arith.constant 0 : index
    %get3A_11 = vector.load %arg4[%get3A_9, %get3A_10] : memref<1x128xf32, #tpu.memory_space<vmem>>, vector<1x128xf32>
    %add3A_12 = vector.broadcast %get3A_11 : vector<1x128xf32> to vector<2480x128xf32>
    %add3A_13 = arith.addf %add3A, %add3A_12 : vector<2480x128xf32>
    %max3A = arith.constant 0.000000e+00 : f32
    %max3A_14 = vector.broadcast %max3A : f32 to vector<2480x128xf32>
    %max3A_15 = arith.maximumf %add3A_13, %max3A_14 : vector<2480x128xf32>
    %get3A_16 = arith.constant 0 : index
    %get3A_17 = arith.constant 0 : index
    %get3A_18 = vector.load %arg5[%get3A_16, %get3A_17] : memref<128x128xf32, #tpu.memory_space<vmem>>, vector<128x128xf32>
    %dot_general3A_19 = arith.constant dense<0.000000e+00> : vector<2480x128xf32>
    %dot_general3A_20 = tpu.matmul %max3A_15, %get3A_18, %dot_general3A_19 {dimension_numbers = #tpu.dot_dimension_numbers<[1], [0], [0], [1], [0, 0, 1, 1], [], []>, transpose_lhs_hint = false} : vector<2480x128xf32>, vector<128x128xf32>, vector<2480x128xf32> -> vector<2480x128xf32>
    %get3A_21 = arith.constant 0 : index
    %get3A_22 = arith.constant 0 : index
    %get3A_23 = vector.load %arg6[%get3A_21, %get3A_22] : memref<1x128xf32, #tpu.memory_space<vmem>>, vector<1x128xf32>
    %add3A_24 = vector.broadcast %get3A_23 : vector<1x128xf32> to vector<2480x128xf32>
    %add3A_25 = arith.addf %dot_general3A_20, %add3A_24 : vector<2480x128xf32>
    %max3A_26 = arith.constant 0.000000e+00 : f32
    %max3A_27 = vector.broadcast %max3A_26 : f32 to vector<2480x128xf32>
    %max3A_28 = arith.maximumf %add3A_25, %max3A_27 : vector<2480x128xf32>
    %get3A_29 = arith.constant 0 : index
    %get3A_30 = arith.constant 0 : index
    %get3A_31 = vector.load %arg7[%get3A_29, %get3A_30] : memref<1x128xf32, #tpu.memory_space<vmem>>, vector<1x128xf32>
    %mul3A = vector.broadcast %get3A_31 : vector<1x128xf32> to vector<2480x128xf32>
    %mul3A_32 = arith.mulf %max3A_28, %mul3A : vector<2480x128xf32>
    %reduce_sum3A = arith.constant dense<0.000000e+00> : vector<2480xf32>
    %reduce_sum3A_33 = vector.multi_reduction <add>, %mul3A_32, %reduce_sum3A [1] : vector<2480x128xf32> to vector<2480xf32>
    %broadcast_in_dim3A = vector.shape_cast %reduce_sum3A_33 : vector<2480xf32> to vector<2480x1xf32>
    %get3A_34 = arith.constant 0 : index
    %get3A_35 = arith.constant 0 : index
    %get3A_36 = vector.load %arg8[%get3A_34, %get3A_35] : memref<1x1xf32, #tpu.memory_space<vmem>>, vector<1x1xf32>
    %get3A_37 = vector.extract %get3A_36[0, 0] : f32 from vector<1x1xf32>
    %add3A_38 = vector.broadcast %get3A_37 : f32 to vector<2480x1xf32>
    %add3A_39 = arith.addf %broadcast_in_dim3A, %add3A_38 : vector<2480x1xf32>
    %neg3A = arith.constant 0.000000e+00 : f32
    %neg3A_40 = vector.broadcast %neg3A : f32 to vector<2480x1xf32>
    %neg3A_41 = arith.subf %neg3A_40, %add3A_39 : vector<2480x1xf32>
    %exp3A = math.exp %neg3A_41 : vector<2480x1xf32>
    %add3A_42 = arith.constant 1.000000e+00 : f32
    %add3A_43 = vector.broadcast %add3A_42 : f32 to vector<2480x1xf32>
    %add3A_44 = arith.addf %add3A_43, %exp3A : vector<2480x1xf32>
    %div3A = arith.constant 1.000000e+00 : f32
    %div3A_45 = vector.broadcast %div3A : f32 to vector<2480x1xf32>
    %div3A_46 = arith.divf %div3A_45, %add3A_44 : vector<2480x1xf32>
    %mul3A_47 = vector.broadcast %div3A_46 : vector<2480x1xf32> to vector<2480x128xf32>
    %mul3A_48 = arith.mulf %max3A_28, %mul3A_47 : vector<2480x128xf32>
    %swap3A = arith.constant 0 : index
    %swap3A_49 = arith.constant 0 : index
    %swap3A_50 = vector.load %arg9[%swap3A, %swap3A_49] : memref<2480x128xf32, #tpu.memory_space<vmem>>, vector<2480x128xf32>
    tpu.vector_store %arg9[%swap3A, %swap3A_49], %mul3A_48 {strides = array<i32>} : memref<2480x128xf32, #tpu.memory_space<vmem>>, vector<2480x128xf32>,
    return
  }
  func.func @transform_0(%arg0: i32) -> (i32, i32) {
    %c0_i32 = arith.constant 0 : i32
    %c0_i32_0 = arith.constant 0 : i32
    return %arg0, %c0_i32 : i32, i32
  }
  func.func @transform_1(%arg0: i32) -> (i32, i32) {
    %c0_i32 = arith.constant 0 : i32
    %c0_i32_0 = arith.constant 0 : i32
    return %arg0, %c0_i32 : i32, i32
  }
  func.func @transform_2(%arg0: i32) -> (i32, i32) {
    %c0_i32 = arith.constant 0 : i32
    %c0_i32_0 = arith.constant 0 : i32
    %c0_i32_1 = arith.constant 0 : i32
    return %c0_i32, %c0_i32_0 : i32, i32
  }
  func.func @transform_3(%arg0: i32) -> (i32, i32) {
    %c0_i32 = arith.constant 0 : i32
    %c0_i32_0 = arith.constant 0 : i32
    %c0_i32_1 = arith.constant 0 : i32
    return %c0_i32, %c0_i32_0 : i32, i32
  }
  func.func @transform_4(%arg0: i32) -> (i32, i32) {
    %c0_i32 = arith.constant 0 : i32
    %c0_i32_0 = arith.constant 0 : i32
    %c0_i32_1 = arith.constant 0 : i32
    return %c0_i32, %c0_i32_0 : i32, i32
  }
  func.func @transform_5(%arg0: i32) -> (i32, i32) {
    %c0_i32 = arith.constant 0 : i32
    %c0_i32_0 = arith.constant 0 : i32
    %c0_i32_1 = arith.constant 0 : i32
    return %c0_i32, %c0_i32_0 : i32, i32
  }
  func.func @transform_6(%arg0: i32) -> (i32, i32) {
    %c0_i32 = arith.constant 0 : i32
    %c0_i32_0 = arith.constant 0 : i32
    %c0_i32_1 = arith.constant 0 : i32
    return %c0_i32, %c0_i32_0 : i32, i32
  }
  func.func @transform_7(%arg0: i32) -> (i32, i32) {
    %c0_i32 = arith.constant 0 : i32
    %c0_i32_0 = arith.constant 0 : i32
    %c0_i32_1 = arith.constant 0 : i32
    return %c0_i32, %c0_i32_0 : i32, i32
  }
  func.func @transform_8(%arg0: i32) -> (i32, i32) {
    %c0_i32 = arith.constant 0 : i32
    %c0_i32_0 = arith.constant 0 : i32
    return %arg0, %c0_i32 : i32, i32
  }
}

module attributes {stable_mosaic.version = 14 : i64} {
  func.func @body(%arg0: i32, %arg1: memref<1000x128xf32, #tpu.memory_space<vmem>>, %arg2: memref<1000x128xf32, #tpu.memory_space<vmem>>, %arg3: memref<1000x128xf32, #tpu.memory_space<vmem>>, %arg4: memref<1000x128xf32, #tpu.memory_space<vmem>>, %arg5: memref<1000x128xf32, #tpu.memory_space<vmem>>, %arg6: memref<128x128xf32, #tpu.memory_space<vmem>>, %arg7: memref<128x128xf32, #tpu.memory_space<vmem>>, %arg8: memref<1x128xf32, #tpu.memory_space<vmem>>, %arg9: memref<128x128xf32, #tpu.memory_space<vmem>>, %arg10: memref<1x128xf32, #tpu.memory_space<vmem>>, %arg11: memref<1000x128xf32, #tpu.memory_space<vmem>>) attributes {dimension_semantics = [#tpu.dimension_semantics<arbitrary>], iteration_bounds = array<i64: 10>, scalar_prefetch = 0 : i64, scratch_operands = 0 : i64, tpu.core_type = #tpu.core_type<tc>, window_params = [{transform_indices = @transform_0, window_bounds = array<i64: 1000, 128>}, {transform_indices = @transform_1, window_bounds = array<i64: 1000, 128>}, {transform_indices = @transform_2, window_bounds = array<i64: 1000, 128>}, {transform_indices = @transform_3, window_bounds = array<i64: 1000, 128>}, {transform_indices = @transform_4, window_bounds = array<i64: 1000, 128>}, {pipeline_mode = #tpu.pipeline_mode<synchronous>, transform_indices = @transform_5, window_bounds = array<i64: 128, 128>}, {pipeline_mode = #tpu.pipeline_mode<synchronous>, transform_indices = @transform_6, window_bounds = array<i64: 128, 128>}, {pipeline_mode = #tpu.pipeline_mode<synchronous>, transform_indices = @transform_7, window_bounds = array<i64: 1, 128>}, {pipeline_mode = #tpu.pipeline_mode<synchronous>, transform_indices = @transform_8, window_bounds = array<i64: 128, 128>}, {pipeline_mode = #tpu.pipeline_mode<synchronous>, transform_indices = @transform_9, window_bounds = array<i64: 1, 128>}, {transform_indices = @transform_10, window_bounds = array<i64: 1000, 128>}]} {
    %get3A = arith.constant 0 : index
    %get3A_0 = arith.constant 0 : index
    %get3A_1 = vector.load %arg1[%get3A, %get3A_0] : memref<1000x128xf32, #tpu.memory_space<vmem>>, vector<1000x128xf32>
    %get3A_2 = arith.constant 0 : index
    %get3A_3 = arith.constant 0 : index
    %get3A_4 = vector.load %arg2[%get3A_2, %get3A_3] : memref<1000x128xf32, #tpu.memory_space<vmem>>, vector<1000x128xf32>
    %add3A = arith.addf %get3A_1, %get3A_4 : vector<1000x128xf32>
    %get3A_5 = arith.constant 0 : index
    %get3A_6 = arith.constant 0 : index
    %get3A_7 = vector.load %arg3[%get3A_5, %get3A_6] : memref<1000x128xf32, #tpu.memory_space<vmem>>, vector<1000x128xf32>
    %get3A_8 = arith.constant 0 : index
    %get3A_9 = arith.constant 0 : index
    %get3A_10 = vector.load %arg4[%get3A_8, %get3A_9] : memref<1000x128xf32, #tpu.memory_space<vmem>>, vector<1000x128xf32>
    %add3A_11 = arith.addf %get3A_7, %get3A_10 : vector<1000x128xf32>
    %add3A_12 = arith.addf %add3A, %add3A_11 : vector<1000x128xf32>
    %get3A_13 = arith.constant 0 : index
    %get3A_14 = arith.constant 0 : index
    %get3A_15 = vector.load %arg6[%get3A_13, %get3A_14] : memref<128x128xf32, #tpu.memory_space<vmem>>, vector<128x128xf32>
    %dot_general3A = arith.constant dense<0.000000e+00> : vector<1000x128xf32>
    %dot_general3A_16 = tpu.matmul %add3A_12, %get3A_15, %dot_general3A {dimension_numbers = #tpu.dot_dimension_numbers<[1], [0], [0], [1], [0, 0, 1, 1], [], []>, transpose_lhs_hint = false} : vector<1000x128xf32>, vector<128x128xf32>, vector<1000x128xf32> -> vector<1000x128xf32>
    %get3A_17 = arith.constant 0 : index
    %get3A_18 = arith.constant 0 : index
    %get3A_19 = vector.load %arg5[%get3A_17, %get3A_18] : memref<1000x128xf32, #tpu.memory_space<vmem>>, vector<1000x128xf32>
    %get3A_20 = arith.constant 0 : index
    %get3A_21 = arith.constant 0 : index
    %get3A_22 = vector.load %arg7[%get3A_20, %get3A_21] : memref<128x128xf32, #tpu.memory_space<vmem>>, vector<128x128xf32>
    %dot_general3A_23 = arith.constant dense<0.000000e+00> : vector<1000x128xf32>
    %dot_general3A_24 = tpu.matmul %get3A_19, %get3A_22, %dot_general3A_23 {dimension_numbers = #tpu.dot_dimension_numbers<[1], [0], [0], [1], [0, 0, 1, 1], [], []>, transpose_lhs_hint = false} : vector<1000x128xf32>, vector<128x128xf32>, vector<1000x128xf32> -> vector<1000x128xf32>
    %add3A_25 = arith.addf %dot_general3A_16, %dot_general3A_24 : vector<1000x128xf32>
    %get3A_26 = arith.constant 0 : index
    %get3A_27 = arith.constant 0 : index
    %get3A_28 = vector.load %arg8[%get3A_26, %get3A_27] : memref<1x128xf32, #tpu.memory_space<vmem>>, vector<1x128xf32>
    %add3A_29 = vector.broadcast %get3A_28 : vector<1x128xf32> to vector<1000x128xf32>
    %add3A_30 = arith.addf %add3A_25, %add3A_29 : vector<1000x128xf32>
    %max3A = arith.constant 0.000000e+00 : f32
    %max3A_31 = vector.broadcast %max3A : f32 to vector<1000x128xf32>
    %max3A_32 = arith.maximumf %add3A_30, %max3A_31 : vector<1000x128xf32>
    %get3A_33 = arith.constant 0 : index
    %get3A_34 = arith.constant 0 : index
    %get3A_35 = vector.load %arg9[%get3A_33, %get3A_34] : memref<128x128xf32, #tpu.memory_space<vmem>>, vector<128x128xf32>
    %dot_general3A_36 = arith.constant dense<0.000000e+00> : vector<1000x128xf32>
    %dot_general3A_37 = tpu.matmul %max3A_32, %get3A_35, %dot_general3A_36 {dimension_numbers = #tpu.dot_dimension_numbers<[1], [0], [0], [1], [0, 0, 1, 1], [], []>, transpose_lhs_hint = false} : vector<1000x128xf32>, vector<128x128xf32>, vector<1000x128xf32> -> vector<1000x128xf32>
    %get3A_38 = arith.constant 0 : index
    %get3A_39 = arith.constant 0 : index
    %get3A_40 = vector.load %arg10[%get3A_38, %get3A_39] : memref<1x128xf32, #tpu.memory_space<vmem>>, vector<1x128xf32>
    %add3A_41 = vector.broadcast %get3A_40 : vector<1x128xf32> to vector<1000x128xf32>
    %add3A_42 = arith.addf %dot_general3A_37, %add3A_41 : vector<1000x128xf32>
    %swap3A = arith.constant 0 : index
    %swap3A_43 = arith.constant 0 : index
    %swap3A_44 = vector.load %arg11[%swap3A, %swap3A_43] : memref<1000x128xf32, #tpu.memory_space<vmem>>, vector<1000x128xf32>
    tpu.vector_store %arg11[%swap3A, %swap3A_43], %add3A_42 {strides = array<i32>} : memref<1000x128xf32, #tpu.memory_space<vmem>>, vector<1000x128xf32>,
    return
  }
  func.func @transform_0(%arg0: i32) -> (i32, i32) {
    %c0_i32 = arith.constant 0 : i32
    %c0_i32_0 = arith.constant 0 : i32
    return %arg0, %c0_i32 : i32, i32
  }
  func.func @transform_1(%arg0: i32) -> (i32, i32) {
    %add3A = arith.constant 10 : i32
    %add3A_0 = arith.addi %arg0, %add3A : i32
    %c0_i32 = arith.constant 0 : i32
    %c0_i32_1 = arith.constant 0 : i32
    return %add3A_0, %c0_i32 : i32, i32
  }
  func.func @transform_2(%arg0: i32) -> (i32, i32) {
    %c0_i32 = arith.constant 0 : i32
    %c0_i32_0 = arith.constant 0 : i32
    return %arg0, %c0_i32 : i32, i32
  }
  func.func @transform_3(%arg0: i32) -> (i32, i32) {
    %add3A = arith.constant 10 : i32
    %add3A_0 = arith.addi %arg0, %add3A : i32
    %c0_i32 = arith.constant 0 : i32
    %c0_i32_1 = arith.constant 0 : i32
    return %add3A_0, %c0_i32 : i32, i32
  }
  func.func @transform_4(%arg0: i32) -> (i32, i32) {
    %c0_i32 = arith.constant 0 : i32
    %c0_i32_0 = arith.constant 0 : i32
    return %arg0, %c0_i32 : i32, i32
  }
  func.func @transform_5(%arg0: i32) -> (i32, i32) {
    %c0_i32 = arith.constant 0 : i32
    %c0_i32_0 = arith.constant 0 : i32
    %c0_i32_1 = arith.constant 0 : i32
    return %c0_i32, %c0_i32_0 : i32, i32
  }
  func.func @transform_6(%arg0: i32) -> (i32, i32) {
    %c0_i32 = arith.constant 0 : i32
    %c0_i32_0 = arith.constant 0 : i32
    %c0_i32_1 = arith.constant 0 : i32
    return %c0_i32, %c0_i32_0 : i32, i32
  }
  func.func @transform_7(%arg0: i32) -> (i32, i32) {
    %c0_i32 = arith.constant 0 : i32
    %c0_i32_0 = arith.constant 0 : i32
    %c0_i32_1 = arith.constant 0 : i32
    return %c0_i32, %c0_i32_0 : i32, i32
  }
  func.func @transform_8(%arg0: i32) -> (i32, i32) {
    %c0_i32 = arith.constant 0 : i32
    %c0_i32_0 = arith.constant 0 : i32
    %c0_i32_1 = arith.constant 0 : i32
    return %c0_i32, %c0_i32_0 : i32, i32
  }
  func.func @transform_9(%arg0: i32) -> (i32, i32) {
    %c0_i32 = arith.constant 0 : i32
    %c0_i32_0 = arith.constant 0 : i32
    %c0_i32_1 = arith.constant 0 : i32
    return %c0_i32, %c0_i32_0 : i32, i32
  }
  func.func @transform_10(%arg0: i32) -> (i32, i32) {
    %c0_i32 = arith.constant 0 : i32
    %c0_i32_0 = arith.constant 0 : i32
    return %arg0, %c0_i32 : i32, i32
  }
}

</mosaic_0001>

<sc_bundles>
// kernel: kernel.10.cloned.1.call-start
scs
__scs_entry_jumppad:
0x0: {  	(pc) =	sbr.rel $0x88, $3  }
0x1: {  	(tag) =	ssettag $0x0;
	lr =	simm.s32 $0x1  }
0x2: {  	[smem:$0x3F94] =	sst lr;
	_ =	strace $0xD0000000  }
0x3: {  	_ = 	snop  }
0x4: {  	_ = 	snop  }
0x5: {  	_ = 	snop  }
0x6: {  	_ = 	snop  }
0x7: {  	_ = 	snop  }
__scs_overlays_trampoline_lowered:
0x8: {  	[smem:$0x3FA3] =	sst s0  }
0x9: {  	[smem:$0x3FA4] =	sst s1  }
0xa: {  	[smem:$0x3FA5] =	sst s2  }
0xb: {  	[smem:$0x3FA6] =	sst s3  }
0xc: {  	[smem:$0x3FA7] =	sst s4  }
0xd: {  	[smem:$0x3FA8] =	sst s5  }
0xe: {  	[smem:$0x3FA9] =	sst s6  }
0xf: {  	[smem:$0x3FAA] =	sst s7  }
0x10: {  	[smem:$0x3FAB] =	sst s8  }
0x11: {  	[smem:$0x3FAC] =	sst s9;
	s0 =	simm.s32 @!p0 $0x0  }
0x12: {  	s1 =	sld [smem:$0x3F92];
	s0 =	simm.s32 @p0 $0x1  }
0x13: {  	[smem:$0x3FAD] =	sst s0;
	s0 =	simm.s32 @!p1 $0x0  }
0x14: {  	s2 =	sld [smem:$0x3F91];
	s0 =	simm.s32 @p1 $0x1  }
0x15: {  	[smem:$0x3FAE] =	sst s0;
	s0 =	simm.s32 @!p2 $0x0  }
0x16: {  	s3 =	sld [smem:$0x3FDB];
	s0 =	simm.s32 @p2 $0x1  }
0x17: {  	s4 =	simm.s32 $0x1BF5;
	[smem:$0x3FB0] =	sst s0  }
0x18: {  	s0 =	sld [smem:$0x3F93];
	_ =	swait.ge [sflag:s4], $0x0  }
0x19: {  	s7 =	sld [smem:$0x3F94]  }
0x1a: {  	s8 =	sadd.s32 $0xFFFFE003, lr  }
0x1b: {  	s9 =	sadd.s32 $0xFFFFFEF7, lr;
	s5 =	simm.s32 $0xFFFFFFFF;
	p2 =	slt.u32 s8, $0xFFFFF086  }
0x1c: {  	p1 =	slt.u32 s9, $0xF7A;
	s5 =	simm.s32 @!p2 $0x0  }
0x1d: {  	s5 =	simm.s32 @p1 $0x1;
	p0 =	seq.s32 s7, s2  }
0x1e: {  	s7 =	smul.u32 @!p0 $0xF7A, s2;
	p2 =	seq.s32 @!p0 s5, $0x0  }
0x1f: {  	s9 =	smul.u32 $0xF7A, s1;
	s8 =	simm.s32 @!p0 $0x1BF5;
	p2 =	por !p2, p0  }
0x20: {  	[sflag:s8] =	ssyncset.s32 @!p0 $0xFFFFF086;
	s6 =	sadd.s32 @!p0 s3, s7;
	s7 =	simm.s32 @!p0 $0x108  }
0x21: {  	s3 =	sadd.s32 s3, s9;
	s6 =	sadd.s32 @!p0 $0x88, s6;
	s7 =	simm.s32 @p2 $0x1082  }
0x22: {  	[simem:s7], [sflag:s8] =	dma.local @!p0 [hbm:s6], $0xF7A  }
0x23: {  	s9 =	sor.u32 $0xD0000000, s2;
	s6 =	simm.s32 $0x108;
	_ =	swait.ge @!p0 [sflag:s8], $0x0  }
0x24: {  	s3 =	sadd.s32 $0x88, s3;
	s6 =	simm.s32 @!p1 $0x1082;
	[sflag:s4] =	ssyncset.s32 $0xFFFFF086  }
0x25: {  	[simem:s6], [sflag:s4] =	dma.local [hbm:s3], $0xF7A  }
0x26: {  	[smem:$0x3F94] =	sst s1;
	(tag) =	ssettag s2;
	_ =	strace s9  }
0x27: {  	s1 =	sld [smem:$0x3FA4]  }
0x28: {  	s2 =	sld [smem:$0x3FA5]  }
0x29: {  	s4 =	sld [smem:$0x3FA7]  }
0x2a: {  	p0 =	seq.s32 s5, $0x0;
	s5 =	sld [smem:$0x3FA8]  }
0x2b: {  	s6 =	sld [smem:$0x3FA9]  }
0x2c: {  	s7 =	sld [smem:$0x3FAA]  }
0x2d: {  	s3 =	simm.s32 $0x108;
	s8 =	sld [smem:$0x3FAB]  }
0x2e: {  	s3 =	simm.s32 @!p0 $0x1082;
	s9 =	sld [smem:$0x3FAC]  }
0x2f: {  	lr =	sadd.s32 s0, s3;
	s0 =	sld [smem:$0x3FA3]  }
0x30: {  	s3 =	sld [smem:$0x3FA6]  }
0x31: {  	[smem:$0x3FAF] =	sst s10  }
0x32: {  	s10 =	sld [smem:$0x3FAD];
	_ =	sdelay $0x3  }
0x33: {  	p0 =	seq.s32 s10, $0x1;
	s10 =	sld [smem:$0x3FAF];
	_ =	sdelay $0x3  }
0x34: {  	[smem:$0x3FAF] =	sst s10  }
0x35: {  	s10 =	sld [smem:$0x3FAE];
	_ =	sdelay $0x3  }
0x36: {  	p1 =	seq.s32 s10, $0x1;
	s10 =	sld [smem:$0x3FAF];
	_ =	sdelay $0x3  }
0x37: {  	[smem:$0x3FAF] =	sst s10  }
0x38: {  	s10 =	sld [smem:$0x3FB0]  }
0x39: {  	_ = 	snop;
	(pc) =	sbr.ind lr, $3  }
0x3a: {  	_ = 	snop  }
0x3b: {  	_ = 	snop  }
0x3c: {  	p2 =	seq.s32 s10, $0x1;
	s10 =	sld [smem:$0x3FAF]  }
0x3d: {  	_ =	shalt  }
0x3e: {  	_ =	shalt  }
0x3f: {  	_ =	shalt  }
0x40: {  	_ =	shalt  }
0x41: {  	_ =	shalt  }
0x42: {  	_ =	shalt  }
0x43: {  	_ =	shalt  }
0x44: {  	_ =	shalt  }
0x45: {  	_ =	shalt  }
0x46: {  	_ =	shalt  }
0x47: {  	_ =	shalt  }
0x48: {  	_ =	shalt  }
0x49: {  	_ =	shalt  }
0x4a: {  	_ =	shalt  }
0x4b: {  	_ =	shalt  }
0x4c: {  	_ =	shalt  }
0x4d: {  	_ =	shalt  }
0x4e: {  	_ =	shalt  }
0x4f: {  	_ =	shalt  }
0x50: {  	_ =	shalt  }
0x51: {  	_ =	shalt  }
0x52: {  	_ =	shalt  }
0x53: {  	_ =	shalt  }
0x54: {  	_ =	shalt  }
0x55: {  	_ =	shalt  }
0x56: {  	_ =	shalt  }
0x57: {  	_ =	shalt  }
0x58: {  	_ =	shalt  }
0x59: {  	_ =	shalt  }
0x5a: {  	_ =	shalt  }
0x5b: {  	_ =	shalt  }
0x5c: {  	_ =	shalt  }
0x5d: {  	_ =	shalt  }
0x5e: {  	_ =	shalt  }
0x5f: {  	_ =	shalt  }
0x60: {  	_ =	shalt  }
0x61: {  	_ =	shalt  }
0x62: {  	_ =	shalt  }
0x63: {  	_ =	shalt  }
0x64: {  	_ =	shalt  }
0x65: {  	_ =	shalt  }
0x66: {  	_ =	shalt  }
0x67: {  	_ =	shalt  }
0x68: {  	_ =	shalt  }
0x69: {  	_ =	shalt  }
0x6a: {  	_ =	shalt  }
0x6b: {  	_ =	shalt  }
0x6c: {  	_ =	shalt  }
0x6d: {  	_ =	shalt  }
0x6e: {  	_ =	shalt  }
0x6f: {  	_ =	shalt  }
0x70: {  	_ =	shalt  }
0x71: {  	_ =	shalt  }
0x72: {  	_ =	shalt  }
0x73: {  	_ =	shalt  }
0x74: {  	_ =	shalt  }
0x75: {  	_ =	shalt  }
0x76: {  	_ =	shalt  }
0x77: {  	_ =	shalt  }
0x78: {  	_ =	shalt  }
0x79: {  	_ =	shalt  }
0x7a: {  	_ =	shalt  }
0x7b: {  	_ =	shalt  }
0x7c: {  	_ =	shalt  }
0x7d: {  	_ =	shalt  }
0x7e: {  	_ =	shalt  }
0x7f: {  	_ =	shalt  }
0x80: {  	_ =	shalt  }
0x81: {  	_ =	shalt  }
0x82: {  	_ =	shalt  }
0x83: {  	_ =	shalt  }
0x84: {  	_ =	shalt  }
0x85: {  	_ =	shalt  }
0x86: {  	_ =	shalt  }
0x87: {  	_ =	shalt  }
.Lfunc_end0:
.L_simem_size_0:
called_computation_lowered:
.L_overlay_start_0:
0x88: {  	s2 =	sld [smem:$0x3FD9]  }
0x89: {  	s3 =	sld [smem:$0x3FFE];
	_ =	sdelay $0x1  }
0x8a: {  	s1 =	srdreg.scid  }
0x8b: {  	s0 =	sand.u32 $0x1, s1  }
0x8c: {  	s17 =	sshll.u32 s0, $0xA;
	s2 =	sadd.s32 s3, s2  }
0x8d: {  	s2 =	sadd.s32 s2, s17  }
0x8e: {  	[smem:$0x3FBB] =	sst s2  }
0x8f: {  	_ = 	snop  }
0x90: {  	s2 =	sld [smem:$0x3FD0];
	(tm) =	ssettm $0x1  }
0x91: {  	s18 =	sld [smem:$0x3FFB];
	_ =	sdelay $0x3  }
0x92: {  	_ =	strace s18  }
0x93: {  	s3 =	sld [smem:$0x3FFC];
	_ =	sdelay $0x3  }
0x94: {  	_ =	strace s3  }
0x95: {  	s3 =	sld [smem:$0x3FFD];
	_ =	sdelay $0x3  }
0x96: {  	_ =	strace s3  }
0x97: {  	_ =	strace $0x8FFFFFFF  }
0x98: {  	s19 =	sld [smem:$0x3FDB];
	_ =	sdelay $0x1  }
0x99: {  	s4 =	simm.s32 $_scs_section_size  }
0x9a: {  	s5 =	simm.s32 $_size__tile_overlayer_lowered;
	s6 =	simm.s32 $_tile_overlayer_lowered  }
0x9b: {  	s22 =	simm.s32 $0x1BFF;
	s21 =	sshll.u32 s6, $0x1;
	s3 =	sadd.s32 s4, s19  }
0x9c: {  	s7 =	simm.s32 $0x0;
	s20 =	sshll.u32 s5, $0x1;
	s5 =	sadd.s32 s21, s3  }
0x9d: {  	[timem:s7], [sflag:s22] =	dma.local [hbm:s5], s20  }
0x9e: {  	_ =	swait.ge [sflag:s22], s20  }
0x9f: {  	s4 =	ssub.s32 $0x0, s20;
	[sflag:s22] =	ssyncset.done $0x0  }
0xa0: {  	[sflag:s22] =	ssyncadd.s32 s4;
	_ =	sdelay $0x1  }
0xa1: {  	s23 =	simm.s32 $0x1B8B  }
0xa2: {  	_ =	swait.ge [sflag:s23], $0x1  }
0xa3: {  	[sflag:s23] =	ssyncset.done $0x0  }
0xa4: {  	s25 =	simm.s32 $0x1B8E;
	s24 =	sld [smem:$0x3FFE];
	[sflag:s23] =	ssyncadd.s32 $0xFFFFFFFF  }
0xa5: {  	s26 =	simm.s32 $execute0_lowered;
	[smem:$0x3FD2] =	sst s25  }
0xa6: {  	s5 =	sshll.u32 s26, $0x1;
	_ =	strace $0x80000046;
	[dreg:$0x1] =	wrdreg $0xFFFFFFFF  }
0xa7: {  	s28 =	simm.s32 $_size_execute0_lowered;
	s3 =	sadd.s32 s3, s5;
	[dreg:$0x0] =	wrdreg $0x0  }
0xa8: {  	s5 =	sshll.u32 s28, $0x1;
	[dreg:$0x2] =	wrdreg s3  }
0xa9: {  	[dreg:$0x3] =	wrdreg s5  }
0xaa: {  	[dreg:$0x4] =	wrdreg $0xC0  }
0xab: {  	_ =	task [dreg:s7], $0x5FFFF  }
0xac: {  	[dreg:$0x1] =	wrdreg $0xFFFFFFFF  }
0xad: {  	[dreg:$0x0] =	wrdreg $0x60  }
0xae: {  	[dreg:$0x2] =	wrdreg s24  }
0xaf: {  	[dreg:$0x3] =	wrdreg s2  }
0xb0: {  	[dreg:$0x4] =	wrdreg $0xA  }
0xb1: {  	_ =	task.clear_ibuf [dreg:s7], $0x5FFFF;
	_ =	strace $0x90000046  }
0xb2: {  	s29 =	simm.s32 $0xA;
	_ =	strace $0x80000048  }
0xb3: {  	_ =	swait.ge [sflag:s29], $0x1  }
0xb4: {  	[sflag:s29] =	ssyncadd.s32 $0xFFFFFFFF  }
0xb5: {  	_ =	strace $0x90000048  }
0xb6: {  	_ =	sfence  }
0xb7: {  	s30 =	sld [smem:$0x0];
	_ =	sdelay $0x2  }
0xb8: {  	s31 =	sshll.u32 s1, $0xD;
	s1 =	sshrl.u32 s1, $0x2  }
0xb9: {  	s3 =	sand.u32 $0x4000, s31;
	s1 =	sadd.s32 s1, s30  }
0xba: {  	s0 =	sor.u32 s3, s0;
	s1 =	sshll.u32 s1, $0x11  }
0xbb: {  	s0 =	sor.u32 s1, s0  }
0xbc: {  	s0 =	sadd.s32 $0x8F2B, s0  }
0xbd: {  	[sflag:s0] =	ssyncadd.remote.s32 $0x1  }
0xbe: {  	_ =	sfence.sel $0xFFFF  }
0xbf: {  	[dreg:$0x0] =	wrdreg $0xFFFFFFFF;
	(pc) =	sbr.abs _section_cstart, $3  }
0xc0: {  	[dreg:$0x1] =	wrdreg $0xFFFFFFFF  }
0xc1: {  	_ =	task.clear_ibuf [dreg:s7], $0x2FFFF;
	_ =	strace $0x9FFFFFFF  }
0xc2: {  	(tm) =	ssettm $0x7FFFFFFF  }
0xc3: {  	_ =	shalt  }
tec
execute0_lowered:
.L_overlay_start_1:
0x0: {  	(tag) =	ssettag $0x1  }
0x1: {  	s0 =	rddreg [dreg:$0x0]  }
0x2: {  	s1 =	srdreg.scid;
	s2 =	stileid.u32  }
0x3: {  	s5 =	rddreg [dreg:$0x1];
	s9 =	simm.s32 $0xD;
	s11 =	simm.s32 $0x70  }
0x4: {  	s12 =	simm.s32 $0x2D00;
	s15 =	simm.s32 $0x6500;
	s18 =	simm.s32 $0x1  }
0x5: {  	s19 =	simm.s32 $0x5;
	s20 =	simm.s32 $0x3;
	s21 =	simm.s32 $0xD500  }
0x6: {  	s22 =	simm.s32 $0x1B500;
	s23 =	simm.s32 $0x2;
	s24 =	simm.s32 $0x6  }
0x7: {  	s25 =	simm.s32 $0x9;
	s28 =	simm.s32 $0x9D00;
	s29 =	simm.s32 $0x4  }
0x8: {  	s30 =	simm.s32 $0x8;
	s31 =	simm.s32 $0x0;
	s1 =	sand.u32 $0x1, s1  }
0x9: {  	s3 =	sshll.u32 s2, $0x1;
	s2 =	simm.s32 $0x0;
	s4 =	sadd.s32 $0x5B800, s0  }
.Ltmp0:
0xa: {  	s7 =	sor.u32 s1, s3;
	[smem:$0x7FF] =	sst s2;
	(pc) =	sbr.rel .LBB2_1-.Ltmp0, $4  }
0xb: {  	s3 =	sadd.s32 $0xD600, s0;
	s1 =	ssub.s32 $0x2, s1;
	s6 =	smul.u32 $0x2D0, s7  }
0xc: {  	_ =	strace $0x80000047;
	s26 =	sshrl.u32 s1, $0x1;
	s7 =	smul.u32 $0x13B0, s7  }
0xd: {  	s8 =	sadd.s32 s6, s0;
	s0 =	ssub.s32 s1, s26;
	s5 =	sadd.s32 s5, s6  }
0xe: {  	s26 =	simm.s32 $0x7;
	s6 =	sadd.s32 $0x7C00, s8;
	s8 =	smax.u32 s0, $0x1  }
.LBB2_19:
0xf: {  	s31 =	sadd.s32 $0x1, s31  }
0x10: {  	p0 =	sne.s32 s31, s8  }
.Ltmp1:
0x11: {  	_ = 	snop;
	(pc) =	sbr.rel @!p0 .LBB2_20-.Ltmp1, $1  }
0x12: {  	_ =	sdelay $0x3  }
.LBB2_1:
0x13: {  	[tilespmem:s2], [sflag:$0xD] =	stream.linear.gather [hbm4b:s5+s2], $0x1680, $0x38;
	[tilespmem:$0x1ED00] =	vst v63  }
0x14: {  	_ =	swait.ge [sflag:s9], $0x1680  }
0x15: {  	[sflag:s9] =	ssyncset.done $0x0  }
0x16: {  	s0 =	simm.s32 $0x1680;
	[sflag:s9] =	ssyncadd.s32 $0xFFFFE980  }
0x17: {  	[tilespmem:s0], [sflag:$0xD] =	stream.linear.gather [hbm4b:s6+s2], $0x1680, $0x38;
	[tilespmem:$0x1ED00] =	vst v63  }
0x18: {  	_ =	swait.ge [sflag:s9], $0x1680  }
0x19: {  	[sflag:s9] =	ssyncset.done $0x0  }
0x1a: {  	[sflag:s9] =	ssyncadd.s32 $0xFFFFE980  }
0x1b: {  	[tilespmem:s12], [sflag:$0x1] =	stream.indirect.gather [hbm4b:s3+s11], $0x80, s2, s11, $0xb8;
	[tilespmem:$0x1ED00] =	vst v63  }
0x1c: {  	s1 =	simm.s32 $0x10D00  }
0x1d: {  	[tilespmem:s1], [sflag:$0x5] =	stream.indirect.gather [hbm4b:s3+s11], $0x80, s0, s11, $0xb8;
	[tilespmem:$0x1ED00] =	vst v63  }
.Ltmp2:
0x1e: {  	_ = 	snop;
	(pc) =	sbr.rel .LBB2_2-.Ltmp2, $4  }
0x1f: {  	s14 =	simm.s32 $0x80  }
0x20: {  	[tilespmem:s15], [sflag:$0x2] =	stream.indirect.gather [hbm4b:s3+s11], $0x80, s14, s11, $0xb8;
	[tilespmem:$0x1ED00] =	vst v63  }
0x21: {  	s16 =	simm.s32 $0x1700;
	s17 =	simm.s32 $0x14500;
	s1 =	simm.s32 $0x0  }
0x22: {  	[tilespmem:s17], [sflag:$0x6] =	stream.indirect.gather [hbm4b:s3+s11], $0x80, s16, s11, $0xb8;
	[tilespmem:$0x1ED00] =	vst v63  }
.LBB2_18:
0x23: {  	s1 =	sadd.s32 $0x1, s1  }
0x24: {  	p0 =	sne.s32 s1, $0xC  }
.Ltmp3:
0x25: {  	_ = 	snop;
	(pc) =	sbr.rel @!p0 .LBB2_19-.Ltmp3, $1  }
0x26: {  	_ =	sdelay $0x3  }
.LBB2_2:
0x27: {  	s14 =	sshll.u32 s1, $0x2  }
0x28: {  	s0 =	sadd.s32 $0xFFFFFFFE, s14  }
0x29: {  	p0 =	sgt.u32 s0, $0x2C  }
0x2a: {  	s0 =	simm.s32 @!p0 $0xB  }
0x2b: {  	_ =	swait.ge @!p0 [sflag:s0], $0x3800  }
0x2c: {  	s13 =	sor.u32 $0x2, s14;
	[sflag:s0] =	ssyncset.done @!p0 $0x0  }
0x2d: {  	[sflag:s0] =	ssyncadd.s32 @!p0 $0xFFFFC800;
	p0 =	sgt.u32 s13, $0x2C  }
0x2e: {  	s0 =	sshll.u32 @!p0 s13, $0x7;
	s16 =	simm.s32 @!p0 $0x70;
	s17 =	simm.s32 @!p0 $0x9D00  }
0x2f: {  	[tilespmem:s17], [sflag:$0x3] =	stream.indirect.gather @!p0 [hbm4b:s3+s16], $0x80, s0, s16, $0xb8;
	[tilespmem:$0x1ED00] =	vst v63  }
0x30: {  	s0 =	sadd.s32 @!p0 $0x1680, s0;
	s17 =	simm.s32 @!p0 $0x17D00  }
0x31: {  	[tilespmem:s17], [sflag:$0x7] =	stream.indirect.gather @!p0 [hbm4b:s3+s16], $0x80, s0, s16, $0xb8;
	[tilespmem:$0x1ED00] =	vst v63  }
0x32: {  	_ =	swait.ge [sflag:s18], $0x3800  }
0x33: {  	[sflag:s18] =	ssyncset.done $0x0  }
0x34: {  	[sflag:s18] =	ssyncadd.s32 $0xFFFFC800  }
0x35: {  	_ =	swait.ge [sflag:s19], $0x3800  }
0x36: {  	[sflag:s19] =	ssyncset.done $0x0  }
0x37: {  	s0 =	simm.s32 $0x0;
	[sflag:s19] =	ssyncadd.s32 $0xFFFFC800  }
0x38: {  	v6 =	vld [tilespmem:s0+$0x10D00]  }
0x39: {  	v11 =	vld [tilespmem:s0+$0x10D10]  }
0x3a: {  	v5 =	vld [tilespmem:s0+$0x10D20]  }
0x3b: {  	v4 =	vld [tilespmem:s0+$0x10D30]  }
0x3c: {  	v3 =	vld [tilespmem:s0+$0x10D40]  }
0x3d: {  	v2 =	vld [tilespmem:s0+$0x10D50]  }
0x3e: {  	v1 =	vld [tilespmem:s0+$0x10D60]  }
0x3f: {  	v0 =	vld [tilespmem:s0+$0x10D70]  }
0x40: {  	v12 =	vld [tilespmem:s0+$0x2D00]  }
0x41: {  	v13 =	vld [tilespmem:s0+$0x2D10]  }
0x42: {  	v10 =	vld [tilespmem:s0+$0x2D20]  }
0x43: {  	v9 =	vld [tilespmem:s0+$0x2D30]  }
0x44: {  	v8 =	vld [tilespmem:s0+$0x2D40]  }
0x45: {  	v7 =	vld [tilespmem:s0+$0x2D50];
	v12 =	vadd.f32 v6, v12  }
0x46: {  	s16 =	simm.s32 $0x200;
	v11 =	vadd.f32 v11, v13;
	v6 =	vld [tilespmem:s0+$0x2D60]  }
.LBB2_3:
0x47: {  	s17 =	sshra.s32 s16, $0x2;
	p1 =	sne.s32 s16, $0xDE00;
	[tilespmem:s0+$0x2D00] =	vst v12;
	v5 =	vadd.f32 v5, v10;
	v10 =	vld [tilespmem:s0+$0x2D70]  }
0x48: {  	v12 =	vld [tilespmem:s17+$0x10D00];
	[tilespmem:s0+$0x2D10] =	vst v11;
	v4 =	vadd.f32 v4, v9  }
0x49: {  	v11 =	vld [tilespmem:s17+$0x10D10];
	[tilespmem:s0+$0x2D20] =	vst v5;
	v3 =	vadd.f32 v3, v8  }
0x4a: {  	v5 =	vld [tilespmem:s17+$0x10D20];
	[tilespmem:s0+$0x2D30] =	vst v4;
	v2 =	vadd.f32 v2, v7  }
0x4b: {  	v4 =	vld [tilespmem:s17+$0x10D30];
	[tilespmem:s0+$0x2D40] =	vst v3;
	v1 =	vadd.f32 v1, v6  }
0x4c: {  	v3 =	vld [tilespmem:s17+$0x10D40];
	[tilespmem:s0+$0x2D50] =	vst v2;
	v0 =	vadd.f32 v0, v10  }
0x4d: {  	v2 =	vld [tilespmem:s17+$0x10D50];
	[tilespmem:s0+$0x2D60] =	vst v1  }
0x4e: {  	v1 =	vld [tilespmem:s17+$0x10D60];
	[tilespmem:s0+$0x2D70] =	vst v0;
	s0 =	smov.u32 s17  }
0x4f: {  	v0 =	vld [tilespmem:s0+$0x10D70]  }
0x50: {  	v6 =	vld [tilespmem:s0+$0x2D00]  }
0x51: {  	v13 =	vld [tilespmem:s0+$0x2D10]  }
.Ltmp4:
0x52: {  	v10 =	vld [tilespmem:s0+$0x2D20];
	(pc) =	sbr.rel @p1 .LBB2_3-.Ltmp4, $4  }
0x53: {  	v9 =	vld [tilespmem:s0+$0x2D30]  }
0x54: {  	v8 =	vld [tilespmem:s0+$0x2D40]  }
0x55: {  	v12 =	vadd.f32 v12, v6;
	v7 =	vld [tilespmem:s0+$0x2D50]  }
0x56: {  	s16 =	sadd.s32 $0x200, s16;
	v11 =	vadd.f32 v11, v13;
	v6 =	vld [tilespmem:s0+$0x2D60]  }
0x57: {  	[tilespmem:s0+$0x2D00] =	vst v12;
	v5 =	vadd.f32 v5, v10;
	v63 =	vld [tilespmem:s0+$0x2D70]  }
0x58: {  	[tilespmem:s0+$0x2D10] =	vst v11;
	v4 =	vadd.f32 v4, v9  }
0x59: {  	[tilespmem:s0+$0x2D20] =	vst v5;
	v3 =	vadd.f32 v3, v8  }
0x5a: {  	[tilespmem:s0+$0x2D30] =	vst v4;
	v2 =	vadd.f32 v2, v7  }
0x5b: {  	[tilespmem:s0+$0x2D40] =	vst v3;
	v1 =	vadd.f32 v1, v6  }
0x5c: {  	[tilespmem:s0+$0x2D50] =	vst v2;
	v0 =	vadd.f32 v0, v63  }
0x5d: {  	s16 =	smul.u32 $0x1C0, s1;
	p2 =	seq.s32 s1, $0x0;
	[tilespmem:s0+$0x2D60] =	vst v1  }
0x5e: {  	[tilespmem:s0+$0x2D70] =	vst v0;
	s0 =	sor.u32 @!p2 $0x3, s14  }
0x5f: {  	s16 =	sadd.s32 s7, s16;
	p1 =	sgt.u32 @!p2 s0, $0x2C  }
0x60: {  	s16 =	sshll.u32 s16, $0x4;
	p3 =	por p2, !p1  }
.Ltmp5:
0x61: {  	s17 =	sadd.s32 s4, s16;
	s16 =	simm.s32 @!p2 $0xC;
	(pc) =	sbr.rel @!p3 .LBB2_6-.Ltmp5, $4  }
0x62: {  	[hbm4b:s17+s2] =	stream.linear.scatter [tilespmem:s12], [sflag:$0x9], $0x3800, $0x38;
	[tilespmem:$0x1ED00] =	vst v63  }
0x63: {  	_ =	swait.ge @!p2 [sflag:s16], $0x3800  }
0x64: {  	[sflag:s16] =	ssyncset.done @!p2 $0x0  }
0x65: {  	p1 =	por @!p2 $0x0, $0x0;
	[sflag:s16] =	ssyncadd.s32 @!p2 $0xFFFFC800  }
0x66: {  	s0 =	simm.s32 @p2 $0x3  }
0x67: {  	s16 =	sshll.u32 s0, $0x7  }
0x68: {  	[tilespmem:s21], [sflag:$0x4] =	stream.indirect.gather [hbm4b:s3+s11], $0x80, s16, s11, $0xb8;
	[tilespmem:$0x1ED00] =	vst v63  }
0x69: {  	p1 =	por $0x1, $0x1;
	s16 =	sadd.s32 $0x1680, s16  }
0x6a: {  	[tilespmem:s22], [sflag:$0x8] =	stream.indirect.gather [hbm4b:s3+s11], $0x80, s16, s11, $0xb8;
	[tilespmem:$0x1ED00] =	vst v63  }
.LBB2_6:
0x6b: {  	s14 =	sor.u32 $0x1, s14  }
0x6c: {  	p2 =	sgt.u32 s14, $0x2C  }
.Ltmp6:
0x6d: {  	_ = 	snop;
	(pc) =	sbr.rel @p2 .LBB2_10-.Ltmp6, $1  }
0x6e: {  	_ =	sdelay $0x3  }
0x6f: {  	_ =	swait.ge [sflag:s23], $0x3800  }
0x70: {  	[sflag:s23] =	ssyncset.done $0x0  }
0x71: {  	[sflag:s23] =	ssyncadd.s32 $0xFFFFC800  }
0x72: {  	_ =	swait.ge [sflag:s24], $0x3800  }
0x73: {  	[sflag:s24] =	ssyncset.done $0x0  }
0x74: {  	s16 =	simm.s32 $0x0;
	[sflag:s24] =	ssyncadd.s32 $0xFFFFC800  }
0x75: {  	v6 =	vld [tilespmem:s16+$0x14500]  }
0x76: {  	v11 =	vld [tilespmem:s16+$0x14510]  }
0x77: {  	v5 =	vld [tilespmem:s16+$0x14520]  }
0x78: {  	v4 =	vld [tilespmem:s16+$0x14530]  }
0x79: {  	v3 =	vld [tilespmem:s16+$0x14540]  }
0x7a: {  	v2 =	vld [tilespmem:s16+$0x14550]  }
0x7b: {  	v1 =	vld [tilespmem:s16+$0x14560]  }
0x7c: {  	v0 =	vld [tilespmem:s16+$0x14570]  }
0x7d: {  	v12 =	vld [tilespmem:s16+$0x6500]  }
0x7e: {  	v13 =	vld [tilespmem:s16+$0x6510]  }
0x7f: {  	v10 =	vld [tilespmem:s16+$0x6520]  }
0x80: {  	v9 =	vld [tilespmem:s16+$0x6530]  }
0x81: {  	v8 =	vld [tilespmem:s16+$0x6540]  }
0x82: {  	v7 =	vld [tilespmem:s16+$0x6550];
	v12 =	vadd.f32 v6, v12  }
0x83: {  	s17 =	simm.s32 $0x200;
	v11 =	vadd.f32 v11, v13;
	v6 =	vld [tilespmem:s16+$0x6560]  }
.LBB2_8:
0x84: {  	s10 =	sshra.s32 s17, $0x2;
	p2 =	sne.s32 s17, $0xDE00;
	[tilespmem:s16+$0x6500] =	vst v12;
	v5 =	vadd.f32 v5, v10;
	v10 =	vld [tilespmem:s16+$0x6570]  }
0x85: {  	v12 =	vld [tilespmem:s10+$0x14500];
	[tilespmem:s16+$0x6510] =	vst v11;
	v4 =	vadd.f32 v4, v9  }
0x86: {  	v11 =	vld [tilespmem:s10+$0x14510];
	[tilespmem:s16+$0x6520] =	vst v5;
	v3 =	vadd.f32 v3, v8  }
0x87: {  	v5 =	vld [tilespmem:s10+$0x14520];
	[tilespmem:s16+$0x6530] =	vst v4;
	v2 =	vadd.f32 v2, v7  }
0x88: {  	v4 =	vld [tilespmem:s10+$0x14530];
	[tilespmem:s16+$0x6540] =	vst v3;
	v1 =	vadd.f32 v1, v6  }
0x89: {  	v3 =	vld [tilespmem:s10+$0x14540];
	[tilespmem:s16+$0x6550] =	vst v2;
	v0 =	vadd.f32 v0, v10  }
0x8a: {  	v2 =	vld [tilespmem:s10+$0x14550];
	[tilespmem:s16+$0x6560] =	vst v1  }
0x8b: {  	v1 =	vld [tilespmem:s10+$0x14560];
	[tilespmem:s16+$0x6570] =	vst v0;
	s16 =	smov.u32 s10  }
0x8c: {  	v0 =	vld [tilespmem:s16+$0x14570]  }
0x8d: {  	v6 =	vld [tilespmem:s16+$0x6500]  }
0x8e: {  	v13 =	vld [tilespmem:s16+$0x6510]  }
.Ltmp7:
0x8f: {  	v10 =	vld [tilespmem:s16+$0x6520];
	(pc) =	sbr.rel @p2 .LBB2_8-.Ltmp7, $4  }
0x90: {  	v9 =	vld [tilespmem:s16+$0x6530]  }
0x91: {  	v8 =	vld [tilespmem:s16+$0x6540]  }
0x92: {  	v12 =	vadd.f32 v12, v6;
	v7 =	vld [tilespmem:s16+$0x6550]  }
0x93: {  	s17 =	sadd.s32 $0x200, s17;
	v11 =	vadd.f32 v11, v13;
	v6 =	vld [tilespmem:s16+$0x6560]  }
0x94: {  	[tilespmem:s16+$0x6500] =	vst v12;
	v5 =	vadd.f32 v5, v10;
	v63 =	vld [tilespmem:s16+$0x6570]  }
0x95: {  	[tilespmem:s16+$0x6510] =	vst v11;
	v4 =	vadd.f32 v4, v9  }
0x96: {  	[tilespmem:s16+$0x6520] =	vst v5;
	v3 =	vadd.f32 v3, v8  }
0x97: {  	s10 =	smul.u32 $0x70, s14;
	[tilespmem:s16+$0x6530] =	vst v4;
	v2 =	vadd.f32 v2, v7  }
0x98: {  	[tilespmem:s16+$0x6540] =	vst v3;
	v1 =	vadd.f32 v1, v6  }
0x99: {  	s10 =	sadd.s32 s7, s10;
	[tilespmem:s16+$0x6550] =	vst v2;
	v0 =	vadd.f32 v0, v63  }
0x9a: {  	s10 =	sshll.u32 s10, $0x4;
	[tilespmem:s16+$0x6560] =	vst v1  }
0x9b: {  	s10 =	sadd.s32 s4, s10;
	[tilespmem:s16+$0x6570] =	vst v0  }
0x9c: {  	[hbm4b:s10+s2] =	stream.linear.scatter [tilespmem:s15], [sflag:$0xA], $0x3800, $0x38;
	[tilespmem:$0x1ED00] =	vst v63  }
.LBB2_10:
0x9d: {  	_ =	swait.ge [sflag:s25], $0x3800  }
0x9e: {  	p2 =	seq.s32 s1, $0xB;
	[sflag:s25] =	ssyncset.done $0x0  }
.Ltmp8:
0x9f: {  	s10 =	sshll.u32 @!p2 s1, $0x9;
	s16 =	simm.s32 @!p2 $0x70;
	(pc) =	sbr.rel @p0 .LBB2_14-.Ltmp8, $4  }
0xa0: {  	s17 =	simm.s32 @!p2 $0x2D00;
	[sflag:s25] =	ssyncadd.s32 $0xFFFFC800;
	s14 =	sadd.s32 @!p2 $0x200, s10  }
0xa1: {  	[tilespmem:s17], [sflag:$0x1] =	stream.indirect.gather @!p2 [hbm4b:s3+s16], $0x80, s14, s16, $0xb8;
	[tilespmem:$0x1ED00] =	vst v63  }
0xa2: {  	s10 =	sadd.s32 @!p2 $0x1880, s10;
	s14 =	simm.s32 @!p2 $0x10D00  }
0xa3: {  	[tilespmem:s14], [sflag:$0x5] =	stream.indirect.gather @!p2 [hbm4b:s3+s16], $0x80, s10, s16, $0xb8;
	[tilespmem:$0x1ED00] =	vst v63  }
0xa4: {  	_ =	swait.ge [sflag:s20], $0x3800  }
0xa5: {  	[sflag:s20] =	ssyncset.done $0x0  }
0xa6: {  	[sflag:s20] =	ssyncadd.s32 $0xFFFFC800  }
0xa7: {  	_ =	swait.ge [sflag:s26], $0x3800  }
0xa8: {  	[sflag:s26] =	ssyncset.done $0x0  }
0xa9: {  	s14 =	simm.s32 $0x0;
	[sflag:s26] =	ssyncadd.s32 $0xFFFFC800  }
0xaa: {  	v6 =	vld [tilespmem:s14+$0x17D00]  }
0xab: {  	v11 =	vld [tilespmem:s14+$0x17D10]  }
0xac: {  	v5 =	vld [tilespmem:s14+$0x17D20]  }
0xad: {  	v4 =	vld [tilespmem:s14+$0x17D30]  }
0xae: {  	v3 =	vld [tilespmem:s14+$0x17D40]  }
0xaf: {  	v2 =	vld [tilespmem:s14+$0x17D50]  }
0xb0: {  	v1 =	vld [tilespmem:s14+$0x17D60]  }
0xb1: {  	v0 =	vld [tilespmem:s14+$0x17D70]  }
0xb2: {  	v12 =	vld [tilespmem:s14+$0x9D00]  }
0xb3: {  	v13 =	vld [tilespmem:s14+$0x9D10]  }
0xb4: {  	v10 =	vld [tilespmem:s14+$0x9D20]  }
0xb5: {  	v9 =	vld [tilespmem:s14+$0x9D30]  }
0xb6: {  	v8 =	vld [tilespmem:s14+$0x9D40]  }
0xb7: {  	v7 =	vld [tilespmem:s14+$0x9D50];
	v12 =	vadd.f32 v6, v12  }
0xb8: {  	s16 =	simm.s32 $0x200;
	v11 =	vadd.f32 v11, v13;
	v6 =	vld [tilespmem:s14+$0x9D60]  }
.LBB2_12:
0xb9: {  	s10 =	sshra.s32 s16, $0x2;
	p0 =	sne.s32 s16, $0xDE00;
	[tilespmem:s14+$0x9D00] =	vst v12;
	v5 =	vadd.f32 v5, v10;
	v10 =	vld [tilespmem:s14+$0x9D70]  }
0xba: {  	v12 =	vld [tilespmem:s10+$0x17D00];
	[tilespmem:s14+$0x9D10] =	vst v11;
	v4 =	vadd.f32 v4, v9  }
0xbb: {  	v11 =	vld [tilespmem:s10+$0x17D10];
	[tilespmem:s14+$0x9D20] =	vst v5;
	v3 =	vadd.f32 v3, v8  }
0xbc: {  	v5 =	vld [tilespmem:s10+$0x17D20];
	[tilespmem:s14+$0x9D30] =	vst v4;
	v2 =	vadd.f32 v2, v7  }
0xbd: {  	v4 =	vld [tilespmem:s10+$0x17D30];
	[tilespmem:s14+$0x9D40] =	vst v3;
	v1 =	vadd.f32 v1, v6  }
0xbe: {  	v3 =	vld [tilespmem:s10+$0x17D40];
	[tilespmem:s14+$0x9D50] =	vst v2;
	v0 =	vadd.f32 v0, v10  }
0xbf: {  	v2 =	vld [tilespmem:s10+$0x17D50];
	[tilespmem:s14+$0x9D60] =	vst v1  }
0xc0: {  	v1 =	vld [tilespmem:s10+$0x17D60];
	[tilespmem:s14+$0x9D70] =	vst v0;
	s14 =	smov.u32 s10  }
0xc1: {  	v0 =	vld [tilespmem:s14+$0x17D70]  }
0xc2: {  	v6 =	vld [tilespmem:s14+$0x9D00]  }
0xc3: {  	v13 =	vld [tilespmem:s14+$0x9D10]  }
.Ltmp9:
0xc4: {  	v10 =	vld [tilespmem:s14+$0x9D20];
	(pc) =	sbr.rel @p0 .LBB2_12-.Ltmp9, $4  }
0xc5: {  	v9 =	vld [tilespmem:s14+$0x9D30]  }
0xc6: {  	v8 =	vld [tilespmem:s14+$0x9D40]  }
0xc7: {  	v12 =	vadd.f32 v12, v6;
	v7 =	vld [tilespmem:s14+$0x9D50]  }
0xc8: {  	s16 =	sadd.s32 $0x200, s16;
	v11 =	vadd.f32 v11, v13;
	v6 =	vld [tilespmem:s14+$0x9D60]  }
0xc9: {  	[tilespmem:s14+$0x9D00] =	vst v12;
	v5 =	vadd.f32 v5, v10;
	v63 =	vld [tilespmem:s14+$0x9D70]  }
0xca: {  	[tilespmem:s14+$0x9D10] =	vst v11;
	v4 =	vadd.f32 v4, v9  }
0xcb: {  	[tilespmem:s14+$0x9D20] =	vst v5;
	v3 =	vadd.f32 v3, v8  }
0xcc: {  	s10 =	smul.u32 $0x70, s13;
	[tilespmem:s14+$0x9D30] =	vst v4;
	v2 =	vadd.f32 v2, v7  }
0xcd: {  	[tilespmem:s14+$0x9D40] =	vst v3;
	v1 =	vadd.f32 v1, v6  }
0xce: {  	s10 =	sadd.s32 s7, s10;
	[tilespmem:s14+$0x9D50] =	vst v2;
	v0 =	vadd.f32 v0, v63  }
0xcf: {  	s10 =	sshll.u32 s10, $0x4;
	[tilespmem:s14+$0x9D60] =	vst v1  }
0xd0: {  	s10 =	sadd.s32 s4, s10;
	[tilespmem:s14+$0x9D70] =	vst v0  }
0xd1: {  	[hbm4b:s10+s2] =	stream.linear.scatter [tilespmem:s28], [sflag:$0xB], $0x3800, $0x38;
	[tilespmem:$0x1ED00] =	vst v63  }
.LBB2_14:
0xd2: {  	p0 =	sgt.u32 s0, $0x2E  }
0xd3: {  	s10 =	simm.s32 @!p0 $0xA  }
0xd4: {  	_ =	swait.ge @!p0 [sflag:s10], $0x3800  }
0xd5: {  	p2 =	sgt.u32 s1, $0x9;
	[sflag:s10] =	ssyncset.done @!p0 $0x0  }
.Ltmp10:
0xd6: {  	[sflag:s10] =	ssyncadd.s32 @!p0 $0xFFFFC800;
	s10 =	sshll.u32 @!p2 s1, $0x9;
	(pc) =	sbr.rel @!p1 .LBB2_18-.Ltmp10, $4  }
0xd7: {  	s14 =	simm.s32 @!p2 $0x70;
	s16 =	simm.s32 @!p2 $0x6500;
	s13 =	sadd.s32 @!p2 $0x280, s10  }
0xd8: {  	[tilespmem:s16], [sflag:$0x2] =	stream.indirect.gather @!p2 [hbm4b:s3+s14], $0x80, s13, s14, $0xb8;
	[tilespmem:$0x1ED00] =	vst v63  }
0xd9: {  	s10 =	sadd.s32 @!p2 $0x1900, s10;
	s13 =	simm.s32 @!p2 $0x14500  }
0xda: {  	[tilespmem:s13], [sflag:$0x6] =	stream.indirect.gather @!p2 [hbm4b:s3+s14], $0x80, s10, s14, $0xb8;
	[tilespmem:$0x1ED00] =	vst v63  }
0xdb: {  	_ =	swait.ge [sflag:s29], $0x3800  }
0xdc: {  	[sflag:s29] =	ssyncset.done $0x0  }
0xdd: {  	[sflag:s29] =	ssyncadd.s32 $0xFFFFC800  }
0xde: {  	_ =	swait.ge [sflag:s30], $0x3800  }
0xdf: {  	[sflag:s30] =	ssyncset.done $0x0  }
0xe0: {  	s13 =	simm.s32 $0x0;
	[sflag:s30] =	ssyncadd.s32 $0xFFFFC800  }
0xe1: {  	v6 =	vld [tilespmem:s13+$0x1B500]  }
0xe2: {  	v11 =	vld [tilespmem:s13+$0x1B510]  }
0xe3: {  	v5 =	vld [tilespmem:s13+$0x1B520]  }
0xe4: {  	v4 =	vld [tilespmem:s13+$0x1B530]  }
0xe5: {  	v3 =	vld [tilespmem:s13+$0x1B540]  }
0xe6: {  	v2 =	vld [tilespmem:s13+$0x1B550]  }
0xe7: {  	v1 =	vld [tilespmem:s13+$0x1B560]  }
0xe8: {  	v0 =	vld [tilespmem:s13+$0x1B570]  }
0xe9: {  	v12 =	vld [tilespmem:s13+$0xD500]  }
0xea: {  	v13 =	vld [tilespmem:s13+$0xD510]  }
0xeb: {  	v10 =	vld [tilespmem:s13+$0xD520]  }
0xec: {  	v9 =	vld [tilespmem:s13+$0xD530]  }
0xed: {  	v8 =	vld [tilespmem:s13+$0xD540]  }
0xee: {  	v7 =	vld [tilespmem:s13+$0xD550];
	v12 =	vadd.f32 v6, v12  }
0xef: {  	s14 =	simm.s32 $0x200;
	v11 =	vadd.f32 v11, v13;
	v6 =	vld [tilespmem:s13+$0xD560]  }
.LBB2_16:
0xf0: {  	s10 =	sshra.s32 s14, $0x2;
	p0 =	sne.s32 s14, $0xDE00;
	[tilespmem:s13+$0xD500] =	vst v12;
	v5 =	vadd.f32 v5, v10;
	v10 =	vld [tilespmem:s13+$0xD570]  }
0xf1: {  	v12 =	vld [tilespmem:s10+$0x1B500];
	[tilespmem:s13+$0xD510] =	vst v11;
	v4 =	vadd.f32 v4, v9  }
0xf2: {  	v11 =	vld [tilespmem:s10+$0x1B510];
	[tilespmem:s13+$0xD520] =	vst v5;
	v3 =	vadd.f32 v3, v8  }
0xf3: {  	v5 =	vld [tilespmem:s10+$0x1B520];
	[tilespmem:s13+$0xD530] =	vst v4;
	v2 =	vadd.f32 v2, v7  }
0xf4: {  	v4 =	vld [tilespmem:s10+$0x1B530];
	[tilespmem:s13+$0xD540] =	vst v3;
	v1 =	vadd.f32 v1, v6  }
0xf5: {  	v3 =	vld [tilespmem:s10+$0x1B540];
	[tilespmem:s13+$0xD550] =	vst v2;
	v0 =	vadd.f32 v0, v10  }
0xf6: {  	v2 =	vld [tilespmem:s10+$0x1B550];
	[tilespmem:s13+$0xD560] =	vst v1  }
0xf7: {  	v1 =	vld [tilespmem:s10+$0x1B560];
	[tilespmem:s13+$0xD570] =	vst v0;
	s13 =	smov.u32 s10  }
0xf8: {  	v0 =	vld [tilespmem:s13+$0x1B570]  }
0xf9: {  	v6 =	vld [tilespmem:s13+$0xD500]  }
0xfa: {  	v13 =	vld [tilespmem:s13+$0xD510]  }
.Ltmp11:
0xfb: {  	v10 =	vld [tilespmem:s13+$0xD520];
	(pc) =	sbr.rel @p0 .LBB2_16-.Ltmp11, $4  }
0xfc: {  	v9 =	vld [tilespmem:s13+$0xD530]  }
0xfd: {  	v8 =	vld [tilespmem:s13+$0xD540]  }
0xfe: {  	v12 =	vadd.f32 v12, v6;
	v7 =	vld [tilespmem:s13+$0xD550]  }
0xff: {  	s14 =	sadd.s32 $0x200, s14;
	v11 =	vadd.f32 v11, v13;
	v6 =	vld [tilespmem:s13+$0xD560]  }
0x100: {  	[tilespmem:s13+$0xD500] =	vst v12;
	v5 =	vadd.f32 v5, v10;
	v63 =	vld [tilespmem:s13+$0xD570]  }
0x101: {  	[tilespmem:s13+$0xD510] =	vst v11;
	v4 =	vadd.f32 v4, v9  }
0x102: {  	[tilespmem:s13+$0xD520] =	vst v5;
	v3 =	vadd.f32 v3, v8  }
0x103: {  	s0 =	smul.u32 $0x70, s0;
	[tilespmem:s13+$0xD530] =	vst v4;
	v2 =	vadd.f32 v2, v7  }
.Ltmp12:
0x104: {  	[tilespmem:s13+$0xD540] =	vst v3;
	v1 =	vadd.f32 v1, v6;
	(pc) =	sbr.rel .LBB2_18-.Ltmp12, $4  }
0x105: {  	s0 =	sadd.s32 s7, s0;
	[tilespmem:s13+$0xD550] =	vst v2;
	v0 =	vadd.f32 v0, v63  }
0x106: {  	s0 =	sshll.u32 s0, $0x4;
	[tilespmem:s13+$0xD560] =	vst v1  }
0x107: {  	s0 =	sadd.s32 s4, s0;
	[tilespmem:s13+$0xD570] =	vst v0  }
0x108: {  	[hbm4b:s0+s2] =	stream.linear.scatter [tilespmem:s21], [sflag:$0xC], $0x3800, $0x38;
	[tilespmem:$0x1ED00] =	vst v63  }
.LBB2_20:
0x109: {  	_ =	sfence.sel $0x180000  }
0x10a: {  	[bflag:$0x0] =	sbarrier.arrive $0xFFFF  }
0x10b: {  	_ =	strace $0x90000047  }
0x10c: {  	s0 =	stileid.u32;
	[bflag:$0x2] =	sbarrier.arrive $0xFFFF  }
0x10d: {  	p0 =	sne.s32 s0, $0x0;
	s0 =	rddreg [dreg:$0x2]  }
0x10e: {  	s0 =	sadd.s32 @!p0 $0x100000, s0  }
0x10f: {  	[sflag:s0] =	ssyncadd.tile.s32 @!p0 $0x1;
	_ =	shalt  }
.Lfunc_end2:
_tile_overlayer_lowered:
.L_overlay_start_2:
0x110: {  	(tag) =	ssettag $0x2  }
0x111: {  	s0 =	rddreg [dreg:$0x0];
	s2 =	stileid.u32  }
0x112: {  	s1 =	rddreg [dreg:$0x1];
	p0 =	sne.s32 s2, $0x0  }
0x113: {  	s3 =	rddreg [dreg:$0x2];
	[bflag:$0x3] =	sbarrier.arrive $0xFFFF;
	s2 =	simm.s32 @!p0 $0x1C0D  }
0x114: {  	[timem:s3], [sflag:s2] =	dma.local @!p0 [hbm:s0], s1  }
0x115: {  	s0 =	simm.s32 @!p0 $0xD  }
0x116: {  	_ =	swait.ge @!p0 [sflag:s0], s1  }
0x117: {  	s1 =	ssub.s32 @!p0 $0x0, s1;
	[sflag:s0] =	ssyncset.done @!p0 $0x0  }
0x118: {  	[sflag:s0] =	ssyncadd.s32 @!p0 s1  }
0x119: {  	[bflag:$0x3] =	sbarrier.arrive $0xFFFF  }
0x11a: {  	_ =	shalt  }

// kernel: kernel.13.cloned.1.call-start
scs
__scs_entry_jumppad:
0x0: {  	(pc) =	sbr.rel $0x88, $3  }
0x1: {  	(tag) =	ssettag $0x0;
	lr =	simm.s32 $0x1  }
0x2: {  	[smem:$0x3F94] =	sst lr;
	_ =	strace $0xD0000000  }
0x3: {  	_ = 	snop  }
0x4: {  	_ = 	snop  }
0x5: {  	_ = 	snop  }
0x6: {  	_ = 	snop  }
0x7: {  	_ = 	snop  }
__scs_overlays_trampoline_lowered:
0x8: {  	[smem:$0x3FA3] =	sst s0  }
0x9: {  	[smem:$0x3FA4] =	sst s1  }
0xa: {  	[smem:$0x3FA5] =	sst s2  }
0xb: {  	[smem:$0x3FA6] =	sst s3  }
0xc: {  	[smem:$0x3FA7] =	sst s4  }
0xd: {  	[smem:$0x3FA8] =	sst s5  }
0xe: {  	[smem:$0x3FA9] =	sst s6  }
0xf: {  	[smem:$0x3FAA] =	sst s7  }
0x10: {  	[smem:$0x3FAB] =	sst s8  }
0x11: {  	[smem:$0x3FAC] =	sst s9;
	s0 =	simm.s32 @!p0 $0x0  }
0x12: {  	s1 =	sld [smem:$0x3F92];
	s0 =	simm.s32 @p0 $0x1  }
0x13: {  	[smem:$0x3FAD] =	sst s0;
	s0 =	simm.s32 @!p1 $0x0  }
0x14: {  	s2 =	sld [smem:$0x3F91];
	s0 =	simm.s32 @p1 $0x1  }
0x15: {  	[smem:$0x3FAE] =	sst s0;
	s0 =	simm.s32 @!p2 $0x0  }
0x16: {  	s3 =	sld [smem:$0x3FDB];
	s0 =	simm.s32 @p2 $0x1  }
0x17: {  	s4 =	simm.s32 $0x1BF5;
	[smem:$0x3FB0] =	sst s0  }
0x18: {  	s0 =	sld [smem:$0x3F93];
	_ =	swait.ge [sflag:s4], $0x0  }
0x19: {  	s7 =	sld [smem:$0x3F94]  }
0x1a: {  	s8 =	sadd.s32 $0xFFFFE003, lr  }
0x1b: {  	s9 =	sadd.s32 $0xFFFFFEF7, lr;
	s5 =	simm.s32 $0xFFFFFFFF;
	p2 =	slt.u32 s8, $0xFFFFF086  }
0x1c: {  	p1 =	slt.u32 s9, $0xF7A;
	s5 =	simm.s32 @!p2 $0x0  }
0x1d: {  	s5 =	simm.s32 @p1 $0x1;
	p0 =	seq.s32 s7, s2  }
0x1e: {  	s7 =	smul.u32 @!p0 $0xF7A, s2;
	p2 =	seq.s32 @!p0 s5, $0x0  }
0x1f: {  	s9 =	smul.u32 $0xF7A, s1;
	s8 =	simm.s32 @!p0 $0x1BF5;
	p2 =	por !p2, p0  }
0x20: {  	[sflag:s8] =	ssyncset.s32 @!p0 $0xFFFFF086;
	s6 =	sadd.s32 @!p0 s3, s7;
	s7 =	simm.s32 @!p0 $0x108  }
0x21: {  	s3 =	sadd.s32 s3, s9;
	s6 =	sadd.s32 @!p0 $0x88, s6;
	s7 =	simm.s32 @p2 $0x1082  }
0x22: {  	[simem:s7], [sflag:s8] =	dma.local @!p0 [hbm:s6], $0xF7A  }
0x23: {  	s9 =	sor.u32 $0xD0000000, s2;
	s6 =	simm.s32 $0x108;
	_ =	swait.ge @!p0 [sflag:s8], $0x0  }
0x24: {  	s3 =	sadd.s32 $0x88, s3;
	s6 =	simm.s32 @!p1 $0x1082;
	[sflag:s4] =	ssyncset.s32 $0xFFFFF086  }
0x25: {  	[simem:s6], [sflag:s4] =	dma.local [hbm:s3], $0xF7A  }
0x26: {  	[smem:$0x3F94] =	sst s1;
	(tag) =	ssettag s2;
	_ =	strace s9  }
0x27: {  	s1 =	sld [smem:$0x3FA4]  }
0x28: {  	s2 =	sld [smem:$0x3FA5]  }
0x29: {  	s4 =	sld [smem:$0x3FA7]  }
0x2a: {  	p0 =	seq.s32 s5, $0x0;
	s5 =	sld [smem:$0x3FA8]  }
0x2b: {  	s6 =	sld [smem:$0x3FA9]  }
0x2c: {  	s7 =	sld [smem:$0x3FAA]  }
0x2d: {  	s3 =	simm.s32 $0x108;
	s8 =	sld [smem:$0x3FAB]  }
0x2e: {  	s3 =	simm.s32 @!p0 $0x1082;
	s9 =	sld [smem:$0x3FAC]  }
0x2f: {  	lr =	sadd.s32 s0, s3;
	s0 =	sld [smem:$0x3FA3]  }
0x30: {  	s3 =	sld [smem:$0x3FA6]  }
0x31: {  	[smem:$0x3FAF] =	sst s10  }
0x32: {  	s10 =	sld [smem:$0x3FAD];
	_ =	sdelay $0x3  }
0x33: {  	p0 =	seq.s32 s10, $0x1;
	s10 =	sld [smem:$0x3FAF];
	_ =	sdelay $0x3  }
0x34: {  	[smem:$0x3FAF] =	sst s10  }
0x35: {  	s10 =	sld [smem:$0x3FAE];
	_ =	sdelay $0x3  }
0x36: {  	p1 =	seq.s32 s10, $0x1;
	s10 =	sld [smem:$0x3FAF];
	_ =	sdelay $0x3  }
0x37: {  	[smem:$0x3FAF] =	sst s10  }
0x38: {  	s10 =	sld [smem:$0x3FB0]  }
0x39: {  	_ = 	snop;
	(pc) =	sbr.ind lr, $3  }
0x3a: {  	_ = 	snop  }
0x3b: {  	_ = 	snop  }
0x3c: {  	p2 =	seq.s32 s10, $0x1;
	s10 =	sld [smem:$0x3FAF]  }
0x3d: {  	_ =	shalt  }
0x3e: {  	_ =	shalt  }
0x3f: {  	_ =	shalt  }
0x40: {  	_ =	shalt  }
0x41: {  	_ =	shalt  }
0x42: {  	_ =	shalt  }
0x43: {  	_ =	shalt  }
0x44: {  	_ =	shalt  }
0x45: {  	_ =	shalt  }
0x46: {  	_ =	shalt  }
0x47: {  	_ =	shalt  }
0x48: {  	_ =	shalt  }
0x49: {  	_ =	shalt  }
0x4a: {  	_ =	shalt  }
0x4b: {  	_ =	shalt  }
0x4c: {  	_ =	shalt  }
0x4d: {  	_ =	shalt  }
0x4e: {  	_ =	shalt  }
0x4f: {  	_ =	shalt  }
0x50: {  	_ =	shalt  }
0x51: {  	_ =	shalt  }
0x52: {  	_ =	shalt  }
0x53: {  	_ =	shalt  }
0x54: {  	_ =	shalt  }
0x55: {  	_ =	shalt  }
0x56: {  	_ =	shalt  }
0x57: {  	_ =	shalt  }
0x58: {  	_ =	shalt  }
0x59: {  	_ =	shalt  }
0x5a: {  	_ =	shalt  }
0x5b: {  	_ =	shalt  }
0x5c: {  	_ =	shalt  }
0x5d: {  	_ =	shalt  }
0x5e: {  	_ =	shalt  }
0x5f: {  	_ =	shalt  }
0x60: {  	_ =	shalt  }
0x61: {  	_ =	shalt  }
0x62: {  	_ =	shalt  }
0x63: {  	_ =	shalt  }
0x64: {  	_ =	shalt  }
0x65: {  	_ =	shalt  }
0x66: {  	_ =	shalt  }
0x67: {  	_ =	shalt  }
0x68: {  	_ =	shalt  }
0x69: {  	_ =	shalt  }
0x6a: {  	_ =	shalt  }
0x6b: {  	_ =	shalt  }
0x6c: {  	_ =	shalt  }
0x6d: {  	_ =	shalt  }
0x6e: {  	_ =	shalt  }
0x6f: {  	_ =	shalt  }
0x70: {  	_ =	shalt  }
0x71: {  	_ =	shalt  }
0x72: {  	_ =	shalt  }
0x73: {  	_ =	shalt  }
0x74: {  	_ =	shalt  }
0x75: {  	_ =	shalt  }
0x76: {  	_ =	shalt  }
0x77: {  	_ =	shalt  }
0x78: {  	_ =	shalt  }
0x79: {  	_ =	shalt  }
0x7a: {  	_ =	shalt  }
0x7b: {  	_ =	shalt  }
0x7c: {  	_ =	shalt  }
0x7d: {  	_ =	shalt  }
0x7e: {  	_ =	shalt  }
0x7f: {  	_ =	shalt  }
0x80: {  	_ =	shalt  }
0x81: {  	_ =	shalt  }
0x82: {  	_ =	shalt  }
0x83: {  	_ =	shalt  }
0x84: {  	_ =	shalt  }
0x85: {  	_ =	shalt  }
0x86: {  	_ =	shalt  }
0x87: {  	_ =	shalt  }
.Lfunc_end0:
.L_simem_size_0:
called_computation.1_lowered:
.L_overlay_start_0:
0x88: {  	s2 =	sld [smem:$0x3FD9]  }
0x89: {  	s3 =	sld [smem:$0x3FFE];
	_ =	sdelay $0x1  }
0x8a: {  	s1 =	srdreg.scid  }
0x8b: {  	s0 =	sand.u32 $0x1, s1  }
0x8c: {  	s17 =	sshll.u32 s0, $0xA;
	s2 =	sadd.s32 s3, s2  }
0x8d: {  	s2 =	sadd.s32 s2, s17  }
0x8e: {  	[smem:$0x3FBB] =	sst s2  }
0x8f: {  	_ = 	snop  }
0x90: {  	(tm) =	ssettm $0x1  }
0x91: {  	s18 =	sld [smem:$0x3FFB];
	_ =	sdelay $0x3  }
0x92: {  	_ =	strace s18  }
0x93: {  	s2 =	sld [smem:$0x3FFC];
	_ =	sdelay $0x3  }
0x94: {  	_ =	strace s2  }
0x95: {  	s2 =	sld [smem:$0x3FFD];
	_ =	sdelay $0x3  }
0x96: {  	_ =	strace s2  }
0x97: {  	_ =	strace $0x8FFFFFFF  }
0x98: {  	s19 =	sld [smem:$0x3FDB];
	_ =	sdelay $0x1  }
0x99: {  	s20 =	simm.s32 $_scs_section_size  }
0x9a: {  	s4 =	simm.s32 $_size__tile_overlayer_lowered;
	s5 =	simm.s32 $_tile_overlayer_lowered  }
0x9b: {  	s6 =	simm.s32 $0x1BFF;
	s21 =	sshll.u32 s5, $0x1;
	s3 =	sadd.s32 s20, s19  }
0x9c: {  	s22 =	simm.s32 $0x0;
	s4 =	sshll.u32 s4, $0x1;
	s5 =	sadd.s32 s21, s3  }
0x9d: {  	[timem:s22], [sflag:s6] =	dma.local [hbm:s5], s4  }
0x9e: {  	_ =	swait.ge [sflag:s6], s4  }
0x9f: {  	s4 =	ssub.s32 $0x0, s4;
	[sflag:s6] =	ssyncset.done $0x0  }
0xa0: {  	[sflag:s6] =	ssyncadd.s32 s4;
	_ =	sdelay $0x1  }
0xa1: {  	s23 =	simm.s32 $0x1B8B  }
0xa2: {  	_ =	swait.ge [sflag:s23], $0x1  }
0xa3: {  	[sflag:s23] =	ssyncset.done $0x0  }
0xa4: {  	[sflag:s23] =	ssyncadd.s32 $0xFFFFFFFF  }
0xa5: {  	s4 =	sld [smem:$0x0]  }
0xa6: {  	s5 =	sand.u32 $0xFFFFFFFE, s1  }
0xa7: {  	p0 =	sne.s32 s1, s5  }
0xa8: {  	s5 =	sshll.u32 @p0 s5, $0xE  }
0xa9: {  	s5 =	sadd.s32 @p0 $0x11B8D, s5;
	s6 =	sshll.u32 @p0 s4, $0x11  }
0xaa: {  	s5 =	sor.u32 @p0 s6, s5  }
0xab: {  	[sflag:s5] =	ssyncadd.remote.s32 @p0 $0x1;
	_ =	sdelay $0x1  }
0xac: {  	s5 =	simm.s32 @p0 $0x1B8D  }
0xad: {  	_ =	swait.eq @p0 [sflag:s5], $0x1  }
0xae: {  	[sflag:s5] =	ssyncadd.s32 @p0 $0xFFFFFFFF  }
0xaf: {  	s6 =	sshll.u32 @!p0 s1, $0xE  }
0xb0: {  	s6 =	sor.u32 @!p0 $0x4000, s6;
	s5 =	simm.s32 @!p0 $0x1B8D  }
0xb1: {  	s4 =	sshll.u32 @!p0 s4, $0x11;
	s6 =	sadd.s32 @!p0 $0x11B8D, s6;
	_ =	swait.eq @!p0 [sflag:s5], $0x1  }
0xb2: {  	s4 =	sor.u32 @!p0 s4, s6;
	[sflag:s5] =	ssyncadd.s32 @!p0 $0xFFFFFFFF  }
0xb3: {  	s25 =	simm.s32 $0x1B8E;
	s24 =	sld [smem:$0x3FFE];
	[sflag:s4] =	ssyncadd.remote.s32 @!p0 $0x1  }
0xb4: {  	s26 =	simm.s32 $execute0_lowered;
	[smem:$0x3FD2] =	sst s25  }
0xb5: {  	s5 =	sshll.u32 s26, $0x1;
	_ =	strace $0x80000049;
	[dreg:$0x1] =	wrdreg $0xFFFFFFFF  }
0xb6: {  	s28 =	simm.s32 $_size_execute0_lowered;
	s3 =	sadd.s32 s3, s5;
	[dreg:$0x0] =	wrdreg $0x0  }
0xb7: {  	s5 =	sshll.u32 s28, $0x1;
	[dreg:$0x2] =	wrdreg s3  }
0xb8: {  	[dreg:$0x3] =	wrdreg s5  }
0xb9: {  	[dreg:$0x4] =	wrdreg $0xC0  }
0xba: {  	_ =	task [dreg:s22], $0x5FFFF  }
0xbb: {  	[dreg:$0x1] =	wrdreg $0xFFFFFFFF  }
0xbc: {  	[dreg:$0x0] =	wrdreg $0x60  }
0xbd: {  	[dreg:$0x2] =	wrdreg s24  }
0xbe: {  	[dreg:$0x3] =	wrdreg $0x9  }
0xbf: {  	_ =	task.clear_ibuf [dreg:s22], $0x4FFFF;
	_ =	strace $0x90000049  }
0xc0: {  	s29 =	simm.s32 $0x9;
	_ =	strace $0x8000004B  }
0xc1: {  	_ =	swait.ge [sflag:s29], $0x1  }
0xc2: {  	[sflag:s29] =	ssyncadd.s32 $0xFFFFFFFF  }
0xc3: {  	_ =	strace $0x9000004B  }
0xc4: {  	_ =	sfence  }
0xc5: {  	s30 =	sld [smem:$0x0];
	_ =	sdelay $0x2  }
0xc6: {  	s31 =	sshll.u32 s1, $0xD;
	s1 =	sshrl.u32 s1, $0x2  }
0xc7: {  	s4 =	sand.u32 $0x4000, s31;
	s1 =	sadd.s32 s1, s30  }
0xc8: {  	s0 =	sor.u32 s4, s0;
	s1 =	sshll.u32 s1, $0x11  }
0xc9: {  	s0 =	sor.u32 s1, s0  }
0xca: {  	s0 =	sadd.s32 $0x8F2B, s0  }
0xcb: {  	[sflag:s0] =	ssyncadd.remote.s32 $0x1  }
0xcc: {  	_ =	sfence.sel $0xFFFF  }
0xcd: {  	[dreg:$0x0] =	wrdreg $0xFFFFFFFF;
	(pc) =	sbr.abs _section_cstart, $3  }
0xce: {  	[dreg:$0x1] =	wrdreg $0xFFFFFFFF  }
0xcf: {  	_ =	task.clear_ibuf [dreg:s22], $0x2FFFF;
	_ =	strace $0x9FFFFFFF  }
0xd0: {  	(tm) =	ssettm $0x7FFFFFFF  }
0xd1: {  	_ =	shalt  }
tec
execute0_lowered:
.L_overlay_start_1:
0x0: {  	(tag) =	ssettag $0x1  }
0x1: {  	s0 =	srdreg.scid  }
0x2: {  	s2 =	stileid.u32;
	s1 =	rddreg [dreg:$0x0];
	s10 =	simm.s32 $0xD  }
0x3: {  	s12 =	simm.s32 $0x50;
	s13 =	simm.s32 $0x3E00;
	s16 =	simm.s32 $0x6600  }
0x4: {  	s19 =	simm.s32 $0x1;
	s20 =	simm.s32 $0x5;
	s21 =	simm.s32 $0x3  }
0x5: {  	s22 =	simm.s32 $0xB600;
	s23 =	simm.s32 $0x15600;
	s24 =	simm.s32 $0x2  }
0x6: {  	s28 =	simm.s32 $0x7;
	s29 =	simm.s32 $0x8E00;
	s30 =	simm.s32 $0xA  }
0x7: {  	s0 =	sand.u32 $0x1, s0;
	s3 =	sshll.u32 s2, $0x1;
	s2 =	simm.s32 $0x0  }
0x8: {  	s31 =	simm.s32 $0x4;
	s4 =	sor.u32 s0, s3;
	[smem:$0x7FF] =	sst s2  }
0x9: {  	s3 =	sadd.s32 $0xD600, s1;
	s0 =	ssub.s32 $0x2, s0;
	s5 =	smul.u32 $0x3E0, s4  }
0xa: {  	_ =	strace $0x8000004A;
	s4 =	smul.u32 $0x1360, s4;
	s25 =	sshrl.u32 s0, $0x1  }
.Ltmp0:
0xb: {  	s0 =	ssub.s32 s0, s25;
	s25 =	simm.s32 $0x6;
	(pc) =	sbr.rel .LBB2_1-.Ltmp0, $4  }
0xc: {  	s6 =	sadd.s32 s5, s1;
	s5 =	sadd.s32 $0x2E1000, s1;
	s0 =	smax.u32 s0, $0x1  }
0xd: {  	s8 =	sadd.s32 $0x50, s4;
	s7 =	sadd.s32 $0x2D1800, s6;
	[dreg:$0x4] =	wrdreg s0  }
0xe: {  	s1 =	simm.s32 $0x8;
	s26 =	sadd.s32 $0x2D9400, s6;
	[dreg:$0x2] =	wrdreg s7  }
0xf: {  	s0 =	simm.s32 $0x0;
	[dreg:$0x3] =	wrdreg s26;
	s26 =	simm.s32 $0x9  }
.LBB2_17:
0x10: {  	s0 =	sadd.s32 $0x1, s0;
	s6 =	rddreg [dreg:$0x4]  }
0x11: {  	p0 =	sne.s32 s0, s6  }
.Ltmp1:
0x12: {  	_ = 	snop;
	(pc) =	sbr.rel @!p0 .LBB2_18-.Ltmp1, $1  }
0x13: {  	_ =	sdelay $0x3  }
.LBB2_1:
0x14: {  	s6 =	rddreg [dreg:$0x2]  }
0x15: {  	[tilespmem:s2], [sflag:$0xD] =	stream.linear.gather [hbm4b:s6+s2], $0x1F00, $0x38;
	[tilespmem:$0x17E00] =	vst v63  }
0x16: {  	_ =	swait.ge [sflag:s10], $0x1F00  }
0x17: {  	[sflag:s10] =	ssyncset.done $0x0  }
0x18: {  	s7 =	simm.s32 $0x1F00;
	s11 =	rddreg [dreg:$0x3];
	[sflag:s10] =	ssyncadd.s32 $0xFFFFE100  }
0x19: {  	[tilespmem:s7], [sflag:$0xD] =	stream.linear.gather [hbm4b:s11+s2], $0x1F00, $0x38;
	[tilespmem:$0x17E00] =	vst v63  }
0x1a: {  	_ =	swait.ge [sflag:s10], $0x1F00  }
0x1b: {  	[sflag:s10] =	ssyncset.done $0x0  }
0x1c: {  	[sflag:s10] =	ssyncadd.s32 $0xFFFFE100  }
0x1d: {  	[tilespmem:s13], [sflag:$0x1] =	stream.indirect.gather [hbm4b:s3+s12], $0x80, s2, s12, $0xb8;
	[tilespmem:$0x17E00] =	vst v63  }
0x1e: {  	s14 =	simm.s32 $0xDE00  }
0x1f: {  	[tilespmem:s14], [sflag:$0x5] =	stream.indirect.gather [hbm4b:s3+s12], $0x80, s7, s12, $0xb8;
	[tilespmem:$0x17E00] =	vst v63  }
.Ltmp2:
0x20: {  	_ = 	snop;
	(pc) =	sbr.rel .LBB2_2-.Ltmp2, $4  }
0x21: {  	s15 =	simm.s32 $0x80  }
0x22: {  	[tilespmem:s16], [sflag:$0x2] =	stream.indirect.gather [hbm4b:s3+s12], $0x80, s15, s12, $0xb8;
	[tilespmem:$0x17E00] =	vst v63  }
0x23: {  	s17 =	simm.s32 $0x1F80;
	s18 =	simm.s32 $0x10600;
	s14 =	simm.s32 $0x0  }
0x24: {  	[tilespmem:s18], [sflag:$0x6] =	stream.indirect.gather [hbm4b:s3+s12], $0x80, s17, s12, $0xb8;
	[tilespmem:$0x17E00] =	vst v63  }
.LBB2_16:
0x25: {  	s14 =	sadd.s32 $0x1, s14  }
0x26: {  	p0 =	sne.s32 s14, $0x10  }
.Ltmp3:
0x27: {  	_ = 	snop;
	(pc) =	sbr.rel @!p0 .LBB2_17-.Ltmp3, $1  }
0x28: {  	_ =	sdelay $0x3  }
.LBB2_2:
0x29: {  	s15 =	sshll.u32 s14, $0x2  }
0x2a: {  	s6 =	sadd.s32 $0xFFFFFFFE, s15  }
0x2b: {  	p0 =	sgt.u32 s6, $0x3D  }
0x2c: {  	s6 =	simm.s32 @!p0 $0xB  }
0x2d: {  	_ =	swait.ge @!p0 [sflag:s6], $0x2800  }
0x2e: {  	s17 =	sor.u32 $0x2, s15;
	[sflag:s6] =	ssyncset.done @!p0 $0x0  }
0x2f: {  	[sflag:s6] =	ssyncadd.s32 @!p0 $0xFFFFD800;
	p0 =	sgt.u32 s17, $0x3D  }
0x30: {  	s6 =	sshll.u32 @!p0 s17, $0x7;
	s7 =	simm.s32 @!p0 $0x50;
	s11 =	simm.s32 @!p0 $0x8E00  }
0x31: {  	[tilespmem:s11], [sflag:$0x3] =	stream.indirect.gather @!p0 [hbm4b:s3+s7], $0x80, s6, s7, $0xb8;
	[tilespmem:$0x17E00] =	vst v63  }
0x32: {  	s6 =	sadd.s32 @!p0 $0x1F00, s6;
	s11 =	simm.s32 @!p0 $0x12E00  }
0x33: {  	[tilespmem:s11], [sflag:$0x7] =	stream.indirect.gather @!p0 [hbm4b:s3+s7], $0x80, s6, s7, $0xb8;
	[tilespmem:$0x17E00] =	vst v63  }
0x34: {  	_ =	swait.ge [sflag:s19], $0x2800  }
0x35: {  	[sflag:s19] =	ssyncset.done $0x0  }
0x36: {  	[sflag:s19] =	ssyncadd.s32 $0xFFFFD800  }
0x37: {  	_ =	swait.ge [sflag:s20], $0x2800  }
0x38: {  	[sflag:s20] =	ssyncset.done $0x0  }
0x39: {  	s11 =	simm.s32 $0x0;
	[sflag:s20] =	ssyncadd.s32 $0xFFFFD800  }
0x3a: {  	v6 =	vld [tilespmem:s11+$0xDE00]  }
0x3b: {  	v11 =	vld [tilespmem:s11+$0xDE10]  }
0x3c: {  	v5 =	vld [tilespmem:s11+$0xDE20]  }
0x3d: {  	v4 =	vld [tilespmem:s11+$0xDE30]  }
0x3e: {  	v3 =	vld [tilespmem:s11+$0xDE40]  }
0x3f: {  	v2 =	vld [tilespmem:s11+$0xDE50]  }
0x40: {  	v1 =	vld [tilespmem:s11+$0xDE60]  }
0x41: {  	v0 =	vld [tilespmem:s11+$0xDE70]  }
0x42: {  	v12 =	vld [tilespmem:s11+$0x3E00]  }
0x43: {  	v13 =	vld [tilespmem:s11+$0x3E10]  }
0x44: {  	v10 =	vld [tilespmem:s11+$0x3E20]  }
0x45: {  	v9 =	vld [tilespmem:s11+$0x3E30]  }
0x46: {  	v8 =	vld [tilespmem:s11+$0x3E40]  }
0x47: {  	v7 =	vld [tilespmem:s11+$0x3E50];
	v12 =	vadd.f32 v6, v12  }
0x48: {  	s6 =	simm.s32 $0x200;
	v11 =	vadd.f32 v11, v13;
	v6 =	vld [tilespmem:s11+$0x3E60]  }
.LBB2_3:
0x49: {  	s7 =	sshra.s32 s6, $0x2;
	p1 =	sne.s32 s6, $0x9E00;
	[tilespmem:s11+$0x3E00] =	vst v12;
	v5 =	vadd.f32 v5, v10;
	v10 =	vld [tilespmem:s11+$0x3E70]  }
0x4a: {  	v12 =	vld [tilespmem:s7+$0xDE00];
	[tilespmem:s11+$0x3E10] =	vst v11;
	v4 =	vadd.f32 v4, v9  }
0x4b: {  	v11 =	vld [tilespmem:s7+$0xDE10];
	[tilespmem:s11+$0x3E20] =	vst v5;
	v3 =	vadd.f32 v3, v8  }
0x4c: {  	v5 =	vld [tilespmem:s7+$0xDE20];
	[tilespmem:s11+$0x3E30] =	vst v4;
	v2 =	vadd.f32 v2, v7  }
0x4d: {  	v4 =	vld [tilespmem:s7+$0xDE30];
	[tilespmem:s11+$0x3E40] =	vst v3;
	v1 =	vadd.f32 v1, v6  }
0x4e: {  	v3 =	vld [tilespmem:s7+$0xDE40];
	[tilespmem:s11+$0x3E50] =	vst v2;
	v0 =	vadd.f32 v0, v10  }
0x4f: {  	v2 =	vld [tilespmem:s7+$0xDE50];
	[tilespmem:s11+$0x3E60] =	vst v1  }
0x50: {  	v1 =	vld [tilespmem:s7+$0xDE60];
	[tilespmem:s11+$0x3E70] =	vst v0;
	s11 =	smov.u32 s7  }
0x51: {  	v0 =	vld [tilespmem:s11+$0xDE70]  }
0x52: {  	v6 =	vld [tilespmem:s11+$0x3E00]  }
0x53: {  	v13 =	vld [tilespmem:s11+$0x3E10]  }
.Ltmp4:
0x54: {  	v10 =	vld [tilespmem:s11+$0x3E20];
	(pc) =	sbr.rel @p1 .LBB2_3-.Ltmp4, $4  }
0x55: {  	v9 =	vld [tilespmem:s11+$0x3E30]  }
0x56: {  	v8 =	vld [tilespmem:s11+$0x3E40]  }
0x57: {  	v12 =	vadd.f32 v12, v6;
	v7 =	vld [tilespmem:s11+$0x3E50]  }
0x58: {  	s6 =	sadd.s32 $0x200, s6;
	v11 =	vadd.f32 v11, v13;
	v6 =	vld [tilespmem:s11+$0x3E60]  }
0x59: {  	[tilespmem:s11+$0x3E00] =	vst v12;
	v5 =	vadd.f32 v5, v10;
	v63 =	vld [tilespmem:s11+$0x3E70]  }
0x5a: {  	[tilespmem:s11+$0x3E10] =	vst v11;
	v4 =	vadd.f32 v4, v9  }
0x5b: {  	[tilespmem:s11+$0x3E20] =	vst v5;
	v3 =	vadd.f32 v3, v8  }
0x5c: {  	s18 =	smul.u32 $0x140, s14;
	[tilespmem:s11+$0x3E30] =	vst v4;
	v2 =	vadd.f32 v2, v7  }
0x5d: {  	p2 =	seq.s32 s14, $0x0;
	[tilespmem:s11+$0x3E40] =	vst v3;
	v1 =	vadd.f32 v1, v6  }
0x5e: {  	s15 =	sor.u32 @!p2 $0x3, s15;
	s6 =	sadd.s32 s4, s18;
	[tilespmem:s11+$0x3E50] =	vst v2;
	v0 =	vadd.f32 v0, v63  }
0x5f: {  	p1 =	sgt.u32 @!p2 s15, $0x3D;
	s6 =	sshll.u32 s6, $0x4;
	[tilespmem:s11+$0x3E60] =	vst v1  }
0x60: {  	p3 =	por p2, !p1;
	s6 =	sadd.s32 s5, s6;
	[tilespmem:s11+$0x3E70] =	vst v0  }
0x61: {  	[hbm4b:s6+s2] =	stream.linear.scatter [tilespmem:s13], [sflag:$0x9], $0x2800, $0x38;
	[tilespmem:$0x17E00] =	vst v63  }
.Ltmp5:
0x62: {  	_ = 	snop;
	(pc) =	sbr.rel @!p3 .LBB2_6-.Ltmp5, $4  }
0x63: {  	s6 =	simm.s32 @!p2 $0xC  }
0x64: {  	_ =	swait.ge @!p2 [sflag:s6], $0x2800  }
0x65: {  	[sflag:s6] =	ssyncset.done @!p2 $0x0  }
0x66: {  	p1 =	por @!p2 $0x0, $0x0;
	[sflag:s6] =	ssyncadd.s32 @!p2 $0xFFFFD800  }
0x67: {  	s15 =	simm.s32 @p2 $0x3  }
0x68: {  	s6 =	sshll.u32 s15, $0x7  }
0x69: {  	[tilespmem:s22], [sflag:$0x4] =	stream.indirect.gather [hbm4b:s3+s12], $0x80, s6, s12, $0xb8;
	[tilespmem:$0x17E00] =	vst v63  }
0x6a: {  	p1 =	por $0x1, $0x1;
	s6 =	sadd.s32 $0x1F00, s6  }
0x6b: {  	[tilespmem:s23], [sflag:$0x8] =	stream.indirect.gather [hbm4b:s3+s12], $0x80, s6, s12, $0xb8;
	[tilespmem:$0x17E00] =	vst v63  }
.LBB2_6:
0x6c: {  	_ =	swait.ge [sflag:s24], $0x2800  }
0x6d: {  	[sflag:s24] =	ssyncset.done $0x0  }
0x6e: {  	[sflag:s24] =	ssyncadd.s32 $0xFFFFD800  }
0x6f: {  	_ =	swait.ge [sflag:s25], $0x2800  }
0x70: {  	[sflag:s25] =	ssyncset.done $0x0  }
0x71: {  	s6 =	simm.s32 $0x0;
	[sflag:s25] =	ssyncadd.s32 $0xFFFFD800  }
0x72: {  	v7 =	vld [tilespmem:s6+$0x10600]  }
0x73: {  	v11 =	vld [tilespmem:s6+$0x10610]  }
0x74: {  	v5 =	vld [tilespmem:s6+$0x10620]  }
0x75: {  	v4 =	vld [tilespmem:s6+$0x10630]  }
0x76: {  	v3 =	vld [tilespmem:s6+$0x10640]  }
0x77: {  	v2 =	vld [tilespmem:s6+$0x10650]  }
0x78: {  	v1 =	vld [tilespmem:s6+$0x10660]  }
0x79: {  	v0 =	vld [tilespmem:s6+$0x10670]  }
0x7a: {  	v12 =	vld [tilespmem:s6+$0x6600]  }
0x7b: {  	v13 =	vld [tilespmem:s6+$0x6610]  }
0x7c: {  	v10 =	vld [tilespmem:s6+$0x6620]  }
0x7d: {  	v9 =	vld [tilespmem:s6+$0x6630]  }
0x7e: {  	v8 =	vld [tilespmem:s6+$0x6640]  }
0x7f: {  	v6 =	vld [tilespmem:s6+$0x6650];
	v12 =	vadd.f32 v7, v12  }
0x80: {  	s11 =	simm.s32 $0x200;
	v11 =	vadd.f32 v11, v13;
	v7 =	vld [tilespmem:s6+$0x6660]  }
.LBB2_7:
0x81: {  	s7 =	sshra.s32 s11, $0x2;
	p2 =	sne.s32 s11, $0x9E00;
	[tilespmem:s6+$0x6600] =	vst v12;
	v5 =	vadd.f32 v5, v10;
	v10 =	vld [tilespmem:s6+$0x6670]  }
0x82: {  	v12 =	vld [tilespmem:s7+$0x10600];
	[tilespmem:s6+$0x6610] =	vst v11;
	v4 =	vadd.f32 v4, v9  }
0x83: {  	v11 =	vld [tilespmem:s7+$0x10610];
	[tilespmem:s6+$0x6620] =	vst v5;
	v3 =	vadd.f32 v3, v8  }
0x84: {  	v5 =	vld [tilespmem:s7+$0x10620];
	[tilespmem:s6+$0x6630] =	vst v4;
	v2 =	vadd.f32 v2, v6  }
0x85: {  	v4 =	vld [tilespmem:s7+$0x10630];
	[tilespmem:s6+$0x6640] =	vst v3;
	v1 =	vadd.f32 v1, v7  }
0x86: {  	v3 =	vld [tilespmem:s7+$0x10640];
	[tilespmem:s6+$0x6650] =	vst v2;
	v0 =	vadd.f32 v0, v10  }
0x87: {  	v2 =	vld [tilespmem:s7+$0x10650];
	[tilespmem:s6+$0x6660] =	vst v1  }
0x88: {  	v1 =	vld [tilespmem:s7+$0x10660];
	[tilespmem:s6+$0x6670] =	vst v0;
	s6 =	smov.u32 s7  }
0x89: {  	v0 =	vld [tilespmem:s6+$0x10670]  }
0x8a: {  	v6 =	vld [tilespmem:s6+$0x6600]  }
0x8b: {  	v7 =	vld [tilespmem:s6+$0x6610]  }
.Ltmp6:
0x8c: {  	v10 =	vld [tilespmem:s6+$0x6620];
	(pc) =	sbr.rel @p2 .LBB2_7-.Ltmp6, $4  }
0x8d: {  	v9 =	vld [tilespmem:s6+$0x6630]  }
0x8e: {  	v8 =	vld [tilespmem:s6+$0x6640]  }
0x8f: {  	v12 =	vadd.f32 v12, v6;
	v6 =	vld [tilespmem:s6+$0x6650]  }
0x90: {  	s11 =	sadd.s32 $0x200, s11;
	v11 =	vadd.f32 v11, v7;
	v7 =	vld [tilespmem:s6+$0x6660]  }
0x91: {  	[tilespmem:s6+$0x6600] =	vst v12;
	v5 =	vadd.f32 v5, v10;
	v63 =	vld [tilespmem:s6+$0x6670]  }
0x92: {  	[tilespmem:s6+$0x6610] =	vst v11;
	v4 =	vadd.f32 v4, v9  }
0x93: {  	[tilespmem:s6+$0x6620] =	vst v5;
	v3 =	vadd.f32 v3, v8  }
0x94: {  	[tilespmem:s6+$0x6630] =	vst v4;
	v2 =	vadd.f32 v2, v6  }
0x95: {  	[tilespmem:s6+$0x6640] =	vst v3;
	v1 =	vadd.f32 v1, v7  }
0x96: {  	s7 =	sadd.s32 s8, s18;
	[tilespmem:s6+$0x6650] =	vst v2;
	v0 =	vadd.f32 v0, v63  }
0x97: {  	s7 =	sshll.u32 s7, $0x4;
	[tilespmem:s6+$0x6660] =	vst v1  }
0x98: {  	p2 =	seq.s32 s14, $0xF;
	s18 =	sadd.s32 s5, s7;
	[tilespmem:s6+$0x6670] =	vst v0  }
0x99: {  	[hbm4b:s18+s2] =	stream.linear.scatter [tilespmem:s16], [sflag:$0xA], $0x2800, $0x38;
	[tilespmem:$0x17E00] =	vst v63  }
0x9a: {  	s11 =	simm.s32 @!p2 $0x50;
	_ =	swait.ge [sflag:s26], $0x2800  }
.Ltmp7:
0x9b: {  	s18 =	sshll.u32 @!p2 s14, $0x9;
	[sflag:s26] =	ssyncset.done $0x0;
	(pc) =	sbr.rel @p0 .LBB2_12-.Ltmp7, $4  }
0x9c: {  	s7 =	simm.s32 @!p2 $0x3E00;
	s6 =	sadd.s32 @!p2 $0x200, s18;
	[sflag:s26] =	ssyncadd.s32 $0xFFFFD800  }
0x9d: {  	[tilespmem:s7], [sflag:$0x1] =	stream.indirect.gather @!p2 [hbm4b:s3+s11], $0x80, s6, s11, $0xb8;
	[tilespmem:$0x17E00] =	vst v63  }
0x9e: {  	s6 =	sadd.s32 @!p2 $0x2100, s18;
	s7 =	simm.s32 @!p2 $0xDE00  }
0x9f: {  	[tilespmem:s7], [sflag:$0x5] =	stream.indirect.gather @!p2 [hbm4b:s3+s11], $0x80, s6, s11, $0xb8;
	[tilespmem:$0x17E00] =	vst v63  }
0xa0: {  	_ =	swait.ge [sflag:s21], $0x2800  }
0xa1: {  	[sflag:s21] =	ssyncset.done $0x0  }
0xa2: {  	[sflag:s21] =	ssyncadd.s32 $0xFFFFD800  }
0xa3: {  	_ =	swait.ge [sflag:s28], $0x2800  }
0xa4: {  	[sflag:s28] =	ssyncset.done $0x0  }
0xa5: {  	s6 =	simm.s32 $0x0;
	[sflag:s28] =	ssyncadd.s32 $0xFFFFD800  }
0xa6: {  	v6 =	vld [tilespmem:s6+$0x12E00]  }
0xa7: {  	v11 =	vld [tilespmem:s6+$0x12E10]  }
0xa8: {  	v5 =	vld [tilespmem:s6+$0x12E20]  }
0xa9: {  	v4 =	vld [tilespmem:s6+$0x12E30]  }
0xaa: {  	v3 =	vld [tilespmem:s6+$0x12E40]  }
0xab: {  	v2 =	vld [tilespmem:s6+$0x12E50]  }
0xac: {  	v1 =	vld [tilespmem:s6+$0x12E60]  }
0xad: {  	v0 =	vld [tilespmem:s6+$0x12E70]  }
0xae: {  	v12 =	vld [tilespmem:s6+$0x8E00]  }
0xaf: {  	v13 =	vld [tilespmem:s6+$0x8E10]  }
0xb0: {  	v10 =	vld [tilespmem:s6+$0x8E20]  }
0xb1: {  	v9 =	vld [tilespmem:s6+$0x8E30]  }
0xb2: {  	v8 =	vld [tilespmem:s6+$0x8E40]  }
0xb3: {  	v7 =	vld [tilespmem:s6+$0x8E50];
	v12 =	vadd.f32 v6, v12  }
0xb4: {  	s7 =	simm.s32 $0x200;
	v11 =	vadd.f32 v11, v13;
	v6 =	vld [tilespmem:s6+$0x8E60]  }
.LBB2_10:
0xb5: {  	s9 =	sshra.s32 s7, $0x2;
	p0 =	sne.s32 s7, $0x9E00;
	[tilespmem:s6+$0x8E00] =	vst v12;
	v5 =	vadd.f32 v5, v10;
	v10 =	vld [tilespmem:s6+$0x8E70]  }
0xb6: {  	v12 =	vld [tilespmem:s9+$0x12E00];
	[tilespmem:s6+$0x8E10] =	vst v11;
	v4 =	vadd.f32 v4, v9  }
0xb7: {  	v11 =	vld [tilespmem:s9+$0x12E10];
	[tilespmem:s6+$0x8E20] =	vst v5;
	v3 =	vadd.f32 v3, v8  }
0xb8: {  	v5 =	vld [tilespmem:s9+$0x12E20];
	[tilespmem:s6+$0x8E30] =	vst v4;
	v2 =	vadd.f32 v2, v7  }
0xb9: {  	v4 =	vld [tilespmem:s9+$0x12E30];
	[tilespmem:s6+$0x8E40] =	vst v3;
	v1 =	vadd.f32 v1, v6  }
0xba: {  	v3 =	vld [tilespmem:s9+$0x12E40];
	[tilespmem:s6+$0x8E50] =	vst v2;
	v0 =	vadd.f32 v0, v10  }
0xbb: {  	v2 =	vld [tilespmem:s9+$0x12E50];
	[tilespmem:s6+$0x8E60] =	vst v1  }
0xbc: {  	v1 =	vld [tilespmem:s9+$0x12E60];
	[tilespmem:s6+$0x8E70] =	vst v0;
	s6 =	smov.u32 s9  }
0xbd: {  	v0 =	vld [tilespmem:s6+$0x12E70]  }
0xbe: {  	v6 =	vld [tilespmem:s6+$0x8E00]  }
0xbf: {  	v13 =	vld [tilespmem:s6+$0x8E10]  }
.Ltmp8:
0xc0: {  	v10 =	vld [tilespmem:s6+$0x8E20];
	(pc) =	sbr.rel @p0 .LBB2_10-.Ltmp8, $4  }
0xc1: {  	v9 =	vld [tilespmem:s6+$0x8E30]  }
0xc2: {  	v8 =	vld [tilespmem:s6+$0x8E40]  }
0xc3: {  	v12 =	vadd.f32 v12, v6;
	v7 =	vld [tilespmem:s6+$0x8E50]  }
0xc4: {  	s7 =	sadd.s32 $0x200, s7;
	v11 =	vadd.f32 v11, v13;
	v6 =	vld [tilespmem:s6+$0x8E60]  }
0xc5: {  	[tilespmem:s6+$0x8E00] =	vst v12;
	v5 =	vadd.f32 v5, v10;
	v63 =	vld [tilespmem:s6+$0x8E70]  }
0xc6: {  	[tilespmem:s6+$0x8E10] =	vst v11;
	v4 =	vadd.f32 v4, v9  }
0xc7: {  	[tilespmem:s6+$0x8E20] =	vst v5;
	v3 =	vadd.f32 v3, v8  }
0xc8: {  	s7 =	smul.u32 $0x50, s17;
	[tilespmem:s6+$0x8E30] =	vst v4;
	v2 =	vadd.f32 v2, v7  }
0xc9: {  	[tilespmem:s6+$0x8E40] =	vst v3;
	v1 =	vadd.f32 v1, v6  }
0xca: {  	s7 =	sadd.s32 s4, s7;
	[tilespmem:s6+$0x8E50] =	vst v2;
	v0 =	vadd.f32 v0, v63  }
0xcb: {  	s7 =	sshll.u32 s7, $0x4;
	[tilespmem:s6+$0x8E60] =	vst v1  }
0xcc: {  	s17 =	sadd.s32 s5, s7;
	[tilespmem:s6+$0x8E70] =	vst v0  }
0xcd: {  	[hbm4b:s17+s2] =	stream.linear.scatter [tilespmem:s29], [sflag:$0xB], $0x2800, $0x38;
	[tilespmem:$0x17E00] =	vst v63  }
.LBB2_12:
0xce: {  	_ =	swait.ge [sflag:s30], $0x2800  }
.Ltmp9:
0xcf: {  	[sflag:s30] =	ssyncset.done $0x0;
	(pc) =	sbr.rel @!p1 .LBB2_16-.Ltmp9, $4  }
0xd0: {  	s6 =	sadd.s32 @!p2 $0x280, s18;
	s7 =	simm.s32 @!p2 $0x6600;
	[sflag:s30] =	ssyncadd.s32 $0xFFFFD800  }
0xd1: {  	[tilespmem:s7], [sflag:$0x2] =	stream.indirect.gather @!p2 [hbm4b:s3+s11], $0x80, s6, s11, $0xb8;
	[tilespmem:$0x17E00] =	vst v63  }
0xd2: {  	s6 =	sadd.s32 @!p2 $0x2180, s18;
	s7 =	simm.s32 @!p2 $0x10600  }
0xd3: {  	[tilespmem:s7], [sflag:$0x6] =	stream.indirect.gather @!p2 [hbm4b:s3+s11], $0x80, s6, s11, $0xb8;
	[tilespmem:$0x17E00] =	vst v63  }
0xd4: {  	_ =	swait.ge [sflag:s31], $0x2800  }
0xd5: {  	[sflag:s31] =	ssyncset.done $0x0  }
0xd6: {  	[sflag:s31] =	ssyncadd.s32 $0xFFFFD800  }
0xd7: {  	_ =	swait.ge [sflag:s1], $0x2800  }
0xd8: {  	[sflag:s1] =	ssyncset.done $0x0  }
0xd9: {  	s6 =	simm.s32 $0x0;
	[sflag:s1] =	ssyncadd.s32 $0xFFFFD800  }
0xda: {  	v6 =	vld [tilespmem:s6+$0x15600]  }
0xdb: {  	v11 =	vld [tilespmem:s6+$0x15610]  }
0xdc: {  	v5 =	vld [tilespmem:s6+$0x15620]  }
0xdd: {  	v4 =	vld [tilespmem:s6+$0x15630]  }
0xde: {  	v3 =	vld [tilespmem:s6+$0x15640]  }
0xdf: {  	v2 =	vld [tilespmem:s6+$0x15650]  }
0xe0: {  	v1 =	vld [tilespmem:s6+$0x15660]  }
0xe1: {  	v0 =	vld [tilespmem:s6+$0x15670]  }
0xe2: {  	v12 =	vld [tilespmem:s6+$0xB600]  }
0xe3: {  	v13 =	vld [tilespmem:s6+$0xB610]  }
0xe4: {  	v10 =	vld [tilespmem:s6+$0xB620]  }
0xe5: {  	v9 =	vld [tilespmem:s6+$0xB630]  }
0xe6: {  	v8 =	vld [tilespmem:s6+$0xB640]  }
0xe7: {  	v7 =	vld [tilespmem:s6+$0xB650];
	v12 =	vadd.f32 v6, v12  }
0xe8: {  	s7 =	simm.s32 $0x200;
	v11 =	vadd.f32 v11, v13;
	v6 =	vld [tilespmem:s6+$0xB660]  }
.LBB2_14:
0xe9: {  	s9 =	sshra.s32 s7, $0x2;
	p0 =	sne.s32 s7, $0x9E00;
	[tilespmem:s6+$0xB600] =	vst v12;
	v5 =	vadd.f32 v5, v10;
	v10 =	vld [tilespmem:s6+$0xB670]  }
0xea: {  	v12 =	vld [tilespmem:s9+$0x15600];
	[tilespmem:s6+$0xB610] =	vst v11;
	v4 =	vadd.f32 v4, v9  }
0xeb: {  	v11 =	vld [tilespmem:s9+$0x15610];
	[tilespmem:s6+$0xB620] =	vst v5;
	v3 =	vadd.f32 v3, v8  }
0xec: {  	v5 =	vld [tilespmem:s9+$0x15620];
	[tilespmem:s6+$0xB630] =	vst v4;
	v2 =	vadd.f32 v2, v7  }
0xed: {  	v4 =	vld [tilespmem:s9+$0x15630];
	[tilespmem:s6+$0xB640] =	vst v3;
	v1 =	vadd.f32 v1, v6  }
0xee: {  	v3 =	vld [tilespmem:s9+$0x15640];
	[tilespmem:s6+$0xB650] =	vst v2;
	v0 =	vadd.f32 v0, v10  }
0xef: {  	v2 =	vld [tilespmem:s9+$0x15650];
	[tilespmem:s6+$0xB660] =	vst v1  }
0xf0: {  	v1 =	vld [tilespmem:s9+$0x15660];
	[tilespmem:s6+$0xB670] =	vst v0;
	s6 =	smov.u32 s9  }
0xf1: {  	v0 =	vld [tilespmem:s6+$0x15670]  }
0xf2: {  	v6 =	vld [tilespmem:s6+$0xB600]  }
0xf3: {  	v13 =	vld [tilespmem:s6+$0xB610]  }
.Ltmp10:
0xf4: {  	v10 =	vld [tilespmem:s6+$0xB620];
	(pc) =	sbr.rel @p0 .LBB2_14-.Ltmp10, $4  }
0xf5: {  	v9 =	vld [tilespmem:s6+$0xB630]  }
0xf6: {  	v8 =	vld [tilespmem:s6+$0xB640]  }
0xf7: {  	v12 =	vadd.f32 v12, v6;
	v7 =	vld [tilespmem:s6+$0xB650]  }
0xf8: {  	s7 =	sadd.s32 $0x200, s7;
	v11 =	vadd.f32 v11, v13;
	v6 =	vld [tilespmem:s6+$0xB660]  }
0xf9: {  	[tilespmem:s6+$0xB600] =	vst v12;
	v5 =	vadd.f32 v5, v10;
	v63 =	vld [tilespmem:s6+$0xB670]  }
0xfa: {  	[tilespmem:s6+$0xB610] =	vst v11;
	v4 =	vadd.f32 v4, v9  }
0xfb: {  	[tilespmem:s6+$0xB620] =	vst v5;
	v3 =	vadd.f32 v3, v8  }
0xfc: {  	s7 =	smul.u32 $0x50, s15;
	[tilespmem:s6+$0xB630] =	vst v4;
	v2 =	vadd.f32 v2, v7  }
.Ltmp11:
0xfd: {  	[tilespmem:s6+$0xB640] =	vst v3;
	v1 =	vadd.f32 v1, v6;
	(pc) =	sbr.rel .LBB2_16-.Ltmp11, $4  }
0xfe: {  	s7 =	sadd.s32 s4, s7;
	[tilespmem:s6+$0xB650] =	vst v2;
	v0 =	vadd.f32 v0, v63  }
0xff: {  	s7 =	sshll.u32 s7, $0x4;
	[tilespmem:s6+$0xB660] =	vst v1  }
0x100: {  	s18 =	sadd.s32 s5, s7;
	[tilespmem:s6+$0xB670] =	vst v0  }
0x101: {  	[hbm4b:s18+s2] =	stream.linear.scatter [tilespmem:s22], [sflag:$0xC], $0x2800, $0x38;
	[tilespmem:$0x17E00] =	vst v63  }
.LBB2_18:
0x102: {  	_ =	sfence.sel $0x180000  }
0x103: {  	[bflag:$0x0] =	sbarrier.arrive $0xFFFF  }
0x104: {  	_ =	strace $0x9000004A  }
0x105: {  	s0 =	stileid.u32;
	[bflag:$0x2] =	sbarrier.arrive $0xFFFF  }
0x106: {  	p0 =	sne.s32 s0, $0x0;
	s0 =	rddreg [dreg:$0x1]  }
0x107: {  	s0 =	sadd.s32 @!p0 $0x100000, s0  }
0x108: {  	[sflag:s0] =	ssyncadd.tile.s32 @!p0 $0x1;
	_ =	shalt  }
.Lfunc_end2:
_tile_overlayer_lowered:
.L_overlay_start_2:
0x109: {  	(tag) =	ssettag $0x2  }
0x10a: {  	s0 =	rddreg [dreg:$0x0];
	s2 =	stileid.u32  }
0x10b: {  	s1 =	rddreg [dreg:$0x1];
	p0 =	sne.s32 s2, $0x0  }
0x10c: {  	s3 =	rddreg [dreg:$0x2];
	[bflag:$0x3] =	sbarrier.arrive $0xFFFF;
	s2 =	simm.s32 @!p0 $0x1C0D  }
0x10d: {  	[timem:s3], [sflag:s2] =	dma.local @!p0 [hbm:s0], s1  }
0x10e: {  	s0 =	simm.s32 @!p0 $0xD  }
0x10f: {  	_ =	swait.ge @!p0 [sflag:s0], s1  }
0x110: {  	s1 =	ssub.s32 @!p0 $0x0, s1;
	[sflag:s0] =	ssyncset.done @!p0 $0x0  }
0x111: {  	[sflag:s0] =	ssyncadd.s32 @!p0 s1  }
0x112: {  	[bflag:$0x3] =	sbarrier.arrive $0xFFFF  }
0x113: {  	_ =	shalt  }

// kernel: kernel.16.cloned.1.call-start
scs
__scs_entry_jumppad:
0x0: {  	(pc) =	sbr.rel $0x88, $3  }
0x1: {  	(tag) =	ssettag $0x0;
	lr =	simm.s32 $0x1  }
0x2: {  	[smem:$0x3F94] =	sst lr;
	_ =	strace $0xD0000000  }
0x3: {  	_ = 	snop  }
0x4: {  	_ = 	snop  }
0x5: {  	_ = 	snop  }
0x6: {  	_ = 	snop  }
0x7: {  	_ = 	snop  }
__scs_overlays_trampoline_lowered:
0x8: {  	[smem:$0x3FA3] =	sst s0  }
0x9: {  	[smem:$0x3FA4] =	sst s1  }
0xa: {  	[smem:$0x3FA5] =	sst s2  }
0xb: {  	[smem:$0x3FA6] =	sst s3  }
0xc: {  	[smem:$0x3FA7] =	sst s4  }
0xd: {  	[smem:$0x3FA8] =	sst s5  }
0xe: {  	[smem:$0x3FA9] =	sst s6  }
0xf: {  	[smem:$0x3FAA] =	sst s7  }
0x10: {  	[smem:$0x3FAB] =	sst s8  }
0x11: {  	[smem:$0x3FAC] =	sst s9;
	s0 =	simm.s32 @!p0 $0x0  }
0x12: {  	s1 =	sld [smem:$0x3F92];
	s0 =	simm.s32 @p0 $0x1  }
0x13: {  	[smem:$0x3FAD] =	sst s0;
	s0 =	simm.s32 @!p1 $0x0  }
0x14: {  	s2 =	sld [smem:$0x3F91];
	s0 =	simm.s32 @p1 $0x1  }
0x15: {  	[smem:$0x3FAE] =	sst s0;
	s0 =	simm.s32 @!p2 $0x0  }
0x16: {  	s3 =	sld [smem:$0x3FDB];
	s0 =	simm.s32 @p2 $0x1  }
0x17: {  	s4 =	simm.s32 $0x1BF5;
	[smem:$0x3FB0] =	sst s0  }
0x18: {  	s0 =	sld [smem:$0x3F93];
	_ =	swait.ge [sflag:s4], $0x0  }
0x19: {  	s7 =	sld [smem:$0x3F94]  }
0x1a: {  	s8 =	sadd.s32 $0xFFFFE003, lr  }
0x1b: {  	s9 =	sadd.s32 $0xFFFFFEF7, lr;
	s5 =	simm.s32 $0xFFFFFFFF;
	p2 =	slt.u32 s8, $0xFFFFF086  }
0x1c: {  	p1 =	slt.u32 s9, $0xF7A;
	s5 =	simm.s32 @!p2 $0x0  }
0x1d: {  	s5 =	simm.s32 @p1 $0x1;
	p0 =	seq.s32 s7, s2  }
0x1e: {  	s7 =	smul.u32 @!p0 $0xF7A, s2;
	p2 =	seq.s32 @!p0 s5, $0x0  }
0x1f: {  	s9 =	smul.u32 $0xF7A, s1;
	s8 =	simm.s32 @!p0 $0x1BF5;
	p2 =	por !p2, p0  }
0x20: {  	[sflag:s8] =	ssyncset.s32 @!p0 $0xFFFFF086;
	s6 =	sadd.s32 @!p0 s3, s7;
	s7 =	simm.s32 @!p0 $0x108  }
0x21: {  	s3 =	sadd.s32 s3, s9;
	s6 =	sadd.s32 @!p0 $0x88, s6;
	s7 =	simm.s32 @p2 $0x1082  }
0x22: {  	[simem:s7], [sflag:s8] =	dma.local @!p0 [hbm:s6], $0xF7A  }
0x23: {  	s9 =	sor.u32 $0xD0000000, s2;
	s6 =	simm.s32 $0x108;
	_ =	swait.ge @!p0 [sflag:s8], $0x0  }
0x24: {  	s3 =	sadd.s32 $0x88, s3;
	s6 =	simm.s32 @!p1 $0x1082;
	[sflag:s4] =	ssyncset.s32 $0xFFFFF086  }
0x25: {  	[simem:s6], [sflag:s4] =	dma.local [hbm:s3], $0xF7A  }
0x26: {  	[smem:$0x3F94] =	sst s1;
	(tag) =	ssettag s2;
	_ =	strace s9  }
0x27: {  	s1 =	sld [smem:$0x3FA4]  }
0x28: {  	s2 =	sld [smem:$0x3FA5]  }
0x29: {  	s4 =	sld [smem:$0x3FA7]  }
0x2a: {  	p0 =	seq.s32 s5, $0x0;
	s5 =	sld [smem:$0x3FA8]  }
0x2b: {  	s6 =	sld [smem:$0x3FA9]  }
0x2c: {  	s7 =	sld [smem:$0x3FAA]  }
0x2d: {  	s3 =	simm.s32 $0x108;
	s8 =	sld [smem:$0x3FAB]  }
0x2e: {  	s3 =	simm.s32 @!p0 $0x1082;
	s9 =	sld [smem:$0x3FAC]  }
0x2f: {  	lr =	sadd.s32 s0, s3;
	s0 =	sld [smem:$0x3FA3]  }
0x30: {  	s3 =	sld [smem:$0x3FA6]  }
0x31: {  	[smem:$0x3FAF] =	sst s10  }
0x32: {  	s10 =	sld [smem:$0x3FAD];
	_ =	sdelay $0x3  }
0x33: {  	p0 =	seq.s32 s10, $0x1;
	s10 =	sld [smem:$0x3FAF];
	_ =	sdelay $0x3  }
0x34: {  	[smem:$0x3FAF] =	sst s10  }
0x35: {  	s10 =	sld [smem:$0x3FAE];
	_ =	sdelay $0x3  }
0x36: {  	p1 =	seq.s32 s10, $0x1;
	s10 =	sld [smem:$0x3FAF];
	_ =	sdelay $0x3  }
0x37: {  	[smem:$0x3FAF] =	sst s10  }
0x38: {  	s10 =	sld [smem:$0x3FB0]  }
0x39: {  	_ = 	snop;
	(pc) =	sbr.ind lr, $3  }
0x3a: {  	_ = 	snop  }
0x3b: {  	_ = 	snop  }
0x3c: {  	p2 =	seq.s32 s10, $0x1;
	s10 =	sld [smem:$0x3FAF]  }
0x3d: {  	_ =	shalt  }
0x3e: {  	_ =	shalt  }
0x3f: {  	_ =	shalt  }
0x40: {  	_ =	shalt  }
0x41: {  	_ =	shalt  }
0x42: {  	_ =	shalt  }
0x43: {  	_ =	shalt  }
0x44: {  	_ =	shalt  }
0x45: {  	_ =	shalt  }
0x46: {  	_ =	shalt  }
0x47: {  	_ =	shalt  }
0x48: {  	_ =	shalt  }
0x49: {  	_ =	shalt  }
0x4a: {  	_ =	shalt  }
0x4b: {  	_ =	shalt  }
0x4c: {  	_ =	shalt  }
0x4d: {  	_ =	shalt  }
0x4e: {  	_ =	shalt  }
0x4f: {  	_ =	shalt  }
0x50: {  	_ =	shalt  }
0x51: {  	_ =	shalt  }
0x52: {  	_ =	shalt  }
0x53: {  	_ =	shalt  }
0x54: {  	_ =	shalt  }
0x55: {  	_ =	shalt  }
0x56: {  	_ =	shalt  }
0x57: {  	_ =	shalt  }
0x58: {  	_ =	shalt  }
0x59: {  	_ =	shalt  }
0x5a: {  	_ =	shalt  }
0x5b: {  	_ =	shalt  }
0x5c: {  	_ =	shalt  }
0x5d: {  	_ =	shalt  }
0x5e: {  	_ =	shalt  }
0x5f: {  	_ =	shalt  }
0x60: {  	_ =	shalt  }
0x61: {  	_ =	shalt  }
0x62: {  	_ =	shalt  }
0x63: {  	_ =	shalt  }
0x64: {  	_ =	shalt  }
0x65: {  	_ =	shalt  }
0x66: {  	_ =	shalt  }
0x67: {  	_ =	shalt  }
0x68: {  	_ =	shalt  }
0x69: {  	_ =	shalt  }
0x6a: {  	_ =	shalt  }
0x6b: {  	_ =	shalt  }
0x6c: {  	_ =	shalt  }
0x6d: {  	_ =	shalt  }
0x6e: {  	_ =	shalt  }
0x6f: {  	_ =	shalt  }
0x70: {  	_ =	shalt  }
0x71: {  	_ =	shalt  }
0x72: {  	_ =	shalt  }
0x73: {  	_ =	shalt  }
0x74: {  	_ =	shalt  }
0x75: {  	_ =	shalt  }
0x76: {  	_ =	shalt  }
0x77: {  	_ =	shalt  }
0x78: {  	_ =	shalt  }
0x79: {  	_ =	shalt  }
0x7a: {  	_ =	shalt  }
0x7b: {  	_ =	shalt  }
0x7c: {  	_ =	shalt  }
0x7d: {  	_ =	shalt  }
0x7e: {  	_ =	shalt  }
0x7f: {  	_ =	shalt  }
0x80: {  	_ =	shalt  }
0x81: {  	_ =	shalt  }
0x82: {  	_ =	shalt  }
0x83: {  	_ =	shalt  }
0x84: {  	_ =	shalt  }
0x85: {  	_ =	shalt  }
0x86: {  	_ =	shalt  }
0x87: {  	_ =	shalt  }
.Lfunc_end0:
.L_simem_size_0:
called_computation.2_lowered:
.L_overlay_start_0:
0x88: {  	s2 =	sld [smem:$0x3FD9]  }
0x89: {  	s3 =	sld [smem:$0x3FFE];
	_ =	sdelay $0x1  }
0x8a: {  	s1 =	srdreg.scid  }
0x8b: {  	s0 =	sand.u32 $0x1, s1  }
0x8c: {  	s17 =	sshll.u32 s0, $0xA;
	s2 =	sadd.s32 s3, s2  }
0x8d: {  	s2 =	sadd.s32 s2, s17  }
0x8e: {  	[smem:$0x3FBB] =	sst s2  }
0x8f: {  	_ = 	snop  }
0x90: {  	s18 =	sld [smem:$0x3FD0];
	(tm) =	ssettm $0x1  }
0x91: {  	s19 =	sld [smem:$0x3FFB];
	_ =	sdelay $0x3  }
0x92: {  	_ =	strace s19  }
0x93: {  	s2 =	sld [smem:$0x3FFC];
	_ =	sdelay $0x3  }
0x94: {  	_ =	strace s2  }
0x95: {  	s2 =	sld [smem:$0x3FFD];
	_ =	sdelay $0x3  }
0x96: {  	_ =	strace s2  }
0x97: {  	_ =	strace $0x8FFFFFFF  }
0x98: {  	s20 =	sld [smem:$0x3FDB];
	_ =	sdelay $0x1  }
0x99: {  	s4 =	simm.s32 $_scs_section_size  }
0x9a: {  	s5 =	simm.s32 $_size__tile_overlayer_lowered;
	s6 =	simm.s32 $_tile_overlayer_lowered  }
0x9b: {  	s7 =	simm.s32 $0x1BFF;
	s21 =	sshll.u32 s6, $0x1;
	s4 =	sadd.s32 s4, s20  }
0x9c: {  	s22 =	simm.s32 $0x0;
	s5 =	sshll.u32 s5, $0x1;
	s6 =	sadd.s32 s21, s4  }
0x9d: {  	[timem:s22], [sflag:s7] =	dma.local [hbm:s6], s5  }
0x9e: {  	_ =	swait.ge [sflag:s7], s5  }
0x9f: {  	s5 =	ssub.s32 $0x0, s5;
	[sflag:s7] =	ssyncset.done $0x0  }
0xa0: {  	[sflag:s7] =	ssyncadd.s32 s5;
	_ =	sdelay $0x1  }
0xa1: {  	s23 =	simm.s32 $0x1B8B  }
0xa2: {  	_ =	swait.ge [sflag:s23], $0x1  }
0xa3: {  	[sflag:s23] =	ssyncset.done $0x0  }
0xa4: {  	[sflag:s23] =	ssyncadd.s32 $0xFFFFFFFF  }
0xa5: {  	s5 =	sld [smem:$0x0]  }
0xa6: {  	s6 =	sand.u32 $0xFFFFFFFE, s1  }
0xa7: {  	p0 =	sne.s32 s1, s6  }
0xa8: {  	s6 =	sshll.u32 @p0 s6, $0xE  }
0xa9: {  	s6 =	sadd.s32 @p0 $0x11B8D, s6;
	s7 =	sshll.u32 @p0 s5, $0x11  }
0xaa: {  	s6 =	sor.u32 @p0 s7, s6  }
0xab: {  	[sflag:s6] =	ssyncadd.remote.s32 @p0 $0x1;
	_ =	sdelay $0x1  }
0xac: {  	s6 =	simm.s32 @p0 $0x1B8D  }
0xad: {  	_ =	swait.eq @p0 [sflag:s6], $0x1  }
0xae: {  	[sflag:s6] =	ssyncadd.s32 @p0 $0xFFFFFFFF  }
0xaf: {  	s7 =	sshll.u32 @!p0 s1, $0xE  }
0xb0: {  	s7 =	sor.u32 @!p0 $0x4000, s7;
	s6 =	simm.s32 @!p0 $0x1B8D  }
0xb1: {  	s5 =	sshll.u32 @!p0 s5, $0x11;
	s7 =	sadd.s32 @!p0 $0x11B8D, s7;
	_ =	swait.eq @!p0 [sflag:s6], $0x1  }
0xb2: {  	s5 =	sor.u32 @!p0 s5, s7;
	[sflag:s6] =	ssyncadd.s32 @!p0 $0xFFFFFFFF  }
0xb3: {  	s25 =	simm.s32 $0x1B8E;
	s24 =	sld [smem:$0x3FFE];
	[sflag:s5] =	ssyncadd.remote.s32 @!p0 $0x1  }
0xb4: {  	s26 =	simm.s32 $execute0_lowered;
	[smem:$0x3FD2] =	sst s25  }
0xb5: {  	s6 =	sshll.u32 s26, $0x1;
	_ =	strace $0x8000004C;
	[dreg:$0x1] =	wrdreg $0xFFFFFFFF  }
0xb6: {  	s28 =	simm.s32 $_size_execute0_lowered;
	s4 =	sadd.s32 s4, s6;
	[dreg:$0x0] =	wrdreg $0x0  }
0xb7: {  	s6 =	sshll.u32 s28, $0x1;
	[dreg:$0x2] =	wrdreg s4  }
0xb8: {  	[dreg:$0x3] =	wrdreg s6  }
0xb9: {  	[dreg:$0x4] =	wrdreg $0xC0  }
0xba: {  	_ =	task [dreg:s22], $0x5FFFF  }
0xbb: {  	[dreg:$0x1] =	wrdreg $0xFFFFFFFF  }
0xbc: {  	[dreg:$0x0] =	wrdreg $0x60  }
0xbd: {  	[dreg:$0x2] =	wrdreg s24  }
0xbe: {  	[dreg:$0x3] =	wrdreg s18  }
0xbf: {  	[dreg:$0x4] =	wrdreg $0x0  }
0xc0: {  	[dreg:$0x5] =	wrdreg $0xA  }
0xc1: {  	_ =	task.clear_ibuf [dreg:s22], $0x6FFFF;
	_ =	strace $0x9000004C  }
0xc2: {  	s29 =	simm.s32 $0xA;
	_ =	strace $0x8000004E  }
0xc3: {  	_ =	swait.ge [sflag:s29], $0x1  }
0xc4: {  	[sflag:s29] =	ssyncadd.s32 $0xFFFFFFFF  }
0xc5: {  	_ =	strace $0x9000004E  }
0xc6: {  	_ =	sfence  }
0xc7: {  	s30 =	sld [smem:$0x0];
	_ =	sdelay $0x2  }
0xc8: {  	s31 =	sshll.u32 s1, $0xD;
	s1 =	sshrl.u32 s1, $0x2  }
0xc9: {  	s4 =	sand.u32 $0x4000, s31;
	s1 =	sadd.s32 s1, s30  }
0xca: {  	s0 =	sor.u32 s4, s0;
	s1 =	sshll.u32 s1, $0x11  }
0xcb: {  	s0 =	sor.u32 s1, s0  }
0xcc: {  	s0 =	sadd.s32 $0x8F2B, s0  }
0xcd: {  	[sflag:s0] =	ssyncadd.remote.s32 $0x1  }
0xce: {  	_ =	sfence.sel $0xFFFF  }
0xcf: {  	[dreg:$0x0] =	wrdreg $0xFFFFFFFF;
	(pc) =	sbr.abs _section_cstart, $3  }
0xd0: {  	[dreg:$0x1] =	wrdreg $0xFFFFFFFF  }
0xd1: {  	_ =	task.clear_ibuf [dreg:s22], $0x2FFFF;
	_ =	strace $0x9FFFFFFF  }
0xd2: {  	(tm) =	ssettm $0x7FFFFFFF  }
0xd3: {  	_ =	shalt  }
tec
execute0_lowered:
.L_overlay_start_1:
0x0: {  	(tag) =	ssettag $0x1  }
0x1: {  	s0 =	rddreg [dreg:$0x0];
	s15 =	stileid.u32  }
0x2: {  	s1 =	rddreg [dreg:$0x1];
	s6 =	smul.u32 $0x3E80, s15  }
0x3: {  	s2 =	rddreg [dreg:$0x2];
	s10 =	smul.u32 $0x7D000, s15  }
0x4: {  	s4 =	srdreg.scid;
	s20 =	smul.u32 $0x3F00, s15  }
0x5: {  	s3 =	simm.s32 $0x0;
	s5 =	sand.u32 $0x1, s4;
	s25 =	smul.u32 $0x27600, s15  }
0x6: {  	[smem:$0x7FF] =	sst s3;
	s11 =	sadd.s32 $0x7CAE00, s0;
	s7 =	smul.u32 $0x27100, s5  }
0x7: {  	s4 =	sadd.s32 $0x54D000, s0;
	s8 =	sshll.u32 s15, $0x1;
	s23 =	smul.u32 $0x1F80, s5  }
0x8: {  	s9 =	ssub.s32 $0x2, s5;
	s8 =	sor.u32 s5, s8;
	s5 =	smul.u32 $0x13B00, s5  }
0x9: {  	p1 =	sgt.u32 s15, $0x9;
	_ =	strace $0x8000004D;
	s12 =	smul.u32 $0x1F80, s8  }
0xa: {  	s16 =	sshrl.u32 s9, $0x1;
	s17 =	sshrl.u32 s10, $0x2;
	s18 =	smul.u32 $0x13B00, s8  }
0xb: {  	s8 =	smul.u32 $0x9D800, s8;
	s1 =	sadd.s32 s1, s6;
	s7 =	sadd.s32 s6, s7  }
0xc: {  	[dreg:$0x4] =	wrdreg s1;
	s1 =	sadd.s32 s23, s20;
	s23 =	simm.s32 $0x0  }
0xd: {  	s0 =	sadd.s32 s7, s0;
	s7 =	ssub.s32 s9, s16;
	s16 =	sadd.s32 s17, s2  }
0xe: {  	s19 =	sshrl.u32 s12, $0x3;
	s21 =	sadd.s32 s11, s18;
	s22 =	sshrl.u32 s8, $0x3  }
0xf: {  	s28 =	sadd.s32 $0x180, s1;
	s12 =	sadd.s32 s25, s11;
	s29 =	sadd.s32 $0x100, s1  }
0x10: {  	s30 =	sadd.s32 $0x280, s1;
	s6 =	sadd.s32 s4, s19;
	[dreg:$0x5] =	wrdreg s21  }
0x11: {  	s9 =	sadd.s32 s11, s22;
	s0 =	sadd.s32 $0x5B800, s0;
	s7 =	smax.u32 s7, $0x1  }
0x12: {  	s5 =	sadd.s32 s5, s12;
	s31 =	sshrl.u32 s30, $0x3;
	s18 =	sshrl.u32 @!p1 s16, $0x3  }
0x13: {  	s24 =	sadd.s32 $0x10, s6;
	s26 =	sadd.s32 $0x500, s9;
	[dreg:$0x8] =	wrdreg s0  }
0x14: {  	[dreg:$0x9] =	wrdreg s7;
	s0 =	sshrl.u32 s28, $0x3;
	s13 =	sadd.s32 $0xF00, s5  }
0x15: {  	s5 =	sshll.u32 @!p1 s15, $0x6;
	s12 =	sadd.s32 s0, s4;
	s0 =	sshrl.u32 s29, $0x3  }
0x16: {  	[dreg:$0x6] =	wrdreg s24;
	s14 =	sadd.s32 s0, s4;
	s0 =	simm.s32 @!p1 $0x0  }
0x17: {  	s15 =	sadd.s32 $0x200, s1;
	[dreg:$0x7] =	wrdreg s26;
	s0 =	simm.s32 @p1 $0x1  }
0x18: {  	s1 =	sadd.s32 s31, s4;
	s17 =	sor.u32 @!p1 $0x1C0D, s5;
	[smem:$0x7FD] =	sst s0  }
.LBB2_1:
0x19: {  	s0 =	rddreg [dreg:$0x4]  }
0x1a: {  	[spmem:s18], [sflag:s17] =	dma.local @!p1 [hbm:s0], $0x3E80  }
0x1b: {  	s0 =	simm.s32 @!p1 $0xD  }
0x1c: {  	_ =	swait.ge @!p1 [sflag:s0], $0x3E80  }
0x1d: {  	[sflag:s0] =	ssyncset.done @!p1 $0x0  }
0x1e: {  	[sflag:s0] =	ssyncadd.s32 @!p1 $0xFFFFC180  }
0x1f: {  	s20 =	simm.s32 $0x13880;
	[bflag:$0x0] =	sbarrier.arrive $0xFFFF  }
0x20: {  	[tilespmem:s20], [sflag:$0x5] =	stream.linear.gather [hbm4b:s6+s3], $0x80, $0x38;
	[tilespmem:$0x1DA80] =	vst v63  }
0x21: {  	s5 =	simm.s32 $0x13A80;
	s21 =	rddreg [dreg:$0x5]  }
0x22: {  	[tilespmem:s5], [sflag:$0x1] =	stream.linear.gather [hbm4b:s21+s3], $0x2800, $0x38;
	[tilespmem:$0x1DA80] =	vst v63  }
0x23: {  	s24 =	simm.s32 $0x13900;
	p0 =	por $0x1, $0x1;
	s22 =	rddreg [dreg:$0x6]  }
0x24: {  	[tilespmem:s24], [sflag:$0x6] =	stream.linear.gather [hbm4b:s22+s3], $0x80, $0x38;
	[tilespmem:$0x1DA80] =	vst v63  }
0x25: {  	s26 =	simm.s32 $0x16280;
	s0 =	simm.s32 @!p0 $0xB;
	s25 =	rddreg [dreg:$0x7]  }
0x26: {  	[tilespmem:s26], [sflag:$0x2] =	stream.linear.gather [hbm4b:s25+s3], $0x2800, $0x38;
	[tilespmem:$0x1DA80] =	vst v63  }
0x27: {  	p2 =	por $0x0, $0x0;
	_ =	swait.ge @!p0 [sflag:s0], $0x2800  }
0x28: {  	s7 =	simm.s32 @!p2 $0x13980;
	[sflag:s0] =	ssyncset.done @!p0 $0x0  }
0x29: {  	p1 =	por $0x0, $0x0;
	s5 =	simm.s32 @!p2 $0x0;
	[sflag:s0] =	ssyncadd.s32 @!p0 $0xFFFFD800  }
0x2a: {  	[tilespmem:s7], [sflag:$0x7] =	stream.linear.gather @!p2 [hbm4b:s14+s5], $0x80, $0x38;
	[tilespmem:$0x1DA80] =	vst v63  }
0x2b: {  	s16 =	simm.s32 @!p2 $0x18A80;
	s19 =	simm.s32 @!p1 $0x1;
	s0 =	sadd.s32 @!p2 $0xFFFFFB00, s13  }
0x2c: {  	[tilespmem:s16], [sflag:$0x3] =	stream.linear.gather @!p2 [hbm4b:s0+s5], $0x2800, $0x38;
	[tilespmem:$0x1DA80] =	vst v63  }
0x2d: {  	p0 =	por @!p1 $0x1, $0x1;
	_ =	swait.ge @!p1 [sflag:s19], $0x2800  }
0x2e: {  	p3 =	por p0, p1;
	[sflag:s19] =	ssyncset.done @!p1 $0x0  }
0x2f: {  	p3 =	por @!p3 $0x0, $0x0;
	s0 =	simm.s32 @!p1 $0x5;
	[sflag:s19] =	ssyncadd.s32 @!p1 $0xFFFFD800  }
0x30: {  	s20 =	simm.s32 @!p1 $0x50;
	p0 =	por @!p1 p3, p0;
	_ =	swait.ge @!p1 [sflag:s0], $0x80  }
0x31: {  	s5 =	simm.s32 @!p1 $0x13880;
	p0 =	por p0, p1;
	[sflag:s0] =	ssyncset.done @!p1 $0x0  }
0x32: {  	s21 =	simm.s32 @!p0 $0xC;
	s19 =	simm.s32 @!p1 $0x13A80;
	[sflag:s0] =	ssyncadd.s32 @!p1 $0xFFFFFF80  }
0x33: {  	[spmem:s2] =	stream.indirect.scatter.add.f32 @!p1 [tilespmem:s19], [sflag:$0x9], $0x80, s5, s20, $0xb8;
	[tilespmem:$0x1DA80] =	vst v63  }
0x34: {  	p4 =	por @!p1 $0x0, $0x0;
	p3 =	por @!p1 $0x0, $0x0;
	_ =	swait.ge @!p0 [sflag:s21], $0x2800  }
0x35: {  	p4 =	por p4, p1;
	p3 =	por p3, p1;
	[sflag:s21] =	ssyncset.done @!p0 $0x0  }
0x36: {  	s0 =	simm.s32 @!p4 $0x0;
	s5 =	simm.s32 @!p4 $0x13A00;
	[sflag:s21] =	ssyncadd.s32 @!p0 $0xFFFFD800  }
0x37: {  	[tilespmem:s5], [sflag:$0x8] =	stream.linear.gather @!p4 [hbm4b:s12+s0], $0x80, $0x38;
	[tilespmem:$0x1DA80] =	vst v63  }
0x38: {  	s19 =	simm.s32 @!p3 $0x2;
	s5 =	simm.s32 @!p4 $0x1B280  }
0x39: {  	[tilespmem:s5], [sflag:$0x4] =	stream.linear.gather @!p4 [hbm4b:s13+s0], $0x2800, $0x38;
	[tilespmem:$0x1DA80] =	vst v63  }
0x3a: {  	_ =	swait.ge @!p3 [sflag:s19], $0x2800  }
0x3b: {  	s28 =	sadd.s32 $0x200, s15;
	[sflag:s19] =	ssyncset.done @!p3 $0x0  }
0x3c: {  	s31 =	sadd.s32 $0x40, s14;
	s0 =	simm.s32 @!p3 $0x6;
	[sflag:s19] =	ssyncadd.s32 @!p3 $0xFFFFD800  }
0x3d: {  	p5 =	por $0x0, $0x0;
	s20 =	simm.s32 @!p3 $0x13900;
	_ =	swait.ge @!p3 [sflag:s0], $0x80  }
0x3e: {  	p0 =	por $0x0, $0x0;
	s21 =	simm.s32 @!p3 $0x50;
	[sflag:s0] =	ssyncset.done @!p3 $0x0  }
0x3f: {  	s5 =	simm.s32 @!p0 $0x9;
	s19 =	simm.s32 @!p3 $0x16280;
	[sflag:s0] =	ssyncadd.s32 @!p3 $0xFFFFFF80  }
0x40: {  	[spmem:s2] =	stream.indirect.scatter.add.f32 @!p3 [tilespmem:s19], [sflag:$0xA], $0x80, s20, s21, $0xb8;
	[tilespmem:$0x1DA80] =	vst v63  }
0x41: {  	s29 =	simm.s32 $0x1;
	p4 =	por $0x0, $0x0;
	_ =	swait.ge @!p0 [sflag:s5], $0x2800  }
0x42: {  	s22 =	simm.s32 @!p4 $0x0;
	s19 =	sshrl.u32 @!p4 s15, $0x3;
	[sflag:s5] =	ssyncset.done @!p0 $0x0  }
0x43: {  	s0 =	simm.s32 @!p4 $0x13880;
	s19 =	sadd.s32 @!p4 s4, s19;
	[sflag:s5] =	ssyncadd.s32 @!p0 $0xFFFFD800  }
0x44: {  	[tilespmem:s0], [sflag:$0x5] =	stream.linear.gather @!p4 [hbm4b:s19+s22], $0x80, $0x38;
	[tilespmem:$0x1DA80] =	vst v63  }
0x45: {  	s5 =	simm.s32 @!p4 $0x13A80;
	s0 =	sadd.s32 @!p4 $0x500, s13;
	s19 =	simm.s32 @!p2 $0x3  }
0x46: {  	[tilespmem:s5], [sflag:$0x1] =	stream.linear.gather @!p4 [hbm4b:s0+s22], $0x2800, $0x38;
	[tilespmem:$0x1DA80] =	vst v63  }
0x47: {  	s30 =	sadd.s32 $0x40, s12;
	s24 =	simm.s32 $0x7;
	_ =	swait.ge @!p2 [sflag:s19], $0x2800  }
0x48: {  	s25 =	sadd.s32 $0x40, s1;
	s20 =	simm.s32 $0x3;
	[sflag:s19] =	ssyncset.done @!p2 $0x0  }
0x49: {  	s21 =	simm.s32 @!p2 $0x7;
	s20 =	simm.s32 @p1 $0x43;
	[sflag:s19] =	ssyncadd.s32 @!p2 $0xFFFFD800  }
0x4a: {  	s26 =	sadd.s32 $0x1400, s13;
	p0 =	sgt.u32 s20, $0x40;
	_ =	swait.ge @!p2 [sflag:s21], $0x80  }
0x4b: {  	s20 =	simm.s32 @!p2 $0x50;
	s0 =	simm.s32 $0xB;
	[sflag:s21] =	ssyncset.done @!p2 $0x0  }
0x4c: {  	s5 =	sadd.s32 @!p4 $0xA00, s13;
	s19 =	simm.s32 @!p0 $0xA;
	[sflag:s21] =	ssyncadd.s32 @!p2 $0xFFFFFF80  }
0x4d: {  	[spmem:s2] =	stream.indirect.scatter.add.f32 @!p2 [tilespmem:s16], [sflag:$0xB], $0x80, s7, s20, $0xb8;
	[tilespmem:$0x1DA80] =	vst v63  }
0x4e: {  	s21 =	simm.s32 $0x2;
	p2 =	por @!p1 $0x1, $0x1;
	_ =	swait.ge @!p0 [sflag:s19], $0x2800  }
0x4f: {  	s7 =	simm.s32 @!p4 $0x13900;
	p5 =	por @!p1 p2, p2;
	[sflag:s19] =	ssyncset.done @!p0 $0x0  }
0x50: {  	s16 =	smov.u32 s1;
	s20 =	simm.s32 @p5 $0x4;
	[sflag:s19] =	ssyncadd.s32 @!p0 $0xFFFFD800  }
.LBB2_2:
0x51: {  	[tilespmem:s7], [sflag:$0x6] =	stream.linear.gather @!p4 [hbm4b:s16+s22], $0x80, $0x38;
	[tilespmem:$0x1DA80] =	vst v63  }
0x52: {  	s19 =	smov.u32 s24;
	s24 =	smov.u32 s0;
	s16 =	smov.u32 s25  }
0x53: {  	s0 =	sadd.s32 $0x4, s0;
	s8 =	simm.s32 @!p4 $0x16280;
	s7 =	sadd.s32 $0xFFFFFFFF, s19  }
0x54: {  	[tilespmem:s8], [sflag:$0x2] =	stream.linear.gather @!p4 [hbm4b:s5+s22], $0x2800, $0x38;
	[tilespmem:$0x1DA80] =	vst v63  }
0x55: {  	p4 =	sgt.u32 s21, $0x3E;
	s5 =	simm.s32 @p5 $0x8;
	_ =	swait.ge @p5 [sflag:s20], $0x2800  }
0x56: {  	p2 =	sgt.u32 s7, $0x3E;
	s8 =	simm.s32 @p5 $0x1B280;
	[sflag:s20] =	ssyncset.done @p5 $0x0  }
0x57: {  	s21 =	simm.s32 @p5 $0x50;
	s22 =	simm.s32 @p5 $0x13A00;
	[sflag:s20] =	ssyncadd.s32 @p5 $0xFFFFD800  }
0x58: {  	p1 =	sne.s32 s0, $0x47;
	s9 =	simm.s32 @!p4 $0xB;
	_ =	swait.ge @p5 [sflag:s5], $0x80  }
0x59: {  	s10 =	simm.s32 @!p2 $0x0;
	s20 =	simm.s32 @!p2 $0x13980;
	[sflag:s5] =	ssyncset.done @p5 $0x0  }
0x5a: {  	p3 =	seq.s32 s19, $0x43;
	[sflag:s5] =	ssyncadd.s32 @p5 $0xFFFFFF80  }
0x5b: {  	s5 =	sadd.s32 @!p3 $0xFFFFFFFE, s19  }
0x5c: {  	[spmem:s2] =	stream.indirect.scatter.add.f32 @p5 [tilespmem:s8], [sflag:$0xC], $0x80, s22, s21, $0xb8;
	[tilespmem:$0x1DA80] =	vst v63  }
0x5d: {  	p0 =	seq.s32 @!p3 s19, $0x3;
	s8 =	simm.s32 @!p3 $0x1;
	_ =	swait.ge @!p4 [sflag:s9], $0x2800  }
0x5e: {  	s21 =	simm.s32 @!p2 $0x18A80;
	p5 =	por p0, p3;
	[sflag:s9] =	ssyncset.done @!p4 $0x0  }
0x5f: {  	[sflag:s9] =	ssyncadd.s32 @!p4 $0xFFFFD800;
	p4 =	sgt.u32 @!p5 s5, $0x40;
	p5 =	sgt.u32 @!p3 s5, $0x3E  }
0x60: {  	[tilespmem:s20], [sflag:$0x7] =	stream.linear.gather @!p2 [hbm4b:s31+s10], $0x80, $0x38;
	[tilespmem:$0x1DA80] =	vst v63  }
0x61: {  	s5 =	sadd.s32 @!p2 $0xFFFFFB00, s26;
	p0 =	por @!p3 p4, p0  }
0x62: {  	[tilespmem:s21], [sflag:$0x3] =	stream.linear.gather @!p2 [hbm4b:s5+s10], $0x2800, $0x38;
	[tilespmem:$0x1DA80] =	vst v63  }
0x63: {  	s5 =	simm.s32 @!p3 $0x5;
	_ =	swait.ge @!p3 [sflag:s8], $0x2800  }
0x64: {  	p4 =	por p0, p3;
	p0 =	sgt.u32 @!p3 s19, $0x3E;
	[sflag:s8] =	ssyncset.done @!p3 $0x0  }
0x65: {  	s9 =	simm.s32 @!p3 $0x13A80;
	[sflag:s8] =	ssyncadd.s32 @!p3 $0xFFFFD800;
	s8 =	simm.s32 @!p3 $0x13880  }
0x66: {  	p5 =	por p5, p3;
	s10 =	simm.s32 @!p3 $0x50;
	_ =	swait.ge @!p3 [sflag:s5], $0x80  }
0x67: {  	s22 =	simm.s32 @!p4 $0xC;
	p0 =	por p0, p3;
	[sflag:s5] =	ssyncset.done @!p3 $0x0  }
0x68: {  	[sflag:s5] =	ssyncadd.s32 @!p3 $0xFFFFFF80  }
0x69: {  	[spmem:s2] =	stream.indirect.scatter.add.f32 @!p3 [tilespmem:s9], [sflag:$0x9], $0x80, s8, s10, $0xb8;
	[tilespmem:$0x1DA80] =	vst v63  }
0x6a: {  	_ =	swait.ge @!p4 [sflag:s22], $0x2800  }
0x6b: {  	s5 =	simm.s32 @!p0 $0x1B280;
	[sflag:s22] =	ssyncset.done @!p4 $0x0  }
0x6c: {  	s8 =	simm.s32 @!p0 $0x0;
	s9 =	simm.s32 @!p0 $0x13A00;
	[sflag:s22] =	ssyncadd.s32 @!p4 $0xFFFFD800  }
0x6d: {  	[tilespmem:s9], [sflag:$0x8] =	stream.linear.gather @!p0 [hbm4b:s30+s8], $0x80, $0x38;
	[tilespmem:$0x1DA80] =	vst v63  }
0x6e: {  	p6 =	sgt.u32 s7, $0x40;
	s9 =	simm.s32 @!p5 $0x2  }
0x6f: {  	[tilespmem:s5], [sflag:$0x4] =	stream.linear.gather @!p0 [hbm4b:s26+s8], $0x2800, $0x38;
	[tilespmem:$0x1DA80] =	vst v63  }
0x70: {  	s7 =	simm.s32 @!p6 $0x9;
	_ =	swait.ge @!p5 [sflag:s9], $0x2800  }
0x71: {  	[sflag:s9] =	ssyncset.done @!p5 $0x0  }
0x72: {  	s5 =	simm.s32 @!p5 $0x6;
	s8 =	simm.s32 @!p5 $0x16280;
	[sflag:s9] =	ssyncadd.s32 @!p5 $0xFFFFD800  }
0x73: {  	p4 =	sgt.u32 s29, $0xE;
	s9 =	simm.s32 @!p5 $0x13900;
	_ =	swait.ge @!p5 [sflag:s5], $0x80  }
0x74: {  	s10 =	simm.s32 @!p5 $0x50;
	s11 =	simm.s32 @!p4 $0x13880;
	[sflag:s5] =	ssyncset.done @!p5 $0x0  }
0x75: {  	s22 =	sshrl.u32 @!p4 s28, $0x3;
	[sflag:s5] =	ssyncadd.s32 @!p5 $0xFFFFFF80;
	s5 =	sadd.s32 @!p4 $0xA00, s26  }
0x76: {  	[spmem:s2] =	stream.indirect.scatter.add.f32 @!p5 [tilespmem:s8], [sflag:$0xA], $0x80, s9, s10, $0xb8;
	[tilespmem:$0x1DA80] =	vst v63  }
0x77: {  	s8 =	sadd.s32 @!p4 s4, s22;
	_ =	swait.ge @!p6 [sflag:s7], $0x2800  }
0x78: {  	s22 =	simm.s32 @!p4 $0x0;
	[sflag:s7] =	ssyncset.done @!p6 $0x0  }
0x79: {  	s9 =	simm.s32 @!p4 $0x13A80;
	[sflag:s7] =	ssyncadd.s32 @!p6 $0xFFFFD800;
	s7 =	sadd.s32 @!p4 $0x500, s26  }
0x7a: {  	[tilespmem:s11], [sflag:$0x5] =	stream.linear.gather @!p4 [hbm4b:s8+s22], $0x80, $0x38;
	[tilespmem:$0x1DA80] =	vst v63  }
0x7b: {  	s25 =	sadd.s32 $0x40, s25;
	s8 =	simm.s32 @!p2 $0x3  }
0x7c: {  	[tilespmem:s9], [sflag:$0x1] =	stream.linear.gather @!p4 [hbm4b:s7+s22], $0x2800, $0x38;
	[tilespmem:$0x1DA80] =	vst v63  }
0x7d: {  	s31 =	sadd.s32 $0x40, s31;
	s7 =	smov.u32 s19;
	_ =	swait.ge @!p2 [sflag:s8], $0x2800  }
0x7e: {  	s9 =	simm.s32 @!p2 $0x7;
	s7 =	simm.s32 @p3 $0x43;
	[sflag:s8] =	ssyncset.done @!p2 $0x0  }
0x7f: {  	s28 =	sadd.s32 $0x200, s28;
	p6 =	sgt.u32 s7, $0x40;
	[sflag:s8] =	ssyncadd.s32 @!p2 $0xFFFFD800  }
0x80: {  	p0 =	slt.u32 @!p3 s19, $0x3F;
	s8 =	simm.s32 @!p6 $0xA;
	_ =	swait.ge @!p2 [sflag:s9], $0x80  }
0x81: {  	p5 =	por $0x0, $0x0;
	s7 =	simm.s32 @!p2 $0x50;
	[sflag:s9] =	ssyncset.done @!p2 $0x0  }
.Ltmp0:
0x82: {  	s26 =	sadd.s32 $0x1400, s26;
	[sflag:s9] =	ssyncadd.s32 @!p2 $0xFFFFFF80;
	(pc) =	sbr.rel @p1 .LBB2_2-.Ltmp0, $4  }
0x83: {  	[spmem:s2] =	stream.indirect.scatter.add.f32 @!p2 [tilespmem:s21], [sflag:$0xB], $0x80, s20, s7, $0xb8;
	[tilespmem:$0x1DA80] =	vst v63  }
0x84: {  	p5 =	por @!p3 p0, p0;
	s7 =	simm.s32 @!p4 $0x13900;
	_ =	swait.ge @!p6 [sflag:s8], $0x2800  }
0x85: {  	s21 =	sadd.s32 $0xFFFFFFFB, s24;
	s20 =	simm.s32 @p5 $0x4;
	[sflag:s8] =	ssyncset.done @!p6 $0x0  }
0x86: {  	s29 =	sadd.s32 $0x1, s29;
	s30 =	sadd.s32 $0x40, s30;
	[sflag:s8] =	ssyncadd.s32 @!p6 $0xFFFFD800  }
0x87: {  	[tilespmem:s7], [sflag:$0x6] =	stream.linear.gather @!p4 [hbm4b:s16+s22], $0x80, $0x38;
	[tilespmem:$0x1DA80] =	vst v63  }
0x88: {  	s0 =	simm.s32 @!p4 $0x16280  }
0x89: {  	[tilespmem:s0], [sflag:$0x2] =	stream.linear.gather @!p4 [hbm4b:s5+s22], $0x2800, $0x38;
	[tilespmem:$0x1DA80] =	vst v63  }
0x8a: {  	_ =	swait.ge @p5 [sflag:s20], $0x2800  }
0x8b: {  	[sflag:s20] =	ssyncset.done @p5 $0x0  }
0x8c: {  	s0 =	simm.s32 @p5 $0x8;
	[sflag:s20] =	ssyncadd.s32 @p5 $0xFFFFD800  }
0x8d: {  	p0 =	sgt.u32 s21, $0x3E;
	_ =	swait.ge @p5 [sflag:s0], $0x80  }
0x8e: {  	s8 =	simm.s32 @p5 $0x50;
	s9 =	simm.s32 @p5 $0x13A00;
	[sflag:s0] =	ssyncset.done @p5 $0x0  }
0x8f: {  	s10 =	simm.s32 @!p0 $0xB;
	s5 =	simm.s32 @p5 $0x1B280;
	[sflag:s0] =	ssyncadd.s32 @p5 $0xFFFFFF80  }
0x90: {  	[spmem:s2] =	stream.indirect.scatter.add.f32 @p5 [tilespmem:s5], [sflag:$0xC], $0x80, s9, s8, $0xb8;
	[tilespmem:$0x1DA80] =	vst v63  }
0x91: {  	s22 =	sadd.s32 $0xFFFFFFFF, s24;
	_ =	swait.ge @!p0 [sflag:s10], $0x2800  }
0x92: {  	p1 =	seq.s32 s24, $0x43;
	p2 =	sgt.u32 s22, $0x3E;
	[sflag:s10] =	ssyncset.done @!p0 $0x0  }
0x93: {  	s0 =	simm.s32 @!p2 $0x13980;
	s8 =	simm.s32 @!p2 $0x0;
	[sflag:s10] =	ssyncadd.s32 @!p0 $0xFFFFD800  }
0x94: {  	[tilespmem:s0], [sflag:$0x7] =	stream.linear.gather @!p2 [hbm4b:s31+s8], $0x80, $0x38;
	[tilespmem:$0x1DA80] =	vst v63  }
0x95: {  	s9 =	simm.s32 @!p1 $0x1;
	s5 =	simm.s32 @!p2 $0x18A80;
	s10 =	sadd.s32 @!p2 $0xFFFFFB00, s26  }
0x96: {  	[tilespmem:s5], [sflag:$0x3] =	stream.linear.gather @!p2 [hbm4b:s10+s8], $0x2800, $0x38;
	[tilespmem:$0x1DA80] =	vst v63  }
0x97: {  	s11 =	simm.s32 @!p1 $0x13A80;
	p0 =	seq.s32 @!p1 s24, $0x3;
	_ =	swait.ge @!p1 [sflag:s9], $0x2800  }
0x98: {  	p3 =	por p0, p1;
	s8 =	sadd.s32 @!p1 $0xFFFFFFFE, s24;
	[sflag:s9] =	ssyncset.done @!p1 $0x0  }
0x99: {  	s10 =	simm.s32 @!p1 $0x5;
	p3 =	sgt.u32 @!p3 s8, $0x40;
	[sflag:s9] =	ssyncadd.s32 @!p1 $0xFFFFD800  }
0x9a: {  	s16 =	simm.s32 @!p1 $0x50;
	p0 =	por @!p1 p3, p0;
	_ =	swait.ge @!p1 [sflag:s10], $0x80  }
0x9b: {  	p4 =	sgt.u32 @!p1 s24, $0x3E;
	p0 =	por p0, p1;
	[sflag:s10] =	ssyncset.done @!p1 $0x0  }
0x9c: {  	s9 =	simm.s32 @!p1 $0x13880;
	s19 =	simm.s32 @!p0 $0xC;
	[sflag:s10] =	ssyncadd.s32 @!p1 $0xFFFFFF80  }
0x9d: {  	[spmem:s2] =	stream.indirect.scatter.add.f32 @!p1 [tilespmem:s11], [sflag:$0x9], $0x80, s9, s16, $0xb8;
	[tilespmem:$0x1DA80] =	vst v63  }
0x9e: {  	p4 =	por p4, p1;
	_ =	swait.ge @!p0 [sflag:s19], $0x2800  }
0x9f: {  	p3 =	sgt.u32 @!p1 s8, $0x3E;
	s8 =	simm.s32 @!p4 $0x0;
	[sflag:s19] =	ssyncset.done @!p0 $0x0  }
0xa0: {  	p3 =	por p3, p1;
	s9 =	simm.s32 @!p4 $0x13A00;
	[sflag:s19] =	ssyncadd.s32 @!p0 $0xFFFFD800  }
0xa1: {  	[tilespmem:s9], [sflag:$0x8] =	stream.linear.gather @!p4 [hbm4b:s30+s8], $0x80, $0x38;
	[tilespmem:$0x1DA80] =	vst v63  }
0xa2: {  	s10 =	simm.s32 @!p3 $0x2;
	s9 =	simm.s32 @!p4 $0x1B280  }
0xa3: {  	[tilespmem:s9], [sflag:$0x4] =	stream.linear.gather @!p4 [hbm4b:s26+s8], $0x2800, $0x38;
	[tilespmem:$0x1DA80] =	vst v63  }
0xa4: {  	_ =	swait.ge @!p3 [sflag:s10], $0x2800  }
0xa5: {  	[sflag:s10] =	ssyncset.done @!p3 $0x0  }
0xa6: {  	s8 =	simm.s32 @!p3 $0x6;
	[sflag:s10] =	ssyncadd.s32 @!p3 $0xFFFFD800  }
0xa7: {  	p0 =	sgt.u32 s22, $0x40;
	_ =	swait.ge @!p3 [sflag:s8], $0x80  }
0xa8: {  	s11 =	simm.s32 @!p3 $0x50;
	s7 =	simm.s32 @!p0 $0x9;
	[sflag:s8] =	ssyncset.done @!p3 $0x0  }
0xa9: {  	s9 =	simm.s32 @!p3 $0x16280;
	s10 =	simm.s32 @!p3 $0x13900;
	[sflag:s8] =	ssyncadd.s32 @!p3 $0xFFFFFF80  }
0xaa: {  	[spmem:s2] =	stream.indirect.scatter.add.f32 @!p3 [tilespmem:s9], [sflag:$0xA], $0x80, s10, s11, $0xb8;
	[tilespmem:$0x1DA80] =	vst v63  }
0xab: {  	p3 =	sgt.u32 s29, $0xE;
	_ =	swait.ge @!p0 [sflag:s7], $0x2800  }
0xac: {  	s8 =	simm.s32 @!p3 $0x13880;
	s9 =	sshrl.u32 @!p3 s28, $0x3;
	[sflag:s7] =	ssyncset.done @!p0 $0x0  }
0xad: {  	s10 =	simm.s32 @!p3 $0x0;
	s9 =	sadd.s32 @!p3 s4, s9;
	[sflag:s7] =	ssyncadd.s32 @!p0 $0xFFFFD800  }
0xae: {  	[tilespmem:s8], [sflag:$0x5] =	stream.linear.gather @!p3 [hbm4b:s9+s10], $0x80, $0x38;
	[tilespmem:$0x1DA80] =	vst v63  }
0xaf: {  	s7 =	sadd.s32 @!p3 $0x500, s26;
	s8 =	simm.s32 @!p3 $0x13A80;
	s9 =	simm.s32 @!p2 $0x3  }
0xb0: {  	[tilespmem:s8], [sflag:$0x1] =	stream.linear.gather @!p3 [hbm4b:s7+s10], $0x2800, $0x38;
	[tilespmem:$0x1DA80] =	vst v63  }
0xb1: {  	_ =	swait.ge @!p2 [sflag:s9], $0x2800  }
0xb2: {  	[sflag:s9] =	ssyncset.done @!p2 $0x0  }
0xb3: {  	s7 =	smov.u32 s24;
	s8 =	simm.s32 @!p2 $0x7;
	[sflag:s9] =	ssyncadd.s32 @!p2 $0xFFFFD800  }
0xb4: {  	s7 =	simm.s32 @p1 $0x43;
	_ =	swait.ge @!p2 [sflag:s8], $0x80  }
0xb5: {  	p4 =	sgt.u32 s7, $0x40;
	[sflag:s8] =	ssyncset.done @!p2 $0x0  }
0xb6: {  	s7 =	simm.s32 @!p4 $0xA;
	s9 =	simm.s32 @!p2 $0x50;
	[sflag:s8] =	ssyncadd.s32 @!p2 $0xFFFFFF80  }
0xb7: {  	[spmem:s2] =	stream.indirect.scatter.add.f32 @!p2 [tilespmem:s5], [sflag:$0xB], $0x80, s0, s9, $0xb8;
	[tilespmem:$0x1DA80] =	vst v63  }
0xb8: {  	_ =	swait.ge @!p4 [sflag:s7], $0x2800  }
0xb9: {  	p0 =	por $0x0, $0x0;
	p2 =	slt.u32 @!p1 s24, $0x3F;
	[sflag:s7] =	ssyncset.done @!p4 $0x0  }
0xba: {  	s0 =	simm.s32 @!p3 $0x13900;
	p0 =	por @!p1 p2, p2;
	[sflag:s7] =	ssyncadd.s32 @!p4 $0xFFFFD800  }
0xbb: {  	[tilespmem:s0], [sflag:$0x6] =	stream.linear.gather @!p3 [hbm4b:s25+s10], $0x80, $0x38;
	[tilespmem:$0x1DA80] =	vst v63  }
0xbc: {  	s5 =	simm.s32 @p0 $0x4;
	s7 =	simm.s32 @!p3 $0x16280;
	s0 =	sadd.s32 @!p3 $0xA00, s26  }
0xbd: {  	[tilespmem:s7], [sflag:$0x2] =	stream.linear.gather @!p3 [hbm4b:s0+s10], $0x2800, $0x38;
	[tilespmem:$0x1DA80] =	vst v63  }
0xbe: {  	_ =	swait.ge @p0 [sflag:s5], $0x2800  }
0xbf: {  	[sflag:s5] =	ssyncset.done @p0 $0x0  }
0xc0: {  	s0 =	simm.s32 @p0 $0x8;
	[sflag:s5] =	ssyncadd.s32 @p0 $0xFFFFD800  }
0xc1: {  	_ =	swait.ge @p0 [sflag:s0], $0x80  }
0xc2: {  	s8 =	simm.s32 @p0 $0x13A00;
	[sflag:s0] =	ssyncset.done @p0 $0x0  }
0xc3: {  	s7 =	simm.s32 @p0 $0x50;
	s5 =	simm.s32 @p0 $0x1B280;
	[sflag:s0] =	ssyncadd.s32 @p0 $0xFFFFFF80  }
0xc4: {  	[spmem:s2] =	stream.indirect.scatter.add.f32 @p0 [tilespmem:s5], [sflag:$0xC], $0x80, s8, s7, $0xb8;
	[tilespmem:$0x1DA80] =	vst v63  }
0xc5: {  	[bflag:$0x0] =	sbarrier.arrive $0xFFFF  }
0xc6: {  	s30 =	sld [smem:$0x7FD];
	_ =	sdelay $0x2  }
0xc7: {  	s0 =	rddreg [dreg:$0x8];
	p1 =	seq.s32 s30, $0x1  }
0xc8: {  	[hbm:s0], [sflag:s17] =	dma.local @!p1 [spmem:s18], $0x3E80  }
0xc9: {  	s0 =	simm.s32 @!p1 $0xD  }
0xca: {  	_ =	swait.ge @!p1 [sflag:s0], $0x3E80  }
0xcb: {  	s23 =	sadd.s32 $0x1, s23;
	s31 =	rddreg [dreg:$0x9]  }
0xcc: {  	p0 =	sne.s32 s23, s31  }
.Ltmp1:
0xcd: {  	_ = 	snop;
	(pc) =	sbr.rel @p0 .LBB2_1-.Ltmp1, $3  }
0xce: {  	_ =	sdelay $0x1  }
0xcf: {  	[sflag:s0] =	ssyncset.done @!p1 $0x0  }
0xd0: {  	[sflag:s0] =	ssyncadd.s32 @!p1 $0xFFFFC180  }
0xd1: {  	_ =	sfence.sel $0x180000  }
0xd2: {  	[bflag:$0x0] =	sbarrier.arrive $0xFFFF  }
0xd3: {  	_ =	strace $0x9000004D  }
0xd4: {  	s0 =	stileid.u32;
	[bflag:$0x2] =	sbarrier.arrive $0xFFFF  }
0xd5: {  	p0 =	sne.s32 s0, $0x0;
	s0 =	rddreg [dreg:$0x3]  }
0xd6: {  	s0 =	sadd.s32 @!p0 $0x100000, s0  }
0xd7: {  	[sflag:s0] =	ssyncadd.tile.s32 @!p0 $0x1;
	_ =	shalt  }
.Lfunc_end2:
_tile_overlayer_lowered:
.L_overlay_start_2:
0xd8: {  	(tag) =	ssettag $0x2  }
0xd9: {  	s0 =	rddreg [dreg:$0x0];
	s2 =	stileid.u32  }
0xda: {  	s1 =	rddreg [dreg:$0x1];
	p0 =	sne.s32 s2, $0x0  }
0xdb: {  	s3 =	rddreg [dreg:$0x2];
	[bflag:$0x3] =	sbarrier.arrive $0xFFFF;
	s2 =	simm.s32 @!p0 $0x1C0D  }
0xdc: {  	[timem:s3], [sflag:s2] =	dma.local @!p0 [hbm:s0], s1  }
0xdd: {  	s0 =	simm.s32 @!p0 $0xD  }
0xde: {  	_ =	swait.ge @!p0 [sflag:s0], s1  }
0xdf: {  	s1 =	ssub.s32 @!p0 $0x0, s1;
	[sflag:s0] =	ssyncset.done @!p0 $0x0  }
0xe0: {  	[sflag:s0] =	ssyncadd.s32 @!p0 s1  }
0xe1: {  	[bflag:$0x3] =	sbarrier.arrive $0xFFFF  }
0xe2: {  	_ =	shalt  }

// kernel: kernel.19.cloned.1.call-start
scs
__scs_entry_jumppad:
0x0: {  	(pc) =	sbr.rel $0x88, $3  }
0x1: {  	(tag) =	ssettag $0x0;
	lr =	simm.s32 $0x1  }
0x2: {  	[smem:$0x3F94] =	sst lr;
	_ =	strace $0xD0000000  }
0x3: {  	_ = 	snop  }
0x4: {  	_ = 	snop  }
0x5: {  	_ = 	snop  }
0x6: {  	_ = 	snop  }
0x7: {  	_ = 	snop  }
__scs_overlays_trampoline_lowered:
0x8: {  	[smem:$0x3FA3] =	sst s0  }
0x9: {  	[smem:$0x3FA4] =	sst s1  }
0xa: {  	[smem:$0x3FA5] =	sst s2  }
0xb: {  	[smem:$0x3FA6] =	sst s3  }
0xc: {  	[smem:$0x3FA7] =	sst s4  }
0xd: {  	[smem:$0x3FA8] =	sst s5  }
0xe: {  	[smem:$0x3FA9] =	sst s6  }
0xf: {  	[smem:$0x3FAA] =	sst s7  }
0x10: {  	[smem:$0x3FAB] =	sst s8  }
0x11: {  	[smem:$0x3FAC] =	sst s9;
	s0 =	simm.s32 @!p0 $0x0  }
0x12: {  	s1 =	sld [smem:$0x3F92];
	s0 =	simm.s32 @p0 $0x1  }
0x13: {  	[smem:$0x3FAD] =	sst s0;
	s0 =	simm.s32 @!p1 $0x0  }
0x14: {  	s2 =	sld [smem:$0x3F91];
	s0 =	simm.s32 @p1 $0x1  }
0x15: {  	[smem:$0x3FAE] =	sst s0;
	s0 =	simm.s32 @!p2 $0x0  }
0x16: {  	s3 =	sld [smem:$0x3FDB];
	s0 =	simm.s32 @p2 $0x1  }
0x17: {  	s4 =	simm.s32 $0x1BF5;
	[smem:$0x3FB0] =	sst s0  }
0x18: {  	s0 =	sld [smem:$0x3F93];
	_ =	swait.ge [sflag:s4], $0x0  }
0x19: {  	s7 =	sld [smem:$0x3F94]  }
0x1a: {  	s8 =	sadd.s32 $0xFFFFE003, lr  }
0x1b: {  	s9 =	sadd.s32 $0xFFFFFEF7, lr;
	s5 =	simm.s32 $0xFFFFFFFF;
	p2 =	slt.u32 s8, $0xFFFFF086  }
0x1c: {  	p1 =	slt.u32 s9, $0xF7A;
	s5 =	simm.s32 @!p2 $0x0  }
0x1d: {  	s5 =	simm.s32 @p1 $0x1;
	p0 =	seq.s32 s7, s2  }
0x1e: {  	s7 =	smul.u32 @!p0 $0xF7A, s2;
	p2 =	seq.s32 @!p0 s5, $0x0  }
0x1f: {  	s9 =	smul.u32 $0xF7A, s1;
	s8 =	simm.s32 @!p0 $0x1BF5;
	p2 =	por !p2, p0  }
0x20: {  	[sflag:s8] =	ssyncset.s32 @!p0 $0xFFFFF086;
	s6 =	sadd.s32 @!p0 s3, s7;
	s7 =	simm.s32 @!p0 $0x108  }
0x21: {  	s3 =	sadd.s32 s3, s9;
	s6 =	sadd.s32 @!p0 $0x88, s6;
	s7 =	simm.s32 @p2 $0x1082  }
0x22: {  	[simem:s7], [sflag:s8] =	dma.local @!p0 [hbm:s6], $0xF7A  }
0x23: {  	s9 =	sor.u32 $0xD0000000, s2;
	s6 =	simm.s32 $0x108;
	_ =	swait.ge @!p0 [sflag:s8], $0x0  }
0x24: {  	s3 =	sadd.s32 $0x88, s3;
	s6 =	simm.s32 @!p1 $0x1082;
	[sflag:s4] =	ssyncset.s32 $0xFFFFF086  }
0x25: {  	[simem:s6], [sflag:s4] =	dma.local [hbm:s3], $0xF7A  }
0x26: {  	[smem:$0x3F94] =	sst s1;
	(tag) =	ssettag s2;
	_ =	strace s9  }
0x27: {  	s1 =	sld [smem:$0x3FA4]  }
0x28: {  	s2 =	sld [smem:$0x3FA5]  }
0x29: {  	s4 =	sld [smem:$0x3FA7]  }
0x2a: {  	p0 =	seq.s32 s5, $0x0;
	s5 =	sld [smem:$0x3FA8]  }
0x2b: {  	s6 =	sld [smem:$0x3FA9]  }
0x2c: {  	s7 =	sld [smem:$0x3FAA]  }
0x2d: {  	s3 =	simm.s32 $0x108;
	s8 =	sld [smem:$0x3FAB]  }
0x2e: {  	s3 =	simm.s32 @!p0 $0x1082;
	s9 =	sld [smem:$0x3FAC]  }
0x2f: {  	lr =	sadd.s32 s0, s3;
	s0 =	sld [smem:$0x3FA3]  }
0x30: {  	s3 =	sld [smem:$0x3FA6]  }
0x31: {  	[smem:$0x3FAF] =	sst s10  }
0x32: {  	s10 =	sld [smem:$0x3FAD];
	_ =	sdelay $0x3  }
0x33: {  	p0 =	seq.s32 s10, $0x1;
	s10 =	sld [smem:$0x3FAF];
	_ =	sdelay $0x3  }
0x34: {  	[smem:$0x3FAF] =	sst s10  }
0x35: {  	s10 =	sld [smem:$0x3FAE];
	_ =	sdelay $0x3  }
0x36: {  	p1 =	seq.s32 s10, $0x1;
	s10 =	sld [smem:$0x3FAF];
	_ =	sdelay $0x3  }
0x37: {  	[smem:$0x3FAF] =	sst s10  }
0x38: {  	s10 =	sld [smem:$0x3FB0]  }
0x39: {  	_ = 	snop;
	(pc) =	sbr.ind lr, $3  }
0x3a: {  	_ = 	snop  }
0x3b: {  	_ = 	snop  }
0x3c: {  	p2 =	seq.s32 s10, $0x1;
	s10 =	sld [smem:$0x3FAF]  }
0x3d: {  	_ =	shalt  }
0x3e: {  	_ =	shalt  }
0x3f: {  	_ =	shalt  }
0x40: {  	_ =	shalt  }
0x41: {  	_ =	shalt  }
0x42: {  	_ =	shalt  }
0x43: {  	_ =	shalt  }
0x44: {  	_ =	shalt  }
0x45: {  	_ =	shalt  }
0x46: {  	_ =	shalt  }
0x47: {  	_ =	shalt  }
0x48: {  	_ =	shalt  }
0x49: {  	_ =	shalt  }
0x4a: {  	_ =	shalt  }
0x4b: {  	_ =	shalt  }
0x4c: {  	_ =	shalt  }
0x4d: {  	_ =	shalt  }
0x4e: {  	_ =	shalt  }
0x4f: {  	_ =	shalt  }
0x50: {  	_ =	shalt  }
0x51: {  	_ =	shalt  }
0x52: {  	_ =	shalt  }
0x53: {  	_ =	shalt  }
0x54: {  	_ =	shalt  }
0x55: {  	_ =	shalt  }
0x56: {  	_ =	shalt  }
0x57: {  	_ =	shalt  }
0x58: {  	_ =	shalt  }
0x59: {  	_ =	shalt  }
0x5a: {  	_ =	shalt  }
0x5b: {  	_ =	shalt  }
0x5c: {  	_ =	shalt  }
0x5d: {  	_ =	shalt  }
0x5e: {  	_ =	shalt  }
0x5f: {  	_ =	shalt  }
0x60: {  	_ =	shalt  }
0x61: {  	_ =	shalt  }
0x62: {  	_ =	shalt  }
0x63: {  	_ =	shalt  }
0x64: {  	_ =	shalt  }
0x65: {  	_ =	shalt  }
0x66: {  	_ =	shalt  }
0x67: {  	_ =	shalt  }
0x68: {  	_ =	shalt  }
0x69: {  	_ =	shalt  }
0x6a: {  	_ =	shalt  }
0x6b: {  	_ =	shalt  }
0x6c: {  	_ =	shalt  }
0x6d: {  	_ =	shalt  }
0x6e: {  	_ =	shalt  }
0x6f: {  	_ =	shalt  }
0x70: {  	_ =	shalt  }
0x71: {  	_ =	shalt  }
0x72: {  	_ =	shalt  }
0x73: {  	_ =	shalt  }
0x74: {  	_ =	shalt  }
0x75: {  	_ =	shalt  }
0x76: {  	_ =	shalt  }
0x77: {  	_ =	shalt  }
0x78: {  	_ =	shalt  }
0x79: {  	_ =	shalt  }
0x7a: {  	_ =	shalt  }
0x7b: {  	_ =	shalt  }
0x7c: {  	_ =	shalt  }
0x7d: {  	_ =	shalt  }
0x7e: {  	_ =	shalt  }
0x7f: {  	_ =	shalt  }
0x80: {  	_ =	shalt  }
0x81: {  	_ =	shalt  }
0x82: {  	_ =	shalt  }
0x83: {  	_ =	shalt  }
0x84: {  	_ =	shalt  }
0x85: {  	_ =	shalt  }
0x86: {  	_ =	shalt  }
0x87: {  	_ =	shalt  }
.Lfunc_end0:
.L_simem_size_0:
called_computation.3_lowered:
.L_overlay_start_0:
0x88: {  	s2 =	sld [smem:$0x3FD9]  }
0x89: {  	s3 =	sld [smem:$0x3FFE];
	_ =	sdelay $0x1  }
0x8a: {  	s1 =	srdreg.scid  }
0x8b: {  	s0 =	sand.u32 $0x1, s1  }
0x8c: {  	s17 =	sshll.u32 s0, $0xA;
	s2 =	sadd.s32 s3, s2  }
0x8d: {  	s2 =	sadd.s32 s2, s17  }
0x8e: {  	[smem:$0x3FBB] =	sst s2  }
0x8f: {  	_ = 	snop  }
0x90: {  	s18 =	sld [smem:$0x3FD0];
	(tm) =	ssettm $0x1  }
0x91: {  	s19 =	sld [smem:$0x3FFB];
	_ =	sdelay $0x3  }
0x92: {  	_ =	strace s19  }
0x93: {  	s2 =	sld [smem:$0x3FFC];
	_ =	sdelay $0x3  }
0x94: {  	_ =	strace s2  }
0x95: {  	s2 =	sld [smem:$0x3FFD];
	_ =	sdelay $0x3  }
0x96: {  	_ =	strace s2  }
0x97: {  	_ =	strace $0x8FFFFFFF  }
0x98: {  	s20 =	sld [smem:$0x3FDB];
	_ =	sdelay $0x1  }
0x99: {  	s4 =	simm.s32 $_scs_section_size  }
0x9a: {  	s5 =	simm.s32 $_size__tile_overlayer_lowered;
	s6 =	simm.s32 $_tile_overlayer_lowered  }
0x9b: {  	s7 =	simm.s32 $0x1BFF;
	s21 =	sshll.u32 s6, $0x1;
	s4 =	sadd.s32 s4, s20  }
0x9c: {  	s22 =	simm.s32 $0x0;
	s5 =	sshll.u32 s5, $0x1;
	s6 =	sadd.s32 s21, s4  }
0x9d: {  	[timem:s22], [sflag:s7] =	dma.local [hbm:s6], s5  }
0x9e: {  	_ =	swait.ge [sflag:s7], s5  }
0x9f: {  	s5 =	ssub.s32 $0x0, s5;
	[sflag:s7] =	ssyncset.done $0x0  }
0xa0: {  	[sflag:s7] =	ssyncadd.s32 s5;
	_ =	sdelay $0x1  }
0xa1: {  	s23 =	simm.s32 $0x1B8B  }
0xa2: {  	_ =	swait.ge [sflag:s23], $0x1  }
0xa3: {  	[sflag:s23] =	ssyncset.done $0x0  }
0xa4: {  	[sflag:s23] =	ssyncadd.s32 $0xFFFFFFFF  }
0xa5: {  	s5 =	sld [smem:$0x0]  }
0xa6: {  	s6 =	sand.u32 $0xFFFFFFFE, s1  }
0xa7: {  	p0 =	sne.s32 s1, s6  }
0xa8: {  	s6 =	sshll.u32 @p0 s6, $0xE  }
0xa9: {  	s6 =	sadd.s32 @p0 $0x11B8D, s6;
	s7 =	sshll.u32 @p0 s5, $0x11  }
0xaa: {  	s6 =	sor.u32 @p0 s7, s6  }
0xab: {  	[sflag:s6] =	ssyncadd.remote.s32 @p0 $0x1;
	_ =	sdelay $0x1  }
0xac: {  	s6 =	simm.s32 @p0 $0x1B8D  }
0xad: {  	_ =	swait.eq @p0 [sflag:s6], $0x1  }
0xae: {  	[sflag:s6] =	ssyncadd.s32 @p0 $0xFFFFFFFF  }
0xaf: {  	s7 =	sshll.u32 @!p0 s1, $0xE  }
0xb0: {  	s7 =	sor.u32 @!p0 $0x4000, s7;
	s6 =	simm.s32 @!p0 $0x1B8D  }
0xb1: {  	s5 =	sshll.u32 @!p0 s5, $0x11;
	s7 =	sadd.s32 @!p0 $0x11B8D, s7;
	_ =	swait.eq @!p0 [sflag:s6], $0x1  }
0xb2: {  	s5 =	sor.u32 @!p0 s5, s7;
	[sflag:s6] =	ssyncadd.s32 @!p0 $0xFFFFFFFF  }
0xb3: {  	s25 =	simm.s32 $0x1B8E;
	s24 =	sld [smem:$0x3FFE];
	[sflag:s5] =	ssyncadd.remote.s32 @!p0 $0x1  }
0xb4: {  	s26 =	simm.s32 $execute0_lowered;
	[smem:$0x3FD2] =	sst s25  }
0xb5: {  	s6 =	sshll.u32 s26, $0x1;
	_ =	strace $0x8000004F;
	[dreg:$0x1] =	wrdreg $0xFFFFFFFF  }
0xb6: {  	s28 =	simm.s32 $_size_execute0_lowered;
	s4 =	sadd.s32 s4, s6;
	[dreg:$0x0] =	wrdreg $0x0  }
0xb7: {  	s6 =	sshll.u32 s28, $0x1;
	[dreg:$0x2] =	wrdreg s4  }
0xb8: {  	[dreg:$0x3] =	wrdreg s6  }
0xb9: {  	[dreg:$0x4] =	wrdreg $0xC0  }
0xba: {  	_ =	task [dreg:s22], $0x5FFFF  }
0xbb: {  	[dreg:$0x1] =	wrdreg $0xFFFFFFFF  }
0xbc: {  	[dreg:$0x0] =	wrdreg $0x60  }
0xbd: {  	[dreg:$0x2] =	wrdreg s24  }
0xbe: {  	[dreg:$0x3] =	wrdreg s18  }
0xbf: {  	[dreg:$0x4] =	wrdreg $0x0  }
0xc0: {  	[dreg:$0x5] =	wrdreg $0x9  }
0xc1: {  	_ =	task.clear_ibuf [dreg:s22], $0x6FFFF;
	_ =	strace $0x9000004F  }
0xc2: {  	s29 =	simm.s32 $0x9;
	_ =	strace $0x80000051  }
0xc3: {  	_ =	swait.ge [sflag:s29], $0x1  }
0xc4: {  	[sflag:s29] =	ssyncadd.s32 $0xFFFFFFFF  }
0xc5: {  	_ =	strace $0x90000051  }
0xc6: {  	_ =	sfence  }
0xc7: {  	s30 =	sld [smem:$0x0];
	_ =	sdelay $0x2  }
0xc8: {  	s31 =	sshll.u32 s1, $0xD;
	s1 =	sshrl.u32 s1, $0x2  }
0xc9: {  	s4 =	sand.u32 $0x4000, s31;
	s1 =	sadd.s32 s1, s30  }
0xca: {  	s0 =	sor.u32 s4, s0;
	s1 =	sshll.u32 s1, $0x11  }
0xcb: {  	s0 =	sor.u32 s1, s0  }
0xcc: {  	s0 =	sadd.s32 $0x8F2B, s0  }
0xcd: {  	[sflag:s0] =	ssyncadd.remote.s32 $0x1  }
0xce: {  	_ =	sfence.sel $0xFFFF  }
0xcf: {  	[dreg:$0x0] =	wrdreg $0xFFFFFFFF;
	(pc) =	sbr.abs _section_cstart, $3  }
0xd0: {  	[dreg:$0x1] =	wrdreg $0xFFFFFFFF  }
0xd1: {  	_ =	task.clear_ibuf [dreg:s22], $0x2FFFF;
	_ =	strace $0x9FFFFFFF  }
0xd2: {  	(tm) =	ssettm $0x7FFFFFFF  }
0xd3: {  	_ =	shalt  }
tec
execute0_lowered:
.L_overlay_start_1:
0x0: {  	(tag) =	ssettag $0x1  }
0x1: {  	s0 =	rddreg [dreg:$0x0]  }
0x2: {  	s2 =	rddreg [dreg:$0x1]  }
0x3: {  	s1 =	rddreg [dreg:$0x2];
	s3 =	simm.s32 $0x0;
	s16 =	stileid.u32  }
0x4: {  	s4 =	srdreg.scid;
	s28 =	simm.s32 $0x50;
	s8 =	smul.u32 $0x3E80, s16  }
0x5: {  	s29 =	simm.s32 $0x13A00;
	s30 =	simm.s32 $0x1B280;
	s10 =	smul.u32 $0x7D000, s16  }
0x6: {  	s31 =	simm.s32 $0x2;
	[smem:$0x7FF] =	sst s3;
	s15 =	smul.u32 $0x3E00, s16  }
0x7: {  	s7 =	sand.u32 $0x1, s4;
	s4 =	sadd.s32 $0xA40E00, s0;
	s21 =	smul.u32 $0x26C00, s16  }
0x8: {  	s9 =	sshll.u32 s16, $0x1;
	s5 =	sadd.s32 $0x2D1800, s0;
	s6 =	smul.u32 $0x27100, s7  }
0x9: {  	p0 =	sgt.u32 s16, $0x9;
	_ =	strace $0x80000050;
	s26 =	smul.u32 $0x1F00, s7  }
0xa: {  	s9 =	sor.u32 s7, s9;
	s12 =	ssub.s32 $0x2, s7;
	s7 =	smul.u32 $0x13600, s7  }
0xb: {  	s24 =	sshrl.u32 s12, $0x1;
	s13 =	smul.u32 $0x13600, s9;
	s10 =	sshrl.u32 s10, $0x2  }
0xc: {  	s25 =	smul.u32 $0x9B000, s9;
	s2 =	sadd.s32 s2, s8;
	s11 =	sadd.s32 s8, s6  }
0xd: {  	s6 =	smul.u32 $0x1F00, s9;
	s10 =	sadd.s32 s10, s1;
	[dreg:$0x4] =	wrdreg s2  }
0xe: {  	s9 =	smul.u32 $0x1360, s9;
	s2 =	sadd.s32 s26, s15;
	s0 =	sadd.s32 s11, s0  }
0xf: {  	s11 =	ssub.s32 s12, s24;
	s17 =	sadd.s32 s4, s13;
	s18 =	sshrl.u32 s25, $0x3  }
0x10: {  	s20 =	sadd.s32 $0x100, s2;
	s24 =	sadd.s32 s21, s4;
	s25 =	sadd.s32 $0x280, s2  }
0x11: {  	s2 =	sadd.s32 $0x200, s2;
	s13 =	sshrl.u32 @!p0 s10, $0x3;
	s21 =	simm.s32 $0x13880  }
0x12: {  	s10 =	simm.s32 $0x0;
	s14 =	sshrl.u32 s6, $0x3;
	[dreg:$0x6] =	wrdreg s17  }
0x13: {  	s8 =	sadd.s32 s4, s18;
	s0 =	sadd.s32 $0x2C00, s0;
	[dreg:$0xd] =	wrdreg s2  }
0x14: {  	s22 =	sshrl.u32 s20, $0x3;
	s23 =	smax.u32 s11, $0x1;
	[dreg:$0xf] =	wrdreg s13  }
0x15: {  	s26 =	sshrl.u32 s25, $0x3;
	s25 =	simm.s32 $0x1;
	[dreg:$0x9] =	wrdreg s0  }
0x16: {  	s2 =	simm.s32 $0x9;
	s14 =	sadd.s32 s5, s14;
	[dreg:$0xa] =	wrdreg s23  }
0x17: {  	s8 =	sadd.s32 $0x500, s8;
	s0 =	sadd.s32 s22, s5;
	[dreg:$0x5] =	wrdreg s14  }
0x18: {  	s22 =	simm.s32 $0x13A80;
	s23 =	simm.s32 $0x13900;
	[dreg:$0x8] =	wrdreg s8  }
.Ltmp0:
0x19: {  	s19 =	sadd.s32 $0x10, s14;
	[dreg:$0xb] =	wrdreg s0;
	(pc) =	sbr.rel .LBB2_1-.Ltmp0, $4  }
0x1a: {  	s0 =	sadd.s32 s7, s24;
	s7 =	sshll.u32 @!p0 s16, $0x6;
	s24 =	simm.s32 $0x16280  }
0x1b: {  	[dreg:$0x7] =	wrdreg s19;
	s0 =	sadd.s32 $0x1400, s0;
	s12 =	sor.u32 @!p0 $0x1C0D, s7  }
0x1c: {  	s7 =	simm.s32 $0xA;
	[dreg:$0xc] =	wrdreg s0;
	s0 =	sadd.s32 s26, s5  }
0x1d: {  	s26 =	simm.s32 $0x5;
	[dreg:$0xe] =	wrdreg s0;
	s0 =	simm.s32 $0x6  }
.LBB2_5:
0x1e: {  	[bflag:$0x0] =	sbarrier.arrive $0xFFFF  }
0x1f: {  	s8 =	rddreg [dreg:$0x9]  }
0x20: {  	s13 =	rddreg [dreg:$0xf]  }
0x21: {  	[hbm:s8], [sflag:s20] =	dma.local @!p0 [spmem:s13], $0x3E80  }
0x22: {  	s8 =	simm.s32 @!p0 $0xD  }
0x23: {  	_ =	swait.ge @!p0 [sflag:s8], $0x3E80  }
0x24: {  	s10 =	sadd.s32 $0x1, s10;
	s11 =	rddreg [dreg:$0xa]  }
0x25: {  	p1 =	sne.s32 s10, s11  }
.Ltmp1:
0x26: {  	_ = 	snop;
	(pc) =	sbr.rel @!p1 .LBB2_6-.Ltmp1, $3  }
0x27: {  	_ =	sdelay $0x1  }
0x28: {  	[sflag:s8] =	ssyncset.done @!p0 $0x0  }
0x29: {  	s12 =	smov.u32 s20;
	[sflag:s8] =	ssyncadd.s32 @!p0 $0xFFFFC180  }
.LBB2_1:
0x2a: {  	s8 =	rddreg [dreg:$0x4]  }
0x2b: {  	[spmem:s13], [sflag:s12] =	dma.local @!p0 [hbm:s8], $0x3E80  }
0x2c: {  	s20 =	smov.u32 s12;
	s12 =	simm.s32 @!p0 $0xD  }
0x2d: {  	_ =	swait.ge @!p0 [sflag:s12], $0x3E80  }
0x2e: {  	[sflag:s12] =	ssyncset.done @!p0 $0x0  }
0x2f: {  	[sflag:s12] =	ssyncadd.s32 @!p0 $0xFFFFC180  }
0x30: {  	[bflag:$0x0] =	sbarrier.arrive $0xFFFF  }
0x31: {  	s16 =	rddreg [dreg:$0x5]  }
0x32: {  	s17 =	rddreg [dreg:$0x6]  }
0x33: {  	s18 =	rddreg [dreg:$0x7]  }
0x34: {  	s19 =	rddreg [dreg:$0x8]  }
0x35: {  	[tilespmem:s21], [sflag:$0x5] =	stream.linear.gather [hbm4b:s16+s3], $0x80, $0x38;
	[tilespmem:$0x1DA80] =	vst v63  }
0x36: {  	s15 =	rddreg [dreg:$0xb]  }
0x37: {  	[tilespmem:s22], [sflag:$0x1] =	stream.linear.gather [hbm4b:s17+s3], $0x2800, $0x38;
	[tilespmem:$0x1DA80] =	vst v63  }
.Ltmp2:
0x38: {  	s16 =	rddreg [dreg:$0xc];
	(pc) =	sbr.rel .LBB2_2-.Ltmp2, $4  }
0x39: {  	s17 =	rddreg [dreg:$0xd]  }
0x3a: {  	[tilespmem:s23], [sflag:$0x6] =	stream.linear.gather [hbm4b:s18+s3], $0x80, $0x38;
	[tilespmem:$0x1DA80] =	vst v63  }
0x3b: {  	s14 =	simm.s32 $0x3;
	s18 =	rddreg [dreg:$0xe]  }
0x3c: {  	[tilespmem:s24], [sflag:$0x2] =	stream.linear.gather [hbm4b:s19+s3], $0x2800, $0x38;
	[tilespmem:$0x1DA80] =	vst v63  }
.LBB2_4:
0x3d: {  	_ =	swait.ge [sflag:s31], $0x2800  }
0x3e: {  	[sflag:s31] =	ssyncset.done $0x0  }
0x3f: {  	[sflag:s31] =	ssyncadd.s32 $0xFFFFD800  }
0x40: {  	_ =	swait.ge [sflag:s0], $0x80  }
0x41: {  	[sflag:s0] =	ssyncset.done $0x0  }
0x42: {  	[sflag:s0] =	ssyncadd.s32 $0xFFFFFF80  }
0x43: {  	[spmem:s1] =	stream.indirect.scatter.add.f32 [tilespmem:s24], [sflag:$0xA], $0x80, s23, s28, $0xb8;
	[tilespmem:$0x1DA80] =	vst v63  }
0x44: {  	p3 =	seq.s32 s14, $0x3F;
	_ =	swait.ge [sflag:s2], $0x2800  }
0x45: {  	s8 =	sshrl.u32 @!p3 s17, $0x3;
	s11 =	simm.s32 @!p3 $0x0;
	[sflag:s2] =	ssyncset.done $0x0  }
0x46: {  	s19 =	simm.s32 @!p3 $0x13880;
	s8 =	sadd.s32 @!p3 s5, s8;
	[sflag:s2] =	ssyncadd.s32 $0xFFFFD800  }
0x47: {  	[tilespmem:s19], [sflag:$0x5] =	stream.linear.gather @!p3 [hbm4b:s8+s11], $0x80, $0x38;
	[tilespmem:$0x1DA80] =	vst v63  }
0x48: {  	s8 =	simm.s32 @!p3 $0x13A80  }
0x49: {  	[tilespmem:s8], [sflag:$0x1] =	stream.linear.gather @!p3 [hbm4b:s16+s11], $0x2800, $0x38;
	[tilespmem:$0x1DA80] =	vst v63  }
0x4a: {  	s8 =	simm.s32 @!p1 $0x3  }
0x4b: {  	_ =	swait.ge @!p1 [sflag:s8], $0x2800  }
0x4c: {  	[sflag:s8] =	ssyncset.done @!p1 $0x0  }
0x4d: {  	[sflag:s8] =	ssyncadd.s32 @!p1 $0xFFFFD800;
	s8 =	simm.s32 @!p1 $0x7  }
0x4e: {  	_ =	swait.ge @!p1 [sflag:s8], $0x80  }
0x4f: {  	[sflag:s8] =	ssyncset.done @!p1 $0x0  }
0x50: {  	[sflag:s8] =	ssyncadd.s32 @!p1 $0xFFFFFF80;
	s8 =	simm.s32 @!p1 $0x50  }
0x51: {  	[spmem:s1] =	stream.indirect.scatter.add.f32 @!p1 [tilespmem:s12], [sflag:$0xB], $0x80, s13, s8, $0xb8;
	[tilespmem:$0x1DA80] =	vst v63  }
0x52: {  	_ =	swait.ge [sflag:s7], $0x2800  }
0x53: {  	[sflag:s7] =	ssyncset.done $0x0  }
0x54: {  	s8 =	simm.s32 @!p3 $0x13900;
	[sflag:s7] =	ssyncadd.s32 $0xFFFFD800  }
0x55: {  	[tilespmem:s8], [sflag:$0x6] =	stream.linear.gather @!p3 [hbm4b:s18+s11], $0x80, $0x38;
	[tilespmem:$0x1DA80] =	vst v63  }
0x56: {  	s12 =	simm.s32 @!p3 $0x16280;
	s8 =	sadd.s32 @!p3 $0x500, s16  }
0x57: {  	[tilespmem:s12], [sflag:$0x2] =	stream.linear.gather @!p3 [hbm4b:s8+s11], $0x2800, $0x38;
	[tilespmem:$0x1DA80] =	vst v63  }
0x58: {  	s8 =	simm.s32 @p2 $0x4  }
0x59: {  	s14 =	sadd.s32 $0x4, s14;
	_ =	swait.ge @p2 [sflag:s8], $0x2800  }
0x5a: {  	s15 =	sadd.s32 $0x40, s15;
	p1 =	sne.s32 s14, $0x43;
	[sflag:s8] =	ssyncset.done @p2 $0x0  }
.Ltmp3:
0x5b: {  	[sflag:s8] =	ssyncadd.s32 @p2 $0xFFFFD800;
	s8 =	simm.s32 @p2 $0x8;
	(pc) =	sbr.rel @!p1 .LBB2_5-.Ltmp3, $4  }
0x5c: {  	s17 =	sadd.s32 $0x200, s17;
	s16 =	sadd.s32 $0x1400, s16;
	_ =	swait.ge @p2 [sflag:s8], $0x80  }
0x5d: {  	s18 =	sadd.s32 $0x40, s18;
	s11 =	simm.s32 @p2 $0x13A00;
	[sflag:s8] =	ssyncset.done @p2 $0x0  }
0x5e: {  	s12 =	simm.s32 @p2 $0x1B280;
	[sflag:s8] =	ssyncadd.s32 @p2 $0xFFFFFF80;
	s8 =	simm.s32 @p2 $0x50  }
0x5f: {  	[spmem:s1] =	stream.indirect.scatter.add.f32 @p2 [tilespmem:s12], [sflag:$0xC], $0x80, s11, s8, $0xb8;
	[tilespmem:$0x1DA80] =	vst v63  }
.LBB2_2:
0x60: {  	s12 =	sadd.s32 $0xFFFFFFFB, s14  }
0x61: {  	p2 =	sgt.u32 s12, $0x3D  }
0x62: {  	s12 =	simm.s32 @!p2 $0xB  }
0x63: {  	s13 =	sadd.s32 $0xFFFFFFFF, s14;
	_ =	swait.ge @!p2 [sflag:s12], $0x2800  }
0x64: {  	p1 =	sgt.u32 s13, $0x3D;
	[sflag:s12] =	ssyncset.done @!p2 $0x0  }
0x65: {  	s8 =	simm.s32 @!p1 $0x0;
	s13 =	simm.s32 @!p1 $0x13980;
	[sflag:s12] =	ssyncadd.s32 @!p2 $0xFFFFD800  }
0x66: {  	[tilespmem:s13], [sflag:$0x7] =	stream.linear.gather @!p1 [hbm4b:s15+s8], $0x80, $0x38;
	[tilespmem:$0x1DA80] =	vst v63  }
0x67: {  	s11 =	sadd.s32 @!p1 $0xFFFFF600, s16;
	s12 =	simm.s32 @!p1 $0x18A80  }
0x68: {  	[tilespmem:s12], [sflag:$0x3] =	stream.linear.gather @!p1 [hbm4b:s11+s8], $0x2800, $0x38;
	[tilespmem:$0x1DA80] =	vst v63  }
0x69: {  	_ =	swait.ge [sflag:s25], $0x2800  }
0x6a: {  	[sflag:s25] =	ssyncset.done $0x0  }
0x6b: {  	p3 =	seq.s32 s14, $0x3;
	[sflag:s25] =	ssyncadd.s32 $0xFFFFD800  }
0x6c: {  	p2 =	sgt.u32 @!p3 s14, $0x3D;
	_ =	swait.ge [sflag:s26], $0x80  }
0x6d: {  	p4 =	por p3, !p2;
	[sflag:s26] =	ssyncset.done $0x0  }
.Ltmp4:
0x6e: {  	s8 =	simm.s32 @!p3 $0xC;
	[sflag:s26] =	ssyncadd.s32 $0xFFFFFF80;
	(pc) =	sbr.rel @!p4 .LBB2_4-.Ltmp4, $4  }
0x6f: {  	[spmem:s1] =	stream.indirect.scatter.add.f32 [tilespmem:s22], [sflag:$0x9], $0x80, s21, s28, $0xb8;
	[tilespmem:$0x1DA80] =	vst v63  }
0x70: {  	_ =	swait.ge @!p3 [sflag:s8], $0x2800  }
0x71: {  	[sflag:s8] =	ssyncset.done @!p3 $0x0  }
0x72: {  	p2 =	por @!p3 $0x0, $0x0;
	[sflag:s8] =	ssyncadd.s32 @!p3 $0xFFFFD800  }
0x73: {  	s8 =	smov.u32 s14  }
0x74: {  	s8 =	simm.s32 @p3 $0x3  }
0x75: {  	s11 =	sshll.u32 s8, $0x7;
	s8 =	smul.u32 $0x50, s8  }
0x76: {  	s11 =	sadd.s32 s6, s11  }
.Ltmp5:
0x77: {  	s11 =	sshrl.u32 s11, $0x3;
	s8 =	sadd.s32 s9, s8;
	(pc) =	sbr.rel .LBB2_4-.Ltmp5, $4  }
0x78: {  	s11 =	sadd.s32 s5, s11;
	s8 =	sshll.u32 s8, $0x4  }
0x79: {  	[tilespmem:s29], [sflag:$0x8] =	stream.linear.gather [hbm4b:s11+s3], $0x80, $0x38;
	[tilespmem:$0x1DA80] =	vst v63  }
0x7a: {  	p2 =	por $0x1, $0x1;
	s8 =	sadd.s32 s4, s8  }
0x7b: {  	[tilespmem:s30], [sflag:$0x4] =	stream.linear.gather [hbm4b:s8+s3], $0x2800, $0x38;
	[tilespmem:$0x1DA80] =	vst v63  }
.LBB2_6:
0x7c: {  	_ =	sfence.sel $0x180000  }
0x7d: {  	[bflag:$0x0] =	sbarrier.arrive $0xFFFF  }
0x7e: {  	_ =	strace $0x90000050  }
0x7f: {  	s0 =	stileid.u32;
	[bflag:$0x2] =	sbarrier.arrive $0xFFFF  }
0x80: {  	p0 =	sne.s32 s0, $0x0;
	s0 =	rddreg [dreg:$0x3]  }
0x81: {  	s0 =	sadd.s32 @!p0 $0x100000, s0  }
0x82: {  	[sflag:s0] =	ssyncadd.tile.s32 @!p0 $0x1;
	_ =	shalt  }
.Lfunc_end2:
_tile_overlayer_lowered:
.L_overlay_start_2:
0x83: {  	(tag) =	ssettag $0x2  }
0x84: {  	s0 =	rddreg [dreg:$0x0];
	s2 =	stileid.u32  }
0x85: {  	s1 =	rddreg [dreg:$0x1];
	p0 =	sne.s32 s2, $0x0  }
0x86: {  	s3 =	rddreg [dreg:$0x2];
	[bflag:$0x3] =	sbarrier.arrive $0xFFFF;
	s2 =	simm.s32 @!p0 $0x1C0D  }
0x87: {  	[timem:s3], [sflag:s2] =	dma.local @!p0 [hbm:s0], s1  }
0x88: {  	s0 =	simm.s32 @!p0 $0xD  }
0x89: {  	_ =	swait.ge @!p0 [sflag:s0], s1  }
0x8a: {  	s1 =	ssub.s32 @!p0 $0x0, s1;
	[sflag:s0] =	ssyncset.done @!p0 $0x0  }
0x8b: {  	[sflag:s0] =	ssyncadd.s32 @!p0 s1  }
0x8c: {  	[bflag:$0x3] =	sbarrier.arrive $0xFFFF  }
0x8d: {  	_ =	shalt  }

</sc_bundles>
